<compile_context>
chip_gen: v7x
topology: tpu7x:2x2x1
jax: 0.10.2.dev20260603
libtpu: 0.0.44.dev20260713+nightly
codegen_flags: <defaults>
</compile_context>

<pallas_src>
import functools

import jax
import jax.numpy as jnp
from jax import lax
from jax.experimental import pallas as pl
from jax.experimental.pallas import tpu as pltpu
from jax.experimental.pallas import tpu_sc as plsc

NC = 2
NS = 16
LANES = 16
NW = NC * NS

L_SC_FRAC_NUM = 7
L_SC_FRAC_DEN = 16


def _make_sc_kernel(B, A, P, R, L, L_sc):
    CW = 512
    CPP = L_sc // CW
    TOTAL = P * CPP // NW
    assert P * CPP % NW == 0 and TOTAL % 2 == 0

    mesh = plsc.VectorSubcoreMesh(
        core_axis_name="c", subcore_axis_name="s",
        num_cores=NC, num_subcores=NS)

    @functools.partial(
        pl.kernel,
        out_type=[
            jax.ShapeDtypeStruct((B, A, L_sc), jnp.float32),
            jax.ShapeDtypeStruct((B, A, L_sc), jnp.int32),
        ],
        mesh=mesh,
        scratch_types=[
            pltpu.VMEM((2, R, CW), jnp.float32),
            pltpu.VMEM((2, CW), jnp.float32),
            pltpu.VMEM((2, CW), jnp.float32),
            pltpu.VMEM((2, CW), jnp.int32),
            pltpu.VMEM((2 * LANES,), jnp.float32),
            pltpu.SemaphoreType.DMA,
            pltpu.SemaphoreType.DMA,
            pltpu.SemaphoreType.DMA,
            pltpu.SemaphoreType.DMA,
        ],
    )
    def sc_kernel(mix_hbm, ref_hbm, w_hbm, pool_hbm, idx_hbm,
                  ref_buf, mix_buf, pool_buf, idx_buf, w_buf,
                  isem0, isem1, osem0, osem1):
        isems = (isem0, isem1)
        osems = (osem0, osem1)
        wid = lax.axis_index("s") * NC + lax.axis_index("c")

        pltpu.sync_copy(w_hbm, w_buf)
        w0 = w_buf[pl.ds(0, LANES)]
        w1 = w_buf[pl.ds(LANES, LANES)]

        def coords(g):
            gg = wid + NW * g
            return gg // CPP, (gg % CPP) * CW

        def issue_in(g, b):
            p, l0 = coords(g)
            pltpu.async_copy(ref_hbm.at[p, :, pl.ds(l0, CW)], ref_buf.at[b],
                             isems[b])
            pltpu.async_copy(mix_hbm.at[p // A, pl.ds(l0, CW)], mix_buf.at[b],
                             isems[b])

        def wait_in(b):
            pltpu.make_async_copy(ref_hbm.at[0, :, pl.ds(0, CW)],
                                  ref_buf.at[b], isems[b]).wait()
            pltpu.make_async_copy(mix_hbm.at[0, pl.ds(0, CW)],
                                  mix_buf.at[b], isems[b]).wait()

        def issue_out(g, b):
            p, l0 = coords(g)
            pltpu.async_copy(pool_buf.at[b],
                             pool_hbm.at[p // A, p % A, pl.ds(l0, CW)],
                             osems[b])
            pltpu.async_copy(idx_buf.at[b],
                             idx_hbm.at[p // A, p % A, pl.ds(l0, CW)],
                             osems[b])

        def wait_out(b):
            pltpu.make_async_copy(pool_buf.at[b],
                                  pool_hbm.at[0, 0, pl.ds(0, CW)],
                                  osems[b]).wait()
            pltpu.make_async_copy(idx_buf.at[b],
                                  idx_hbm.at[0, 0, pl.ds(0, CW)],
                                  osems[b]).wait()

        def compute(b):
            def jbody(j, carry):
                off = j * LANES
                mix = mix_buf[b, pl.ds(off, LANES)]
                m1 = mix * ref_buf[b, 0, pl.ds(off, LANES)]
                m2 = jnp.full((LANES,), -jnp.inf, jnp.float32)
                idx = jnp.zeros((LANES,), jnp.int32)
                for r in range(1, R):
                    v = mix * ref_buf[b, r, pl.ds(off, LANES)]
                    gt = v > m1
                    m2 = jnp.maximum(m2, jnp.where(gt, m1, v))
                    idx = jnp.where(gt, jnp.full((LANES,), r, jnp.int32), idx)
                    m1 = jnp.where(gt, v, m1)
                pool_buf[b, pl.ds(off, LANES)] = w0 * m1 + w1 * m2
                idx_buf[b, pl.ds(off, LANES)] = idx
                return carry
            lax.fori_loop(0, CW // LANES, jbody, 0)

        issue_in(0, 0)

        def outer(g2, carry):
            for bb in range(2):
                g = g2 * 2 + bb

                @pl.when(g + 1 < TOTAL)
                def _():
                    issue_in(g + 1, 1 - bb)

                wait_in(bb)

                @pl.when(g >= 2)
                def _():
                    wait_out(bb)

                compute(bb)
                issue_out(g, bb)
            return carry

        lax.fori_loop(0, TOTAL // 2, outer, 0)
        wait_out(0)
        wait_out(1)

    return sc_kernel


def _make_tc_kernel(B, A, P, R, L, L_sc):
    TBLK = 2048
    L_tc = L - L_sc
    off_blocks = L_sc // TBLK

    SUB = 8

    def tc_body(mix_ref, ref_ref, w_ref, pool_ref, idx_ref):
        w0 = w_ref[0, 0]
        w1 = w_ref[1, 0]
        neg_inf = jnp.float32(-jnp.inf)
        rows8 = lax.broadcasted_iota(jnp.int32, (SUB, TBLK), 0)
        for p in range(P):
            mix = mix_ref[p // A, :][None, :]
            m1 = mix * ref_ref[p, 0:SUB, :]
            m2 = jnp.full((SUB, TBLK), neg_inf, jnp.float32)
            idx = rows8
            for i in range(1, R // SUB):
                v = mix * ref_ref[p, i * SUB:(i + 1) * SUB, :]
                gt = v > m1
                m2 = jnp.maximum(m2, jnp.where(gt, m1, v))
                idx = jnp.where(gt, rows8 + (i * SUB), idx)
                m1 = jnp.where(gt, v, m1)
            g1 = jnp.max(m1, axis=0)
            cand = jnp.where(m1 == g1[None, :], idx, jnp.int32(0x7FFFFFFF))
            gidx = jnp.min(cand, axis=0)
            m1_rest = jnp.where((m1 == g1[None, :]) & (idx == gidx[None, :]),
                                neg_inf, m1)
            s2 = jnp.maximum(jnp.max(m1_rest, axis=0), jnp.max(m2, axis=0))
            pool_ref[p // A, p % A, :] = w0 * g1 + w1 * s2
            idx_ref[p // A, p % A, :] = gidx

    return pl.pallas_call(
        tc_body,
        grid=(L_tc // TBLK,),
        in_specs=[
            pl.BlockSpec((B, TBLK), lambda j: (0, j + off_blocks)),
            pl.BlockSpec((P, R, TBLK), lambda j: (0, 0, j + off_blocks)),
            pl.BlockSpec((2, 1), lambda j: (0, 0)),
        ],
        out_specs=[
            pl.BlockSpec((B, A, TBLK), lambda j: (0, 0, j)),
            pl.BlockSpec((B, A, TBLK), lambda j: (0, 0, j)),
        ],
        out_shape=[
            jax.ShapeDtypeStruct((B, A, L_tc), jnp.float32),
            jax.ShapeDtypeStruct((B, A, L_tc), jnp.int32),
        ],
        compiler_params=pltpu.CompilerParams(
            dimension_semantics=("arbitrary",)),
    )


def kernel(mixed_vcf, ref_panel, weights):
    B, A, R, L = ref_panel.shape
    P = B * A
    L_sc = (L * L_SC_FRAC_NUM // L_SC_FRAC_DEN) // 4096 * 4096
    ref3 = ref_panel.reshape(P, R, L)
    w_flat = jnp.repeat(weights.reshape(-1).astype(jnp.float32), LANES)

    sc_pool, sc_idx = _make_sc_kernel(B, A, P, R, L, L_sc)(
        mixed_vcf, ref3, w_flat)
    tc_pool, tc_idx = _make_tc_kernel(B, A, P, R, L, L_sc)(
        mixed_vcf, ref3, weights.astype(jnp.float32))

    pool = jnp.concatenate([sc_pool, tc_pool], axis=2)
    idx = jnp.concatenate([sc_idx, tc_idx], axis=2)
    return pool, idx

# --- scband reference (transcript-rebuilt; emitter-appended) ---
"""Pipeline reference for scband-agnostic-model-17626545783217 (READ-ONLY COPY).

The authoritative reference and input builder live on the scoring server;
editing this copy changes nothing except your own understanding.
"""

import jax, jax.numpy as jnp
import numpy as np


def setup_inputs(seed: int = 0) -> dict:
    key = jax.random.key(seed)
    k1, k2, k3 = jax.random.split(key, 3)
    B, A, R, L, K = 4, 2, 64, 65536, 2
    mixed_vcf = jax.random.normal(k1, (B, L), dtype=jnp.float32)
    ref_panel = jax.random.normal(k2, (B, A, R, L), dtype=jnp.float32)
    weights = jax.random.uniform(k3, (K, 1), dtype=jnp.float32)
    return {"mixed_vcf": mixed_vcf, "ref_panel": ref_panel, "weights": weights}


def reference(mixed_vcf, ref_panel, weights):
    # XOR / multiply_ref_panel: mixed [B,L] broadcast against ref_panel [B,A,R,L]
    multi = mixed_vcf[:, None, None, :] * ref_panel  # [B, A, R, L]
    k = weights.shape[0]
    # TopKPool: torch.topk(inp, k, dim=0) over the reference-haplotype axis R.
    # lax.top_k works on the last axis, so swap R to last.
    vals, idx = jax.lax.top_k(jnp.swapaxes(multi, 2, 3), k)  # [B, A, L, K]
    maximums = jnp.swapaxes(vals, 2, 3)  # [B, A, K, L]
    indices = jnp.swapaxes(idx, 2, 3)    # [B, A, K, L]
    # AddPoolings: out = inp * weights[:k]; sum over the k axis (keepdim in torch -> [1,L] per ancestry)
    pooled = jnp.sum(maximums * weights[None, None, :, :], axis=2)  # [B, A, L]
    # stack_ancestries: concat the per-ancestry [1,L] outputs -> [A, L], stack over batch -> [B, A, L]
    # max_indices_batch: indices[0] per ancestry, stacked -> [B, A, L]
    max_indices = indices[:, :, 0, :]
    return pooled, max_indices

if __name__ == "__main__":
    import jax
    _d = setup_inputs()
    print(jax.jit(kernel)(*tuple(_d.values())))

</pallas_src>

<mosaic_0001>
#map = affine_map<(d0, d1) -> (0, 0)>
#map1 = affine_map<(d0, d1) -> (0, 0, 0)>
#map2 = affine_map<(d0, d1) -> (0)>
module attributes {stable_mosaic.version = 14 : i64} {
  func.func @sc_kernel(%arg0: i32, %arg1: i32, %arg2: memref<4x65536xf32, #tpu.memory_space<hbm>>, %arg3: memref<8x64x65536xf32, #tpu.memory_space<hbm>>, %arg4: memref<32xf32, #tpu.memory_space<hbm>>, %arg5: memref<4x2x28672xf32, #tpu.memory_space<hbm>>, %arg6: memref<4x2x28672xi32, #tpu.memory_space<hbm>>, %arg7: memref<2x64x512xf32, #tpu.memory_space<vmem>>, %arg8: memref<2x512xf32, #tpu.memory_space<vmem>>, %arg9: memref<2x512xf32, #tpu.memory_space<vmem>>, %arg10: memref<2x512xi32, #tpu.memory_space<vmem>>, %arg11: memref<32xf32, #tpu.memory_space<vmem>>, %arg12: memref<!tpu.dma_semaphore, #tpu.memory_space<semaphore_mem>>, %arg13: memref<!tpu.dma_semaphore, #tpu.memory_space<semaphore_mem>>, %arg14: memref<!tpu.dma_semaphore, #tpu.memory_space<semaphore_mem>>, %arg15: memref<!tpu.dma_semaphore, #tpu.memory_space<semaphore_mem>>) attributes {dimension_semantics = [#tpu.dimension_semantics<core_parallel>, #tpu.dimension_semantics<subcore_parallel>], iteration_bounds = array<i64: 2, 16>, scalar_prefetch = 0 : i64, scratch_operands = 9 : i64, tpu.core_type = #tpu.core_type<sc_vector_subcore>, window_params = [{transform_indices = #map}, {transform_indices = #map1}, {transform_indices = #map2}, {transform_indices = #map1}, {transform_indices = #map1}]} {
    %mul3A = arith.constant 2 : i32
    %mul3A_0 = arith.muli %arg1, %mul3A : i32
    %add3A = arith.addi %mul3A_0, %arg0 : i32
    "tpu.region"() ({
      %run_scoped3A = tpu.sem_alloc : memref<!tpu.dma_semaphore, #tpu.memory_space<semaphore_mem>>
      tpu.enqueue_dma source(%arg4 : memref<32xf32, #tpu.memory_space<hbm>>) target(%arg11 : memref<32xf32, #tpu.memory_space<vmem>>) target_semaphore(%run_scoped3A : memref<!tpu.dma_semaphore, #tpu.memory_space<semaphore_mem>>)
      tpu.wait_dma2 semaphore(%run_scoped3A : memref<!tpu.dma_semaphore, #tpu.memory_space<semaphore_mem>>) src(%arg4 : memref<32xf32, #tpu.memory_space<hbm>>) dst(%arg11 : memref<32xf32, #tpu.memory_space<vmem>>)
      tpu.yield
    }) : () -> ()
    %get3A = arith.constant 0 : index
    %get3A_1 = tpu.vector_load %arg11[%get3A] {strides = array<i32>} : memref<32xf32, #tpu.memory_space<vmem>>, vector<16xf32>,
    %get3A_2 = vector.shape_cast %get3A_1 : vector<16xf32> to vector<16xf32>
    %get3A_3 = arith.constant 16 : index
    %get3A_4 = tpu.vector_load %arg11[%get3A_3] {strides = array<i32>} : memref<32xf32, #tpu.memory_space<vmem>>, vector<16xf32>,
    %get3A_5 = vector.shape_cast %get3A_4 : vector<16xf32> to vector<16xf32>
    %add3A_6 = arith.constant 0 : i32
    %add3A_7 = arith.addi %add3A, %add3A_6 : i32
    %jit3A = arith.constant 56 : i32
    %div3A = arith.divsi %add3A_7, %jit3A : i32
    %sign3A = arith.constant 0 : i32
    %sign3A_8 = arith.cmpi sgt, %add3A_7, %sign3A : i32
    %sign3A_9 = arith.extui %sign3A_8 : i1 to i32
    %sign3A_10 = arith.constant 0 : i32
    %sign3A_11 = arith.cmpi slt, %add3A_7, %sign3A_10 : i32
    %sign3A_12 = arith.extui %sign3A_11 : i1 to i32
    %sign3A_13 = arith.subi %sign3A_9, %sign3A_12 : i32
    %sign3A_14 = arith.constant 0 : i32
    %sign3A_15 = arith.cmpi sgt, %jit3A, %sign3A_14 : i32
    %sign3A_16 = arith.extui %sign3A_15 : i1 to i32
    %sign3A_17 = arith.constant 0 : i32
    %sign3A_18 = arith.cmpi slt, %jit3A, %sign3A_17 : i32
    %sign3A_19 = arith.extui %sign3A_18 : i1 to i32
    %sign3A_20 = arith.subi %sign3A_16, %sign3A_19 : i32
    %ne3A = arith.cmpi ne, %sign3A_13, %sign3A_20 : i32
    %rem3A = arith.remsi %add3A_7, %jit3A : i32
    %ne3A_21 = arith.constant 0 : i32
    %ne3A_22 = arith.cmpi ne, %rem3A, %ne3A_21 : i32
    %and3A = arith.andi %ne3A, %ne3A_22 : i1
    %sub3A = arith.constant 1 : i32
    %sub3A_23 = arith.subi %div3A, %sub3A : i32
    %select_n3A = arith.select %and3A, %sub3A_23, %div3A : i32
    %jit3A_24 = arith.constant 56 : i32
    %eq3A = arith.constant 0 : i32
    %eq3A_25 = arith.cmpi eq, %jit3A_24, %eq3A : i32
    %jit3A_26 = arith.constant 1 : i32
    %select_n3A_27 = arith.select %eq3A_25, %jit3A_26, %jit3A_24 : i32
    %rem3A_28 = arith.remsi %add3A_7, %select_n3A_27 : i32
    %ne3A_29 = arith.constant 0 : i32
    %ne3A_30 = arith.cmpi ne, %rem3A_28, %ne3A_29 : i32
    %lt3A = arith.constant 0 : i32
    %lt3A_31 = arith.cmpi slt, %rem3A_28, %lt3A : i32
    %lt3A_32 = arith.constant 0 : i32
    %lt3A_33 = arith.cmpi slt, %select_n3A_27, %lt3A_32 : i32
    %ne3A_34 = arith.xori %lt3A_31, %lt3A_33 : i1
    %and3A_35 = arith.andi %ne3A_34, %ne3A_30 : i1
    %add3A_36 = arith.addi %rem3A_28, %select_n3A_27 : i32
    %select_n3A_37 = arith.select %and3A_35, %add3A_36, %rem3A_28 : i32
    %mul3A_38 = arith.constant 512 : i32
    %mul3A_39 = arith.muli %select_n3A_37, %mul3A_38 : i32
    %dma_start3A = arith.constant 0 : i32
    %dma_start3A_40 = arith.constant 0 : i32
    %dma_start3A_41 = arith.constant 0 : i32
    %dma_start3A_42 = tpu.memref_slice %arg7[%dma_start3A, %dma_start3A_40, %dma_start3A_41] : memref<2x64x512xf32, #tpu.memory_space<vmem>> -> memref<1x64x512xf32, #tpu.memory_space<vmem>>
    %dma_start3A_43 = tpu.memref_squeeze %dma_start3A_42 : memref<1x64x512xf32, #tpu.memory_space<vmem>> -> memref<64x512xf32, #tpu.memory_space<vmem>>
    %dma_start3A_44 = arith.constant 0 : i32
    %dma_start3A_45 = tpu.memref_slice %arg3[%select_n3A, %dma_start3A_44, %mul3A_39] : memref<8x64x65536xf32, #tpu.memory_space<hbm>> -> memref<1x64x512xf32, #tpu.memory_space<hbm>>
    %dma_start3A_46 = tpu.memref_squeeze %dma_start3A_45 : memref<1x64x512xf32, #tpu.memory_space<hbm>> -> memref<64x512xf32, #tpu.memory_space<hbm>>
    %dma_start3A_47 = arith.constant 0 : i32
    %dma_start3A_48 = arith.constant 0 : i32
    %dma_start3A_49 = tpu.memref_slice %arg7[%dma_start3A, %dma_start3A_47, %dma_start3A_48] : memref<2x64x512xf32, #tpu.memory_space<vmem>> -> memref<1x64x512xf32, #tpu.memory_space<vmem>>
    %dma_start3A_50 = tpu.memref_squeeze %dma_start3A_49 : memref<1x64x512xf32, #tpu.memory_space<vmem>> -> memref<64x512xf32, #tpu.memory_space<vmem>>
    %dma_start3A_51 = arith.constant 0 : i32
    %dma_start3A_52 = tpu.memref_slice %arg3[%select_n3A, %dma_start3A_51, %mul3A_39] : memref<8x64x65536xf32, #tpu.memory_space<hbm>> -> memref<1x64x512xf32, #tpu.memory_space<hbm>>
    %dma_start3A_53 = tpu.memref_squeeze %dma_start3A_52 : memref<1x64x512xf32, #tpu.memory_space<hbm>> -> memref<64x512xf32, #tpu.memory_space<hbm>>
    tpu.enqueue_dma source(%dma_start3A_53 : memref<64x512xf32, #tpu.memory_space<hbm>>) target(%dma_start3A_50 : memref<64x512xf32, #tpu.memory_space<vmem>>) target_semaphore(%arg12 : memref<!tpu.dma_semaphore, #tpu.memory_space<semaphore_mem>>)
    %jit3A_54 = arith.constant 2 : i32
    %div3A_55 = arith.divsi %select_n3A, %jit3A_54 : i32
    %sign3A_56 = arith.constant 0 : i32
    %sign3A_57 = arith.cmpi sgt, %select_n3A, %sign3A_56 : i32
    %sign3A_58 = arith.extui %sign3A_57 : i1 to i32
    %sign3A_59 = arith.constant 0 : i32
    %sign3A_60 = arith.cmpi slt, %select_n3A, %sign3A_59 : i32
    %sign3A_61 = arith.extui %sign3A_60 : i1 to i32
    %sign3A_62 = arith.subi %sign3A_58, %sign3A_61 : i32
    %sign3A_63 = arith.constant 0 : i32
    %sign3A_64 = arith.cmpi sgt, %jit3A_54, %sign3A_63 : i32
    %sign3A_65 = arith.extui %sign3A_64 : i1 to i32
    %sign3A_66 = arith.constant 0 : i32
    %sign3A_67 = arith.cmpi slt, %jit3A_54, %sign3A_66 : i32
    %sign3A_68 = arith.extui %sign3A_67 : i1 to i32
    %sign3A_69 = arith.subi %sign3A_65, %sign3A_68 : i32
    %ne3A_70 = arith.cmpi ne, %sign3A_62, %sign3A_69 : i32
    %rem3A_71 = arith.remsi %select_n3A, %jit3A_54 : i32
    %ne3A_72 = arith.constant 0 : i32
    %ne3A_73 = arith.cmpi ne, %rem3A_71, %ne3A_72 : i32
    %and3A_74 = arith.andi %ne3A_70, %ne3A_73 : i1
    %sub3A_75 = arith.constant 1 : i32
    %sub3A_76 = arith.subi %div3A_55, %sub3A_75 : i32
    %select_n3A_77 = arith.select %and3A_74, %sub3A_76, %div3A_55 : i32
    %dma_start3A_78 = arith.constant 0 : i32
    %dma_start3A_79 = arith.constant 0 : i32
    %dma_start3A_80 = tpu.memref_slice %arg8[%dma_start3A_78, %dma_start3A_79] : memref<2x512xf32, #tpu.memory_space<vmem>> -> memref<1x512xf32, #tpu.memory_space<vmem>>
    %dma_start3A_81 = tpu.memref_squeeze %dma_start3A_80 : memref<1x512xf32, #tpu.memory_space<vmem>> -> memref<512xf32, #tpu.memory_space<vmem>>
    %dma_start3A_82 = tpu.memref_slice %arg2[%select_n3A_77, %mul3A_39] : memref<4x65536xf32, #tpu.memory_space<hbm>> -> memref<1x512xf32, #tpu.memory_space<hbm>>
    %dma_start3A_83 = tpu.memref_squeeze %dma_start3A_82 : memref<1x512xf32, #tpu.memory_space<hbm>> -> memref<512xf32, #tpu.memory_space<hbm>>
    %dma_start3A_84 = arith.constant 0 : i32
    %dma_start3A_85 = tpu.memref_slice %arg8[%dma_start3A_78, %dma_start3A_84] : memref<2x512xf32, #tpu.memory_space<vmem>> -> memref<1x512xf32, #tpu.memory_space<vmem>>
    %dma_start3A_86 = tpu.memref_squeeze %dma_start3A_85 : memref<1x512xf32, #tpu.memory_space<vmem>> -> memref<512xf32, #tpu.memory_space<vmem>>
    %dma_start3A_87 = tpu.memref_slice %arg2[%select_n3A_77, %mul3A_39] : memref<4x65536xf32, #tpu.memory_space<hbm>> -> memref<1x512xf32, #tpu.memory_space<hbm>>
    %dma_start3A_88 = tpu.memref_squeeze %dma_start3A_87 : memref<1x512xf32, #tpu.memory_space<hbm>> -> memref<512xf32, #tpu.memory_space<hbm>>
    tpu.enqueue_dma source(%dma_start3A_88 : memref<512xf32, #tpu.memory_space<hbm>>) target(%dma_start3A_86 : memref<512xf32, #tpu.memory_space<vmem>>) target_semaphore(%arg12 : memref<!tpu.dma_semaphore, #tpu.memory_space<semaphore_mem>>)
    %scan3A = arith.constant 0 : i32
    %scan3A_89 = arith.constant 0 : i32
    %scan3A_90 = arith.constant 7 : i32
    %scan3A_91 = arith.addi %scan3A_89, %scan3A_90 : i32
    %scan3A_92 = arith.constant 1 : i32
    scf.for %scan3A_153 = %scan3A_89 to %scan3A_91 step %scan3A_92  : i32 {
      %mul3A_154 = arith.constant 2 : i32
      %mul3A_155 = arith.muli %scan3A_153, %mul3A_154 : i32
      %add3A_156 = arith.constant 0 : i32
      %add3A_157 = arith.addi %mul3A_155, %add3A_156 : i32
      %add3A_158 = arith.constant 1 : i32
      %add3A_159 = arith.addi %add3A_157, %add3A_158 : i32
      %lt3A_160 = arith.constant 14 : i32
      %lt3A_161 = arith.cmpi slt, %add3A_159, %lt3A_160 : i32
      %convert_element_type3A = arith.extui %lt3A_161 : i1 to i32
      %cond3A = arith.constant 0 : i32
      %cond3A_162 = arith.cmpi ne, %convert_element_type3A, %cond3A : i32
      scf.if %cond3A_162 {
        %add3A_553 = arith.constant 1 : i32
        %add3A_554 = arith.addi %add3A_157, %add3A_553 : i32
        %mul3A_555 = arith.constant 32 : i32
        %mul3A_556 = arith.muli %mul3A_555, %add3A_554 : i32
        %add3A_557 = arith.addi %add3A, %mul3A_556 : i32
        %jit3A_558 = arith.constant 56 : i32
        %div3A_559 = arith.divsi %add3A_557, %jit3A_558 : i32
        %sign3A_560 = arith.constant 0 : i32
        %sign3A_561 = arith.cmpi sgt, %add3A_557, %sign3A_560 : i32
        %sign3A_562 = arith.extui %sign3A_561 : i1 to i32
        %sign3A_563 = arith.constant 0 : i32
        %sign3A_564 = arith.cmpi slt, %add3A_557, %sign3A_563 : i32
        %sign3A_565 = arith.extui %sign3A_564 : i1 to i32
        %sign3A_566 = arith.subi %sign3A_562, %sign3A_565 : i32
        %sign3A_567 = arith.constant 0 : i32
        %sign3A_568 = arith.cmpi sgt, %jit3A_558, %sign3A_567 : i32
        %sign3A_569 = arith.extui %sign3A_568 : i1 to i32
        %sign3A_570 = arith.constant 0 : i32
        %sign3A_571 = arith.cmpi slt, %jit3A_558, %sign3A_570 : i32
        %sign3A_572 = arith.extui %sign3A_571 : i1 to i32
        %sign3A_573 = arith.subi %sign3A_569, %sign3A_572 : i32
        %ne3A_574 = arith.cmpi ne, %sign3A_566, %sign3A_573 : i32
        %rem3A_575 = arith.remsi %add3A_557, %jit3A_558 : i32
        %ne3A_576 = arith.constant 0 : i32
        %ne3A_577 = arith.cmpi ne, %rem3A_575, %ne3A_576 : i32
        %and3A_578 = arith.andi %ne3A_574, %ne3A_577 : i1
        %sub3A_579 = arith.constant 1 : i32
        %sub3A_580 = arith.subi %div3A_559, %sub3A_579 : i32
        %select_n3A_581 = arith.select %and3A_578, %sub3A_580, %div3A_559 : i32
        %jit3A_582 = arith.constant 56 : i32
        %eq3A_583 = arith.constant 0 : i32
        %eq3A_584 = arith.cmpi eq, %jit3A_582, %eq3A_583 : i32
        %jit3A_585 = arith.constant 1 : i32
        %select_n3A_586 = arith.select %eq3A_584, %jit3A_585, %jit3A_582 : i32
        %rem3A_587 = arith.remsi %add3A_557, %select_n3A_586 : i32
        %ne3A_588 = arith.constant 0 : i32
        %ne3A_589 = arith.cmpi ne, %rem3A_587, %ne3A_588 : i32
        %lt3A_590 = arith.constant 0 : i32
        %lt3A_591 = arith.cmpi slt, %rem3A_587, %lt3A_590 : i32
        %lt3A_592 = arith.constant 0 : i32
        %lt3A_593 = arith.cmpi slt, %select_n3A_586, %lt3A_592 : i32
        %ne3A_594 = arith.xori %lt3A_591, %lt3A_593 : i1
        %and3A_595 = arith.andi %ne3A_594, %ne3A_589 : i1
        %add3A_596 = arith.addi %rem3A_587, %select_n3A_586 : i32
        %select_n3A_597 = arith.select %and3A_595, %add3A_596, %rem3A_587 : i32
        %mul3A_598 = arith.constant 512 : i32
        %mul3A_599 = arith.muli %select_n3A_597, %mul3A_598 : i32
        %dma_start3A_600 = arith.constant 1 : i32
        %dma_start3A_601 = arith.constant 0 : i32
        %dma_start3A_602 = arith.constant 0 : i32
        %dma_start3A_603 = tpu.memref_slice %arg7[%dma_start3A_600, %dma_start3A_601, %dma_start3A_602] : memref<2x64x512xf32, #tpu.memory_space<vmem>> -> memref<1x64x512xf32, #tpu.memory_space<vmem>>
        %dma_start3A_604 = tpu.memref_squeeze %dma_start3A_603 : memref<1x64x512xf32, #tpu.memory_space<vmem>> -> memref<64x512xf32, #tpu.memory_space<vmem>>
        %dma_start3A_605 = arith.constant 0 : i32
        %dma_start3A_606 = tpu.memref_slice %arg3[%select_n3A_581, %dma_start3A_605, %mul3A_599] : memref<8x64x65536xf32, #tpu.memory_space<hbm>> -> memref<1x64x512xf32, #tpu.memory_space<hbm>>
        %dma_start3A_607 = tpu.memref_squeeze %dma_start3A_606 : memref<1x64x512xf32, #tpu.memory_space<hbm>> -> memref<64x512xf32, #tpu.memory_space<hbm>>
        %dma_start3A_608 = arith.constant 0 : i32
        %dma_start3A_609 = arith.constant 0 : i32
        %dma_start3A_610 = tpu.memref_slice %arg7[%dma_start3A_600, %dma_start3A_608, %dma_start3A_609] : memref<2x64x512xf32, #tpu.memory_space<vmem>> -> memref<1x64x512xf32, #tpu.memory_space<vmem>>
        %dma_start3A_611 = tpu.memref_squeeze %dma_start3A_610 : memref<1x64x512xf32, #tpu.memory_space<vmem>> -> memref<64x512xf32, #tpu.memory_space<vmem>>
        %dma_start3A_612 = arith.constant 0 : i32
        %dma_start3A_613 = tpu.memref_slice %arg3[%select_n3A_581, %dma_start3A_612, %mul3A_599] : memref<8x64x65536xf32, #tpu.memory_space<hbm>> -> memref<1x64x512xf32, #tpu.memory_space<hbm>>
        %dma_start3A_614 = tpu.memref_squeeze %dma_start3A_613 : memref<1x64x512xf32, #tpu.memory_space<hbm>> -> memref<64x512xf32, #tpu.memory_space<hbm>>
        tpu.enqueue_dma source(%dma_start3A_614 : memref<64x512xf32, #tpu.memory_space<hbm>>) target(%dma_start3A_611 : memref<64x512xf32, #tpu.memory_space<vmem>>) target_semaphore(%arg13 : memref<!tpu.dma_semaphore, #tpu.memory_space<semaphore_mem>>)
        %jit3A_615 = arith.constant 2 : i32
        %div3A_616 = arith.divsi %select_n3A_581, %jit3A_615 : i32
        %sign3A_617 = arith.constant 0 : i32
        %sign3A_618 = arith.cmpi sgt, %select_n3A_581, %sign3A_617 : i32
        %sign3A_619 = arith.extui %sign3A_618 : i1 to i32
        %sign3A_620 = arith.constant 0 : i32
        %sign3A_621 = arith.cmpi slt, %select_n3A_581, %sign3A_620 : i32
        %sign3A_622 = arith.extui %sign3A_621 : i1 to i32
        %sign3A_623 = arith.subi %sign3A_619, %sign3A_622 : i32
        %sign3A_624 = arith.constant 0 : i32
        %sign3A_625 = arith.cmpi sgt, %jit3A_615, %sign3A_624 : i32
        %sign3A_626 = arith.extui %sign3A_625 : i1 to i32
        %sign3A_627 = arith.constant 0 : i32
        %sign3A_628 = arith.cmpi slt, %jit3A_615, %sign3A_627 : i32
        %sign3A_629 = arith.extui %sign3A_628 : i1 to i32
        %sign3A_630 = arith.subi %sign3A_626, %sign3A_629 : i32
        %ne3A_631 = arith.cmpi ne, %sign3A_623, %sign3A_630 : i32
        %rem3A_632 = arith.remsi %select_n3A_581, %jit3A_615 : i32
        %ne3A_633 = arith.constant 0 : i32
        %ne3A_634 = arith.cmpi ne, %rem3A_632, %ne3A_633 : i32
        %and3A_635 = arith.andi %ne3A_631, %ne3A_634 : i1
        %sub3A_636 = arith.constant 1 : i32
        %sub3A_637 = arith.subi %div3A_616, %sub3A_636 : i32
        %select_n3A_638 = arith.select %and3A_635, %sub3A_637, %div3A_616 : i32
        %dma_start3A_639 = arith.constant 1 : i32
        %dma_start3A_640 = arith.constant 0 : i32
        %dma_start3A_641 = tpu.memref_slice %arg8[%dma_start3A_639, %dma_start3A_640] : memref<2x512xf32, #tpu.memory_space<vmem>> -> memref<1x512xf32, #tpu.memory_space<vmem>>
        %dma_start3A_642 = tpu.memref_squeeze %dma_start3A_641 : memref<1x512xf32, #tpu.memory_space<vmem>> -> memref<512xf32, #tpu.memory_space<vmem>>
        %dma_start3A_643 = tpu.memref_slice %arg2[%select_n3A_638, %mul3A_599] : memref<4x65536xf32, #tpu.memory_space<hbm>> -> memref<1x512xf32, #tpu.memory_space<hbm>>
        %dma_start3A_644 = tpu.memref_squeeze %dma_start3A_643 : memref<1x512xf32, #tpu.memory_space<hbm>> -> memref<512xf32, #tpu.memory_space<hbm>>
        %dma_start3A_645 = arith.constant 0 : i32
        %dma_start3A_646 = tpu.memref_slice %arg8[%dma_start3A_639, %dma_start3A_645] : memref<2x512xf32, #tpu.memory_space<vmem>> -> memref<1x512xf32, #tpu.memory_space<vmem>>
        %dma_start3A_647 = tpu.memref_squeeze %dma_start3A_646 : memref<1x512xf32, #tpu.memory_space<vmem>> -> memref<512xf32, #tpu.memory_space<vmem>>
        %dma_start3A_648 = tpu.memref_slice %arg2[%select_n3A_638, %mul3A_599] : memref<4x65536xf32, #tpu.memory_space<hbm>> -> memref<1x512xf32, #tpu.memory_space<hbm>>
        %dma_start3A_649 = tpu.memref_squeeze %dma_start3A_648 : memref<1x512xf32, #tpu.memory_space<hbm>> -> memref<512xf32, #tpu.memory_space<hbm>>
        tpu.enqueue_dma source(%dma_start3A_649 : memref<512xf32, #tpu.memory_space<hbm>>) target(%dma_start3A_647 : memref<512xf32, #tpu.memory_space<vmem>>) target_semaphore(%arg13 : memref<!tpu.dma_semaphore, #tpu.memory_space<semaphore_mem>>)
      } else {
      }
      %dma_wait3A_163 = arith.constant 0 : i32
      %dma_wait3A_164 = arith.constant 0 : i32
      %dma_wait3A_165 = arith.constant 0 : i32
      %dma_wait3A_166 = arith.constant 0 : i32
      %dma_wait3A_167 = tpu.memref_slice %arg7[%dma_wait3A_164, %dma_wait3A_165, %dma_wait3A_166] : memref<2x64x512xf32, #tpu.memory_space<vmem>> -> memref<1x64x512xf32, #tpu.memory_space<vmem>>
      %dma_wait3A_168 = tpu.memref_squeeze %dma_wait3A_167 : memref<1x64x512xf32, #tpu.memory_space<vmem>> -> memref<64x512xf32, #tpu.memory_space<vmem>>
      %dma_wait3A_169 = arith.constant 0 : i32
      %dma_wait3A_170 = arith.constant 0 : i32
      %dma_wait3A_171 = tpu.memref_slice %arg3[%dma_wait3A_163, %dma_wait3A_169, %dma_wait3A_170] : memref<8x64x65536xf32, #tpu.memory_space<hbm>> -> memref<1x64x512xf32, #tpu.memory_space<hbm>>
      %dma_wait3A_172 = tpu.memref_squeeze %dma_wait3A_171 : memref<1x64x512xf32, #tpu.memory_space<hbm>> -> memref<64x512xf32, #tpu.memory_space<hbm>>
      %dma_wait3A_173 = arith.constant 0 : i32
      %dma_wait3A_174 = arith.constant 0 : i32
      %dma_wait3A_175 = tpu.memref_slice %arg7[%dma_wait3A_164, %dma_wait3A_173, %dma_wait3A_174] : memref<2x64x512xf32, #tpu.memory_space<vmem>> -> memref<1x64x512xf32, #tpu.memory_space<vmem>>
      %dma_wait3A_176 = tpu.memref_squeeze %dma_wait3A_175 : memref<1x64x512xf32, #tpu.memory_space<vmem>> -> memref<64x512xf32, #tpu.memory_space<vmem>>
      %dma_wait3A_177 = arith.constant 0 : i32
      %dma_wait3A_178 = arith.constant 0 : i32
      %dma_wait3A_179 = tpu.memref_slice %arg3[%dma_wait3A_163, %dma_wait3A_177, %dma_wait3A_178] : memref<8x64x65536xf32, #tpu.memory_space<hbm>> -> memref<1x64x512xf32, #tpu.memory_space<hbm>>
      %dma_wait3A_180 = tpu.memref_squeeze %dma_wait3A_179 : memref<1x64x512xf32, #tpu.memory_space<hbm>> -> memref<64x512xf32, #tpu.memory_space<hbm>>
      tpu.wait_dma2 semaphore(%arg12 : memref<!tpu.dma_semaphore, #tpu.memory_space<semaphore_mem>>) src(%dma_wait3A_180 : memref<64x512xf32, #tpu.memory_space<hbm>>) dst(%dma_wait3A_176 : memref<64x512xf32, #tpu.memory_space<vmem>>)
      %dma_wait3A_181 = arith.constant 0 : i32
      %dma_wait3A_182 = arith.constant 0 : i32
      %dma_wait3A_183 = arith.constant 0 : i32
      %dma_wait3A_184 = tpu.memref_slice %arg8[%dma_wait3A_182, %dma_wait3A_183] : memref<2x512xf32, #tpu.memory_space<vmem>> -> memref<1x512xf32, #tpu.memory_space<vmem>>
      %dma_wait3A_185 = tpu.memref_squeeze %dma_wait3A_184 : memref<1x512xf32, #tpu.memory_space<vmem>> -> memref<512xf32, #tpu.memory_space<vmem>>
      %dma_wait3A_186 = arith.constant 0 : i32
      %dma_wait3A_187 = tpu.memref_slice %arg2[%dma_wait3A_181, %dma_wait3A_186] : memref<4x65536xf32, #tpu.memory_space<hbm>> -> memref<1x512xf32, #tpu.memory_space<hbm>>
      %dma_wait3A_188 = tpu.memref_squeeze %dma_wait3A_187 : memref<1x512xf32, #tpu.memory_space<hbm>> -> memref<512xf32, #tpu.memory_space<hbm>>
      %dma_wait3A_189 = arith.constant 0 : i32
      %dma_wait3A_190 = tpu.memref_slice %arg8[%dma_wait3A_182, %dma_wait3A_189] : memref<2x512xf32, #tpu.memory_space<vmem>> -> memref<1x512xf32, #tpu.memory_space<vmem>>
      %dma_wait3A_191 = tpu.memref_squeeze %dma_wait3A_190 : memref<1x512xf32, #tpu.memory_space<vmem>> -> memref<512xf32, #tpu.memory_space<vmem>>
      %dma_wait3A_192 = arith.constant 0 : i32
      %dma_wait3A_193 = tpu.memref_slice %arg2[%dma_wait3A_181, %dma_wait3A_192] : memref<4x65536xf32, #tpu.memory_space<hbm>> -> memref<1x512xf32, #tpu.memory_space<hbm>>
      %dma_wait3A_194 = tpu.memref_squeeze %dma_wait3A_193 : memref<1x512xf32, #tpu.memory_space<hbm>> -> memref<512xf32, #tpu.memory_space<hbm>>
      tpu.wait_dma2 semaphore(%arg12 : memref<!tpu.dma_semaphore, #tpu.memory_space<semaphore_mem>>) src(%dma_wait3A_194 : memref<512xf32, #tpu.memory_space<hbm>>) dst(%dma_wait3A_191 : memref<512xf32, #tpu.memory_space<vmem>>)
      %ge3A = arith.constant 2 : i32
      %ge3A_195 = arith.cmpi sge, %add3A_157, %ge3A : i32
      %convert_element_type3A_196 = arith.extui %ge3A_195 : i1 to i32
      %cond3A_197 = arith.constant 0 : i32
      %cond3A_198 = arith.cmpi ne, %convert_element_type3A_196, %cond3A_197 : i32
      scf.if %cond3A_198 {
        %dma_wait3A_553 = arith.constant 0 : i32
        %dma_wait3A_554 = arith.constant 0 : i32
        %dma_wait3A_555 = arith.constant 0 : i32
        %dma_wait3A_556 = arith.constant 0 : i32
        %dma_wait3A_557 = tpu.memref_slice %arg9[%dma_wait3A_553, %dma_wait3A_556] : memref<2x512xf32, #tpu.memory_space<vmem>> -> memref<1x512xf32, #tpu.memory_space<vmem>>
        %dma_wait3A_558 = tpu.memref_squeeze %dma_wait3A_557 : memref<1x512xf32, #tpu.memory_space<vmem>> -> memref<512xf32, #tpu.memory_space<vmem>>
        %dma_wait3A_559 = arith.constant 0 : i32
        %dma_wait3A_560 = tpu.memref_slice %arg5[%dma_wait3A_554, %dma_wait3A_555, %dma_wait3A_559] : memref<4x2x28672xf32, #tpu.memory_space<hbm>> -> memref<1x1x512xf32, #tpu.memory_space<hbm>>
        %dma_wait3A_561 = tpu.memref_squeeze %dma_wait3A_560 : memref<1x1x512xf32, #tpu.memory_space<hbm>> -> memref<512xf32, #tpu.memory_space<hbm>>
        %dma_wait3A_562 = arith.constant 0 : i32
        %dma_wait3A_563 = tpu.memref_slice %arg5[%dma_wait3A_554, %dma_wait3A_555, %dma_wait3A_562] : memref<4x2x28672xf32, #tpu.memory_space<hbm>> -> memref<1x1x512xf32, #tpu.memory_space<hbm>>
        %dma_wait3A_564 = tpu.memref_squeeze %dma_wait3A_563 : memref<1x1x512xf32, #tpu.memory_space<hbm>> -> memref<512xf32, #tpu.memory_space<hbm>>
        %dma_wait3A_565 = arith.constant 0 : i32
        %dma_wait3A_566 = tpu.memref_slice %arg9[%dma_wait3A_553, %dma_wait3A_565] : memref<2x512xf32, #tpu.memory_space<vmem>> -> memref<1x512xf32, #tpu.memory_space<vmem>>
        %dma_wait3A_567 = tpu.memref_squeeze %dma_wait3A_566 : memref<1x512xf32, #tpu.memory_space<vmem>> -> memref<512xf32, #tpu.memory_space<vmem>>
        tpu.wait_dma2 semaphore(%arg14 : memref<!tpu.dma_semaphore, #tpu.memory_space<semaphore_mem>>) src(%dma_wait3A_567 : memref<512xf32, #tpu.memory_space<vmem>>) dst(%dma_wait3A_564 : memref<512xf32, #tpu.memory_space<hbm>>)
        %dma_wait3A_568 = arith.constant 0 : i32
        %dma_wait3A_569 = arith.constant 0 : i32
        %dma_wait3A_570 = arith.constant 0 : i32
        %dma_wait3A_571 = arith.constant 0 : i32
        %dma_wait3A_572 = tpu.memref_slice %arg10[%dma_wait3A_568, %dma_wait3A_571] : memref<2x512xi32, #tpu.memory_space<vmem>> -> memref<1x512xi32, #tpu.memory_space<vmem>>
        %dma_wait3A_573 = tpu.memref_squeeze %dma_wait3A_572 : memref<1x512xi32, #tpu.memory_space<vmem>> -> memref<512xi32, #tpu.memory_space<vmem>>
        %dma_wait3A_574 = arith.constant 0 : i32
        %dma_wait3A_575 = tpu.memref_slice %arg6[%dma_wait3A_569, %dma_wait3A_570, %dma_wait3A_574] : memref<4x2x28672xi32, #tpu.memory_space<hbm>> -> memref<1x1x512xi32, #tpu.memory_space<hbm>>
        %dma_wait3A_576 = tpu.memref_squeeze %dma_wait3A_575 : memref<1x1x512xi32, #tpu.memory_space<hbm>> -> memref<512xi32, #tpu.memory_space<hbm>>
        %dma_wait3A_577 = arith.constant 0 : i32
        %dma_wait3A_578 = tpu.memref_slice %arg6[%dma_wait3A_569, %dma_wait3A_570, %dma_wait3A_577] : memref<4x2x28672xi32, #tpu.memory_space<hbm>> -> memref<1x1x512xi32, #tpu.memory_space<hbm>>
        %dma_wait3A_579 = tpu.memref_squeeze %dma_wait3A_578 : memref<1x1x512xi32, #tpu.memory_space<hbm>> -> memref<512xi32, #tpu.memory_space<hbm>>
        %dma_wait3A_580 = arith.constant 0 : i32
        %dma_wait3A_581 = tpu.memref_slice %arg10[%dma_wait3A_568, %dma_wait3A_580] : memref<2x512xi32, #tpu.memory_space<vmem>> -> memref<1x512xi32, #tpu.memory_space<vmem>>
        %dma_wait3A_582 = tpu.memref_squeeze %dma_wait3A_581 : memref<1x512xi32, #tpu.memory_space<vmem>> -> memref<512xi32, #tpu.memory_space<vmem>>
        tpu.wait_dma2 semaphore(%arg14 : memref<!tpu.dma_semaphore, #tpu.memory_space<semaphore_mem>>) src(%dma_wait3A_582 : memref<512xi32, #tpu.memory_space<vmem>>) dst(%dma_wait3A_579 : memref<512xi32, #tpu.memory_space<hbm>>)
      } else {
      }
      %scan3A_199 = arith.constant 0 : i32
      %scan3A_200 = arith.constant 0 : i32
      %scan3A_201 = arith.constant 32 : i32
      %scan3A_202 = arith.addi %scan3A_200, %scan3A_201 : i32
      %scan3A_203 = arith.constant 1 : i32
      scf.for %scan3A_553 = %scan3A_200 to %scan3A_202 step %scan3A_203  : i32 {
        %mul3A_554 = arith.constant 16 : i32
        %mul3A_555 = arith.muli %scan3A_553, %mul3A_554 : i32
        %get3A_556 = arith.constant 0 : i32
        %get3A_557 = arith.index_cast %get3A_556 : i32 to index
        %get3A_558 = arith.index_cast %mul3A_555 : i32 to index
        %get3A_559 = tpu.vector_load %arg8[%get3A_557, %get3A_558] {strides = array<i32>} : memref<2x512xf32, #tpu.memory_space<vmem>>, vector<1x16xf32>,
        %get3A_560 = vector.shape_cast %get3A_559 : vector<1x16xf32> to vector<16xf32>
        %get3A_561 = arith.constant 0 : i32
        %get3A_562 = arith.constant 0 : i32
        %get3A_563 = arith.index_cast %get3A_561 : i32 to index
        %get3A_564 = arith.index_cast %get3A_562 : i32 to index
        %get3A_565 = arith.index_cast %mul3A_555 : i32 to index
        %get3A_566 = tpu.vector_load %arg7[%get3A_563, %get3A_564, %get3A_565] {strides = array<i32>} : memref<2x64x512xf32, #tpu.memory_space<vmem>>, vector<1x1x16xf32>,
        %get3A_567 = vector.shape_cast %get3A_566 : vector<1x1x16xf32> to vector<16xf32>
        %mul3A_568 = arith.mulf %get3A_560, %get3A_567 : vector<16xf32>
        %broadcast_in_dim3A = arith.constant 0xFF800000 : f32
        %broadcast_in_dim3A_569 = vector.broadcast %broadcast_in_dim3A : f32 to vector<16xf32>
        %broadcast_in_dim3A_570 = arith.constant 0 : i32
        %broadcast_in_dim3A_571 = vector.broadcast %broadcast_in_dim3A_570 : i32 to vector<16xi32>
        %get3A_572 = arith.constant 0 : i32
        %get3A_573 = arith.constant 1 : i32
        %get3A_574 = arith.index_cast %get3A_572 : i32 to index
        %get3A_575 = arith.index_cast %get3A_573 : i32 to index
        %get3A_576 = arith.index_cast %mul3A_555 : i32 to index
        %get3A_577 = tpu.vector_load %arg7[%get3A_574, %get3A_575, %get3A_576] {strides = array<i32>} : memref<2x64x512xf32, #tpu.memory_space<vmem>>, vector<1x1x16xf32>,
        %get3A_578 = vector.shape_cast %get3A_577 : vector<1x1x16xf32> to vector<16xf32>
        %mul3A_579 = arith.mulf %get3A_560, %get3A_578 : vector<16xf32>
        %gt3A = arith.cmpf ogt, %mul3A_579, %mul3A_568 : vector<16xf32>
        %select_n3A_580 = arith.select %gt3A, %mul3A_568, %mul3A_579 : vector<16xi1>, vector<16xf32>
        %max3A = arith.maximumf %broadcast_in_dim3A_569, %select_n3A_580 : vector<16xf32>
        %broadcast_in_dim3A_581 = arith.constant 1 : i32
        %broadcast_in_dim3A_582 = vector.broadcast %broadcast_in_dim3A_581 : i32 to vector<16xi32>
        %select_n3A_583 = arith.select %gt3A, %broadcast_in_dim3A_582, %broadcast_in_dim3A_571 : vector<16xi1>, vector<16xi32>
        %select_n3A_584 = arith.select %gt3A, %mul3A_579, %mul3A_568 : vector<16xi1>, vector<16xf32>
        %get3A_585 = arith.constant 0 : i32
        %get3A_586 = arith.constant 2 : i32
        %get3A_587 = arith.index_cast %get3A_585 : i32 to index
        %get3A_588 = arith.index_cast %get3A_586 : i32 to index
        %get3A_589 = arith.index_cast %mul3A_555 : i32 to index
        %get3A_590 = tpu.vector_load %arg7[%get3A_587, %get3A_588, %get3A_589] {strides = array<i32>} : memref<2x64x512xf32, #tpu.memory_space<vmem>>, vector<1x1x16xf32>,
        %get3A_591 = vector.shape_cast %get3A_590 : vector<1x1x16xf32> to vector<16xf32>
        %mul3A_592 = arith.mulf %get3A_560, %get3A_591 : vector<16xf32>
        %gt3A_593 = arith.cmpf ogt, %mul3A_592, %select_n3A_584 : vector<16xf32>
        %select_n3A_594 = arith.select %gt3A_593, %select_n3A_584, %mul3A_592 : vector<16xi1>, vector<16xf32>
        %max3A_595 = arith.maximumf %max3A, %select_n3A_594 : vector<16xf32>
        %broadcast_in_dim3A_596 = arith.constant 2 : i32
        %broadcast_in_dim3A_597 = vector.broadcast %broadcast_in_dim3A_596 : i32 to vector<16xi32>
        %select_n3A_598 = arith.select %gt3A_593, %broadcast_in_dim3A_597, %select_n3A_583 : vector<16xi1>, vector<16xi32>
        %select_n3A_599 = arith.select %gt3A_593, %mul3A_592, %select_n3A_584 : vector<16xi1>, vector<16xf32>
        %get3A_600 = arith.constant 0 : i32
        %get3A_601 = arith.constant 3 : i32
        %get3A_602 = arith.index_cast %get3A_600 : i32 to index
        %get3A_603 = arith.index_cast %get3A_601 : i32 to index
        %get3A_604 = arith.index_cast %mul3A_555 : i32 to index
        %get3A_605 = tpu.vector_load %arg7[%get3A_602, %get3A_603, %get3A_604] {strides = array<i32>} : memref<2x64x512xf32, #tpu.memory_space<vmem>>, vector<1x1x16xf32>,
        %get3A_606 = vector.shape_cast %get3A_605 : vector<1x1x16xf32> to vector<16xf32>
        %mul3A_607 = arith.mulf %get3A_560, %get3A_606 : vector<16xf32>
        %gt3A_608 = arith.cmpf ogt, %mul3A_607, %select_n3A_599 : vector<16xf32>
        %select_n3A_609 = arith.select %gt3A_608, %select_n3A_599, %mul3A_607 : vector<16xi1>, vector<16xf32>
        %max3A_610 = arith.maximumf %max3A_595, %select_n3A_609 : vector<16xf32>
        %broadcast_in_dim3A_611 = arith.constant 3 : i32
        %broadcast_in_dim3A_612 = vector.broadcast %broadcast_in_dim3A_611 : i32 to vector<16xi32>
        %select_n3A_613 = arith.select %gt3A_608, %broadcast_in_dim3A_612, %select_n3A_598 : vector<16xi1>, vector<16xi32>
        %select_n3A_614 = arith.select %gt3A_608, %mul3A_607, %select_n3A_599 : vector<16xi1>, vector<16xf32>
        %get3A_615 = arith.constant 0 : i32
        %get3A_616 = arith.constant 4 : i32
        %get3A_617 = arith.index_cast %get3A_615 : i32 to index
        %get3A_618 = arith.index_cast %get3A_616 : i32 to index
        %get3A_619 = arith.index_cast %mul3A_555 : i32 to index
        %get3A_620 = tpu.vector_load %arg7[%get3A_617, %get3A_618, %get3A_619] {strides = array<i32>} : memref<2x64x512xf32, #tpu.memory_space<vmem>>, vector<1x1x16xf32>,
        %get3A_621 = vector.shape_cast %get3A_620 : vector<1x1x16xf32> to vector<16xf32>
        %mul3A_622 = arith.mulf %get3A_560, %get3A_621 : vector<16xf32>
        %gt3A_623 = arith.cmpf ogt, %mul3A_622, %select_n3A_614 : vector<16xf32>
        %select_n3A_624 = arith.select %gt3A_623, %select_n3A_614, %mul3A_622 : vector<16xi1>, vector<16xf32>
        %max3A_625 = arith.maximumf %max3A_610, %select_n3A_624 : vector<16xf32>
        %broadcast_in_dim3A_626 = arith.constant 4 : i32
        %broadcast_in_dim3A_627 = vector.broadcast %broadcast_in_dim3A_626 : i32 to vector<16xi32>
        %select_n3A_628 = arith.select %gt3A_623, %broadcast_in_dim3A_627, %select_n3A_613 : vector<16xi1>, vector<16xi32>
        %select_n3A_629 = arith.select %gt3A_623, %mul3A_622, %select_n3A_614 : vector<16xi1>, vector<16xf32>
        %get3A_630 = arith.constant 0 : i32
        %get3A_631 = arith.constant 5 : i32
        %get3A_632 = arith.index_cast %get3A_630 : i32 to index
        %get3A_633 = arith.index_cast %get3A_631 : i32 to index
        %get3A_634 = arith.index_cast %mul3A_555 : i32 to index
        %get3A_635 = tpu.vector_load %arg7[%get3A_632, %get3A_633, %get3A_634] {strides = array<i32>} : memref<2x64x512xf32, #tpu.memory_space<vmem>>, vector<1x1x16xf32>,
        %get3A_636 = vector.shape_cast %get3A_635 : vector<1x1x16xf32> to vector<16xf32>
        %mul3A_637 = arith.mulf %get3A_560, %get3A_636 : vector<16xf32>
        %gt3A_638 = arith.cmpf ogt, %mul3A_637, %select_n3A_629 : vector<16xf32>
        %select_n3A_639 = arith.select %gt3A_638, %select_n3A_629, %mul3A_637 : vector<16xi1>, vector<16xf32>
        %max3A_640 = arith.maximumf %max3A_625, %select_n3A_639 : vector<16xf32>
        %broadcast_in_dim3A_641 = arith.constant 5 : i32
        %broadcast_in_dim3A_642 = vector.broadcast %broadcast_in_dim3A_641 : i32 to vector<16xi32>
        %select_n3A_643 = arith.select %gt3A_638, %broadcast_in_dim3A_642, %select_n3A_628 : vector<16xi1>, vector<16xi32>
        %select_n3A_644 = arith.select %gt3A_638, %mul3A_637, %select_n3A_629 : vector<16xi1>, vector<16xf32>
        %get3A_645 = arith.constant 0 : i32
        %get3A_646 = arith.constant 6 : i32
        %get3A_647 = arith.index_cast %get3A_645 : i32 to index
        %get3A_648 = arith.index_cast %get3A_646 : i32 to index
        %get3A_649 = arith.index_cast %mul3A_555 : i32 to index
        %get3A_650 = tpu.vector_load %arg7[%get3A_647, %get3A_648, %get3A_649] {strides = array<i32>} : memref<2x64x512xf32, #tpu.memory_space<vmem>>, vector<1x1x16xf32>,
        %get3A_651 = vector.shape_cast %get3A_650 : vector<1x1x16xf32> to vector<16xf32>
        %mul3A_652 = arith.mulf %get3A_560, %get3A_651 : vector<16xf32>
        %gt3A_653 = arith.cmpf ogt, %mul3A_652, %select_n3A_644 : vector<16xf32>
        %select_n3A_654 = arith.select %gt3A_653, %select_n3A_644, %mul3A_652 : vector<16xi1>, vector<16xf32>
        %max3A_655 = arith.maximumf %max3A_640, %select_n3A_654 : vector<16xf32>
        %broadcast_in_dim3A_656 = arith.constant 6 : i32
        %broadcast_in_dim3A_657 = vector.broadcast %broadcast_in_dim3A_656 : i32 to vector<16xi32>
        %select_n3A_658 = arith.select %gt3A_653, %broadcast_in_dim3A_657, %select_n3A_643 : vector<16xi1>, vector<16xi32>
        %select_n3A_659 = arith.select %gt3A_653, %mul3A_652, %select_n3A_644 : vector<16xi1>, vector<16xf32>
        %get3A_660 = arith.constant 0 : i32
        %get3A_661 = arith.constant 7 : i32
        %get3A_662 = arith.index_cast %get3A_660 : i32 to index
        %get3A_663 = arith.index_cast %get3A_661 : i32 to index
        %get3A_664 = arith.index_cast %mul3A_555 : i32 to index
        %get3A_665 = tpu.vector_load %arg7[%get3A_662, %get3A_663, %get3A_664] {strides = array<i32>} : memref<2x64x512xf32, #tpu.memory_space<vmem>>, vector<1x1x16xf32>,
        %get3A_666 = vector.shape_cast %get3A_665 : vector<1x1x16xf32> to vector<16xf32>
        %mul3A_667 = arith.mulf %get3A_560, %get3A_666 : vector<16xf32>
        %gt3A_668 = arith.cmpf ogt, %mul3A_667, %select_n3A_659 : vector<16xf32>
        %select_n3A_669 = arith.select %gt3A_668, %select_n3A_659, %mul3A_667 : vector<16xi1>, vector<16xf32>
        %max3A_670 = arith.maximumf %max3A_655, %select_n3A_669 : vector<16xf32>
        %broadcast_in_dim3A_671 = arith.constant 7 : i32
        %broadcast_in_dim3A_672 = vector.broadcast %broadcast_in_dim3A_671 : i32 to vector<16xi32>
        %select_n3A_673 = arith.select %gt3A_668, %broadcast_in_dim3A_672, %select_n3A_658 : vector<16xi1>, vector<16xi32>
        %select_n3A_674 = arith.select %gt3A_668, %mul3A_667, %select_n3A_659 : vector<16xi1>, vector<16xf32>
        %get3A_675 = arith.constant 0 : i32
        %get3A_676 = arith.constant 8 : i32
        %get3A_677 = arith.index_cast %get3A_675 : i32 to index
        %get3A_678 = arith.index_cast %get3A_676 : i32 to index
        %get3A_679 = arith.index_cast %mul3A_555 : i32 to index
        %get3A_680 = tpu.vector_load %arg7[%get3A_677, %get3A_678, %get3A_679] {strides = array<i32>} : memref<2x64x512xf32, #tpu.memory_space<vmem>>, vector<1x1x16xf32>,
        %get3A_681 = vector.shape_cast %get3A_680 : vector<1x1x16xf32> to vector<16xf32>
        %mul3A_682 = arith.mulf %get3A_560, %get3A_681 : vector<16xf32>
        %gt3A_683 = arith.cmpf ogt, %mul3A_682, %select_n3A_674 : vector<16xf32>
        %select_n3A_684 = arith.select %gt3A_683, %select_n3A_674, %mul3A_682 : vector<16xi1>, vector<16xf32>
        %max3A_685 = arith.maximumf %max3A_670, %select_n3A_684 : vector<16xf32>
        %broadcast_in_dim3A_686 = arith.constant 8 : i32
        %broadcast_in_dim3A_687 = vector.broadcast %broadcast_in_dim3A_686 : i32 to vector<16xi32>
        %select_n3A_688 = arith.select %gt3A_683, %broadcast_in_dim3A_687, %select_n3A_673 : vector<16xi1>, vector<16xi32>
        %select_n3A_689 = arith.select %gt3A_683, %mul3A_682, %select_n3A_674 : vector<16xi1>, vector<16xf32>
        %get3A_690 = arith.constant 0 : i32
        %get3A_691 = arith.constant 9 : i32
        %get3A_692 = arith.index_cast %get3A_690 : i32 to index
        %get3A_693 = arith.index_cast %get3A_691 : i32 to index
        %get3A_694 = arith.index_cast %mul3A_555 : i32 to index
        %get3A_695 = tpu.vector_load %arg7[%get3A_692, %get3A_693, %get3A_694] {strides = array<i32>} : memref<2x64x512xf32, #tpu.memory_space<vmem>>, vector<1x1x16xf32>,
        %get3A_696 = vector.shape_cast %get3A_695 : vector<1x1x16xf32> to vector<16xf32>
        %mul3A_697 = arith.mulf %get3A_560, %get3A_696 : vector<16xf32>
        %gt3A_698 = arith.cmpf ogt, %mul3A_697, %select_n3A_689 : vector<16xf32>
        %select_n3A_699 = arith.select %gt3A_698, %select_n3A_689, %mul3A_697 : vector<16xi1>, vector<16xf32>
        %max3A_700 = arith.maximumf %max3A_685, %select_n3A_699 : vector<16xf32>
        %broadcast_in_dim3A_701 = arith.constant 9 : i32
        %broadcast_in_dim3A_702 = vector.broadcast %broadcast_in_dim3A_701 : i32 to vector<16xi32>
        %select_n3A_703 = arith.select %gt3A_698, %broadcast_in_dim3A_702, %select_n3A_688 : vector<16xi1>, vector<16xi32>
        %select_n3A_704 = arith.select %gt3A_698, %mul3A_697, %select_n3A_689 : vector<16xi1>, vector<16xf32>
        %get3A_705 = arith.constant 0 : i32
        %get3A_706 = arith.constant 10 : i32
        %get3A_707 = arith.index_cast %get3A_705 : i32 to index
        %get3A_708 = arith.index_cast %get3A_706 : i32 to index
        %get3A_709 = arith.index_cast %mul3A_555 : i32 to index
        %get3A_710 = tpu.vector_load %arg7[%get3A_707, %get3A_708, %get3A_709] {strides = array<i32>} : memref<2x64x512xf32, #tpu.memory_space<vmem>>, vector<1x1x16xf32>,
        %get3A_711 = vector.shape_cast %get3A_710 : vector<1x1x16xf32> to vector<16xf32>
        %mul3A_712 = arith.mulf %get3A_560, %get3A_711 : vector<16xf32>
        %gt3A_713 = arith.cmpf ogt, %mul3A_712, %select_n3A_704 : vector<16xf32>
        %select_n3A_714 = arith.select %gt3A_713, %select_n3A_704, %mul3A_712 : vector<16xi1>, vector<16xf32>
        %max3A_715 = arith.maximumf %max3A_700, %select_n3A_714 : vector<16xf32>
        %broadcast_in_dim3A_716 = arith.constant 10 : i32
        %broadcast_in_dim3A_717 = vector.broadcast %broadcast_in_dim3A_716 : i32 to vector<16xi32>
        %select_n3A_718 = arith.select %gt3A_713, %broadcast_in_dim3A_717, %select_n3A_703 : vector<16xi1>, vector<16xi32>
        %select_n3A_719 = arith.select %gt3A_713, %mul3A_712, %select_n3A_704 : vector<16xi1>, vector<16xf32>
        %get3A_720 = arith.constant 0 : i32
        %get3A_721 = arith.constant 11 : i32
        %get3A_722 = arith.index_cast %get3A_720 : i32 to index
        %get3A_723 = arith.index_cast %get3A_721 : i32 to index
        %get3A_724 = arith.index_cast %mul3A_555 : i32 to index
        %get3A_725 = tpu.vector_load %arg7[%get3A_722, %get3A_723, %get3A_724] {strides = array<i32>} : memref<2x64x512xf32, #tpu.memory_space<vmem>>, vector<1x1x16xf32>,
        %get3A_726 = vector.shape_cast %get3A_725 : vector<1x1x16xf32> to vector<16xf32>
        %mul3A_727 = arith.mulf %get3A_560, %get3A_726 : vector<16xf32>
        %gt3A_728 = arith.cmpf ogt, %mul3A_727, %select_n3A_719 : vector<16xf32>
        %select_n3A_729 = arith.select %gt3A_728, %select_n3A_719, %mul3A_727 : vector<16xi1>, vector<16xf32>
        %max3A_730 = arith.maximumf %max3A_715, %select_n3A_729 : vector<16xf32>
        %broadcast_in_dim3A_731 = arith.constant 11 : i32
        %broadcast_in_dim3A_732 = vector.broadcast %broadcast_in_dim3A_731 : i32 to vector<16xi32>
        %select_n3A_733 = arith.select %gt3A_728, %broadcast_in_dim3A_732, %select_n3A_718 : vector<16xi1>, vector<16xi32>
        %select_n3A_734 = arith.select %gt3A_728, %mul3A_727, %select_n3A_719 : vector<16xi1>, vector<16xf32>
        %get3A_735 = arith.constant 0 : i32
        %get3A_736 = arith.constant 12 : i32
        %get3A_737 = arith.index_cast %get3A_735 : i32 to index
        %get3A_738 = arith.index_cast %get3A_736 : i32 to index
        %get3A_739 = arith.index_cast %mul3A_555 : i32 to index
        %get3A_740 = tpu.vector_load %arg7[%get3A_737, %get3A_738, %get3A_739] {strides = array<i32>} : memref<2x64x512xf32, #tpu.memory_space<vmem>>, vector<1x1x16xf32>,
        %get3A_741 = vector.shape_cast %get3A_740 : vector<1x1x16xf32> to vector<16xf32>
        %mul3A_742 = arith.mulf %get3A_560, %get3A_741 : vector<16xf32>
        %gt3A_743 = arith.cmpf ogt, %mul3A_742, %select_n3A_734 : vector<16xf32>
        %select_n3A_744 = arith.select %gt3A_743, %select_n3A_734, %mul3A_742 : vector<16xi1>, vector<16xf32>
        %max3A_745 = arith.maximumf %max3A_730, %select_n3A_744 : vector<16xf32>
        %broadcast_in_dim3A_746 = arith.constant 12 : i32
        %broadcast_in_dim3A_747 = vector.broadcast %broadcast_in_dim3A_746 : i32 to vector<16xi32>
        %select_n3A_748 = arith.select %gt3A_743, %broadcast_in_dim3A_747, %select_n3A_733 : vector<16xi1>, vector<16xi32>
        %select_n3A_749 = arith.select %gt3A_743, %mul3A_742, %select_n3A_734 : vector<16xi1>, vector<16xf32>
        %get3A_750 = arith.constant 0 : i32
        %get3A_751 = arith.constant 13 : i32
        %get3A_752 = arith.index_cast %get3A_750 : i32 to index
        %get3A_753 = arith.index_cast %get3A_751 : i32 to index
        %get3A_754 = arith.index_cast %mul3A_555 : i32 to index
        %get3A_755 = tpu.vector_load %arg7[%get3A_752, %get3A_753, %get3A_754] {strides = array<i32>} : memref<2x64x512xf32, #tpu.memory_space<vmem>>, vector<1x1x16xf32>,
        %get3A_756 = vector.shape_cast %get3A_755 : vector<1x1x16xf32> to vector<16xf32>
        %mul3A_757 = arith.mulf %get3A_560, %get3A_756 : vector<16xf32>
        %gt3A_758 = arith.cmpf ogt, %mul3A_757, %select_n3A_749 : vector<16xf32>
        %select_n3A_759 = arith.select %gt3A_758, %select_n3A_749, %mul3A_757 : vector<16xi1>, vector<16xf32>
        %max3A_760 = arith.maximumf %max3A_745, %select_n3A_759 : vector<16xf32>
        %broadcast_in_dim3A_761 = arith.constant 13 : i32
        %broadcast_in_dim3A_762 = vector.broadcast %broadcast_in_dim3A_761 : i32 to vector<16xi32>
        %select_n3A_763 = arith.select %gt3A_758, %broadcast_in_dim3A_762, %select_n3A_748 : vector<16xi1>, vector<16xi32>
        %select_n3A_764 = arith.select %gt3A_758, %mul3A_757, %select_n3A_749 : vector<16xi1>, vector<16xf32>
        %get3A_765 = arith.constant 0 : i32
        %get3A_766 = arith.constant 14 : i32
        %get3A_767 = arith.index_cast %get3A_765 : i32 to index
        %get3A_768 = arith.index_cast %get3A_766 : i32 to index
        %get3A_769 = arith.index_cast %mul3A_555 : i32 to index
        %get3A_770 = tpu.vector_load %arg7[%get3A_767, %get3A_768, %get3A_769] {strides = array<i32>} : memref<2x64x512xf32, #tpu.memory_space<vmem>>, vector<1x1x16xf32>,
        %get3A_771 = vector.shape_cast %get3A_770 : vector<1x1x16xf32> to vector<16xf32>
        %mul3A_772 = arith.mulf %get3A_560, %get3A_771 : vector<16xf32>
        %gt3A_773 = arith.cmpf ogt, %mul3A_772, %select_n3A_764 : vector<16xf32>
        %select_n3A_774 = arith.select %gt3A_773, %select_n3A_764, %mul3A_772 : vector<16xi1>, vector<16xf32>
        %max3A_775 = arith.maximumf %max3A_760, %select_n3A_774 : vector<16xf32>
        %broadcast_in_dim3A_776 = arith.constant 14 : i32
        %broadcast_in_dim3A_777 = vector.broadcast %broadcast_in_dim3A_776 : i32 to vector<16xi32>
        %select_n3A_778 = arith.select %gt3A_773, %broadcast_in_dim3A_777, %select_n3A_763 : vector<16xi1>, vector<16xi32>
        %select_n3A_779 = arith.select %gt3A_773, %mul3A_772, %select_n3A_764 : vector<16xi1>, vector<16xf32>
        %get3A_780 = arith.constant 0 : i32
        %get3A_781 = arith.constant 15 : i32
        %get3A_782 = arith.index_cast %get3A_780 : i32 to index
        %get3A_783 = arith.index_cast %get3A_781 : i32 to index
        %get3A_784 = arith.index_cast %mul3A_555 : i32 to index
        %get3A_785 = tpu.vector_load %arg7[%get3A_782, %get3A_783, %get3A_784] {strides = array<i32>} : memref<2x64x512xf32, #tpu.memory_space<vmem>>, vector<1x1x16xf32>,
        %get3A_786 = vector.shape_cast %get3A_785 : vector<1x1x16xf32> to vector<16xf32>
        %mul3A_787 = arith.mulf %get3A_560, %get3A_786 : vector<16xf32>
        %gt3A_788 = arith.cmpf ogt, %mul3A_787, %select_n3A_779 : vector<16xf32>
        %select_n3A_789 = arith.select %gt3A_788, %select_n3A_779, %mul3A_787 : vector<16xi1>, vector<16xf32>
        %max3A_790 = arith.maximumf %max3A_775, %select_n3A_789 : vector<16xf32>
        %broadcast_in_dim3A_791 = arith.constant 15 : i32
        %broadcast_in_dim3A_792 = vector.broadcast %broadcast_in_dim3A_791 : i32 to vector<16xi32>
        %select_n3A_793 = arith.select %gt3A_788, %broadcast_in_dim3A_792, %select_n3A_778 : vector<16xi1>, vector<16xi32>
        %select_n3A_794 = arith.select %gt3A_788, %mul3A_787, %select_n3A_779 : vector<16xi1>, vector<16xf32>
        %get3A_795 = arith.constant 0 : i32
        %get3A_796 = arith.constant 16 : i32
        %get3A_797 = arith.index_cast %get3A_795 : i32 to index
        %get3A_798 = arith.index_cast %get3A_796 : i32 to index
        %get3A_799 = arith.index_cast %mul3A_555 : i32 to index
        %get3A_800 = tpu.vector_load %arg7[%get3A_797, %get3A_798, %get3A_799] {strides = array<i32>} : memref<2x64x512xf32, #tpu.memory_space<vmem>>, vector<1x1x16xf32>,
        %get3A_801 = vector.shape_cast %get3A_800 : vector<1x1x16xf32> to vector<16xf32>
        %mul3A_802 = arith.mulf %get3A_560, %get3A_801 : vector<16xf32>
        %gt3A_803 = arith.cmpf ogt, %mul3A_802, %select_n3A_794 : vector<16xf32>
        %select_n3A_804 = arith.select %gt3A_803, %select_n3A_794, %mul3A_802 : vector<16xi1>, vector<16xf32>
        %max3A_805 = arith.maximumf %max3A_790, %select_n3A_804 : vector<16xf32>
        %broadcast_in_dim3A_806 = arith.constant 16 : i32
        %broadcast_in_dim3A_807 = vector.broadcast %broadcast_in_dim3A_806 : i32 to vector<16xi32>
        %select_n3A_808 = arith.select %gt3A_803, %broadcast_in_dim3A_807, %select_n3A_793 : vector<16xi1>, vector<16xi32>
        %select_n3A_809 = arith.select %gt3A_803, %mul3A_802, %select_n3A_794 : vector<16xi1>, vector<16xf32>
        %get3A_810 = arith.constant 0 : i32
        %get3A_811 = arith.constant 17 : i32
        %get3A_812 = arith.index_cast %get3A_810 : i32 to index
        %get3A_813 = arith.index_cast %get3A_811 : i32 to index
        %get3A_814 = arith.index_cast %mul3A_555 : i32 to index
        %get3A_815 = tpu.vector_load %arg7[%get3A_812, %get3A_813, %get3A_814] {strides = array<i32>} : memref<2x64x512xf32, #tpu.memory_space<vmem>>, vector<1x1x16xf32>,
        %get3A_816 = vector.shape_cast %get3A_815 : vector<1x1x16xf32> to vector<16xf32>
        %mul3A_817 = arith.mulf %get3A_560, %get3A_816 : vector<16xf32>
        %gt3A_818 = arith.cmpf ogt, %mul3A_817, %select_n3A_809 : vector<16xf32>
        %select_n3A_819 = arith.select %gt3A_818, %select_n3A_809, %mul3A_817 : vector<16xi1>, vector<16xf32>
        %max3A_820 = arith.maximumf %max3A_805, %select_n3A_819 : vector<16xf32>
        %broadcast_in_dim3A_821 = arith.constant 17 : i32
        %broadcast_in_dim3A_822 = vector.broadcast %broadcast_in_dim3A_821 : i32 to vector<16xi32>
        %select_n3A_823 = arith.select %gt3A_818, %broadcast_in_dim3A_822, %select_n3A_808 : vector<16xi1>, vector<16xi32>
        %select_n3A_824 = arith.select %gt3A_818, %mul3A_817, %select_n3A_809 : vector<16xi1>, vector<16xf32>
        %get3A_825 = arith.constant 0 : i32
        %get3A_826 = arith.constant 18 : i32
        %get3A_827 = arith.index_cast %get3A_825 : i32 to index
        %get3A_828 = arith.index_cast %get3A_826 : i32 to index
        %get3A_829 = arith.index_cast %mul3A_555 : i32 to index
        %get3A_830 = tpu.vector_load %arg7[%get3A_827, %get3A_828, %get3A_829] {strides = array<i32>} : memref<2x64x512xf32, #tpu.memory_space<vmem>>, vector<1x1x16xf32>,
        %get3A_831 = vector.shape_cast %get3A_830 : vector<1x1x16xf32> to vector<16xf32>
        %mul3A_832 = arith.mulf %get3A_560, %get3A_831 : vector<16xf32>
        %gt3A_833 = arith.cmpf ogt, %mul3A_832, %select_n3A_824 : vector<16xf32>
        %select_n3A_834 = arith.select %gt3A_833, %select_n3A_824, %mul3A_832 : vector<16xi1>, vector<16xf32>
        %max3A_835 = arith.maximumf %max3A_820, %select_n3A_834 : vector<16xf32>
        %broadcast_in_dim3A_836 = arith.constant 18 : i32
        %broadcast_in_dim3A_837 = vector.broadcast %broadcast_in_dim3A_836 : i32 to vector<16xi32>
        %select_n3A_838 = arith.select %gt3A_833, %broadcast_in_dim3A_837, %select_n3A_823 : vector<16xi1>, vector<16xi32>
        %select_n3A_839 = arith.select %gt3A_833, %mul3A_832, %select_n3A_824 : vector<16xi1>, vector<16xf32>
        %get3A_840 = arith.constant 0 : i32
        %get3A_841 = arith.constant 19 : i32
        %get3A_842 = arith.index_cast %get3A_840 : i32 to index
        %get3A_843 = arith.index_cast %get3A_841 : i32 to index
        %get3A_844 = arith.index_cast %mul3A_555 : i32 to index
        %get3A_845 = tpu.vector_load %arg7[%get3A_842, %get3A_843, %get3A_844] {strides = array<i32>} : memref<2x64x512xf32, #tpu.memory_space<vmem>>, vector<1x1x16xf32>,
        %get3A_846 = vector.shape_cast %get3A_845 : vector<1x1x16xf32> to vector<16xf32>
        %mul3A_847 = arith.mulf %get3A_560, %get3A_846 : vector<16xf32>
        %gt3A_848 = arith.cmpf ogt, %mul3A_847, %select_n3A_839 : vector<16xf32>
        %select_n3A_849 = arith.select %gt3A_848, %select_n3A_839, %mul3A_847 : vector<16xi1>, vector<16xf32>
        %max3A_850 = arith.maximumf %max3A_835, %select_n3A_849 : vector<16xf32>
        %broadcast_in_dim3A_851 = arith.constant 19 : i32
        %broadcast_in_dim3A_852 = vector.broadcast %broadcast_in_dim3A_851 : i32 to vector<16xi32>
        %select_n3A_853 = arith.select %gt3A_848, %broadcast_in_dim3A_852, %select_n3A_838 : vector<16xi1>, vector<16xi32>
        %select_n3A_854 = arith.select %gt3A_848, %mul3A_847, %select_n3A_839 : vector<16xi1>, vector<16xf32>
        %get3A_855 = arith.constant 0 : i32
        %get3A_856 = arith.constant 20 : i32
        %get3A_857 = arith.index_cast %get3A_855 : i32 to index
        %get3A_858 = arith.index_cast %get3A_856 : i32 to index
        %get3A_859 = arith.index_cast %mul3A_555 : i32 to index
        %get3A_860 = tpu.vector_load %arg7[%get3A_857, %get3A_858, %get3A_859] {strides = array<i32>} : memref<2x64x512xf32, #tpu.memory_space<vmem>>, vector<1x1x16xf32>,
        %get3A_861 = vector.shape_cast %get3A_860 : vector<1x1x16xf32> to vector<16xf32>
        %mul3A_862 = arith.mulf %get3A_560, %get3A_861 : vector<16xf32>
        %gt3A_863 = arith.cmpf ogt, %mul3A_862, %select_n3A_854 : vector<16xf32>
        %select_n3A_864 = arith.select %gt3A_863, %select_n3A_854, %mul3A_862 : vector<16xi1>, vector<16xf32>
        %max3A_865 = arith.maximumf %max3A_850, %select_n3A_864 : vector<16xf32>
        %broadcast_in_dim3A_866 = arith.constant 20 : i32
        %broadcast_in_dim3A_867 = vector.broadcast %broadcast_in_dim3A_866 : i32 to vector<16xi32>
        %select_n3A_868 = arith.select %gt3A_863, %broadcast_in_dim3A_867, %select_n3A_853 : vector<16xi1>, vector<16xi32>
        %select_n3A_869 = arith.select %gt3A_863, %mul3A_862, %select_n3A_854 : vector<16xi1>, vector<16xf32>
        %get3A_870 = arith.constant 0 : i32
        %get3A_871 = arith.constant 21 : i32
        %get3A_872 = arith.index_cast %get3A_870 : i32 to index
        %get3A_873 = arith.index_cast %get3A_871 : i32 to index
        %get3A_874 = arith.index_cast %mul3A_555 : i32 to index
        %get3A_875 = tpu.vector_load %arg7[%get3A_872, %get3A_873, %get3A_874] {strides = array<i32>} : memref<2x64x512xf32, #tpu.memory_space<vmem>>, vector<1x1x16xf32>,
        %get3A_876 = vector.shape_cast %get3A_875 : vector<1x1x16xf32> to vector<16xf32>
        %mul3A_877 = arith.mulf %get3A_560, %get3A_876 : vector<16xf32>
        %gt3A_878 = arith.cmpf ogt, %mul3A_877, %select_n3A_869 : vector<16xf32>
        %select_n3A_879 = arith.select %gt3A_878, %select_n3A_869, %mul3A_877 : vector<16xi1>, vector<16xf32>
        %max3A_880 = arith.maximumf %max3A_865, %select_n3A_879 : vector<16xf32>
        %broadcast_in_dim3A_881 = arith.constant 21 : i32
        %broadcast_in_dim3A_882 = vector.broadcast %broadcast_in_dim3A_881 : i32 to vector<16xi32>
        %select_n3A_883 = arith.select %gt3A_878, %broadcast_in_dim3A_882, %select_n3A_868 : vector<16xi1>, vector<16xi32>
        %select_n3A_884 = arith.select %gt3A_878, %mul3A_877, %select_n3A_869 : vector<16xi1>, vector<16xf32>
        %get3A_885 = arith.constant 0 : i32
        %get3A_886 = arith.constant 22 : i32
        %get3A_887 = arith.index_cast %get3A_885 : i32 to index
        %get3A_888 = arith.index_cast %get3A_886 : i32 to index
        %get3A_889 = arith.index_cast %mul3A_555 : i32 to index
        %get3A_890 = tpu.vector_load %arg7[%get3A_887, %get3A_888, %get3A_889] {strides = array<i32>} : memref<2x64x512xf32, #tpu.memory_space<vmem>>, vector<1x1x16xf32>,
        %get3A_891 = vector.shape_cast %get3A_890 : vector<1x1x16xf32> to vector<16xf32>
        %mul3A_892 = arith.mulf %get3A_560, %get3A_891 : vector<16xf32>
        %gt3A_893 = arith.cmpf ogt, %mul3A_892, %select_n3A_884 : vector<16xf32>
        %select_n3A_894 = arith.select %gt3A_893, %select_n3A_884, %mul3A_892 : vector<16xi1>, vector<16xf32>
        %max3A_895 = arith.maximumf %max3A_880, %select_n3A_894 : vector<16xf32>
        %broadcast_in_dim3A_896 = arith.constant 22 : i32
        %broadcast_in_dim3A_897 = vector.broadcast %broadcast_in_dim3A_896 : i32 to vector<16xi32>
        %select_n3A_898 = arith.select %gt3A_893, %broadcast_in_dim3A_897, %select_n3A_883 : vector<16xi1>, vector<16xi32>
        %select_n3A_899 = arith.select %gt3A_893, %mul3A_892, %select_n3A_884 : vector<16xi1>, vector<16xf32>
        %get3A_900 = arith.constant 0 : i32
        %get3A_901 = arith.constant 23 : i32
        %get3A_902 = arith.index_cast %get3A_900 : i32 to index
        %get3A_903 = arith.index_cast %get3A_901 : i32 to index
        %get3A_904 = arith.index_cast %mul3A_555 : i32 to index
        %get3A_905 = tpu.vector_load %arg7[%get3A_902, %get3A_903, %get3A_904] {strides = array<i32>} : memref<2x64x512xf32, #tpu.memory_space<vmem>>, vector<1x1x16xf32>,
        %get3A_906 = vector.shape_cast %get3A_905 : vector<1x1x16xf32> to vector<16xf32>
        %mul3A_907 = arith.mulf %get3A_560, %get3A_906 : vector<16xf32>
        %gt3A_908 = arith.cmpf ogt, %mul3A_907, %select_n3A_899 : vector<16xf32>
        %select_n3A_909 = arith.select %gt3A_908, %select_n3A_899, %mul3A_907 : vector<16xi1>, vector<16xf32>
        %max3A_910 = arith.maximumf %max3A_895, %select_n3A_909 : vector<16xf32>
        %broadcast_in_dim3A_911 = arith.constant 23 : i32
        %broadcast_in_dim3A_912 = vector.broadcast %broadcast_in_dim3A_911 : i32 to vector<16xi32>
        %select_n3A_913 = arith.select %gt3A_908, %broadcast_in_dim3A_912, %select_n3A_898 : vector<16xi1>, vector<16xi32>
        %select_n3A_914 = arith.select %gt3A_908, %mul3A_907, %select_n3A_899 : vector<16xi1>, vector<16xf32>
        %get3A_915 = arith.constant 0 : i32
        %get3A_916 = arith.constant 24 : i32
        %get3A_917 = arith.index_cast %get3A_915 : i32 to index
        %get3A_918 = arith.index_cast %get3A_916 : i32 to index
        %get3A_919 = arith.index_cast %mul3A_555 : i32 to index
        %get3A_920 = tpu.vector_load %arg7[%get3A_917, %get3A_918, %get3A_919] {strides = array<i32>} : memref<2x64x512xf32, #tpu.memory_space<vmem>>, vector<1x1x16xf32>,
        %get3A_921 = vector.shape_cast %get3A_920 : vector<1x1x16xf32> to vector<16xf32>
        %mul3A_922 = arith.mulf %get3A_560, %get3A_921 : vector<16xf32>
        %gt3A_923 = arith.cmpf ogt, %mul3A_922, %select_n3A_914 : vector<16xf32>
        %select_n3A_924 = arith.select %gt3A_923, %select_n3A_914, %mul3A_922 : vector<16xi1>, vector<16xf32>
        %max3A_925 = arith.maximumf %max3A_910, %select_n3A_924 : vector<16xf32>
        %broadcast_in_dim3A_926 = arith.constant 24 : i32
        %broadcast_in_dim3A_927 = vector.broadcast %broadcast_in_dim3A_926 : i32 to vector<16xi32>
        %select_n3A_928 = arith.select %gt3A_923, %broadcast_in_dim3A_927, %select_n3A_913 : vector<16xi1>, vector<16xi32>
        %select_n3A_929 = arith.select %gt3A_923, %mul3A_922, %select_n3A_914 : vector<16xi1>, vector<16xf32>
        %get3A_930 = arith.constant 0 : i32
        %get3A_931 = arith.constant 25 : i32
        %get3A_932 = arith.index_cast %get3A_930 : i32 to index
        %get3A_933 = arith.index_cast %get3A_931 : i32 to index
        %get3A_934 = arith.index_cast %mul3A_555 : i32 to index
        %get3A_935 = tpu.vector_load %arg7[%get3A_932, %get3A_933, %get3A_934] {strides = array<i32>} : memref<2x64x512xf32, #tpu.memory_space<vmem>>, vector<1x1x16xf32>,
        %get3A_936 = vector.shape_cast %get3A_935 : vector<1x1x16xf32> to vector<16xf32>
        %mul3A_937 = arith.mulf %get3A_560, %get3A_936 : vector<16xf32>
        %gt3A_938 = arith.cmpf ogt, %mul3A_937, %select_n3A_929 : vector<16xf32>
        %select_n3A_939 = arith.select %gt3A_938, %select_n3A_929, %mul3A_937 : vector<16xi1>, vector<16xf32>
        %max3A_940 = arith.maximumf %max3A_925, %select_n3A_939 : vector<16xf32>
        %broadcast_in_dim3A_941 = arith.constant 25 : i32
        %broadcast_in_dim3A_942 = vector.broadcast %broadcast_in_dim3A_941 : i32 to vector<16xi32>
        %select_n3A_943 = arith.select %gt3A_938, %broadcast_in_dim3A_942, %select_n3A_928 : vector<16xi1>, vector<16xi32>
        %select_n3A_944 = arith.select %gt3A_938, %mul3A_937, %select_n3A_929 : vector<16xi1>, vector<16xf32>
        %get3A_945 = arith.constant 0 : i32
        %get3A_946 = arith.constant 26 : i32
        %get3A_947 = arith.index_cast %get3A_945 : i32 to index
        %get3A_948 = arith.index_cast %get3A_946 : i32 to index
        %get3A_949 = arith.index_cast %mul3A_555 : i32 to index
        %get3A_950 = tpu.vector_load %arg7[%get3A_947, %get3A_948, %get3A_949] {strides = array<i32>} : memref<2x64x512xf32, #tpu.memory_space<vmem>>, vector<1x1x16xf32>,
        %get3A_951 = vector.shape_cast %get3A_950 : vector<1x1x16xf32> to vector<16xf32>
        %mul3A_952 = arith.mulf %get3A_560, %get3A_951 : vector<16xf32>
        %gt3A_953 = arith.cmpf ogt, %mul3A_952, %select_n3A_944 : vector<16xf32>
        %select_n3A_954 = arith.select %gt3A_953, %select_n3A_944, %mul3A_952 : vector<16xi1>, vector<16xf32>
        %max3A_955 = arith.maximumf %max3A_940, %select_n3A_954 : vector<16xf32>
        %broadcast_in_dim3A_956 = arith.constant 26 : i32
        %broadcast_in_dim3A_957 = vector.broadcast %broadcast_in_dim3A_956 : i32 to vector<16xi32>
        %select_n3A_958 = arith.select %gt3A_953, %broadcast_in_dim3A_957, %select_n3A_943 : vector<16xi1>, vector<16xi32>
        %select_n3A_959 = arith.select %gt3A_953, %mul3A_952, %select_n3A_944 : vector<16xi1>, vector<16xf32>
        %get3A_960 = arith.constant 0 : i32
        %get3A_961 = arith.constant 27 : i32
        %get3A_962 = arith.index_cast %get3A_960 : i32 to index
        %get3A_963 = arith.index_cast %get3A_961 : i32 to index
        %get3A_964 = arith.index_cast %mul3A_555 : i32 to index
        %get3A_965 = tpu.vector_load %arg7[%get3A_962, %get3A_963, %get3A_964] {strides = array<i32>} : memref<2x64x512xf32, #tpu.memory_space<vmem>>, vector<1x1x16xf32>,
        %get3A_966 = vector.shape_cast %get3A_965 : vector<1x1x16xf32> to vector<16xf32>
        %mul3A_967 = arith.mulf %get3A_560, %get3A_966 : vector<16xf32>
        %gt3A_968 = arith.cmpf ogt, %mul3A_967, %select_n3A_959 : vector<16xf32>
        %select_n3A_969 = arith.select %gt3A_968, %select_n3A_959, %mul3A_967 : vector<16xi1>, vector<16xf32>
        %max3A_970 = arith.maximumf %max3A_955, %select_n3A_969 : vector<16xf32>
        %broadcast_in_dim3A_971 = arith.constant 27 : i32
        %broadcast_in_dim3A_972 = vector.broadcast %broadcast_in_dim3A_971 : i32 to vector<16xi32>
        %select_n3A_973 = arith.select %gt3A_968, %broadcast_in_dim3A_972, %select_n3A_958 : vector<16xi1>, vector<16xi32>
        %select_n3A_974 = arith.select %gt3A_968, %mul3A_967, %select_n3A_959 : vector<16xi1>, vector<16xf32>
        %get3A_975 = arith.constant 0 : i32
        %get3A_976 = arith.constant 28 : i32
        %get3A_977 = arith.index_cast %get3A_975 : i32 to index
        %get3A_978 = arith.index_cast %get3A_976 : i32 to index
        %get3A_979 = arith.index_cast %mul3A_555 : i32 to index
        %get3A_980 = tpu.vector_load %arg7[%get3A_977, %get3A_978, %get3A_979] {strides = array<i32>} : memref<2x64x512xf32, #tpu.memory_space<vmem>>, vector<1x1x16xf32>,
        %get3A_981 = vector.shape_cast %get3A_980 : vector<1x1x16xf32> to vector<16xf32>
        %mul3A_982 = arith.mulf %get3A_560, %get3A_981 : vector<16xf32>
        %gt3A_983 = arith.cmpf ogt, %mul3A_982, %select_n3A_974 : vector<16xf32>
        %select_n3A_984 = arith.select %gt3A_983, %select_n3A_974, %mul3A_982 : vector<16xi1>, vector<16xf32>
        %max3A_985 = arith.maximumf %max3A_970, %select_n3A_984 : vector<16xf32>
        %broadcast_in_dim3A_986 = arith.constant 28 : i32
        %broadcast_in_dim3A_987 = vector.broadcast %broadcast_in_dim3A_986 : i32 to vector<16xi32>
        %select_n3A_988 = arith.select %gt3A_983, %broadcast_in_dim3A_987, %select_n3A_973 : vector<16xi1>, vector<16xi32>
        %select_n3A_989 = arith.select %gt3A_983, %mul3A_982, %select_n3A_974 : vector<16xi1>, vector<16xf32>
        %get3A_990 = arith.constant 0 : i32
        %get3A_991 = arith.constant 29 : i32
        %get3A_992 = arith.index_cast %get3A_990 : i32 to index
        %get3A_993 = arith.index_cast %get3A_991 : i32 to index
        %get3A_994 = arith.index_cast %mul3A_555 : i32 to index
        %get3A_995 = tpu.vector_load %arg7[%get3A_992, %get3A_993, %get3A_994] {strides = array<i32>} : memref<2x64x512xf32, #tpu.memory_space<vmem>>, vector<1x1x16xf32>,
        %get3A_996 = vector.shape_cast %get3A_995 : vector<1x1x16xf32> to vector<16xf32>
        %mul3A_997 = arith.mulf %get3A_560, %get3A_996 : vector<16xf32>
        %gt3A_998 = arith.cmpf ogt, %mul3A_997, %select_n3A_989 : vector<16xf32>
        %select_n3A_999 = arith.select %gt3A_998, %select_n3A_989, %mul3A_997 : vector<16xi1>, vector<16xf32>
        %max3A_1000 = arith.maximumf %max3A_985, %select_n3A_999 : vector<16xf32>
        %broadcast_in_dim3A_1001 = arith.constant 29 : i32
        %broadcast_in_dim3A_1002 = vector.broadcast %broadcast_in_dim3A_1001 : i32 to vector<16xi32>
        %select_n3A_1003 = arith.select %gt3A_998, %broadcast_in_dim3A_1002, %select_n3A_988 : vector<16xi1>, vector<16xi32>
        %select_n3A_1004 = arith.select %gt3A_998, %mul3A_997, %select_n3A_989 : vector<16xi1>, vector<16xf32>
        %get3A_1005 = arith.constant 0 : i32
        %get3A_1006 = arith.constant 30 : i32
        %get3A_1007 = arith.index_cast %get3A_1005 : i32 to index
        %get3A_1008 = arith.index_cast %get3A_1006 : i32 to index
        %get3A_1009 = arith.index_cast %mul3A_555 : i32 to index
        %get3A_1010 = tpu.vector_load %arg7[%get3A_1007, %get3A_1008, %get3A_1009] {strides = array<i32>} : memref<2x64x512xf32, #tpu.memory_space<vmem>>, vector<1x1x16xf32>,
        %get3A_1011 = vector.shape_cast %get3A_1010 : vector<1x1x16xf32> to vector<16xf32>
        %mul3A_1012 = arith.mulf %get3A_560, %get3A_1011 : vector<16xf32>
        %gt3A_1013 = arith.cmpf ogt, %mul3A_1012, %select_n3A_1004 : vector<16xf32>
        %select_n3A_1014 = arith.select %gt3A_1013, %select_n3A_1004, %mul3A_1012 : vector<16xi1>, vector<16xf32>
        %max3A_1015 = arith.maximumf %max3A_1000, %select_n3A_1014 : vector<16xf32>
        %broadcast_in_dim3A_1016 = arith.constant 30 : i32
        %broadcast_in_dim3A_1017 = vector.broadcast %broadcast_in_dim3A_1016 : i32 to vector<16xi32>
        %select_n3A_1018 = arith.select %gt3A_1013, %broadcast_in_dim3A_1017, %select_n3A_1003 : vector<16xi1>, vector<16xi32>
        %select_n3A_1019 = arith.select %gt3A_1013, %mul3A_1012, %select_n3A_1004 : vector<16xi1>, vector<16xf32>
        %get3A_1020 = arith.constant 0 : i32
        %get3A_1021 = arith.constant 31 : i32
        %get3A_1022 = arith.index_cast %get3A_1020 : i32 to index
        %get3A_1023 = arith.index_cast %get3A_1021 : i32 to index
        %get3A_1024 = arith.index_cast %mul3A_555 : i32 to index
        %get3A_1025 = tpu.vector_load %arg7[%get3A_1022, %get3A_1023, %get3A_1024] {strides = array<i32>} : memref<2x64x512xf32, #tpu.memory_space<vmem>>, vector<1x1x16xf32>,
        %get3A_1026 = vector.shape_cast %get3A_1025 : vector<1x1x16xf32> to vector<16xf32>
        %mul3A_1027 = arith.mulf %get3A_560, %get3A_1026 : vector<16xf32>
        %gt3A_1028 = arith.cmpf ogt, %mul3A_1027, %select_n3A_1019 : vector<16xf32>
        %select_n3A_1029 = arith.select %gt3A_1028, %select_n3A_1019, %mul3A_1027 : vector<16xi1>, vector<16xf32>
        %max3A_1030 = arith.maximumf %max3A_1015, %select_n3A_1029 : vector<16xf32>
        %broadcast_in_dim3A_1031 = arith.constant 31 : i32
        %broadcast_in_dim3A_1032 = vector.broadcast %broadcast_in_dim3A_1031 : i32 to vector<16xi32>
        %select_n3A_1033 = arith.select %gt3A_1028, %broadcast_in_dim3A_1032, %select_n3A_1018 : vector<16xi1>, vector<16xi32>
        %select_n3A_1034 = arith.select %gt3A_1028, %mul3A_1027, %select_n3A_1019 : vector<16xi1>, vector<16xf32>
        %get3A_1035 = arith.constant 0 : i32
        %get3A_1036 = arith.constant 32 : i32
        %get3A_1037 = arith.index_cast %get3A_1035 : i32 to index
        %get3A_1038 = arith.index_cast %get3A_1036 : i32 to index
        %get3A_1039 = arith.index_cast %mul3A_555 : i32 to index
        %get3A_1040 = tpu.vector_load %arg7[%get3A_1037, %get3A_1038, %get3A_1039] {strides = array<i32>} : memref<2x64x512xf32, #tpu.memory_space<vmem>>, vector<1x1x16xf32>,
        %get3A_1041 = vector.shape_cast %get3A_1040 : vector<1x1x16xf32> to vector<16xf32>
        %mul3A_1042 = arith.mulf %get3A_560, %get3A_1041 : vector<16xf32>
        %gt3A_1043 = arith.cmpf ogt, %mul3A_1042, %select_n3A_1034 : vector<16xf32>
        %select_n3A_1044 = arith.select %gt3A_1043, %select_n3A_1034, %mul3A_1042 : vector<16xi1>, vector<16xf32>
        %max3A_1045 = arith.maximumf %max3A_1030, %select_n3A_1044 : vector<16xf32>
        %broadcast_in_dim3A_1046 = arith.constant 32 : i32
        %broadcast_in_dim3A_1047 = vector.broadcast %broadcast_in_dim3A_1046 : i32 to vector<16xi32>
        %select_n3A_1048 = arith.select %gt3A_1043, %broadcast_in_dim3A_1047, %select_n3A_1033 : vector<16xi1>, vector<16xi32>
        %select_n3A_1049 = arith.select %gt3A_1043, %mul3A_1042, %select_n3A_1034 : vector<16xi1>, vector<16xf32>
        %get3A_1050 = arith.constant 0 : i32
        %get3A_1051 = arith.constant 33 : i32
        %get3A_1052 = arith.index_cast %get3A_1050 : i32 to index
        %get3A_1053 = arith.index_cast %get3A_1051 : i32 to index
        %get3A_1054 = arith.index_cast %mul3A_555 : i32 to index
        %get3A_1055 = tpu.vector_load %arg7[%get3A_1052, %get3A_1053, %get3A_1054] {strides = array<i32>} : memref<2x64x512xf32, #tpu.memory_space<vmem>>, vector<1x1x16xf32>,
        %get3A_1056 = vector.shape_cast %get3A_1055 : vector<1x1x16xf32> to vector<16xf32>
        %mul3A_1057 = arith.mulf %get3A_560, %get3A_1056 : vector<16xf32>
        %gt3A_1058 = arith.cmpf ogt, %mul3A_1057, %select_n3A_1049 : vector<16xf32>
        %select_n3A_1059 = arith.select %gt3A_1058, %select_n3A_1049, %mul3A_1057 : vector<16xi1>, vector<16xf32>
        %max3A_1060 = arith.maximumf %max3A_1045, %select_n3A_1059 : vector<16xf32>
        %broadcast_in_dim3A_1061 = arith.constant 33 : i32
        %broadcast_in_dim3A_1062 = vector.broadcast %broadcast_in_dim3A_1061 : i32 to vector<16xi32>
        %select_n3A_1063 = arith.select %gt3A_1058, %broadcast_in_dim3A_1062, %select_n3A_1048 : vector<16xi1>, vector<16xi32>
        %select_n3A_1064 = arith.select %gt3A_1058, %mul3A_1057, %select_n3A_1049 : vector<16xi1>, vector<16xf32>
        %get3A_1065 = arith.constant 0 : i32
        %get3A_1066 = arith.constant 34 : i32
        %get3A_1067 = arith.index_cast %get3A_1065 : i32 to index
        %get3A_1068 = arith.index_cast %get3A_1066 : i32 to index
        %get3A_1069 = arith.index_cast %mul3A_555 : i32 to index
        %get3A_1070 = tpu.vector_load %arg7[%get3A_1067, %get3A_1068, %get3A_1069] {strides = array<i32>} : memref<2x64x512xf32, #tpu.memory_space<vmem>>, vector<1x1x16xf32>,
        %get3A_1071 = vector.shape_cast %get3A_1070 : vector<1x1x16xf32> to vector<16xf32>
        %mul3A_1072 = arith.mulf %get3A_560, %get3A_1071 : vector<16xf32>
        %gt3A_1073 = arith.cmpf ogt, %mul3A_1072, %select_n3A_1064 : vector<16xf32>
        %select_n3A_1074 = arith.select %gt3A_1073, %select_n3A_1064, %mul3A_1072 : vector<16xi1>, vector<16xf32>
        %max3A_1075 = arith.maximumf %max3A_1060, %select_n3A_1074 : vector<16xf32>
        %broadcast_in_dim3A_1076 = arith.constant 34 : i32
        %broadcast_in_dim3A_1077 = vector.broadcast %broadcast_in_dim3A_1076 : i32 to vector<16xi32>
        %select_n3A_1078 = arith.select %gt3A_1073, %broadcast_in_dim3A_1077, %select_n3A_1063 : vector<16xi1>, vector<16xi32>
        %select_n3A_1079 = arith.select %gt3A_1073, %mul3A_1072, %select_n3A_1064 : vector<16xi1>, vector<16xf32>
        %get3A_1080 = arith.constant 0 : i32
        %get3A_1081 = arith.constant 35 : i32
        %get3A_1082 = arith.index_cast %get3A_1080 : i32 to index
        %get3A_1083 = arith.index_cast %get3A_1081 : i32 to index
        %get3A_1084 = arith.index_cast %mul3A_555 : i32 to index
        %get3A_1085 = tpu.vector_load %arg7[%get3A_1082, %get3A_1083, %get3A_1084] {strides = array<i32>} : memref<2x64x512xf32, #tpu.memory_space<vmem>>, vector<1x1x16xf32>,
        %get3A_1086 = vector.shape_cast %get3A_1085 : vector<1x1x16xf32> to vector<16xf32>
        %mul3A_1087 = arith.mulf %get3A_560, %get3A_1086 : vector<16xf32>
        %gt3A_1088 = arith.cmpf ogt, %mul3A_1087, %select_n3A_1079 : vector<16xf32>
        %select_n3A_1089 = arith.select %gt3A_1088, %select_n3A_1079, %mul3A_1087 : vector<16xi1>, vector<16xf32>
        %max3A_1090 = arith.maximumf %max3A_1075, %select_n3A_1089 : vector<16xf32>
        %broadcast_in_dim3A_1091 = arith.constant 35 : i32
        %broadcast_in_dim3A_1092 = vector.broadcast %broadcast_in_dim3A_1091 : i32 to vector<16xi32>
        %select_n3A_1093 = arith.select %gt3A_1088, %broadcast_in_dim3A_1092, %select_n3A_1078 : vector<16xi1>, vector<16xi32>
        %select_n3A_1094 = arith.select %gt3A_1088, %mul3A_1087, %select_n3A_1079 : vector<16xi1>, vector<16xf32>
        %get3A_1095 = arith.constant 0 : i32
        %get3A_1096 = arith.constant 36 : i32
        %get3A_1097 = arith.index_cast %get3A_1095 : i32 to index
        %get3A_1098 = arith.index_cast %get3A_1096 : i32 to index
        %get3A_1099 = arith.index_cast %mul3A_555 : i32 to index
        %get3A_1100 = tpu.vector_load %arg7[%get3A_1097, %get3A_1098, %get3A_1099] {strides = array<i32>} : memref<2x64x512xf32, #tpu.memory_space<vmem>>, vector<1x1x16xf32>,
        %get3A_1101 = vector.shape_cast %get3A_1100 : vector<1x1x16xf32> to vector<16xf32>
        %mul3A_1102 = arith.mulf %get3A_560, %get3A_1101 : vector<16xf32>
        %gt3A_1103 = arith.cmpf ogt, %mul3A_1102, %select_n3A_1094 : vector<16xf32>
        %select_n3A_1104 = arith.select %gt3A_1103, %select_n3A_1094, %mul3A_1102 : vector<16xi1>, vector<16xf32>
        %max3A_1105 = arith.maximumf %max3A_1090, %select_n3A_1104 : vector<16xf32>
        %broadcast_in_dim3A_1106 = arith.constant 36 : i32
        %broadcast_in_dim3A_1107 = vector.broadcast %broadcast_in_dim3A_1106 : i32 to vector<16xi32>
        %select_n3A_1108 = arith.select %gt3A_1103, %broadcast_in_dim3A_1107, %select_n3A_1093 : vector<16xi1>, vector<16xi32>
        %select_n3A_1109 = arith.select %gt3A_1103, %mul3A_1102, %select_n3A_1094 : vector<16xi1>, vector<16xf32>
        %get3A_1110 = arith.constant 0 : i32
        %get3A_1111 = arith.constant 37 : i32
        %get3A_1112 = arith.index_cast %get3A_1110 : i32 to index
        %get3A_1113 = arith.index_cast %get3A_1111 : i32 to index
        %get3A_1114 = arith.index_cast %mul3A_555 : i32 to index
        %get3A_1115 = tpu.vector_load %arg7[%get3A_1112, %get3A_1113, %get3A_1114] {strides = array<i32>} : memref<2x64x512xf32, #tpu.memory_space<vmem>>, vector<1x1x16xf32>,
        %get3A_1116 = vector.shape_cast %get3A_1115 : vector<1x1x16xf32> to vector<16xf32>
        %mul3A_1117 = arith.mulf %get3A_560, %get3A_1116 : vector<16xf32>
        %gt3A_1118 = arith.cmpf ogt, %mul3A_1117, %select_n3A_1109 : vector<16xf32>
        %select_n3A_1119 = arith.select %gt3A_1118, %select_n3A_1109, %mul3A_1117 : vector<16xi1>, vector<16xf32>
        %max3A_1120 = arith.maximumf %max3A_1105, %select_n3A_1119 : vector<16xf32>
        %broadcast_in_dim3A_1121 = arith.constant 37 : i32
        %broadcast_in_dim3A_1122 = vector.broadcast %broadcast_in_dim3A_1121 : i32 to vector<16xi32>
        %select_n3A_1123 = arith.select %gt3A_1118, %broadcast_in_dim3A_1122, %select_n3A_1108 : vector<16xi1>, vector<16xi32>
        %select_n3A_1124 = arith.select %gt3A_1118, %mul3A_1117, %select_n3A_1109 : vector<16xi1>, vector<16xf32>
        %get3A_1125 = arith.constant 0 : i32
        %get3A_1126 = arith.constant 38 : i32
        %get3A_1127 = arith.index_cast %get3A_1125 : i32 to index
        %get3A_1128 = arith.index_cast %get3A_1126 : i32 to index
        %get3A_1129 = arith.index_cast %mul3A_555 : i32 to index
        %get3A_1130 = tpu.vector_load %arg7[%get3A_1127, %get3A_1128, %get3A_1129] {strides = array<i32>} : memref<2x64x512xf32, #tpu.memory_space<vmem>>, vector<1x1x16xf32>,
        %get3A_1131 = vector.shape_cast %get3A_1130 : vector<1x1x16xf32> to vector<16xf32>
        %mul3A_1132 = arith.mulf %get3A_560, %get3A_1131 : vector<16xf32>
        %gt3A_1133 = arith.cmpf ogt, %mul3A_1132, %select_n3A_1124 : vector<16xf32>
        %select_n3A_1134 = arith.select %gt3A_1133, %select_n3A_1124, %mul3A_1132 : vector<16xi1>, vector<16xf32>
        %max3A_1135 = arith.maximumf %max3A_1120, %select_n3A_1134 : vector<16xf32>
        %broadcast_in_dim3A_1136 = arith.constant 38 : i32
        %broadcast_in_dim3A_1137 = vector.broadcast %broadcast_in_dim3A_1136 : i32 to vector<16xi32>
        %select_n3A_1138 = arith.select %gt3A_1133, %broadcast_in_dim3A_1137, %select_n3A_1123 : vector<16xi1>, vector<16xi32>
        %select_n3A_1139 = arith.select %gt3A_1133, %mul3A_1132, %select_n3A_1124 : vector<16xi1>, vector<16xf32>
        %get3A_1140 = arith.constant 0 : i32
        %get3A_1141 = arith.constant 39 : i32
        %get3A_1142 = arith.index_cast %get3A_1140 : i32 to index
        %get3A_1143 = arith.index_cast %get3A_1141 : i32 to index
        %get3A_1144 = arith.index_cast %mul3A_555 : i32 to index
        %get3A_1145 = tpu.vector_load %arg7[%get3A_1142, %get3A_1143, %get3A_1144] {strides = array<i32>} : memref<2x64x512xf32, #tpu.memory_space<vmem>>, vector<1x1x16xf32>,
        %get3A_1146 = vector.shape_cast %get3A_1145 : vector<1x1x16xf32> to vector<16xf32>
        %mul3A_1147 = arith.mulf %get3A_560, %get3A_1146 : vector<16xf32>
        %gt3A_1148 = arith.cmpf ogt, %mul3A_1147, %select_n3A_1139 : vector<16xf32>
        %select_n3A_1149 = arith.select %gt3A_1148, %select_n3A_1139, %mul3A_1147 : vector<16xi1>, vector<16xf32>
        %max3A_1150 = arith.maximumf %max3A_1135, %select_n3A_1149 : vector<16xf32>
        %broadcast_in_dim3A_1151 = arith.constant 39 : i32
        %broadcast_in_dim3A_1152 = vector.broadcast %broadcast_in_dim3A_1151 : i32 to vector<16xi32>
        %select_n3A_1153 = arith.select %gt3A_1148, %broadcast_in_dim3A_1152, %select_n3A_1138 : vector<16xi1>, vector<16xi32>
        %select_n3A_1154 = arith.select %gt3A_1148, %mul3A_1147, %select_n3A_1139 : vector<16xi1>, vector<16xf32>
        %get3A_1155 = arith.constant 0 : i32
        %get3A_1156 = arith.constant 40 : i32
        %get3A_1157 = arith.index_cast %get3A_1155 : i32 to index
        %get3A_1158 = arith.index_cast %get3A_1156 : i32 to index
        %get3A_1159 = arith.index_cast %mul3A_555 : i32 to index
        %get3A_1160 = tpu.vector_load %arg7[%get3A_1157, %get3A_1158, %get3A_1159] {strides = array<i32>} : memref<2x64x512xf32, #tpu.memory_space<vmem>>, vector<1x1x16xf32>,
        %get3A_1161 = vector.shape_cast %get3A_1160 : vector<1x1x16xf32> to vector<16xf32>
        %mul3A_1162 = arith.mulf %get3A_560, %get3A_1161 : vector<16xf32>
        %gt3A_1163 = arith.cmpf ogt, %mul3A_1162, %select_n3A_1154 : vector<16xf32>
        %select_n3A_1164 = arith.select %gt3A_1163, %select_n3A_1154, %mul3A_1162 : vector<16xi1>, vector<16xf32>
        %max3A_1165 = arith.maximumf %max3A_1150, %select_n3A_1164 : vector<16xf32>
        %broadcast_in_dim3A_1166 = arith.constant 40 : i32
        %broadcast_in_dim3A_1167 = vector.broadcast %broadcast_in_dim3A_1166 : i32 to vector<16xi32>
        %select_n3A_1168 = arith.select %gt3A_1163, %broadcast_in_dim3A_1167, %select_n3A_1153 : vector<16xi1>, vector<16xi32>
        %select_n3A_1169 = arith.select %gt3A_1163, %mul3A_1162, %select_n3A_1154 : vector<16xi1>, vector<16xf32>
        %get3A_1170 = arith.constant 0 : i32
        %get3A_1171 = arith.constant 41 : i32
        %get3A_1172 = arith.index_cast %get3A_1170 : i32 to index
        %get3A_1173 = arith.index_cast %get3A_1171 : i32 to index
        %get3A_1174 = arith.index_cast %mul3A_555 : i32 to index
        %get3A_1175 = tpu.vector_load %arg7[%get3A_1172, %get3A_1173, %get3A_1174] {strides = array<i32>} : memref<2x64x512xf32, #tpu.memory_space<vmem>>, vector<1x1x16xf32>,
        %get3A_1176 = vector.shape_cast %get3A_1175 : vector<1x1x16xf32> to vector<16xf32>
        %mul3A_1177 = arith.mulf %get3A_560, %get3A_1176 : vector<16xf32>
        %gt3A_1178 = arith.cmpf ogt, %mul3A_1177, %select_n3A_1169 : vector<16xf32>
        %select_n3A_1179 = arith.select %gt3A_1178, %select_n3A_1169, %mul3A_1177 : vector<16xi1>, vector<16xf32>
        %max3A_1180 = arith.maximumf %max3A_1165, %select_n3A_1179 : vector<16xf32>
        %broadcast_in_dim3A_1181 = arith.constant 41 : i32
        %broadcast_in_dim3A_1182 = vector.broadcast %broadcast_in_dim3A_1181 : i32 to vector<16xi32>
        %select_n3A_1183 = arith.select %gt3A_1178, %broadcast_in_dim3A_1182, %select_n3A_1168 : vector<16xi1>, vector<16xi32>
        %select_n3A_1184 = arith.select %gt3A_1178, %mul3A_1177, %select_n3A_1169 : vector<16xi1>, vector<16xf32>
        %get3A_1185 = arith.constant 0 : i32
        %get3A_1186 = arith.constant 42 : i32
        %get3A_1187 = arith.index_cast %get3A_1185 : i32 to index
        %get3A_1188 = arith.index_cast %get3A_1186 : i32 to index
        %get3A_1189 = arith.index_cast %mul3A_555 : i32 to index
        %get3A_1190 = tpu.vector_load %arg7[%get3A_1187, %get3A_1188, %get3A_1189] {strides = array<i32>} : memref<2x64x512xf32, #tpu.memory_space<vmem>>, vector<1x1x16xf32>,
        %get3A_1191 = vector.shape_cast %get3A_1190 : vector<1x1x16xf32> to vector<16xf32>
        %mul3A_1192 = arith.mulf %get3A_560, %get3A_1191 : vector<16xf32>
        %gt3A_1193 = arith.cmpf ogt, %mul3A_1192, %select_n3A_1184 : vector<16xf32>
        %select_n3A_1194 = arith.select %gt3A_1193, %select_n3A_1184, %mul3A_1192 : vector<16xi1>, vector<16xf32>
        %max3A_1195 = arith.maximumf %max3A_1180, %select_n3A_1194 : vector<16xf32>
        %broadcast_in_dim3A_1196 = arith.constant 42 : i32
        %broadcast_in_dim3A_1197 = vector.broadcast %broadcast_in_dim3A_1196 : i32 to vector<16xi32>
        %select_n3A_1198 = arith.select %gt3A_1193, %broadcast_in_dim3A_1197, %select_n3A_1183 : vector<16xi1>, vector<16xi32>
        %select_n3A_1199 = arith.select %gt3A_1193, %mul3A_1192, %select_n3A_1184 : vector<16xi1>, vector<16xf32>
        %get3A_1200 = arith.constant 0 : i32
        %get3A_1201 = arith.constant 43 : i32
        %get3A_1202 = arith.index_cast %get3A_1200 : i32 to index
        %get3A_1203 = arith.index_cast %get3A_1201 : i32 to index
        %get3A_1204 = arith.index_cast %mul3A_555 : i32 to index
        %get3A_1205 = tpu.vector_load %arg7[%get3A_1202, %get3A_1203, %get3A_1204] {strides = array<i32>} : memref<2x64x512xf32, #tpu.memory_space<vmem>>, vector<1x1x16xf32>,
        %get3A_1206 = vector.shape_cast %get3A_1205 : vector<1x1x16xf32> to vector<16xf32>
        %mul3A_1207 = arith.mulf %get3A_560, %get3A_1206 : vector<16xf32>
        %gt3A_1208 = arith.cmpf ogt, %mul3A_1207, %select_n3A_1199 : vector<16xf32>
        %select_n3A_1209 = arith.select %gt3A_1208, %select_n3A_1199, %mul3A_1207 : vector<16xi1>, vector<16xf32>
        %max3A_1210 = arith.maximumf %max3A_1195, %select_n3A_1209 : vector<16xf32>
        %broadcast_in_dim3A_1211 = arith.constant 43 : i32
        %broadcast_in_dim3A_1212 = vector.broadcast %broadcast_in_dim3A_1211 : i32 to vector<16xi32>
        %select_n3A_1213 = arith.select %gt3A_1208, %broadcast_in_dim3A_1212, %select_n3A_1198 : vector<16xi1>, vector<16xi32>
        %select_n3A_1214 = arith.select %gt3A_1208, %mul3A_1207, %select_n3A_1199 : vector<16xi1>, vector<16xf32>
        %get3A_1215 = arith.constant 0 : i32
        %get3A_1216 = arith.constant 44 : i32
        %get3A_1217 = arith.index_cast %get3A_1215 : i32 to index
        %get3A_1218 = arith.index_cast %get3A_1216 : i32 to index
        %get3A_1219 = arith.index_cast %mul3A_555 : i32 to index
        %get3A_1220 = tpu.vector_load %arg7[%get3A_1217, %get3A_1218, %get3A_1219] {strides = array<i32>} : memref<2x64x512xf32, #tpu.memory_space<vmem>>, vector<1x1x16xf32>,
        %get3A_1221 = vector.shape_cast %get3A_1220 : vector<1x1x16xf32> to vector<16xf32>
        %mul3A_1222 = arith.mulf %get3A_560, %get3A_1221 : vector<16xf32>
        %gt3A_1223 = arith.cmpf ogt, %mul3A_1222, %select_n3A_1214 : vector<16xf32>
        %select_n3A_1224 = arith.select %gt3A_1223, %select_n3A_1214, %mul3A_1222 : vector<16xi1>, vector<16xf32>
        %max3A_1225 = arith.maximumf %max3A_1210, %select_n3A_1224 : vector<16xf32>
        %broadcast_in_dim3A_1226 = arith.constant 44 : i32
        %broadcast_in_dim3A_1227 = vector.broadcast %broadcast_in_dim3A_1226 : i32 to vector<16xi32>
        %select_n3A_1228 = arith.select %gt3A_1223, %broadcast_in_dim3A_1227, %select_n3A_1213 : vector<16xi1>, vector<16xi32>
        %select_n3A_1229 = arith.select %gt3A_1223, %mul3A_1222, %select_n3A_1214 : vector<16xi1>, vector<16xf32>
        %get3A_1230 = arith.constant 0 : i32
        %get3A_1231 = arith.constant 45 : i32
        %get3A_1232 = arith.index_cast %get3A_1230 : i32 to index
        %get3A_1233 = arith.index_cast %get3A_1231 : i32 to index
        %get3A_1234 = arith.index_cast %mul3A_555 : i32 to index
        %get3A_1235 = tpu.vector_load %arg7[%get3A_1232, %get3A_1233, %get3A_1234] {strides = array<i32>} : memref<2x64x512xf32, #tpu.memory_space<vmem>>, vector<1x1x16xf32>,
        %get3A_1236 = vector.shape_cast %get3A_1235 : vector<1x1x16xf32> to vector<16xf32>
        %mul3A_1237 = arith.mulf %get3A_560, %get3A_1236 : vector<16xf32>
        %gt3A_1238 = arith.cmpf ogt, %mul3A_1237, %select_n3A_1229 : vector<16xf32>
        %select_n3A_1239 = arith.select %gt3A_1238, %select_n3A_1229, %mul3A_1237 : vector<16xi1>, vector<16xf32>
        %max3A_1240 = arith.maximumf %max3A_1225, %select_n3A_1239 : vector<16xf32>
        %broadcast_in_dim3A_1241 = arith.constant 45 : i32
        %broadcast_in_dim3A_1242 = vector.broadcast %broadcast_in_dim3A_1241 : i32 to vector<16xi32>
        %select_n3A_1243 = arith.select %gt3A_1238, %broadcast_in_dim3A_1242, %select_n3A_1228 : vector<16xi1>, vector<16xi32>
        %select_n3A_1244 = arith.select %gt3A_1238, %mul3A_1237, %select_n3A_1229 : vector<16xi1>, vector<16xf32>
        %get3A_1245 = arith.constant 0 : i32
        %get3A_1246 = arith.constant 46 : i32
        %get3A_1247 = arith.index_cast %get3A_1245 : i32 to index
        %get3A_1248 = arith.index_cast %get3A_1246 : i32 to index
        %get3A_1249 = arith.index_cast %mul3A_555 : i32 to index
        %get3A_1250 = tpu.vector_load %arg7[%get3A_1247, %get3A_1248, %get3A_1249] {strides = array<i32>} : memref<2x64x512xf32, #tpu.memory_space<vmem>>, vector<1x1x16xf32>,
        %get3A_1251 = vector.shape_cast %get3A_1250 : vector<1x1x16xf32> to vector<16xf32>
        %mul3A_1252 = arith.mulf %get3A_560, %get3A_1251 : vector<16xf32>
        %gt3A_1253 = arith.cmpf ogt, %mul3A_1252, %select_n3A_1244 : vector<16xf32>
        %select_n3A_1254 = arith.select %gt3A_1253, %select_n3A_1244, %mul3A_1252 : vector<16xi1>, vector<16xf32>
        %max3A_1255 = arith.maximumf %max3A_1240, %select_n3A_1254 : vector<16xf32>
        %broadcast_in_dim3A_1256 = arith.constant 46 : i32
        %broadcast_in_dim3A_1257 = vector.broadcast %broadcast_in_dim3A_1256 : i32 to vector<16xi32>
        %select_n3A_1258 = arith.select %gt3A_1253, %broadcast_in_dim3A_1257, %select_n3A_1243 : vector<16xi1>, vector<16xi32>
        %select_n3A_1259 = arith.select %gt3A_1253, %mul3A_1252, %select_n3A_1244 : vector<16xi1>, vector<16xf32>
        %get3A_1260 = arith.constant 0 : i32
        %get3A_1261 = arith.constant 47 : i32
        %get3A_1262 = arith.index_cast %get3A_1260 : i32 to index
        %get3A_1263 = arith.index_cast %get3A_1261 : i32 to index
        %get3A_1264 = arith.index_cast %mul3A_555 : i32 to index
        %get3A_1265 = tpu.vector_load %arg7[%get3A_1262, %get3A_1263, %get3A_1264] {strides = array<i32>} : memref<2x64x512xf32, #tpu.memory_space<vmem>>, vector<1x1x16xf32>,
        %get3A_1266 = vector.shape_cast %get3A_1265 : vector<1x1x16xf32> to vector<16xf32>
        %mul3A_1267 = arith.mulf %get3A_560, %get3A_1266 : vector<16xf32>
        %gt3A_1268 = arith.cmpf ogt, %mul3A_1267, %select_n3A_1259 : vector<16xf32>
        %select_n3A_1269 = arith.select %gt3A_1268, %select_n3A_1259, %mul3A_1267 : vector<16xi1>, vector<16xf32>
        %max3A_1270 = arith.maximumf %max3A_1255, %select_n3A_1269 : vector<16xf32>
        %broadcast_in_dim3A_1271 = arith.constant 47 : i32
        %broadcast_in_dim3A_1272 = vector.broadcast %broadcast_in_dim3A_1271 : i32 to vector<16xi32>
        %select_n3A_1273 = arith.select %gt3A_1268, %broadcast_in_dim3A_1272, %select_n3A_1258 : vector<16xi1>, vector<16xi32>
        %select_n3A_1274 = arith.select %gt3A_1268, %mul3A_1267, %select_n3A_1259 : vector<16xi1>, vector<16xf32>
        %get3A_1275 = arith.constant 0 : i32
        %get3A_1276 = arith.constant 48 : i32
        %get3A_1277 = arith.index_cast %get3A_1275 : i32 to index
        %get3A_1278 = arith.index_cast %get3A_1276 : i32 to index
        %get3A_1279 = arith.index_cast %mul3A_555 : i32 to index
        %get3A_1280 = tpu.vector_load %arg7[%get3A_1277, %get3A_1278, %get3A_1279] {strides = array<i32>} : memref<2x64x512xf32, #tpu.memory_space<vmem>>, vector<1x1x16xf32>,
        %get3A_1281 = vector.shape_cast %get3A_1280 : vector<1x1x16xf32> to vector<16xf32>
        %mul3A_1282 = arith.mulf %get3A_560, %get3A_1281 : vector<16xf32>
        %gt3A_1283 = arith.cmpf ogt, %mul3A_1282, %select_n3A_1274 : vector<16xf32>
        %select_n3A_1284 = arith.select %gt3A_1283, %select_n3A_1274, %mul3A_1282 : vector<16xi1>, vector<16xf32>
        %max3A_1285 = arith.maximumf %max3A_1270, %select_n3A_1284 : vector<16xf32>
        %broadcast_in_dim3A_1286 = arith.constant 48 : i32
        %broadcast_in_dim3A_1287 = vector.broadcast %broadcast_in_dim3A_1286 : i32 to vector<16xi32>
        %select_n3A_1288 = arith.select %gt3A_1283, %broadcast_in_dim3A_1287, %select_n3A_1273 : vector<16xi1>, vector<16xi32>
        %select_n3A_1289 = arith.select %gt3A_1283, %mul3A_1282, %select_n3A_1274 : vector<16xi1>, vector<16xf32>
        %get3A_1290 = arith.constant 0 : i32
        %get3A_1291 = arith.constant 49 : i32
        %get3A_1292 = arith.index_cast %get3A_1290 : i32 to index
        %get3A_1293 = arith.index_cast %get3A_1291 : i32 to index
        %get3A_1294 = arith.index_cast %mul3A_555 : i32 to index
        %get3A_1295 = tpu.vector_load %arg7[%get3A_1292, %get3A_1293, %get3A_1294] {strides = array<i32>} : memref<2x64x512xf32, #tpu.memory_space<vmem>>, vector<1x1x16xf32>,
        %get3A_1296 = vector.shape_cast %get3A_1295 : vector<1x1x16xf32> to vector<16xf32>
        %mul3A_1297 = arith.mulf %get3A_560, %get3A_1296 : vector<16xf32>
        %gt3A_1298 = arith.cmpf ogt, %mul3A_1297, %select_n3A_1289 : vector<16xf32>
        %select_n3A_1299 = arith.select %gt3A_1298, %select_n3A_1289, %mul3A_1297 : vector<16xi1>, vector<16xf32>
        %max3A_1300 = arith.maximumf %max3A_1285, %select_n3A_1299 : vector<16xf32>
        %broadcast_in_dim3A_1301 = arith.constant 49 : i32
        %broadcast_in_dim3A_1302 = vector.broadcast %broadcast_in_dim3A_1301 : i32 to vector<16xi32>
        %select_n3A_1303 = arith.select %gt3A_1298, %broadcast_in_dim3A_1302, %select_n3A_1288 : vector<16xi1>, vector<16xi32>
        %select_n3A_1304 = arith.select %gt3A_1298, %mul3A_1297, %select_n3A_1289 : vector<16xi1>, vector<16xf32>
        %get3A_1305 = arith.constant 0 : i32
        %get3A_1306 = arith.constant 50 : i32
        %get3A_1307 = arith.index_cast %get3A_1305 : i32 to index
        %get3A_1308 = arith.index_cast %get3A_1306 : i32 to index
        %get3A_1309 = arith.index_cast %mul3A_555 : i32 to index
        %get3A_1310 = tpu.vector_load %arg7[%get3A_1307, %get3A_1308, %get3A_1309] {strides = array<i32>} : memref<2x64x512xf32, #tpu.memory_space<vmem>>, vector<1x1x16xf32>,
        %get3A_1311 = vector.shape_cast %get3A_1310 : vector<1x1x16xf32> to vector<16xf32>
        %mul3A_1312 = arith.mulf %get3A_560, %get3A_1311 : vector<16xf32>
        %gt3A_1313 = arith.cmpf ogt, %mul3A_1312, %select_n3A_1304 : vector<16xf32>
        %select_n3A_1314 = arith.select %gt3A_1313, %select_n3A_1304, %mul3A_1312 : vector<16xi1>, vector<16xf32>
        %max3A_1315 = arith.maximumf %max3A_1300, %select_n3A_1314 : vector<16xf32>
        %broadcast_in_dim3A_1316 = arith.constant 50 : i32
        %broadcast_in_dim3A_1317 = vector.broadcast %broadcast_in_dim3A_1316 : i32 to vector<16xi32>
        %select_n3A_1318 = arith.select %gt3A_1313, %broadcast_in_dim3A_1317, %select_n3A_1303 : vector<16xi1>, vector<16xi32>
        %select_n3A_1319 = arith.select %gt3A_1313, %mul3A_1312, %select_n3A_1304 : vector<16xi1>, vector<16xf32>
        %get3A_1320 = arith.constant 0 : i32
        %get3A_1321 = arith.constant 51 : i32
        %get3A_1322 = arith.index_cast %get3A_1320 : i32 to index
        %get3A_1323 = arith.index_cast %get3A_1321 : i32 to index
        %get3A_1324 = arith.index_cast %mul3A_555 : i32 to index
        %get3A_1325 = tpu.vector_load %arg7[%get3A_1322, %get3A_1323, %get3A_1324] {strides = array<i32>} : memref<2x64x512xf32, #tpu.memory_space<vmem>>, vector<1x1x16xf32>,
        %get3A_1326 = vector.shape_cast %get3A_1325 : vector<1x1x16xf32> to vector<16xf32>
        %mul3A_1327 = arith.mulf %get3A_560, %get3A_1326 : vector<16xf32>
        %gt3A_1328 = arith.cmpf ogt, %mul3A_1327, %select_n3A_1319 : vector<16xf32>
        %select_n3A_1329 = arith.select %gt3A_1328, %select_n3A_1319, %mul3A_1327 : vector<16xi1>, vector<16xf32>
        %max3A_1330 = arith.maximumf %max3A_1315, %select_n3A_1329 : vector<16xf32>
        %broadcast_in_dim3A_1331 = arith.constant 51 : i32
        %broadcast_in_dim3A_1332 = vector.broadcast %broadcast_in_dim3A_1331 : i32 to vector<16xi32>
        %select_n3A_1333 = arith.select %gt3A_1328, %broadcast_in_dim3A_1332, %select_n3A_1318 : vector<16xi1>, vector<16xi32>
        %select_n3A_1334 = arith.select %gt3A_1328, %mul3A_1327, %select_n3A_1319 : vector<16xi1>, vector<16xf32>
        %get3A_1335 = arith.constant 0 : i32
        %get3A_1336 = arith.constant 52 : i32
        %get3A_1337 = arith.index_cast %get3A_1335 : i32 to index
        %get3A_1338 = arith.index_cast %get3A_1336 : i32 to index
        %get3A_1339 = arith.index_cast %mul3A_555 : i32 to index
        %get3A_1340 = tpu.vector_load %arg7[%get3A_1337, %get3A_1338, %get3A_1339] {strides = array<i32>} : memref<2x64x512xf32, #tpu.memory_space<vmem>>, vector<1x1x16xf32>,
        %get3A_1341 = vector.shape_cast %get3A_1340 : vector<1x1x16xf32> to vector<16xf32>
        %mul3A_1342 = arith.mulf %get3A_560, %get3A_1341 : vector<16xf32>
        %gt3A_1343 = arith.cmpf ogt, %mul3A_1342, %select_n3A_1334 : vector<16xf32>
        %select_n3A_1344 = arith.select %gt3A_1343, %select_n3A_1334, %mul3A_1342 : vector<16xi1>, vector<16xf32>
        %max3A_1345 = arith.maximumf %max3A_1330, %select_n3A_1344 : vector<16xf32>
        %broadcast_in_dim3A_1346 = arith.constant 52 : i32
        %broadcast_in_dim3A_1347 = vector.broadcast %broadcast_in_dim3A_1346 : i32 to vector<16xi32>
        %select_n3A_1348 = arith.select %gt3A_1343, %broadcast_in_dim3A_1347, %select_n3A_1333 : vector<16xi1>, vector<16xi32>
        %select_n3A_1349 = arith.select %gt3A_1343, %mul3A_1342, %select_n3A_1334 : vector<16xi1>, vector<16xf32>
        %get3A_1350 = arith.constant 0 : i32
        %get3A_1351 = arith.constant 53 : i32
        %get3A_1352 = arith.index_cast %get3A_1350 : i32 to index
        %get3A_1353 = arith.index_cast %get3A_1351 : i32 to index
        %get3A_1354 = arith.index_cast %mul3A_555 : i32 to index
        %get3A_1355 = tpu.vector_load %arg7[%get3A_1352, %get3A_1353, %get3A_1354] {strides = array<i32>} : memref<2x64x512xf32, #tpu.memory_space<vmem>>, vector<1x1x16xf32>,
        %get3A_1356 = vector.shape_cast %get3A_1355 : vector<1x1x16xf32> to vector<16xf32>
        %mul3A_1357 = arith.mulf %get3A_560, %get3A_1356 : vector<16xf32>
        %gt3A_1358 = arith.cmpf ogt, %mul3A_1357, %select_n3A_1349 : vector<16xf32>
        %select_n3A_1359 = arith.select %gt3A_1358, %select_n3A_1349, %mul3A_1357 : vector<16xi1>, vector<16xf32>
        %max3A_1360 = arith.maximumf %max3A_1345, %select_n3A_1359 : vector<16xf32>
        %broadcast_in_dim3A_1361 = arith.constant 53 : i32
        %broadcast_in_dim3A_1362 = vector.broadcast %broadcast_in_dim3A_1361 : i32 to vector<16xi32>
        %select_n3A_1363 = arith.select %gt3A_1358, %broadcast_in_dim3A_1362, %select_n3A_1348 : vector<16xi1>, vector<16xi32>
        %select_n3A_1364 = arith.select %gt3A_1358, %mul3A_1357, %select_n3A_1349 : vector<16xi1>, vector<16xf32>
        %get3A_1365 = arith.constant 0 : i32
        %get3A_1366 = arith.constant 54 : i32
        %get3A_1367 = arith.index_cast %get3A_1365 : i32 to index
        %get3A_1368 = arith.index_cast %get3A_1366 : i32 to index
        %get3A_1369 = arith.index_cast %mul3A_555 : i32 to index
        %get3A_1370 = tpu.vector_load %arg7[%get3A_1367, %get3A_1368, %get3A_1369] {strides = array<i32>} : memref<2x64x512xf32, #tpu.memory_space<vmem>>, vector<1x1x16xf32>,
        %get3A_1371 = vector.shape_cast %get3A_1370 : vector<1x1x16xf32> to vector<16xf32>
        %mul3A_1372 = arith.mulf %get3A_560, %get3A_1371 : vector<16xf32>
        %gt3A_1373 = arith.cmpf ogt, %mul3A_1372, %select_n3A_1364 : vector<16xf32>
        %select_n3A_1374 = arith.select %gt3A_1373, %select_n3A_1364, %mul3A_1372 : vector<16xi1>, vector<16xf32>
        %max3A_1375 = arith.maximumf %max3A_1360, %select_n3A_1374 : vector<16xf32>
        %broadcast_in_dim3A_1376 = arith.constant 54 : i32
        %broadcast_in_dim3A_1377 = vector.broadcast %broadcast_in_dim3A_1376 : i32 to vector<16xi32>
        %select_n3A_1378 = arith.select %gt3A_1373, %broadcast_in_dim3A_1377, %select_n3A_1363 : vector<16xi1>, vector<16xi32>
        %select_n3A_1379 = arith.select %gt3A_1373, %mul3A_1372, %select_n3A_1364 : vector<16xi1>, vector<16xf32>
        %get3A_1380 = arith.constant 0 : i32
        %get3A_1381 = arith.constant 55 : i32
        %get3A_1382 = arith.index_cast %get3A_1380 : i32 to index
        %get3A_1383 = arith.index_cast %get3A_1381 : i32 to index
        %get3A_1384 = arith.index_cast %mul3A_555 : i32 to index
        %get3A_1385 = tpu.vector_load %arg7[%get3A_1382, %get3A_1383, %get3A_1384] {strides = array<i32>} : memref<2x64x512xf32, #tpu.memory_space<vmem>>, vector<1x1x16xf32>,
        %get3A_1386 = vector.shape_cast %get3A_1385 : vector<1x1x16xf32> to vector<16xf32>
        %mul3A_1387 = arith.mulf %get3A_560, %get3A_1386 : vector<16xf32>
        %gt3A_1388 = arith.cmpf ogt, %mul3A_1387, %select_n3A_1379 : vector<16xf32>
        %select_n3A_1389 = arith.select %gt3A_1388, %select_n3A_1379, %mul3A_1387 : vector<16xi1>, vector<16xf32>
        %max3A_1390 = arith.maximumf %max3A_1375, %select_n3A_1389 : vector<16xf32>
        %broadcast_in_dim3A_1391 = arith.constant 55 : i32
        %broadcast_in_dim3A_1392 = vector.broadcast %broadcast_in_dim3A_1391 : i32 to vector<16xi32>
        %select_n3A_1393 = arith.select %gt3A_1388, %broadcast_in_dim3A_1392, %select_n3A_1378 : vector<16xi1>, vector<16xi32>
        %select_n3A_1394 = arith.select %gt3A_1388, %mul3A_1387, %select_n3A_1379 : vector<16xi1>, vector<16xf32>
        %get3A_1395 = arith.constant 0 : i32
        %get3A_1396 = arith.constant 56 : i32
        %get3A_1397 = arith.index_cast %get3A_1395 : i32 to index
        %get3A_1398 = arith.index_cast %get3A_1396 : i32 to index
        %get3A_1399 = arith.index_cast %mul3A_555 : i32 to index
        %get3A_1400 = tpu.vector_load %arg7[%get3A_1397, %get3A_1398, %get3A_1399] {strides = array<i32>} : memref<2x64x512xf32, #tpu.memory_space<vmem>>, vector<1x1x16xf32>,
        %get3A_1401 = vector.shape_cast %get3A_1400 : vector<1x1x16xf32> to vector<16xf32>
        %mul3A_1402 = arith.mulf %get3A_560, %get3A_1401 : vector<16xf32>
        %gt3A_1403 = arith.cmpf ogt, %mul3A_1402, %select_n3A_1394 : vector<16xf32>
        %select_n3A_1404 = arith.select %gt3A_1403, %select_n3A_1394, %mul3A_1402 : vector<16xi1>, vector<16xf32>
        %max3A_1405 = arith.maximumf %max3A_1390, %select_n3A_1404 : vector<16xf32>
        %broadcast_in_dim3A_1406 = arith.constant 56 : i32
        %broadcast_in_dim3A_1407 = vector.broadcast %broadcast_in_dim3A_1406 : i32 to vector<16xi32>
        %select_n3A_1408 = arith.select %gt3A_1403, %broadcast_in_dim3A_1407, %select_n3A_1393 : vector<16xi1>, vector<16xi32>
        %select_n3A_1409 = arith.select %gt3A_1403, %mul3A_1402, %select_n3A_1394 : vector<16xi1>, vector<16xf32>
        %get3A_1410 = arith.constant 0 : i32
        %get3A_1411 = arith.constant 57 : i32
        %get3A_1412 = arith.index_cast %get3A_1410 : i32 to index
        %get3A_1413 = arith.index_cast %get3A_1411 : i32 to index
        %get3A_1414 = arith.index_cast %mul3A_555 : i32 to index
        %get3A_1415 = tpu.vector_load %arg7[%get3A_1412, %get3A_1413, %get3A_1414] {strides = array<i32>} : memref<2x64x512xf32, #tpu.memory_space<vmem>>, vector<1x1x16xf32>,
        %get3A_1416 = vector.shape_cast %get3A_1415 : vector<1x1x16xf32> to vector<16xf32>
        %mul3A_1417 = arith.mulf %get3A_560, %get3A_1416 : vector<16xf32>
        %gt3A_1418 = arith.cmpf ogt, %mul3A_1417, %select_n3A_1409 : vector<16xf32>
        %select_n3A_1419 = arith.select %gt3A_1418, %select_n3A_1409, %mul3A_1417 : vector<16xi1>, vector<16xf32>
        %max3A_1420 = arith.maximumf %max3A_1405, %select_n3A_1419 : vector<16xf32>
        %broadcast_in_dim3A_1421 = arith.constant 57 : i32
        %broadcast_in_dim3A_1422 = vector.broadcast %broadcast_in_dim3A_1421 : i32 to vector<16xi32>
        %select_n3A_1423 = arith.select %gt3A_1418, %broadcast_in_dim3A_1422, %select_n3A_1408 : vector<16xi1>, vector<16xi32>
        %select_n3A_1424 = arith.select %gt3A_1418, %mul3A_1417, %select_n3A_1409 : vector<16xi1>, vector<16xf32>
        %get3A_1425 = arith.constant 0 : i32
        %get3A_1426 = arith.constant 58 : i32
        %get3A_1427 = arith.index_cast %get3A_1425 : i32 to index
        %get3A_1428 = arith.index_cast %get3A_1426 : i32 to index
        %get3A_1429 = arith.index_cast %mul3A_555 : i32 to index
        %get3A_1430 = tpu.vector_load %arg7[%get3A_1427, %get3A_1428, %get3A_1429] {strides = array<i32>} : memref<2x64x512xf32, #tpu.memory_space<vmem>>, vector<1x1x16xf32>,
        %get3A_1431 = vector.shape_cast %get3A_1430 : vector<1x1x16xf32> to vector<16xf32>
        %mul3A_1432 = arith.mulf %get3A_560, %get3A_1431 : vector<16xf32>
        %gt3A_1433 = arith.cmpf ogt, %mul3A_1432, %select_n3A_1424 : vector<16xf32>
        %select_n3A_1434 = arith.select %gt3A_1433, %select_n3A_1424, %mul3A_1432 : vector<16xi1>, vector<16xf32>
        %max3A_1435 = arith.maximumf %max3A_1420, %select_n3A_1434 : vector<16xf32>
        %broadcast_in_dim3A_1436 = arith.constant 58 : i32
        %broadcast_in_dim3A_1437 = vector.broadcast %broadcast_in_dim3A_1436 : i32 to vector<16xi32>
        %select_n3A_1438 = arith.select %gt3A_1433, %broadcast_in_dim3A_1437, %select_n3A_1423 : vector<16xi1>, vector<16xi32>
        %select_n3A_1439 = arith.select %gt3A_1433, %mul3A_1432, %select_n3A_1424 : vector<16xi1>, vector<16xf32>
        %get3A_1440 = arith.constant 0 : i32
        %get3A_1441 = arith.constant 59 : i32
        %get3A_1442 = arith.index_cast %get3A_1440 : i32 to index
        %get3A_1443 = arith.index_cast %get3A_1441 : i32 to index
        %get3A_1444 = arith.index_cast %mul3A_555 : i32 to index
        %get3A_1445 = tpu.vector_load %arg7[%get3A_1442, %get3A_1443, %get3A_1444] {strides = array<i32>} : memref<2x64x512xf32, #tpu.memory_space<vmem>>, vector<1x1x16xf32>,
        %get3A_1446 = vector.shape_cast %get3A_1445 : vector<1x1x16xf32> to vector<16xf32>
        %mul3A_1447 = arith.mulf %get3A_560, %get3A_1446 : vector<16xf32>
        %gt3A_1448 = arith.cmpf ogt, %mul3A_1447, %select_n3A_1439 : vector<16xf32>
        %select_n3A_1449 = arith.select %gt3A_1448, %select_n3A_1439, %mul3A_1447 : vector<16xi1>, vector<16xf32>
        %max3A_1450 = arith.maximumf %max3A_1435, %select_n3A_1449 : vector<16xf32>
        %broadcast_in_dim3A_1451 = arith.constant 59 : i32
        %broadcast_in_dim3A_1452 = vector.broadcast %broadcast_in_dim3A_1451 : i32 to vector<16xi32>
        %select_n3A_1453 = arith.select %gt3A_1448, %broadcast_in_dim3A_1452, %select_n3A_1438 : vector<16xi1>, vector<16xi32>
        %select_n3A_1454 = arith.select %gt3A_1448, %mul3A_1447, %select_n3A_1439 : vector<16xi1>, vector<16xf32>
        %get3A_1455 = arith.constant 0 : i32
        %get3A_1456 = arith.constant 60 : i32
        %get3A_1457 = arith.index_cast %get3A_1455 : i32 to index
        %get3A_1458 = arith.index_cast %get3A_1456 : i32 to index
        %get3A_1459 = arith.index_cast %mul3A_555 : i32 to index
        %get3A_1460 = tpu.vector_load %arg7[%get3A_1457, %get3A_1458, %get3A_1459] {strides = array<i32>} : memref<2x64x512xf32, #tpu.memory_space<vmem>>, vector<1x1x16xf32>,
        %get3A_1461 = vector.shape_cast %get3A_1460 : vector<1x1x16xf32> to vector<16xf32>
        %mul3A_1462 = arith.mulf %get3A_560, %get3A_1461 : vector<16xf32>
        %gt3A_1463 = arith.cmpf ogt, %mul3A_1462, %select_n3A_1454 : vector<16xf32>
        %select_n3A_1464 = arith.select %gt3A_1463, %select_n3A_1454, %mul3A_1462 : vector<16xi1>, vector<16xf32>
        %max3A_1465 = arith.maximumf %max3A_1450, %select_n3A_1464 : vector<16xf32>
        %broadcast_in_dim3A_1466 = arith.constant 60 : i32
        %broadcast_in_dim3A_1467 = vector.broadcast %broadcast_in_dim3A_1466 : i32 to vector<16xi32>
        %select_n3A_1468 = arith.select %gt3A_1463, %broadcast_in_dim3A_1467, %select_n3A_1453 : vector<16xi1>, vector<16xi32>
        %select_n3A_1469 = arith.select %gt3A_1463, %mul3A_1462, %select_n3A_1454 : vector<16xi1>, vector<16xf32>
        %get3A_1470 = arith.constant 0 : i32
        %get3A_1471 = arith.constant 61 : i32
        %get3A_1472 = arith.index_cast %get3A_1470 : i32 to index
        %get3A_1473 = arith.index_cast %get3A_1471 : i32 to index
        %get3A_1474 = arith.index_cast %mul3A_555 : i32 to index
        %get3A_1475 = tpu.vector_load %arg7[%get3A_1472, %get3A_1473, %get3A_1474] {strides = array<i32>} : memref<2x64x512xf32, #tpu.memory_space<vmem>>, vector<1x1x16xf32>,
        %get3A_1476 = vector.shape_cast %get3A_1475 : vector<1x1x16xf32> to vector<16xf32>
        %mul3A_1477 = arith.mulf %get3A_560, %get3A_1476 : vector<16xf32>
        %gt3A_1478 = arith.cmpf ogt, %mul3A_1477, %select_n3A_1469 : vector<16xf32>
        %select_n3A_1479 = arith.select %gt3A_1478, %select_n3A_1469, %mul3A_1477 : vector<16xi1>, vector<16xf32>
        %max3A_1480 = arith.maximumf %max3A_1465, %select_n3A_1479 : vector<16xf32>
        %broadcast_in_dim3A_1481 = arith.constant 61 : i32
        %broadcast_in_dim3A_1482 = vector.broadcast %broadcast_in_dim3A_1481 : i32 to vector<16xi32>
        %select_n3A_1483 = arith.select %gt3A_1478, %broadcast_in_dim3A_1482, %select_n3A_1468 : vector<16xi1>, vector<16xi32>
        %select_n3A_1484 = arith.select %gt3A_1478, %mul3A_1477, %select_n3A_1469 : vector<16xi1>, vector<16xf32>
        %get3A_1485 = arith.constant 0 : i32
        %get3A_1486 = arith.constant 62 : i32
        %get3A_1487 = arith.index_cast %get3A_1485 : i32 to index
        %get3A_1488 = arith.index_cast %get3A_1486 : i32 to index
        %get3A_1489 = arith.index_cast %mul3A_555 : i32 to index
        %get3A_1490 = tpu.vector_load %arg7[%get3A_1487, %get3A_1488, %get3A_1489] {strides = array<i32>} : memref<2x64x512xf32, #tpu.memory_space<vmem>>, vector<1x1x16xf32>,
        %get3A_1491 = vector.shape_cast %get3A_1490 : vector<1x1x16xf32> to vector<16xf32>
        %mul3A_1492 = arith.mulf %get3A_560, %get3A_1491 : vector<16xf32>
        %gt3A_1493 = arith.cmpf ogt, %mul3A_1492, %select_n3A_1484 : vector<16xf32>
        %select_n3A_1494 = arith.select %gt3A_1493, %select_n3A_1484, %mul3A_1492 : vector<16xi1>, vector<16xf32>
        %max3A_1495 = arith.maximumf %max3A_1480, %select_n3A_1494 : vector<16xf32>
        %broadcast_in_dim3A_1496 = arith.constant 62 : i32
        %broadcast_in_dim3A_1497 = vector.broadcast %broadcast_in_dim3A_1496 : i32 to vector<16xi32>
        %select_n3A_1498 = arith.select %gt3A_1493, %broadcast_in_dim3A_1497, %select_n3A_1483 : vector<16xi1>, vector<16xi32>
        %select_n3A_1499 = arith.select %gt3A_1493, %mul3A_1492, %select_n3A_1484 : vector<16xi1>, vector<16xf32>
        %get3A_1500 = arith.constant 0 : i32
        %get3A_1501 = arith.constant 63 : i32
        %get3A_1502 = arith.index_cast %get3A_1500 : i32 to index
        %get3A_1503 = arith.index_cast %get3A_1501 : i32 to index
        %get3A_1504 = arith.index_cast %mul3A_555 : i32 to index
        %get3A_1505 = tpu.vector_load %arg7[%get3A_1502, %get3A_1503, %get3A_1504] {strides = array<i32>} : memref<2x64x512xf32, #tpu.memory_space<vmem>>, vector<1x1x16xf32>,
        %get3A_1506 = vector.shape_cast %get3A_1505 : vector<1x1x16xf32> to vector<16xf32>
        %mul3A_1507 = arith.mulf %get3A_560, %get3A_1506 : vector<16xf32>
        %gt3A_1508 = arith.cmpf ogt, %mul3A_1507, %select_n3A_1499 : vector<16xf32>
        %select_n3A_1509 = arith.select %gt3A_1508, %select_n3A_1499, %mul3A_1507 : vector<16xi1>, vector<16xf32>
        %max3A_1510 = arith.maximumf %max3A_1495, %select_n3A_1509 : vector<16xf32>
        %broadcast_in_dim3A_1511 = arith.constant 63 : i32
        %broadcast_in_dim3A_1512 = vector.broadcast %broadcast_in_dim3A_1511 : i32 to vector<16xi32>
        %select_n3A_1513 = arith.select %gt3A_1508, %broadcast_in_dim3A_1512, %select_n3A_1498 : vector<16xi1>, vector<16xi32>
        %select_n3A_1514 = arith.select %gt3A_1508, %mul3A_1507, %select_n3A_1499 : vector<16xi1>, vector<16xf32>
        %mul3A_1515 = arith.mulf %get3A_2, %select_n3A_1514 : vector<16xf32>
        %mul3A_1516 = arith.mulf %get3A_5, %max3A_1510 : vector<16xf32>
        %add3A_1517 = arith.addf %mul3A_1515, %mul3A_1516 : vector<16xf32>
        %swap3A = arith.constant 0 : i32
        %swap3A_1518 = arith.index_cast %swap3A : i32 to index
        %swap3A_1519 = arith.index_cast %mul3A_555 : i32 to index
        %swap3A_1520 = tpu.vector_load %arg9[%swap3A_1518, %swap3A_1519] {strides = array<i32>} : memref<2x512xf32, #tpu.memory_space<vmem>>, vector<1x16xf32>,
        %swap3A_1521 = vector.shape_cast %swap3A_1520 : vector<1x16xf32> to vector<16xf32>
        %swap3A_1522 = vector.shape_cast %add3A_1517 : vector<16xf32> to vector<1x16xf32>
        tpu.vector_store %arg9[%swap3A_1518, %swap3A_1519], %swap3A_1522 {strides = array<i32>} : memref<2x512xf32, #tpu.memory_space<vmem>>, vector<1x16xf32>,
        %swap3A_1523 = arith.constant 0 : i32
        %swap3A_1524 = arith.index_cast %swap3A_1523 : i32 to index
        %swap3A_1525 = arith.index_cast %mul3A_555 : i32 to index
        %swap3A_1526 = tpu.vector_load %arg10[%swap3A_1524, %swap3A_1525] {strides = array<i32>} : memref<2x512xi32, #tpu.memory_space<vmem>>, vector<1x16xi32>,
        %swap3A_1527 = vector.shape_cast %swap3A_1526 : vector<1x16xi32> to vector<16xi32>
        %swap3A_1528 = vector.shape_cast %select_n3A_1513 : vector<16xi32> to vector<1x16xi32>
        tpu.vector_store %arg10[%swap3A_1524, %swap3A_1525], %swap3A_1528 {strides = array<i32>} : memref<2x512xi32, #tpu.memory_space<vmem>>, vector<1x16xi32>,
      }
      %scan3A_204 = arith.constant 32 : i32
      %mul3A_205 = arith.constant 32 : i32
      %mul3A_206 = arith.muli %mul3A_205, %add3A_157 : i32
      %add3A_207 = arith.addi %add3A, %mul3A_206 : i32
      %jit3A_208 = arith.constant 56 : i32
      %div3A_209 = arith.divsi %add3A_207, %jit3A_208 : i32
      %sign3A_210 = arith.constant 0 : i32
      %sign3A_211 = arith.cmpi sgt, %add3A_207, %sign3A_210 : i32
      %sign3A_212 = arith.extui %sign3A_211 : i1 to i32
      %sign3A_213 = arith.constant 0 : i32
      %sign3A_214 = arith.cmpi slt, %add3A_207, %sign3A_213 : i32
      %sign3A_215 = arith.extui %sign3A_214 : i1 to i32
      %sign3A_216 = arith.subi %sign3A_212, %sign3A_215 : i32
      %sign3A_217 = arith.constant 0 : i32
      %sign3A_218 = arith.cmpi sgt, %jit3A_208, %sign3A_217 : i32
      %sign3A_219 = arith.extui %sign3A_218 : i1 to i32
      %sign3A_220 = arith.constant 0 : i32
      %sign3A_221 = arith.cmpi slt, %jit3A_208, %sign3A_220 : i32
      %sign3A_222 = arith.extui %sign3A_221 : i1 to i32
      %sign3A_223 = arith.subi %sign3A_219, %sign3A_222 : i32
      %ne3A_224 = arith.cmpi ne, %sign3A_216, %sign3A_223 : i32
      %rem3A_225 = arith.remsi %add3A_207, %jit3A_208 : i32
      %ne3A_226 = arith.constant 0 : i32
      %ne3A_227 = arith.cmpi ne, %rem3A_225, %ne3A_226 : i32
      %and3A_228 = arith.andi %ne3A_224, %ne3A_227 : i1
      %sub3A_229 = arith.constant 1 : i32
      %sub3A_230 = arith.subi %div3A_209, %sub3A_229 : i32
      %select_n3A_231 = arith.select %and3A_228, %sub3A_230, %div3A_209 : i32
      %jit3A_232 = arith.constant 56 : i32
      %eq3A_233 = arith.constant 0 : i32
      %eq3A_234 = arith.cmpi eq, %jit3A_232, %eq3A_233 : i32
      %jit3A_235 = arith.constant 1 : i32
      %select_n3A_236 = arith.select %eq3A_234, %jit3A_235, %jit3A_232 : i32
      %rem3A_237 = arith.remsi %add3A_207, %select_n3A_236 : i32
      %ne3A_238 = arith.constant 0 : i32
      %ne3A_239 = arith.cmpi ne, %rem3A_237, %ne3A_238 : i32
      %lt3A_240 = arith.constant 0 : i32
      %lt3A_241 = arith.cmpi slt, %rem3A_237, %lt3A_240 : i32
      %lt3A_242 = arith.constant 0 : i32
      %lt3A_243 = arith.cmpi slt, %select_n3A_236, %lt3A_242 : i32
      %ne3A_244 = arith.xori %lt3A_241, %lt3A_243 : i1
      %and3A_245 = arith.andi %ne3A_244, %ne3A_239 : i1
      %add3A_246 = arith.addi %rem3A_237, %select_n3A_236 : i32
      %select_n3A_247 = arith.select %and3A_245, %add3A_246, %rem3A_237 : i32
      %mul3A_248 = arith.constant 512 : i32
      %mul3A_249 = arith.muli %select_n3A_247, %mul3A_248 : i32
      %jit3A_250 = arith.constant 2 : i32
      %div3A_251 = arith.divsi %select_n3A_231, %jit3A_250 : i32
      %sign3A_252 = arith.constant 0 : i32
      %sign3A_253 = arith.cmpi sgt, %select_n3A_231, %sign3A_252 : i32
      %sign3A_254 = arith.extui %sign3A_253 : i1 to i32
      %sign3A_255 = arith.constant 0 : i32
      %sign3A_256 = arith.cmpi slt, %select_n3A_231, %sign3A_255 : i32
      %sign3A_257 = arith.extui %sign3A_256 : i1 to i32
      %sign3A_258 = arith.subi %sign3A_254, %sign3A_257 : i32
      %sign3A_259 = arith.constant 0 : i32
      %sign3A_260 = arith.cmpi sgt, %jit3A_250, %sign3A_259 : i32
      %sign3A_261 = arith.extui %sign3A_260 : i1 to i32
      %sign3A_262 = arith.constant 0 : i32
      %sign3A_263 = arith.cmpi slt, %jit3A_250, %sign3A_262 : i32
      %sign3A_264 = arith.extui %sign3A_263 : i1 to i32
      %sign3A_265 = arith.subi %sign3A_261, %sign3A_264 : i32
      %ne3A_266 = arith.cmpi ne, %sign3A_258, %sign3A_265 : i32
      %rem3A_267 = arith.remsi %select_n3A_231, %jit3A_250 : i32
      %ne3A_268 = arith.constant 0 : i32
      %ne3A_269 = arith.cmpi ne, %rem3A_267, %ne3A_268 : i32
      %and3A_270 = arith.andi %ne3A_266, %ne3A_269 : i1
      %sub3A_271 = arith.constant 1 : i32
      %sub3A_272 = arith.subi %div3A_251, %sub3A_271 : i32
      %select_n3A_273 = arith.select %and3A_270, %sub3A_272, %div3A_251 : i32
      %jit3A_274 = arith.constant 2 : i32
      %eq3A_275 = arith.constant 0 : i32
      %eq3A_276 = arith.cmpi eq, %jit3A_274, %eq3A_275 : i32
      %jit3A_277 = arith.constant 1 : i32
      %select_n3A_278 = arith.select %eq3A_276, %jit3A_277, %jit3A_274 : i32
      %rem3A_279 = arith.remsi %select_n3A_231, %select_n3A_278 : i32
      %ne3A_280 = arith.constant 0 : i32
      %ne3A_281 = arith.cmpi ne, %rem3A_279, %ne3A_280 : i32
      %lt3A_282 = arith.constant 0 : i32
      %lt3A_283 = arith.cmpi slt, %rem3A_279, %lt3A_282 : i32
      %lt3A_284 = arith.constant 0 : i32
      %lt3A_285 = arith.cmpi slt, %select_n3A_278, %lt3A_284 : i32
      %ne3A_286 = arith.xori %lt3A_283, %lt3A_285 : i1
      %and3A_287 = arith.andi %ne3A_286, %ne3A_281 : i1
      %add3A_288 = arith.addi %rem3A_279, %select_n3A_278 : i32
      %select_n3A_289 = arith.select %and3A_287, %add3A_288, %rem3A_279 : i32
      %dma_start3A_290 = arith.constant 0 : i32
      %dma_start3A_291 = arith.constant 0 : i32
      %dma_start3A_292 = tpu.memref_slice %arg9[%dma_start3A_290, %dma_start3A_291] : memref<2x512xf32, #tpu.memory_space<vmem>> -> memref<1x512xf32, #tpu.memory_space<vmem>>
      %dma_start3A_293 = tpu.memref_squeeze %dma_start3A_292 : memref<1x512xf32, #tpu.memory_space<vmem>> -> memref<512xf32, #tpu.memory_space<vmem>>
      %dma_start3A_294 = tpu.memref_slice %arg5[%select_n3A_273, %select_n3A_289, %mul3A_249] : memref<4x2x28672xf32, #tpu.memory_space<hbm>> -> memref<1x1x512xf32, #tpu.memory_space<hbm>>
      %dma_start3A_295 = tpu.memref_squeeze %dma_start3A_294 : memref<1x1x512xf32, #tpu.memory_space<hbm>> -> memref<512xf32, #tpu.memory_space<hbm>>
      %dma_start3A_296 = tpu.memref_slice %arg5[%select_n3A_273, %select_n3A_289, %mul3A_249] : memref<4x2x28672xf32, #tpu.memory_space<hbm>> -> memref<1x1x512xf32, #tpu.memory_space<hbm>>
      %dma_start3A_297 = tpu.memref_squeeze %dma_start3A_296 : memref<1x1x512xf32, #tpu.memory_space<hbm>> -> memref<512xf32, #tpu.memory_space<hbm>>
      %dma_start3A_298 = arith.constant 0 : i32
      %dma_start3A_299 = tpu.memref_slice %arg9[%dma_start3A_290, %dma_start3A_298] : memref<2x512xf32, #tpu.memory_space<vmem>> -> memref<1x512xf32, #tpu.memory_space<vmem>>
      %dma_start3A_300 = tpu.memref_squeeze %dma_start3A_299 : memref<1x512xf32, #tpu.memory_space<vmem>> -> memref<512xf32, #tpu.memory_space<vmem>>
      tpu.enqueue_dma source(%dma_start3A_300 : memref<512xf32, #tpu.memory_space<vmem>>) target(%dma_start3A_297 : memref<512xf32, #tpu.memory_space<hbm>>) target_semaphore(%arg14 : memref<!tpu.dma_semaphore, #tpu.memory_space<semaphore_mem>>)
      %jit3A_301 = arith.constant 2 : i32
      %div3A_302 = arith.divsi %select_n3A_231, %jit3A_301 : i32
      %sign3A_303 = arith.constant 0 : i32
      %sign3A_304 = arith.cmpi sgt, %select_n3A_231, %sign3A_303 : i32
      %sign3A_305 = arith.extui %sign3A_304 : i1 to i32
      %sign3A_306 = arith.constant 0 : i32
      %sign3A_307 = arith.cmpi slt, %select_n3A_231, %sign3A_306 : i32
      %sign3A_308 = arith.extui %sign3A_307 : i1 to i32
      %sign3A_309 = arith.subi %sign3A_305, %sign3A_308 : i32
      %sign3A_310 = arith.constant 0 : i32
      %sign3A_311 = arith.cmpi sgt, %jit3A_301, %sign3A_310 : i32
      %sign3A_312 = arith.extui %sign3A_311 : i1 to i32
      %sign3A_313 = arith.constant 0 : i32
      %sign3A_314 = arith.cmpi slt, %jit3A_301, %sign3A_313 : i32
      %sign3A_315 = arith.extui %sign3A_314 : i1 to i32
      %sign3A_316 = arith.subi %sign3A_312, %sign3A_315 : i32
      %ne3A_317 = arith.cmpi ne, %sign3A_309, %sign3A_316 : i32
      %rem3A_318 = arith.remsi %select_n3A_231, %jit3A_301 : i32
      %ne3A_319 = arith.constant 0 : i32
      %ne3A_320 = arith.cmpi ne, %rem3A_318, %ne3A_319 : i32
      %and3A_321 = arith.andi %ne3A_317, %ne3A_320 : i1
      %sub3A_322 = arith.constant 1 : i32
      %sub3A_323 = arith.subi %div3A_302, %sub3A_322 : i32
      %select_n3A_324 = arith.select %and3A_321, %sub3A_323, %div3A_302 : i32
      %jit3A_325 = arith.constant 2 : i32
      %eq3A_326 = arith.constant 0 : i32
      %eq3A_327 = arith.cmpi eq, %jit3A_325, %eq3A_326 : i32
      %jit3A_328 = arith.constant 1 : i32
      %select_n3A_329 = arith.select %eq3A_327, %jit3A_328, %jit3A_325 : i32
      %rem3A_330 = arith.remsi %select_n3A_231, %select_n3A_329 : i32
      %ne3A_331 = arith.constant 0 : i32
      %ne3A_332 = arith.cmpi ne, %rem3A_330, %ne3A_331 : i32
      %lt3A_333 = arith.constant 0 : i32
      %lt3A_334 = arith.cmpi slt, %rem3A_330, %lt3A_333 : i32
      %lt3A_335 = arith.constant 0 : i32
      %lt3A_336 = arith.cmpi slt, %select_n3A_329, %lt3A_335 : i32
      %ne3A_337 = arith.xori %lt3A_334, %lt3A_336 : i1
      %and3A_338 = arith.andi %ne3A_337, %ne3A_332 : i1
      %add3A_339 = arith.addi %rem3A_330, %select_n3A_329 : i32
      %select_n3A_340 = arith.select %and3A_338, %add3A_339, %rem3A_330 : i32
      %dma_start3A_341 = arith.constant 0 : i32
      %dma_start3A_342 = arith.constant 0 : i32
      %dma_start3A_343 = tpu.memref_slice %arg10[%dma_start3A_341, %dma_start3A_342] : memref<2x512xi32, #tpu.memory_space<vmem>> -> memref<1x512xi32, #tpu.memory_space<vmem>>
      %dma_start3A_344 = tpu.memref_squeeze %dma_start3A_343 : memref<1x512xi32, #tpu.memory_space<vmem>> -> memref<512xi32, #tpu.memory_space<vmem>>
      %dma_start3A_345 = tpu.memref_slice %arg6[%select_n3A_324, %select_n3A_340, %mul3A_249] : memref<4x2x28672xi32, #tpu.memory_space<hbm>> -> memref<1x1x512xi32, #tpu.memory_space<hbm>>
      %dma_start3A_346 = tpu.memref_squeeze %dma_start3A_345 : memref<1x1x512xi32, #tpu.memory_space<hbm>> -> memref<512xi32, #tpu.memory_space<hbm>>
      %dma_start3A_347 = tpu.memref_slice %arg6[%select_n3A_324, %select_n3A_340, %mul3A_249] : memref<4x2x28672xi32, #tpu.memory_space<hbm>> -> memref<1x1x512xi32, #tpu.memory_space<hbm>>
      %dma_start3A_348 = tpu.memref_squeeze %dma_start3A_347 : memref<1x1x512xi32, #tpu.memory_space<hbm>> -> memref<512xi32, #tpu.memory_space<hbm>>
      %dma_start3A_349 = arith.constant 0 : i32
      %dma_start3A_350 = tpu.memref_slice %arg10[%dma_start3A_341, %dma_start3A_349] : memref<2x512xi32, #tpu.memory_space<vmem>> -> memref<1x512xi32, #tpu.memory_space<vmem>>
      %dma_start3A_351 = tpu.memref_squeeze %dma_start3A_350 : memref<1x512xi32, #tpu.memory_space<vmem>> -> memref<512xi32, #tpu.memory_space<vmem>>
      tpu.enqueue_dma source(%dma_start3A_351 : memref<512xi32, #tpu.memory_space<vmem>>) target(%dma_start3A_348 : memref<512xi32, #tpu.memory_space<hbm>>) target_semaphore(%arg14 : memref<!tpu.dma_semaphore, #tpu.memory_space<semaphore_mem>>)
      %mul3A_352 = arith.constant 2 : i32
      %mul3A_353 = arith.muli %scan3A_153, %mul3A_352 : i32
      %add3A_354 = arith.constant 1 : i32
      %add3A_355 = arith.addi %mul3A_353, %add3A_354 : i32
      %add3A_356 = arith.constant 1 : i32
      %add3A_357 = arith.addi %add3A_355, %add3A_356 : i32
      %lt3A_358 = arith.constant 14 : i32
      %lt3A_359 = arith.cmpi slt, %add3A_357, %lt3A_358 : i32
      %convert_element_type3A_360 = arith.extui %lt3A_359 : i1 to i32
      %cond3A_361 = arith.constant 0 : i32
      %cond3A_362 = arith.cmpi ne, %convert_element_type3A_360, %cond3A_361 : i32
      scf.if %cond3A_362 {
        %add3A_553 = arith.constant 1 : i32
        %add3A_554 = arith.addi %add3A_355, %add3A_553 : i32
        %mul3A_555 = arith.constant 32 : i32
        %mul3A_556 = arith.muli %mul3A_555, %add3A_554 : i32
        %add3A_557 = arith.addi %add3A, %mul3A_556 : i32
        %jit3A_558 = arith.constant 56 : i32
        %div3A_559 = arith.divsi %add3A_557, %jit3A_558 : i32
        %sign3A_560 = arith.constant 0 : i32
        %sign3A_561 = arith.cmpi sgt, %add3A_557, %sign3A_560 : i32
        %sign3A_562 = arith.extui %sign3A_561 : i1 to i32
        %sign3A_563 = arith.constant 0 : i32
        %sign3A_564 = arith.cmpi slt, %add3A_557, %sign3A_563 : i32
        %sign3A_565 = arith.extui %sign3A_564 : i1 to i32
        %sign3A_566 = arith.subi %sign3A_562, %sign3A_565 : i32
        %sign3A_567 = arith.constant 0 : i32
        %sign3A_568 = arith.cmpi sgt, %jit3A_558, %sign3A_567 : i32
        %sign3A_569 = arith.extui %sign3A_568 : i1 to i32
        %sign3A_570 = arith.constant 0 : i32
        %sign3A_571 = arith.cmpi slt, %jit3A_558, %sign3A_570 : i32
        %sign3A_572 = arith.extui %sign3A_571 : i1 to i32
        %sign3A_573 = arith.subi %sign3A_569, %sign3A_572 : i32
        %ne3A_574 = arith.cmpi ne, %sign3A_566, %sign3A_573 : i32
        %rem3A_575 = arith.remsi %add3A_557, %jit3A_558 : i32
        %ne3A_576 = arith.constant 0 : i32
        %ne3A_577 = arith.cmpi ne, %rem3A_575, %ne3A_576 : i32
        %and3A_578 = arith.andi %ne3A_574, %ne3A_577 : i1
        %sub3A_579 = arith.constant 1 : i32
        %sub3A_580 = arith.subi %div3A_559, %sub3A_579 : i32
        %select_n3A_581 = arith.select %and3A_578, %sub3A_580, %div3A_559 : i32
        %jit3A_582 = arith.constant 56 : i32
        %eq3A_583 = arith.constant 0 : i32
        %eq3A_584 = arith.cmpi eq, %jit3A_582, %eq3A_583 : i32
        %jit3A_585 = arith.constant 1 : i32
        %select_n3A_586 = arith.select %eq3A_584, %jit3A_585, %jit3A_582 : i32
        %rem3A_587 = arith.remsi %add3A_557, %select_n3A_586 : i32
        %ne3A_588 = arith.constant 0 : i32
        %ne3A_589 = arith.cmpi ne, %rem3A_587, %ne3A_588 : i32
        %lt3A_590 = arith.constant 0 : i32
        %lt3A_591 = arith.cmpi slt, %rem3A_587, %lt3A_590 : i32
        %lt3A_592 = arith.constant 0 : i32
        %lt3A_593 = arith.cmpi slt, %select_n3A_586, %lt3A_592 : i32
        %ne3A_594 = arith.xori %lt3A_591, %lt3A_593 : i1
        %and3A_595 = arith.andi %ne3A_594, %ne3A_589 : i1
        %add3A_596 = arith.addi %rem3A_587, %select_n3A_586 : i32
        %select_n3A_597 = arith.select %and3A_595, %add3A_596, %rem3A_587 : i32
        %mul3A_598 = arith.constant 512 : i32
        %mul3A_599 = arith.muli %select_n3A_597, %mul3A_598 : i32
        %dma_start3A_600 = arith.constant 0 : i32
        %dma_start3A_601 = arith.constant 0 : i32
        %dma_start3A_602 = arith.constant 0 : i32
        %dma_start3A_603 = tpu.memref_slice %arg7[%dma_start3A_600, %dma_start3A_601, %dma_start3A_602] : memref<2x64x512xf32, #tpu.memory_space<vmem>> -> memref<1x64x512xf32, #tpu.memory_space<vmem>>
        %dma_start3A_604 = tpu.memref_squeeze %dma_start3A_603 : memref<1x64x512xf32, #tpu.memory_space<vmem>> -> memref<64x512xf32, #tpu.memory_space<vmem>>
        %dma_start3A_605 = arith.constant 0 : i32
        %dma_start3A_606 = tpu.memref_slice %arg3[%select_n3A_581, %dma_start3A_605, %mul3A_599] : memref<8x64x65536xf32, #tpu.memory_space<hbm>> -> memref<1x64x512xf32, #tpu.memory_space<hbm>>
        %dma_start3A_607 = tpu.memref_squeeze %dma_start3A_606 : memref<1x64x512xf32, #tpu.memory_space<hbm>> -> memref<64x512xf32, #tpu.memory_space<hbm>>
        %dma_start3A_608 = arith.constant 0 : i32
        %dma_start3A_609 = arith.constant 0 : i32
        %dma_start3A_610 = tpu.memref_slice %arg7[%dma_start3A_600, %dma_start3A_608, %dma_start3A_609] : memref<2x64x512xf32, #tpu.memory_space<vmem>> -> memref<1x64x512xf32, #tpu.memory_space<vmem>>
        %dma_start3A_611 = tpu.memref_squeeze %dma_start3A_610 : memref<1x64x512xf32, #tpu.memory_space<vmem>> -> memref<64x512xf32, #tpu.memory_space<vmem>>
        %dma_start3A_612 = arith.constant 0 : i32
        %dma_start3A_613 = tpu.memref_slice %arg3[%select_n3A_581, %dma_start3A_612, %mul3A_599] : memref<8x64x65536xf32, #tpu.memory_space<hbm>> -> memref<1x64x512xf32, #tpu.memory_space<hbm>>
        %dma_start3A_614 = tpu.memref_squeeze %dma_start3A_613 : memref<1x64x512xf32, #tpu.memory_space<hbm>> -> memref<64x512xf32, #tpu.memory_space<hbm>>
        tpu.enqueue_dma source(%dma_start3A_614 : memref<64x512xf32, #tpu.memory_space<hbm>>) target(%dma_start3A_611 : memref<64x512xf32, #tpu.memory_space<vmem>>) target_semaphore(%arg12 : memref<!tpu.dma_semaphore, #tpu.memory_space<semaphore_mem>>)
        %jit3A_615 = arith.constant 2 : i32
        %div3A_616 = arith.divsi %select_n3A_581, %jit3A_615 : i32
        %sign3A_617 = arith.constant 0 : i32
        %sign3A_618 = arith.cmpi sgt, %select_n3A_581, %sign3A_617 : i32
        %sign3A_619 = arith.extui %sign3A_618 : i1 to i32
        %sign3A_620 = arith.constant 0 : i32
        %sign3A_621 = arith.cmpi slt, %select_n3A_581, %sign3A_620 : i32
        %sign3A_622 = arith.extui %sign3A_621 : i1 to i32
        %sign3A_623 = arith.subi %sign3A_619, %sign3A_622 : i32
        %sign3A_624 = arith.constant 0 : i32
        %sign3A_625 = arith.cmpi sgt, %jit3A_615, %sign3A_624 : i32
        %sign3A_626 = arith.extui %sign3A_625 : i1 to i32
        %sign3A_627 = arith.constant 0 : i32
        %sign3A_628 = arith.cmpi slt, %jit3A_615, %sign3A_627 : i32
        %sign3A_629 = arith.extui %sign3A_628 : i1 to i32
        %sign3A_630 = arith.subi %sign3A_626, %sign3A_629 : i32
        %ne3A_631 = arith.cmpi ne, %sign3A_623, %sign3A_630 : i32
        %rem3A_632 = arith.remsi %select_n3A_581, %jit3A_615 : i32
        %ne3A_633 = arith.constant 0 : i32
        %ne3A_634 = arith.cmpi ne, %rem3A_632, %ne3A_633 : i32
        %and3A_635 = arith.andi %ne3A_631, %ne3A_634 : i1
        %sub3A_636 = arith.constant 1 : i32
        %sub3A_637 = arith.subi %div3A_616, %sub3A_636 : i32
        %select_n3A_638 = arith.select %and3A_635, %sub3A_637, %div3A_616 : i32
        %dma_start3A_639 = arith.constant 0 : i32
        %dma_start3A_640 = arith.constant 0 : i32
        %dma_start3A_641 = tpu.memref_slice %arg8[%dma_start3A_639, %dma_start3A_640] : memref<2x512xf32, #tpu.memory_space<vmem>> -> memref<1x512xf32, #tpu.memory_space<vmem>>
        %dma_start3A_642 = tpu.memref_squeeze %dma_start3A_641 : memref<1x512xf32, #tpu.memory_space<vmem>> -> memref<512xf32, #tpu.memory_space<vmem>>
        %dma_start3A_643 = tpu.memref_slice %arg2[%select_n3A_638, %mul3A_599] : memref<4x65536xf32, #tpu.memory_space<hbm>> -> memref<1x512xf32, #tpu.memory_space<hbm>>
        %dma_start3A_644 = tpu.memref_squeeze %dma_start3A_643 : memref<1x512xf32, #tpu.memory_space<hbm>> -> memref<512xf32, #tpu.memory_space<hbm>>
        %dma_start3A_645 = arith.constant 0 : i32
        %dma_start3A_646 = tpu.memref_slice %arg8[%dma_start3A_639, %dma_start3A_645] : memref<2x512xf32, #tpu.memory_space<vmem>> -> memref<1x512xf32, #tpu.memory_space<vmem>>
        %dma_start3A_647 = tpu.memref_squeeze %dma_start3A_646 : memref<1x512xf32, #tpu.memory_space<vmem>> -> memref<512xf32, #tpu.memory_space<vmem>>
        %dma_start3A_648 = tpu.memref_slice %arg2[%select_n3A_638, %mul3A_599] : memref<4x65536xf32, #tpu.memory_space<hbm>> -> memref<1x512xf32, #tpu.memory_space<hbm>>
        %dma_start3A_649 = tpu.memref_squeeze %dma_start3A_648 : memref<1x512xf32, #tpu.memory_space<hbm>> -> memref<512xf32, #tpu.memory_space<hbm>>
        tpu.enqueue_dma source(%dma_start3A_649 : memref<512xf32, #tpu.memory_space<hbm>>) target(%dma_start3A_647 : memref<512xf32, #tpu.memory_space<vmem>>) target_semaphore(%arg12 : memref<!tpu.dma_semaphore, #tpu.memory_space<semaphore_mem>>)
      } else {
      }
      %dma_wait3A_363 = arith.constant 0 : i32
      %dma_wait3A_364 = arith.constant 1 : i32
      %dma_wait3A_365 = arith.constant 0 : i32
      %dma_wait3A_366 = arith.constant 0 : i32
      %dma_wait3A_367 = tpu.memref_slice %arg7[%dma_wait3A_364, %dma_wait3A_365, %dma_wait3A_366] : memref<2x64x512xf32, #tpu.memory_space<vmem>> -> memref<1x64x512xf32, #tpu.memory_space<vmem>>
      %dma_wait3A_368 = tpu.memref_squeeze %dma_wait3A_367 : memref<1x64x512xf32, #tpu.memory_space<vmem>> -> memref<64x512xf32, #tpu.memory_space<vmem>>
      %dma_wait3A_369 = arith.constant 0 : i32
      %dma_wait3A_370 = arith.constant 0 : i32
      %dma_wait3A_371 = tpu.memref_slice %arg3[%dma_wait3A_363, %dma_wait3A_369, %dma_wait3A_370] : memref<8x64x65536xf32, #tpu.memory_space<hbm>> -> memref<1x64x512xf32, #tpu.memory_space<hbm>>
      %dma_wait3A_372 = tpu.memref_squeeze %dma_wait3A_371 : memref<1x64x512xf32, #tpu.memory_space<hbm>> -> memref<64x512xf32, #tpu.memory_space<hbm>>
      %dma_wait3A_373 = arith.constant 0 : i32
      %dma_wait3A_374 = arith.constant 0 : i32
      %dma_wait3A_375 = tpu.memref_slice %arg7[%dma_wait3A_364, %dma_wait3A_373, %dma_wait3A_374] : memref<2x64x512xf32, #tpu.memory_space<vmem>> -> memref<1x64x512xf32, #tpu.memory_space<vmem>>
      %dma_wait3A_376 = tpu.memref_squeeze %dma_wait3A_375 : memref<1x64x512xf32, #tpu.memory_space<vmem>> -> memref<64x512xf32, #tpu.memory_space<vmem>>
      %dma_wait3A_377 = arith.constant 0 : i32
      %dma_wait3A_378 = arith.constant 0 : i32
      %dma_wait3A_379 = tpu.memref_slice %arg3[%dma_wait3A_363, %dma_wait3A_377, %dma_wait3A_378] : memref<8x64x65536xf32, #tpu.memory_space<hbm>> -> memref<1x64x512xf32, #tpu.memory_space<hbm>>
      %dma_wait3A_380 = tpu.memref_squeeze %dma_wait3A_379 : memref<1x64x512xf32, #tpu.memory_space<hbm>> -> memref<64x512xf32, #tpu.memory_space<hbm>>
      tpu.wait_dma2 semaphore(%arg13 : memref<!tpu.dma_semaphore, #tpu.memory_space<semaphore_mem>>) src(%dma_wait3A_380 : memref<64x512xf32, #tpu.memory_space<hbm>>) dst(%dma_wait3A_376 : memref<64x512xf32, #tpu.memory_space<vmem>>)
      %dma_wait3A_381 = arith.constant 0 : i32
      %dma_wait3A_382 = arith.constant 1 : i32
      %dma_wait3A_383 = arith.constant 0 : i32
      %dma_wait3A_384 = tpu.memref_slice %arg8[%dma_wait3A_382, %dma_wait3A_383] : memref<2x512xf32, #tpu.memory_space<vmem>> -> memref<1x512xf32, #tpu.memory_space<vmem>>
      %dma_wait3A_385 = tpu.memref_squeeze %dma_wait3A_384 : memref<1x512xf32, #tpu.memory_space<vmem>> -> memref<512xf32, #tpu.memory_space<vmem>>
      %dma_wait3A_386 = arith.constant 0 : i32
      %dma_wait3A_387 = tpu.memref_slice %arg2[%dma_wait3A_381, %dma_wait3A_386] : memref<4x65536xf32, #tpu.memory_space<hbm>> -> memref<1x512xf32, #tpu.memory_space<hbm>>
      %dma_wait3A_388 = tpu.memref_squeeze %dma_wait3A_387 : memref<1x512xf32, #tpu.memory_space<hbm>> -> memref<512xf32, #tpu.memory_space<hbm>>
      %dma_wait3A_389 = arith.constant 0 : i32
      %dma_wait3A_390 = tpu.memref_slice %arg8[%dma_wait3A_382, %dma_wait3A_389] : memref<2x512xf32, #tpu.memory_space<vmem>> -> memref<1x512xf32, #tpu.memory_space<vmem>>
      %dma_wait3A_391 = tpu.memref_squeeze %dma_wait3A_390 : memref<1x512xf32, #tpu.memory_space<vmem>> -> memref<512xf32, #tpu.memory_space<vmem>>
      %dma_wait3A_392 = arith.constant 0 : i32
      %dma_wait3A_393 = tpu.memref_slice %arg2[%dma_wait3A_381, %dma_wait3A_392] : memref<4x65536xf32, #tpu.memory_space<hbm>> -> memref<1x512xf32, #tpu.memory_space<hbm>>
      %dma_wait3A_394 = tpu.memref_squeeze %dma_wait3A_393 : memref<1x512xf32, #tpu.memory_space<hbm>> -> memref<512xf32, #tpu.memory_space<hbm>>
      tpu.wait_dma2 semaphore(%arg13 : memref<!tpu.dma_semaphore, #tpu.memory_space<semaphore_mem>>) src(%dma_wait3A_394 : memref<512xf32, #tpu.memory_space<hbm>>) dst(%dma_wait3A_391 : memref<512xf32, #tpu.memory_space<vmem>>)
      %ge3A_395 = arith.constant 2 : i32
      %ge3A_396 = arith.cmpi sge, %add3A_355, %ge3A_395 : i32
      %convert_element_type3A_397 = arith.extui %ge3A_396 : i1 to i32
      %cond3A_398 = arith.constant 0 : i32
      %cond3A_399 = arith.cmpi ne, %convert_element_type3A_397, %cond3A_398 : i32
      scf.if %cond3A_399 {
        %dma_wait3A_553 = arith.constant 1 : i32
        %dma_wait3A_554 = arith.constant 0 : i32
        %dma_wait3A_555 = arith.constant 0 : i32
        %dma_wait3A_556 = arith.constant 0 : i32
        %dma_wait3A_557 = tpu.memref_slice %arg9[%dma_wait3A_553, %dma_wait3A_556] : memref<2x512xf32, #tpu.memory_space<vmem>> -> memref<1x512xf32, #tpu.memory_space<vmem>>
        %dma_wait3A_558 = tpu.memref_squeeze %dma_wait3A_557 : memref<1x512xf32, #tpu.memory_space<vmem>> -> memref<512xf32, #tpu.memory_space<vmem>>
        %dma_wait3A_559 = arith.constant 0 : i32
        %dma_wait3A_560 = tpu.memref_slice %arg5[%dma_wait3A_554, %dma_wait3A_555, %dma_wait3A_559] : memref<4x2x28672xf32, #tpu.memory_space<hbm>> -> memref<1x1x512xf32, #tpu.memory_space<hbm>>
        %dma_wait3A_561 = tpu.memref_squeeze %dma_wait3A_560 : memref<1x1x512xf32, #tpu.memory_space<hbm>> -> memref<512xf32, #tpu.memory_space<hbm>>
        %dma_wait3A_562 = arith.constant 0 : i32
        %dma_wait3A_563 = tpu.memref_slice %arg5[%dma_wait3A_554, %dma_wait3A_555, %dma_wait3A_562] : memref<4x2x28672xf32, #tpu.memory_space<hbm>> -> memref<1x1x512xf32, #tpu.memory_space<hbm>>
        %dma_wait3A_564 = tpu.memref_squeeze %dma_wait3A_563 : memref<1x1x512xf32, #tpu.memory_space<hbm>> -> memref<512xf32, #tpu.memory_space<hbm>>
        %dma_wait3A_565 = arith.constant 0 : i32
        %dma_wait3A_566 = tpu.memref_slice %arg9[%dma_wait3A_553, %dma_wait3A_565] : memref<2x512xf32, #tpu.memory_space<vmem>> -> memref<1x512xf32, #tpu.memory_space<vmem>>
        %dma_wait3A_567 = tpu.memref_squeeze %dma_wait3A_566 : memref<1x512xf32, #tpu.memory_space<vmem>> -> memref<512xf32, #tpu.memory_space<vmem>>
        tpu.wait_dma2 semaphore(%arg15 : memref<!tpu.dma_semaphore, #tpu.memory_space<semaphore_mem>>) src(%dma_wait3A_567 : memref<512xf32, #tpu.memory_space<vmem>>) dst(%dma_wait3A_564 : memref<512xf32, #tpu.memory_space<hbm>>)
        %dma_wait3A_568 = arith.constant 1 : i32
        %dma_wait3A_569 = arith.constant 0 : i32
        %dma_wait3A_570 = arith.constant 0 : i32
        %dma_wait3A_571 = arith.constant 0 : i32
        %dma_wait3A_572 = tpu.memref_slice %arg10[%dma_wait3A_568, %dma_wait3A_571] : memref<2x512xi32, #tpu.memory_space<vmem>> -> memref<1x512xi32, #tpu.memory_space<vmem>>
        %dma_wait3A_573 = tpu.memref_squeeze %dma_wait3A_572 : memref<1x512xi32, #tpu.memory_space<vmem>> -> memref<512xi32, #tpu.memory_space<vmem>>
        %dma_wait3A_574 = arith.constant 0 : i32
        %dma_wait3A_575 = tpu.memref_slice %arg6[%dma_wait3A_569, %dma_wait3A_570, %dma_wait3A_574] : memref<4x2x28672xi32, #tpu.memory_space<hbm>> -> memref<1x1x512xi32, #tpu.memory_space<hbm>>
        %dma_wait3A_576 = tpu.memref_squeeze %dma_wait3A_575 : memref<1x1x512xi32, #tpu.memory_space<hbm>> -> memref<512xi32, #tpu.memory_space<hbm>>
        %dma_wait3A_577 = arith.constant 0 : i32
        %dma_wait3A_578 = tpu.memref_slice %arg6[%dma_wait3A_569, %dma_wait3A_570, %dma_wait3A_577] : memref<4x2x28672xi32, #tpu.memory_space<hbm>> -> memref<1x1x512xi32, #tpu.memory_space<hbm>>
        %dma_wait3A_579 = tpu.memref_squeeze %dma_wait3A_578 : memref<1x1x512xi32, #tpu.memory_space<hbm>> -> memref<512xi32, #tpu.memory_space<hbm>>
        %dma_wait3A_580 = arith.constant 0 : i32
        %dma_wait3A_581 = tpu.memref_slice %arg10[%dma_wait3A_568, %dma_wait3A_580] : memref<2x512xi32, #tpu.memory_space<vmem>> -> memref<1x512xi32, #tpu.memory_space<vmem>>
        %dma_wait3A_582 = tpu.memref_squeeze %dma_wait3A_581 : memref<1x512xi32, #tpu.memory_space<vmem>> -> memref<512xi32, #tpu.memory_space<vmem>>
        tpu.wait_dma2 semaphore(%arg15 : memref<!tpu.dma_semaphore, #tpu.memory_space<semaphore_mem>>) src(%dma_wait3A_582 : memref<512xi32, #tpu.memory_space<vmem>>) dst(%dma_wait3A_579 : memref<512xi32, #tpu.memory_space<hbm>>)
      } else {
      }
      %scan3A_400 = arith.constant 0 : i32
      %scan3A_401 = arith.constant 0 : i32
      %scan3A_402 = arith.constant 32 : i32
      %scan3A_403 = arith.addi %scan3A_401, %scan3A_402 : i32
      %scan3A_404 = arith.constant 1 : i32
      scf.for %scan3A_553 = %scan3A_401 to %scan3A_403 step %scan3A_404  : i32 {
        %mul3A_554 = arith.constant 16 : i32
        %mul3A_555 = arith.muli %scan3A_553, %mul3A_554 : i32
        %get3A_556 = arith.constant 1 : i32
        %get3A_557 = arith.index_cast %get3A_556 : i32 to index
        %get3A_558 = arith.index_cast %mul3A_555 : i32 to index
        %get3A_559 = tpu.vector_load %arg8[%get3A_557, %get3A_558] {strides = array<i32>} : memref<2x512xf32, #tpu.memory_space<vmem>>, vector<1x16xf32>,
        %get3A_560 = vector.shape_cast %get3A_559 : vector<1x16xf32> to vector<16xf32>
        %get3A_561 = arith.constant 1 : i32
        %get3A_562 = arith.constant 0 : i32
        %get3A_563 = arith.index_cast %get3A_561 : i32 to index
        %get3A_564 = arith.index_cast %get3A_562 : i32 to index
        %get3A_565 = arith.index_cast %mul3A_555 : i32 to index
        %get3A_566 = tpu.vector_load %arg7[%get3A_563, %get3A_564, %get3A_565] {strides = array<i32>} : memref<2x64x512xf32, #tpu.memory_space<vmem>>, vector<1x1x16xf32>,
        %get3A_567 = vector.shape_cast %get3A_566 : vector<1x1x16xf32> to vector<16xf32>
        %mul3A_568 = arith.mulf %get3A_560, %get3A_567 : vector<16xf32>
        %broadcast_in_dim3A = arith.constant 0xFF800000 : f32
        %broadcast_in_dim3A_569 = vector.broadcast %broadcast_in_dim3A : f32 to vector<16xf32>
        %broadcast_in_dim3A_570 = arith.constant 0 : i32
        %broadcast_in_dim3A_571 = vector.broadcast %broadcast_in_dim3A_570 : i32 to vector<16xi32>
        %get3A_572 = arith.constant 1 : i32
        %get3A_573 = arith.constant 1 : i32
        %get3A_574 = arith.index_cast %get3A_572 : i32 to index
        %get3A_575 = arith.index_cast %get3A_573 : i32 to index
        %get3A_576 = arith.index_cast %mul3A_555 : i32 to index
        %get3A_577 = tpu.vector_load %arg7[%get3A_574, %get3A_575, %get3A_576] {strides = array<i32>} : memref<2x64x512xf32, #tpu.memory_space<vmem>>, vector<1x1x16xf32>,
        %get3A_578 = vector.shape_cast %get3A_577 : vector<1x1x16xf32> to vector<16xf32>
        %mul3A_579 = arith.mulf %get3A_560, %get3A_578 : vector<16xf32>
        %gt3A = arith.cmpf ogt, %mul3A_579, %mul3A_568 : vector<16xf32>
        %select_n3A_580 = arith.select %gt3A, %mul3A_568, %mul3A_579 : vector<16xi1>, vector<16xf32>
        %max3A = arith.maximumf %broadcast_in_dim3A_569, %select_n3A_580 : vector<16xf32>
        %broadcast_in_dim3A_581 = arith.constant 1 : i32
        %broadcast_in_dim3A_582 = vector.broadcast %broadcast_in_dim3A_581 : i32 to vector<16xi32>
        %select_n3A_583 = arith.select %gt3A, %broadcast_in_dim3A_582, %broadcast_in_dim3A_571 : vector<16xi1>, vector<16xi32>
        %select_n3A_584 = arith.select %gt3A, %mul3A_579, %mul3A_568 : vector<16xi1>, vector<16xf32>
        %get3A_585 = arith.constant 1 : i32
        %get3A_586 = arith.constant 2 : i32
        %get3A_587 = arith.index_cast %get3A_585 : i32 to index
        %get3A_588 = arith.index_cast %get3A_586 : i32 to index
        %get3A_589 = arith.index_cast %mul3A_555 : i32 to index
        %get3A_590 = tpu.vector_load %arg7[%get3A_587, %get3A_588, %get3A_589] {strides = array<i32>} : memref<2x64x512xf32, #tpu.memory_space<vmem>>, vector<1x1x16xf32>,
        %get3A_591 = vector.shape_cast %get3A_590 : vector<1x1x16xf32> to vector<16xf32>
        %mul3A_592 = arith.mulf %get3A_560, %get3A_591 : vector<16xf32>
        %gt3A_593 = arith.cmpf ogt, %mul3A_592, %select_n3A_584 : vector<16xf32>
        %select_n3A_594 = arith.select %gt3A_593, %select_n3A_584, %mul3A_592 : vector<16xi1>, vector<16xf32>
        %max3A_595 = arith.maximumf %max3A, %select_n3A_594 : vector<16xf32>
        %broadcast_in_dim3A_596 = arith.constant 2 : i32
        %broadcast_in_dim3A_597 = vector.broadcast %broadcast_in_dim3A_596 : i32 to vector<16xi32>
        %select_n3A_598 = arith.select %gt3A_593, %broadcast_in_dim3A_597, %select_n3A_583 : vector<16xi1>, vector<16xi32>
        %select_n3A_599 = arith.select %gt3A_593, %mul3A_592, %select_n3A_584 : vector<16xi1>, vector<16xf32>
        %get3A_600 = arith.constant 1 : i32
        %get3A_601 = arith.constant 3 : i32
        %get3A_602 = arith.index_cast %get3A_600 : i32 to index
        %get3A_603 = arith.index_cast %get3A_601 : i32 to index
        %get3A_604 = arith.index_cast %mul3A_555 : i32 to index
        %get3A_605 = tpu.vector_load %arg7[%get3A_602, %get3A_603, %get3A_604] {strides = array<i32>} : memref<2x64x512xf32, #tpu.memory_space<vmem>>, vector<1x1x16xf32>,
        %get3A_606 = vector.shape_cast %get3A_605 : vector<1x1x16xf32> to vector<16xf32>
        %mul3A_607 = arith.mulf %get3A_560, %get3A_606 : vector<16xf32>
        %gt3A_608 = arith.cmpf ogt, %mul3A_607, %select_n3A_599 : vector<16xf32>
        %select_n3A_609 = arith.select %gt3A_608, %select_n3A_599, %mul3A_607 : vector<16xi1>, vector<16xf32>
        %max3A_610 = arith.maximumf %max3A_595, %select_n3A_609 : vector<16xf32>
        %broadcast_in_dim3A_611 = arith.constant 3 : i32
        %broadcast_in_dim3A_612 = vector.broadcast %broadcast_in_dim3A_611 : i32 to vector<16xi32>
        %select_n3A_613 = arith.select %gt3A_608, %broadcast_in_dim3A_612, %select_n3A_598 : vector<16xi1>, vector<16xi32>
        %select_n3A_614 = arith.select %gt3A_608, %mul3A_607, %select_n3A_599 : vector<16xi1>, vector<16xf32>
        %get3A_615 = arith.constant 1 : i32
        %get3A_616 = arith.constant 4 : i32
        %get3A_617 = arith.index_cast %get3A_615 : i32 to index
        %get3A_618 = arith.index_cast %get3A_616 : i32 to index
        %get3A_619 = arith.index_cast %mul3A_555 : i32 to index
        %get3A_620 = tpu.vector_load %arg7[%get3A_617, %get3A_618, %get3A_619] {strides = array<i32>} : memref<2x64x512xf32, #tpu.memory_space<vmem>>, vector<1x1x16xf32>,
        %get3A_621 = vector.shape_cast %get3A_620 : vector<1x1x16xf32> to vector<16xf32>
        %mul3A_622 = arith.mulf %get3A_560, %get3A_621 : vector<16xf32>
        %gt3A_623 = arith.cmpf ogt, %mul3A_622, %select_n3A_614 : vector<16xf32>
        %select_n3A_624 = arith.select %gt3A_623, %select_n3A_614, %mul3A_622 : vector<16xi1>, vector<16xf32>
        %max3A_625 = arith.maximumf %max3A_610, %select_n3A_624 : vector<16xf32>
        %broadcast_in_dim3A_626 = arith.constant 4 : i32
        %broadcast_in_dim3A_627 = vector.broadcast %broadcast_in_dim3A_626 : i32 to vector<16xi32>
        %select_n3A_628 = arith.select %gt3A_623, %broadcast_in_dim3A_627, %select_n3A_613 : vector<16xi1>, vector<16xi32>
        %select_n3A_629 = arith.select %gt3A_623, %mul3A_622, %select_n3A_614 : vector<16xi1>, vector<16xf32>
        %get3A_630 = arith.constant 1 : i32
        %get3A_631 = arith.constant 5 : i32
        %get3A_632 = arith.index_cast %get3A_630 : i32 to index
        %get3A_633 = arith.index_cast %get3A_631 : i32 to index
        %get3A_634 = arith.index_cast %mul3A_555 : i32 to index
        %get3A_635 = tpu.vector_load %arg7[%get3A_632, %get3A_633, %get3A_634] {strides = array<i32>} : memref<2x64x512xf32, #tpu.memory_space<vmem>>, vector<1x1x16xf32>,
        %get3A_636 = vector.shape_cast %get3A_635 : vector<1x1x16xf32> to vector<16xf32>
        %mul3A_637 = arith.mulf %get3A_560, %get3A_636 : vector<16xf32>
        %gt3A_638 = arith.cmpf ogt, %mul3A_637, %select_n3A_629 : vector<16xf32>
        %select_n3A_639 = arith.select %gt3A_638, %select_n3A_629, %mul3A_637 : vector<16xi1>, vector<16xf32>
        %max3A_640 = arith.maximumf %max3A_625, %select_n3A_639 : vector<16xf32>
        %broadcast_in_dim3A_641 = arith.constant 5 : i32
        %broadcast_in_dim3A_642 = vector.broadcast %broadcast_in_dim3A_641 : i32 to vector<16xi32>
        %select_n3A_643 = arith.select %gt3A_638, %broadcast_in_dim3A_642, %select_n3A_628 : vector<16xi1>, vector<16xi32>
        %select_n3A_644 = arith.select %gt3A_638, %mul3A_637, %select_n3A_629 : vector<16xi1>, vector<16xf32>
        %get3A_645 = arith.constant 1 : i32
        %get3A_646 = arith.constant 6 : i32
        %get3A_647 = arith.index_cast %get3A_645 : i32 to index
        %get3A_648 = arith.index_cast %get3A_646 : i32 to index
        %get3A_649 = arith.index_cast %mul3A_555 : i32 to index
        %get3A_650 = tpu.vector_load %arg7[%get3A_647, %get3A_648, %get3A_649] {strides = array<i32>} : memref<2x64x512xf32, #tpu.memory_space<vmem>>, vector<1x1x16xf32>,
        %get3A_651 = vector.shape_cast %get3A_650 : vector<1x1x16xf32> to vector<16xf32>
        %mul3A_652 = arith.mulf %get3A_560, %get3A_651 : vector<16xf32>
        %gt3A_653 = arith.cmpf ogt, %mul3A_652, %select_n3A_644 : vector<16xf32>
        %select_n3A_654 = arith.select %gt3A_653, %select_n3A_644, %mul3A_652 : vector<16xi1>, vector<16xf32>
        %max3A_655 = arith.maximumf %max3A_640, %select_n3A_654 : vector<16xf32>
        %broadcast_in_dim3A_656 = arith.constant 6 : i32
        %broadcast_in_dim3A_657 = vector.broadcast %broadcast_in_dim3A_656 : i32 to vector<16xi32>
        %select_n3A_658 = arith.select %gt3A_653, %broadcast_in_dim3A_657, %select_n3A_643 : vector<16xi1>, vector<16xi32>
        %select_n3A_659 = arith.select %gt3A_653, %mul3A_652, %select_n3A_644 : vector<16xi1>, vector<16xf32>
        %get3A_660 = arith.constant 1 : i32
        %get3A_661 = arith.constant 7 : i32
        %get3A_662 = arith.index_cast %get3A_660 : i32 to index
        %get3A_663 = arith.index_cast %get3A_661 : i32 to index
        %get3A_664 = arith.index_cast %mul3A_555 : i32 to index
        %get3A_665 = tpu.vector_load %arg7[%get3A_662, %get3A_663, %get3A_664] {strides = array<i32>} : memref<2x64x512xf32, #tpu.memory_space<vmem>>, vector<1x1x16xf32>,
        %get3A_666 = vector.shape_cast %get3A_665 : vector<1x1x16xf32> to vector<16xf32>
        %mul3A_667 = arith.mulf %get3A_560, %get3A_666 : vector<16xf32>
        %gt3A_668 = arith.cmpf ogt, %mul3A_667, %select_n3A_659 : vector<16xf32>
        %select_n3A_669 = arith.select %gt3A_668, %select_n3A_659, %mul3A_667 : vector<16xi1>, vector<16xf32>
        %max3A_670 = arith.maximumf %max3A_655, %select_n3A_669 : vector<16xf32>
        %broadcast_in_dim3A_671 = arith.constant 7 : i32
        %broadcast_in_dim3A_672 = vector.broadcast %broadcast_in_dim3A_671 : i32 to vector<16xi32>
        %select_n3A_673 = arith.select %gt3A_668, %broadcast_in_dim3A_672, %select_n3A_658 : vector<16xi1>, vector<16xi32>
        %select_n3A_674 = arith.select %gt3A_668, %mul3A_667, %select_n3A_659 : vector<16xi1>, vector<16xf32>
        %get3A_675 = arith.constant 1 : i32
        %get3A_676 = arith.constant 8 : i32
        %get3A_677 = arith.index_cast %get3A_675 : i32 to index
        %get3A_678 = arith.index_cast %get3A_676 : i32 to index
        %get3A_679 = arith.index_cast %mul3A_555 : i32 to index
        %get3A_680 = tpu.vector_load %arg7[%get3A_677, %get3A_678, %get3A_679] {strides = array<i32>} : memref<2x64x512xf32, #tpu.memory_space<vmem>>, vector<1x1x16xf32>,
        %get3A_681 = vector.shape_cast %get3A_680 : vector<1x1x16xf32> to vector<16xf32>
        %mul3A_682 = arith.mulf %get3A_560, %get3A_681 : vector<16xf32>
        %gt3A_683 = arith.cmpf ogt, %mul3A_682, %select_n3A_674 : vector<16xf32>
        %select_n3A_684 = arith.select %gt3A_683, %select_n3A_674, %mul3A_682 : vector<16xi1>, vector<16xf32>
        %max3A_685 = arith.maximumf %max3A_670, %select_n3A_684 : vector<16xf32>
        %broadcast_in_dim3A_686 = arith.constant 8 : i32
        %broadcast_in_dim3A_687 = vector.broadcast %broadcast_in_dim3A_686 : i32 to vector<16xi32>
        %select_n3A_688 = arith.select %gt3A_683, %broadcast_in_dim3A_687, %select_n3A_673 : vector<16xi1>, vector<16xi32>
        %select_n3A_689 = arith.select %gt3A_683, %mul3A_682, %select_n3A_674 : vector<16xi1>, vector<16xf32>
        %get3A_690 = arith.constant 1 : i32
        %get3A_691 = arith.constant 9 : i32
        %get3A_692 = arith.index_cast %get3A_690 : i32 to index
        %get3A_693 = arith.index_cast %get3A_691 : i32 to index
        %get3A_694 = arith.index_cast %mul3A_555 : i32 to index
        %get3A_695 = tpu.vector_load %arg7[%get3A_692, %get3A_693, %get3A_694] {strides = array<i32>} : memref<2x64x512xf32, #tpu.memory_space<vmem>>, vector<1x1x16xf32>,
        %get3A_696 = vector.shape_cast %get3A_695 : vector<1x1x16xf32> to vector<16xf32>
        %mul3A_697 = arith.mulf %get3A_560, %get3A_696 : vector<16xf32>
        %gt3A_698 = arith.cmpf ogt, %mul3A_697, %select_n3A_689 : vector<16xf32>
        %select_n3A_699 = arith.select %gt3A_698, %select_n3A_689, %mul3A_697 : vector<16xi1>, vector<16xf32>
        %max3A_700 = arith.maximumf %max3A_685, %select_n3A_699 : vector<16xf32>
        %broadcast_in_dim3A_701 = arith.constant 9 : i32
        %broadcast_in_dim3A_702 = vector.broadcast %broadcast_in_dim3A_701 : i32 to vector<16xi32>
        %select_n3A_703 = arith.select %gt3A_698, %broadcast_in_dim3A_702, %select_n3A_688 : vector<16xi1>, vector<16xi32>
        %select_n3A_704 = arith.select %gt3A_698, %mul3A_697, %select_n3A_689 : vector<16xi1>, vector<16xf32>
        %get3A_705 = arith.constant 1 : i32
        %get3A_706 = arith.constant 10 : i32
        %get3A_707 = arith.index_cast %get3A_705 : i32 to index
        %get3A_708 = arith.index_cast %get3A_706 : i32 to index
        %get3A_709 = arith.index_cast %mul3A_555 : i32 to index
        %get3A_710 = tpu.vector_load %arg7[%get3A_707, %get3A_708, %get3A_709] {strides = array<i32>} : memref<2x64x512xf32, #tpu.memory_space<vmem>>, vector<1x1x16xf32>,
        %get3A_711 = vector.shape_cast %get3A_710 : vector<1x1x16xf32> to vector<16xf32>
        %mul3A_712 = arith.mulf %get3A_560, %get3A_711 : vector<16xf32>
        %gt3A_713 = arith.cmpf ogt, %mul3A_712, %select_n3A_704 : vector<16xf32>
        %select_n3A_714 = arith.select %gt3A_713, %select_n3A_704, %mul3A_712 : vector<16xi1>, vector<16xf32>
        %max3A_715 = arith.maximumf %max3A_700, %select_n3A_714 : vector<16xf32>
        %broadcast_in_dim3A_716 = arith.constant 10 : i32
        %broadcast_in_dim3A_717 = vector.broadcast %broadcast_in_dim3A_716 : i32 to vector<16xi32>
        %select_n3A_718 = arith.select %gt3A_713, %broadcast_in_dim3A_717, %select_n3A_703 : vector<16xi1>, vector<16xi32>
        %select_n3A_719 = arith.select %gt3A_713, %mul3A_712, %select_n3A_704 : vector<16xi1>, vector<16xf32>
        %get3A_720 = arith.constant 1 : i32
        %get3A_721 = arith.constant 11 : i32
        %get3A_722 = arith.index_cast %get3A_720 : i32 to index
        %get3A_723 = arith.index_cast %get3A_721 : i32 to index
        %get3A_724 = arith.index_cast %mul3A_555 : i32 to index
        %get3A_725 = tpu.vector_load %arg7[%get3A_722, %get3A_723, %get3A_724] {strides = array<i32>} : memref<2x64x512xf32, #tpu.memory_space<vmem>>, vector<1x1x16xf32>,
        %get3A_726 = vector.shape_cast %get3A_725 : vector<1x1x16xf32> to vector<16xf32>
        %mul3A_727 = arith.mulf %get3A_560, %get3A_726 : vector<16xf32>
        %gt3A_728 = arith.cmpf ogt, %mul3A_727, %select_n3A_719 : vector<16xf32>
        %select_n3A_729 = arith.select %gt3A_728, %select_n3A_719, %mul3A_727 : vector<16xi1>, vector<16xf32>
        %max3A_730 = arith.maximumf %max3A_715, %select_n3A_729 : vector<16xf32>
        %broadcast_in_dim3A_731 = arith.constant 11 : i32
        %broadcast_in_dim3A_732 = vector.broadcast %broadcast_in_dim3A_731 : i32 to vector<16xi32>
        %select_n3A_733 = arith.select %gt3A_728, %broadcast_in_dim3A_732, %select_n3A_718 : vector<16xi1>, vector<16xi32>
        %select_n3A_734 = arith.select %gt3A_728, %mul3A_727, %select_n3A_719 : vector<16xi1>, vector<16xf32>
        %get3A_735 = arith.constant 1 : i32
        %get3A_736 = arith.constant 12 : i32
        %get3A_737 = arith.index_cast %get3A_735 : i32 to index
        %get3A_738 = arith.index_cast %get3A_736 : i32 to index
        %get3A_739 = arith.index_cast %mul3A_555 : i32 to index
        %get3A_740 = tpu.vector_load %arg7[%get3A_737, %get3A_738, %get3A_739] {strides = array<i32>} : memref<2x64x512xf32, #tpu.memory_space<vmem>>, vector<1x1x16xf32>,
        %get3A_741 = vector.shape_cast %get3A_740 : vector<1x1x16xf32> to vector<16xf32>
        %mul3A_742 = arith.mulf %get3A_560, %get3A_741 : vector<16xf32>
        %gt3A_743 = arith.cmpf ogt, %mul3A_742, %select_n3A_734 : vector<16xf32>
        %select_n3A_744 = arith.select %gt3A_743, %select_n3A_734, %mul3A_742 : vector<16xi1>, vector<16xf32>
        %max3A_745 = arith.maximumf %max3A_730, %select_n3A_744 : vector<16xf32>
        %broadcast_in_dim3A_746 = arith.constant 12 : i32
        %broadcast_in_dim3A_747 = vector.broadcast %broadcast_in_dim3A_746 : i32 to vector<16xi32>
        %select_n3A_748 = arith.select %gt3A_743, %broadcast_in_dim3A_747, %select_n3A_733 : vector<16xi1>, vector<16xi32>
        %select_n3A_749 = arith.select %gt3A_743, %mul3A_742, %select_n3A_734 : vector<16xi1>, vector<16xf32>
        %get3A_750 = arith.constant 1 : i32
        %get3A_751 = arith.constant 13 : i32
        %get3A_752 = arith.index_cast %get3A_750 : i32 to index
        %get3A_753 = arith.index_cast %get3A_751 : i32 to index
        %get3A_754 = arith.index_cast %mul3A_555 : i32 to index
        %get3A_755 = tpu.vector_load %arg7[%get3A_752, %get3A_753, %get3A_754] {strides = array<i32>} : memref<2x64x512xf32, #tpu.memory_space<vmem>>, vector<1x1x16xf32>,
        %get3A_756 = vector.shape_cast %get3A_755 : vector<1x1x16xf32> to vector<16xf32>
        %mul3A_757 = arith.mulf %get3A_560, %get3A_756 : vector<16xf32>
        %gt3A_758 = arith.cmpf ogt, %mul3A_757, %select_n3A_749 : vector<16xf32>
        %select_n3A_759 = arith.select %gt3A_758, %select_n3A_749, %mul3A_757 : vector<16xi1>, vector<16xf32>
        %max3A_760 = arith.maximumf %max3A_745, %select_n3A_759 : vector<16xf32>
        %broadcast_in_dim3A_761 = arith.constant 13 : i32
        %broadcast_in_dim3A_762 = vector.broadcast %broadcast_in_dim3A_761 : i32 to vector<16xi32>
        %select_n3A_763 = arith.select %gt3A_758, %broadcast_in_dim3A_762, %select_n3A_748 : vector<16xi1>, vector<16xi32>
        %select_n3A_764 = arith.select %gt3A_758, %mul3A_757, %select_n3A_749 : vector<16xi1>, vector<16xf32>
        %get3A_765 = arith.constant 1 : i32
        %get3A_766 = arith.constant 14 : i32
        %get3A_767 = arith.index_cast %get3A_765 : i32 to index
        %get3A_768 = arith.index_cast %get3A_766 : i32 to index
        %get3A_769 = arith.index_cast %mul3A_555 : i32 to index
        %get3A_770 = tpu.vector_load %arg7[%get3A_767, %get3A_768, %get3A_769] {strides = array<i32>} : memref<2x64x512xf32, #tpu.memory_space<vmem>>, vector<1x1x16xf32>,
        %get3A_771 = vector.shape_cast %get3A_770 : vector<1x1x16xf32> to vector<16xf32>
        %mul3A_772 = arith.mulf %get3A_560, %get3A_771 : vector<16xf32>
        %gt3A_773 = arith.cmpf ogt, %mul3A_772, %select_n3A_764 : vector<16xf32>
        %select_n3A_774 = arith.select %gt3A_773, %select_n3A_764, %mul3A_772 : vector<16xi1>, vector<16xf32>
        %max3A_775 = arith.maximumf %max3A_760, %select_n3A_774 : vector<16xf32>
        %broadcast_in_dim3A_776 = arith.constant 14 : i32
        %broadcast_in_dim3A_777 = vector.broadcast %broadcast_in_dim3A_776 : i32 to vector<16xi32>
        %select_n3A_778 = arith.select %gt3A_773, %broadcast_in_dim3A_777, %select_n3A_763 : vector<16xi1>, vector<16xi32>
        %select_n3A_779 = arith.select %gt3A_773, %mul3A_772, %select_n3A_764 : vector<16xi1>, vector<16xf32>
        %get3A_780 = arith.constant 1 : i32
        %get3A_781 = arith.constant 15 : i32
        %get3A_782 = arith.index_cast %get3A_780 : i32 to index
        %get3A_783 = arith.index_cast %get3A_781 : i32 to index
        %get3A_784 = arith.index_cast %mul3A_555 : i32 to index
        %get3A_785 = tpu.vector_load %arg7[%get3A_782, %get3A_783, %get3A_784] {strides = array<i32>} : memref<2x64x512xf32, #tpu.memory_space<vmem>>, vector<1x1x16xf32>,
        %get3A_786 = vector.shape_cast %get3A_785 : vector<1x1x16xf32> to vector<16xf32>
        %mul3A_787 = arith.mulf %get3A_560, %get3A_786 : vector<16xf32>
        %gt3A_788 = arith.cmpf ogt, %mul3A_787, %select_n3A_779 : vector<16xf32>
        %select_n3A_789 = arith.select %gt3A_788, %select_n3A_779, %mul3A_787 : vector<16xi1>, vector<16xf32>
        %max3A_790 = arith.maximumf %max3A_775, %select_n3A_789 : vector<16xf32>
        %broadcast_in_dim3A_791 = arith.constant 15 : i32
        %broadcast_in_dim3A_792 = vector.broadcast %broadcast_in_dim3A_791 : i32 to vector<16xi32>
        %select_n3A_793 = arith.select %gt3A_788, %broadcast_in_dim3A_792, %select_n3A_778 : vector<16xi1>, vector<16xi32>
        %select_n3A_794 = arith.select %gt3A_788, %mul3A_787, %select_n3A_779 : vector<16xi1>, vector<16xf32>
        %get3A_795 = arith.constant 1 : i32
        %get3A_796 = arith.constant 16 : i32
        %get3A_797 = arith.index_cast %get3A_795 : i32 to index
        %get3A_798 = arith.index_cast %get3A_796 : i32 to index
        %get3A_799 = arith.index_cast %mul3A_555 : i32 to index
        %get3A_800 = tpu.vector_load %arg7[%get3A_797, %get3A_798, %get3A_799] {strides = array<i32>} : memref<2x64x512xf32, #tpu.memory_space<vmem>>, vector<1x1x16xf32>,
        %get3A_801 = vector.shape_cast %get3A_800 : vector<1x1x16xf32> to vector<16xf32>
        %mul3A_802 = arith.mulf %get3A_560, %get3A_801 : vector<16xf32>
        %gt3A_803 = arith.cmpf ogt, %mul3A_802, %select_n3A_794 : vector<16xf32>
        %select_n3A_804 = arith.select %gt3A_803, %select_n3A_794, %mul3A_802 : vector<16xi1>, vector<16xf32>
        %max3A_805 = arith.maximumf %max3A_790, %select_n3A_804 : vector<16xf32>
        %broadcast_in_dim3A_806 = arith.constant 16 : i32
        %broadcast_in_dim3A_807 = vector.broadcast %broadcast_in_dim3A_806 : i32 to vector<16xi32>
        %select_n3A_808 = arith.select %gt3A_803, %broadcast_in_dim3A_807, %select_n3A_793 : vector<16xi1>, vector<16xi32>
        %select_n3A_809 = arith.select %gt3A_803, %mul3A_802, %select_n3A_794 : vector<16xi1>, vector<16xf32>
        %get3A_810 = arith.constant 1 : i32
        %get3A_811 = arith.constant 17 : i32
        %get3A_812 = arith.index_cast %get3A_810 : i32 to index
        %get3A_813 = arith.index_cast %get3A_811 : i32 to index
        %get3A_814 = arith.index_cast %mul3A_555 : i32 to index
        %get3A_815 = tpu.vector_load %arg7[%get3A_812, %get3A_813, %get3A_814] {strides = array<i32>} : memref<2x64x512xf32, #tpu.memory_space<vmem>>, vector<1x1x16xf32>,
        %get3A_816 = vector.shape_cast %get3A_815 : vector<1x1x16xf32> to vector<16xf32>
        %mul3A_817 = arith.mulf %get3A_560, %get3A_816 : vector<16xf32>
        %gt3A_818 = arith.cmpf ogt, %mul3A_817, %select_n3A_809 : vector<16xf32>
        %select_n3A_819 = arith.select %gt3A_818, %select_n3A_809, %mul3A_817 : vector<16xi1>, vector<16xf32>
        %max3A_820 = arith.maximumf %max3A_805, %select_n3A_819 : vector<16xf32>
        %broadcast_in_dim3A_821 = arith.constant 17 : i32
        %broadcast_in_dim3A_822 = vector.broadcast %broadcast_in_dim3A_821 : i32 to vector<16xi32>
        %select_n3A_823 = arith.select %gt3A_818, %broadcast_in_dim3A_822, %select_n3A_808 : vector<16xi1>, vector<16xi32>
        %select_n3A_824 = arith.select %gt3A_818, %mul3A_817, %select_n3A_809 : vector<16xi1>, vector<16xf32>
        %get3A_825 = arith.constant 1 : i32
        %get3A_826 = arith.constant 18 : i32
        %get3A_827 = arith.index_cast %get3A_825 : i32 to index
        %get3A_828 = arith.index_cast %get3A_826 : i32 to index
        %get3A_829 = arith.index_cast %mul3A_555 : i32 to index
        %get3A_830 = tpu.vector_load %arg7[%get3A_827, %get3A_828, %get3A_829] {strides = array<i32>} : memref<2x64x512xf32, #tpu.memory_space<vmem>>, vector<1x1x16xf32>,
        %get3A_831 = vector.shape_cast %get3A_830 : vector<1x1x16xf32> to vector<16xf32>
        %mul3A_832 = arith.mulf %get3A_560, %get3A_831 : vector<16xf32>
        %gt3A_833 = arith.cmpf ogt, %mul3A_832, %select_n3A_824 : vector<16xf32>
        %select_n3A_834 = arith.select %gt3A_833, %select_n3A_824, %mul3A_832 : vector<16xi1>, vector<16xf32>
        %max3A_835 = arith.maximumf %max3A_820, %select_n3A_834 : vector<16xf32>
        %broadcast_in_dim3A_836 = arith.constant 18 : i32
        %broadcast_in_dim3A_837 = vector.broadcast %broadcast_in_dim3A_836 : i32 to vector<16xi32>
        %select_n3A_838 = arith.select %gt3A_833, %broadcast_in_dim3A_837, %select_n3A_823 : vector<16xi1>, vector<16xi32>
        %select_n3A_839 = arith.select %gt3A_833, %mul3A_832, %select_n3A_824 : vector<16xi1>, vector<16xf32>
        %get3A_840 = arith.constant 1 : i32
        %get3A_841 = arith.constant 19 : i32
        %get3A_842 = arith.index_cast %get3A_840 : i32 to index
        %get3A_843 = arith.index_cast %get3A_841 : i32 to index
        %get3A_844 = arith.index_cast %mul3A_555 : i32 to index
        %get3A_845 = tpu.vector_load %arg7[%get3A_842, %get3A_843, %get3A_844] {strides = array<i32>} : memref<2x64x512xf32, #tpu.memory_space<vmem>>, vector<1x1x16xf32>,
        %get3A_846 = vector.shape_cast %get3A_845 : vector<1x1x16xf32> to vector<16xf32>
        %mul3A_847 = arith.mulf %get3A_560, %get3A_846 : vector<16xf32>
        %gt3A_848 = arith.cmpf ogt, %mul3A_847, %select_n3A_839 : vector<16xf32>
        %select_n3A_849 = arith.select %gt3A_848, %select_n3A_839, %mul3A_847 : vector<16xi1>, vector<16xf32>
        %max3A_850 = arith.maximumf %max3A_835, %select_n3A_849 : vector<16xf32>
        %broadcast_in_dim3A_851 = arith.constant 19 : i32
        %broadcast_in_dim3A_852 = vector.broadcast %broadcast_in_dim3A_851 : i32 to vector<16xi32>
        %select_n3A_853 = arith.select %gt3A_848, %broadcast_in_dim3A_852, %select_n3A_838 : vector<16xi1>, vector<16xi32>
        %select_n3A_854 = arith.select %gt3A_848, %mul3A_847, %select_n3A_839 : vector<16xi1>, vector<16xf32>
        %get3A_855 = arith.constant 1 : i32
        %get3A_856 = arith.constant 20 : i32
        %get3A_857 = arith.index_cast %get3A_855 : i32 to index
        %get3A_858 = arith.index_cast %get3A_856 : i32 to index
        %get3A_859 = arith.index_cast %mul3A_555 : i32 to index
        %get3A_860 = tpu.vector_load %arg7[%get3A_857, %get3A_858, %get3A_859] {strides = array<i32>} : memref<2x64x512xf32, #tpu.memory_space<vmem>>, vector<1x1x16xf32>,
        %get3A_861 = vector.shape_cast %get3A_860 : vector<1x1x16xf32> to vector<16xf32>
        %mul3A_862 = arith.mulf %get3A_560, %get3A_861 : vector<16xf32>
        %gt3A_863 = arith.cmpf ogt, %mul3A_862, %select_n3A_854 : vector<16xf32>
        %select_n3A_864 = arith.select %gt3A_863, %select_n3A_854, %mul3A_862 : vector<16xi1>, vector<16xf32>
        %max3A_865 = arith.maximumf %max3A_850, %select_n3A_864 : vector<16xf32>
        %broadcast_in_dim3A_866 = arith.constant 20 : i32
        %broadcast_in_dim3A_867 = vector.broadcast %broadcast_in_dim3A_866 : i32 to vector<16xi32>
        %select_n3A_868 = arith.select %gt3A_863, %broadcast_in_dim3A_867, %select_n3A_853 : vector<16xi1>, vector<16xi32>
        %select_n3A_869 = arith.select %gt3A_863, %mul3A_862, %select_n3A_854 : vector<16xi1>, vector<16xf32>
        %get3A_870 = arith.constant 1 : i32
        %get3A_871 = arith.constant 21 : i32
        %get3A_872 = arith.index_cast %get3A_870 : i32 to index
        %get3A_873 = arith.index_cast %get3A_871 : i32 to index
        %get3A_874 = arith.index_cast %mul3A_555 : i32 to index
        %get3A_875 = tpu.vector_load %arg7[%get3A_872, %get3A_873, %get3A_874] {strides = array<i32>} : memref<2x64x512xf32, #tpu.memory_space<vmem>>, vector<1x1x16xf32>,
        %get3A_876 = vector.shape_cast %get3A_875 : vector<1x1x16xf32> to vector<16xf32>
        %mul3A_877 = arith.mulf %get3A_560, %get3A_876 : vector<16xf32>
        %gt3A_878 = arith.cmpf ogt, %mul3A_877, %select_n3A_869 : vector<16xf32>
        %select_n3A_879 = arith.select %gt3A_878, %select_n3A_869, %mul3A_877 : vector<16xi1>, vector<16xf32>
        %max3A_880 = arith.maximumf %max3A_865, %select_n3A_879 : vector<16xf32>
        %broadcast_in_dim3A_881 = arith.constant 21 : i32
        %broadcast_in_dim3A_882 = vector.broadcast %broadcast_in_dim3A_881 : i32 to vector<16xi32>
        %select_n3A_883 = arith.select %gt3A_878, %broadcast_in_dim3A_882, %select_n3A_868 : vector<16xi1>, vector<16xi32>
        %select_n3A_884 = arith.select %gt3A_878, %mul3A_877, %select_n3A_869 : vector<16xi1>, vector<16xf32>
        %get3A_885 = arith.constant 1 : i32
        %get3A_886 = arith.constant 22 : i32
        %get3A_887 = arith.index_cast %get3A_885 : i32 to index
        %get3A_888 = arith.index_cast %get3A_886 : i32 to index
        %get3A_889 = arith.index_cast %mul3A_555 : i32 to index
        %get3A_890 = tpu.vector_load %arg7[%get3A_887, %get3A_888, %get3A_889] {strides = array<i32>} : memref<2x64x512xf32, #tpu.memory_space<vmem>>, vector<1x1x16xf32>,
        %get3A_891 = vector.shape_cast %get3A_890 : vector<1x1x16xf32> to vector<16xf32>
        %mul3A_892 = arith.mulf %get3A_560, %get3A_891 : vector<16xf32>
        %gt3A_893 = arith.cmpf ogt, %mul3A_892, %select_n3A_884 : vector<16xf32>
        %select_n3A_894 = arith.select %gt3A_893, %select_n3A_884, %mul3A_892 : vector<16xi1>, vector<16xf32>
        %max3A_895 = arith.maximumf %max3A_880, %select_n3A_894 : vector<16xf32>
        %broadcast_in_dim3A_896 = arith.constant 22 : i32
        %broadcast_in_dim3A_897 = vector.broadcast %broadcast_in_dim3A_896 : i32 to vector<16xi32>
        %select_n3A_898 = arith.select %gt3A_893, %broadcast_in_dim3A_897, %select_n3A_883 : vector<16xi1>, vector<16xi32>
        %select_n3A_899 = arith.select %gt3A_893, %mul3A_892, %select_n3A_884 : vector<16xi1>, vector<16xf32>
        %get3A_900 = arith.constant 1 : i32
        %get3A_901 = arith.constant 23 : i32
        %get3A_902 = arith.index_cast %get3A_900 : i32 to index
        %get3A_903 = arith.index_cast %get3A_901 : i32 to index
        %get3A_904 = arith.index_cast %mul3A_555 : i32 to index
        %get3A_905 = tpu.vector_load %arg7[%get3A_902, %get3A_903, %get3A_904] {strides = array<i32>} : memref<2x64x512xf32, #tpu.memory_space<vmem>>, vector<1x1x16xf32>,
        %get3A_906 = vector.shape_cast %get3A_905 : vector<1x1x16xf32> to vector<16xf32>
        %mul3A_907 = arith.mulf %get3A_560, %get3A_906 : vector<16xf32>
        %gt3A_908 = arith.cmpf ogt, %mul3A_907, %select_n3A_899 : vector<16xf32>
        %select_n3A_909 = arith.select %gt3A_908, %select_n3A_899, %mul3A_907 : vector<16xi1>, vector<16xf32>
        %max3A_910 = arith.maximumf %max3A_895, %select_n3A_909 : vector<16xf32>
        %broadcast_in_dim3A_911 = arith.constant 23 : i32
        %broadcast_in_dim3A_912 = vector.broadcast %broadcast_in_dim3A_911 : i32 to vector<16xi32>
        %select_n3A_913 = arith.select %gt3A_908, %broadcast_in_dim3A_912, %select_n3A_898 : vector<16xi1>, vector<16xi32>
        %select_n3A_914 = arith.select %gt3A_908, %mul3A_907, %select_n3A_899 : vector<16xi1>, vector<16xf32>
        %get3A_915 = arith.constant 1 : i32
        %get3A_916 = arith.constant 24 : i32
        %get3A_917 = arith.index_cast %get3A_915 : i32 to index
        %get3A_918 = arith.index_cast %get3A_916 : i32 to index
        %get3A_919 = arith.index_cast %mul3A_555 : i32 to index
        %get3A_920 = tpu.vector_load %arg7[%get3A_917, %get3A_918, %get3A_919] {strides = array<i32>} : memref<2x64x512xf32, #tpu.memory_space<vmem>>, vector<1x1x16xf32>,
        %get3A_921 = vector.shape_cast %get3A_920 : vector<1x1x16xf32> to vector<16xf32>
        %mul3A_922 = arith.mulf %get3A_560, %get3A_921 : vector<16xf32>
        %gt3A_923 = arith.cmpf ogt, %mul3A_922, %select_n3A_914 : vector<16xf32>
        %select_n3A_924 = arith.select %gt3A_923, %select_n3A_914, %mul3A_922 : vector<16xi1>, vector<16xf32>
        %max3A_925 = arith.maximumf %max3A_910, %select_n3A_924 : vector<16xf32>
        %broadcast_in_dim3A_926 = arith.constant 24 : i32
        %broadcast_in_dim3A_927 = vector.broadcast %broadcast_in_dim3A_926 : i32 to vector<16xi32>
        %select_n3A_928 = arith.select %gt3A_923, %broadcast_in_dim3A_927, %select_n3A_913 : vector<16xi1>, vector<16xi32>
        %select_n3A_929 = arith.select %gt3A_923, %mul3A_922, %select_n3A_914 : vector<16xi1>, vector<16xf32>
        %get3A_930 = arith.constant 1 : i32
        %get3A_931 = arith.constant 25 : i32
        %get3A_932 = arith.index_cast %get3A_930 : i32 to index
        %get3A_933 = arith.index_cast %get3A_931 : i32 to index
        %get3A_934 = arith.index_cast %mul3A_555 : i32 to index
        %get3A_935 = tpu.vector_load %arg7[%get3A_932, %get3A_933, %get3A_934] {strides = array<i32>} : memref<2x64x512xf32, #tpu.memory_space<vmem>>, vector<1x1x16xf32>,
        %get3A_936 = vector.shape_cast %get3A_935 : vector<1x1x16xf32> to vector<16xf32>
        %mul3A_937 = arith.mulf %get3A_560, %get3A_936 : vector<16xf32>
        %gt3A_938 = arith.cmpf ogt, %mul3A_937, %select_n3A_929 : vector<16xf32>
        %select_n3A_939 = arith.select %gt3A_938, %select_n3A_929, %mul3A_937 : vector<16xi1>, vector<16xf32>
        %max3A_940 = arith.maximumf %max3A_925, %select_n3A_939 : vector<16xf32>
        %broadcast_in_dim3A_941 = arith.constant 25 : i32
        %broadcast_in_dim3A_942 = vector.broadcast %broadcast_in_dim3A_941 : i32 to vector<16xi32>
        %select_n3A_943 = arith.select %gt3A_938, %broadcast_in_dim3A_942, %select_n3A_928 : vector<16xi1>, vector<16xi32>
        %select_n3A_944 = arith.select %gt3A_938, %mul3A_937, %select_n3A_929 : vector<16xi1>, vector<16xf32>
        %get3A_945 = arith.constant 1 : i32
        %get3A_946 = arith.constant 26 : i32
        %get3A_947 = arith.index_cast %get3A_945 : i32 to index
        %get3A_948 = arith.index_cast %get3A_946 : i32 to index
        %get3A_949 = arith.index_cast %mul3A_555 : i32 to index
        %get3A_950 = tpu.vector_load %arg7[%get3A_947, %get3A_948, %get3A_949] {strides = array<i32>} : memref<2x64x512xf32, #tpu.memory_space<vmem>>, vector<1x1x16xf32>,
        %get3A_951 = vector.shape_cast %get3A_950 : vector<1x1x16xf32> to vector<16xf32>
        %mul3A_952 = arith.mulf %get3A_560, %get3A_951 : vector<16xf32>
        %gt3A_953 = arith.cmpf ogt, %mul3A_952, %select_n3A_944 : vector<16xf32>
        %select_n3A_954 = arith.select %gt3A_953, %select_n3A_944, %mul3A_952 : vector<16xi1>, vector<16xf32>
        %max3A_955 = arith.maximumf %max3A_940, %select_n3A_954 : vector<16xf32>
        %broadcast_in_dim3A_956 = arith.constant 26 : i32
        %broadcast_in_dim3A_957 = vector.broadcast %broadcast_in_dim3A_956 : i32 to vector<16xi32>
        %select_n3A_958 = arith.select %gt3A_953, %broadcast_in_dim3A_957, %select_n3A_943 : vector<16xi1>, vector<16xi32>
        %select_n3A_959 = arith.select %gt3A_953, %mul3A_952, %select_n3A_944 : vector<16xi1>, vector<16xf32>
        %get3A_960 = arith.constant 1 : i32
        %get3A_961 = arith.constant 27 : i32
        %get3A_962 = arith.index_cast %get3A_960 : i32 to index
        %get3A_963 = arith.index_cast %get3A_961 : i32 to index
        %get3A_964 = arith.index_cast %mul3A_555 : i32 to index
        %get3A_965 = tpu.vector_load %arg7[%get3A_962, %get3A_963, %get3A_964] {strides = array<i32>} : memref<2x64x512xf32, #tpu.memory_space<vmem>>, vector<1x1x16xf32>,
        %get3A_966 = vector.shape_cast %get3A_965 : vector<1x1x16xf32> to vector<16xf32>
        %mul3A_967 = arith.mulf %get3A_560, %get3A_966 : vector<16xf32>
        %gt3A_968 = arith.cmpf ogt, %mul3A_967, %select_n3A_959 : vector<16xf32>
        %select_n3A_969 = arith.select %gt3A_968, %select_n3A_959, %mul3A_967 : vector<16xi1>, vector<16xf32>
        %max3A_970 = arith.maximumf %max3A_955, %select_n3A_969 : vector<16xf32>
        %broadcast_in_dim3A_971 = arith.constant 27 : i32
        %broadcast_in_dim3A_972 = vector.broadcast %broadcast_in_dim3A_971 : i32 to vector<16xi32>
        %select_n3A_973 = arith.select %gt3A_968, %broadcast_in_dim3A_972, %select_n3A_958 : vector<16xi1>, vector<16xi32>
        %select_n3A_974 = arith.select %gt3A_968, %mul3A_967, %select_n3A_959 : vector<16xi1>, vector<16xf32>
        %get3A_975 = arith.constant 1 : i32
        %get3A_976 = arith.constant 28 : i32
        %get3A_977 = arith.index_cast %get3A_975 : i32 to index
        %get3A_978 = arith.index_cast %get3A_976 : i32 to index
        %get3A_979 = arith.index_cast %mul3A_555 : i32 to index
        %get3A_980 = tpu.vector_load %arg7[%get3A_977, %get3A_978, %get3A_979] {strides = array<i32>} : memref<2x64x512xf32, #tpu.memory_space<vmem>>, vector<1x1x16xf32>,
        %get3A_981 = vector.shape_cast %get3A_980 : vector<1x1x16xf32> to vector<16xf32>
        %mul3A_982 = arith.mulf %get3A_560, %get3A_981 : vector<16xf32>
        %gt3A_983 = arith.cmpf ogt, %mul3A_982, %select_n3A_974 : vector<16xf32>
        %select_n3A_984 = arith.select %gt3A_983, %select_n3A_974, %mul3A_982 : vector<16xi1>, vector<16xf32>
        %max3A_985 = arith.maximumf %max3A_970, %select_n3A_984 : vector<16xf32>
        %broadcast_in_dim3A_986 = arith.constant 28 : i32
        %broadcast_in_dim3A_987 = vector.broadcast %broadcast_in_dim3A_986 : i32 to vector<16xi32>
        %select_n3A_988 = arith.select %gt3A_983, %broadcast_in_dim3A_987, %select_n3A_973 : vector<16xi1>, vector<16xi32>
        %select_n3A_989 = arith.select %gt3A_983, %mul3A_982, %select_n3A_974 : vector<16xi1>, vector<16xf32>
        %get3A_990 = arith.constant 1 : i32
        %get3A_991 = arith.constant 29 : i32
        %get3A_992 = arith.index_cast %get3A_990 : i32 to index
        %get3A_993 = arith.index_cast %get3A_991 : i32 to index
        %get3A_994 = arith.index_cast %mul3A_555 : i32 to index
        %get3A_995 = tpu.vector_load %arg7[%get3A_992, %get3A_993, %get3A_994] {strides = array<i32>} : memref<2x64x512xf32, #tpu.memory_space<vmem>>, vector<1x1x16xf32>,
        %get3A_996 = vector.shape_cast %get3A_995 : vector<1x1x16xf32> to vector<16xf32>
        %mul3A_997 = arith.mulf %get3A_560, %get3A_996 : vector<16xf32>
        %gt3A_998 = arith.cmpf ogt, %mul3A_997, %select_n3A_989 : vector<16xf32>
        %select_n3A_999 = arith.select %gt3A_998, %select_n3A_989, %mul3A_997 : vector<16xi1>, vector<16xf32>
        %max3A_1000 = arith.maximumf %max3A_985, %select_n3A_999 : vector<16xf32>
        %broadcast_in_dim3A_1001 = arith.constant 29 : i32
        %broadcast_in_dim3A_1002 = vector.broadcast %broadcast_in_dim3A_1001 : i32 to vector<16xi32>
        %select_n3A_1003 = arith.select %gt3A_998, %broadcast_in_dim3A_1002, %select_n3A_988 : vector<16xi1>, vector<16xi32>
        %select_n3A_1004 = arith.select %gt3A_998, %mul3A_997, %select_n3A_989 : vector<16xi1>, vector<16xf32>
        %get3A_1005 = arith.constant 1 : i32
        %get3A_1006 = arith.constant 30 : i32
        %get3A_1007 = arith.index_cast %get3A_1005 : i32 to index
        %get3A_1008 = arith.index_cast %get3A_1006 : i32 to index
        %get3A_1009 = arith.index_cast %mul3A_555 : i32 to index
        %get3A_1010 = tpu.vector_load %arg7[%get3A_1007, %get3A_1008, %get3A_1009] {strides = array<i32>} : memref<2x64x512xf32, #tpu.memory_space<vmem>>, vector<1x1x16xf32>,
        %get3A_1011 = vector.shape_cast %get3A_1010 : vector<1x1x16xf32> to vector<16xf32>
        %mul3A_1012 = arith.mulf %get3A_560, %get3A_1011 : vector<16xf32>
        %gt3A_1013 = arith.cmpf ogt, %mul3A_1012, %select_n3A_1004 : vector<16xf32>
        %select_n3A_1014 = arith.select %gt3A_1013, %select_n3A_1004, %mul3A_1012 : vector<16xi1>, vector<16xf32>
        %max3A_1015 = arith.maximumf %max3A_1000, %select_n3A_1014 : vector<16xf32>
        %broadcast_in_dim3A_1016 = arith.constant 30 : i32
        %broadcast_in_dim3A_1017 = vector.broadcast %broadcast_in_dim3A_1016 : i32 to vector<16xi32>
        %select_n3A_1018 = arith.select %gt3A_1013, %broadcast_in_dim3A_1017, %select_n3A_1003 : vector<16xi1>, vector<16xi32>
        %select_n3A_1019 = arith.select %gt3A_1013, %mul3A_1012, %select_n3A_1004 : vector<16xi1>, vector<16xf32>
        %get3A_1020 = arith.constant 1 : i32
        %get3A_1021 = arith.constant 31 : i32
        %get3A_1022 = arith.index_cast %get3A_1020 : i32 to index
        %get3A_1023 = arith.index_cast %get3A_1021 : i32 to index
        %get3A_1024 = arith.index_cast %mul3A_555 : i32 to index
        %get3A_1025 = tpu.vector_load %arg7[%get3A_1022, %get3A_1023, %get3A_1024] {strides = array<i32>} : memref<2x64x512xf32, #tpu.memory_space<vmem>>, vector<1x1x16xf32>,
        %get3A_1026 = vector.shape_cast %get3A_1025 : vector<1x1x16xf32> to vector<16xf32>
        %mul3A_1027 = arith.mulf %get3A_560, %get3A_1026 : vector<16xf32>
        %gt3A_1028 = arith.cmpf ogt, %mul3A_1027, %select_n3A_1019 : vector<16xf32>
        %select_n3A_1029 = arith.select %gt3A_1028, %select_n3A_1019, %mul3A_1027 : vector<16xi1>, vector<16xf32>
        %max3A_1030 = arith.maximumf %max3A_1015, %select_n3A_1029 : vector<16xf32>
        %broadcast_in_dim3A_1031 = arith.constant 31 : i32
        %broadcast_in_dim3A_1032 = vector.broadcast %broadcast_in_dim3A_1031 : i32 to vector<16xi32>
        %select_n3A_1033 = arith.select %gt3A_1028, %broadcast_in_dim3A_1032, %select_n3A_1018 : vector<16xi1>, vector<16xi32>
        %select_n3A_1034 = arith.select %gt3A_1028, %mul3A_1027, %select_n3A_1019 : vector<16xi1>, vector<16xf32>
        %get3A_1035 = arith.constant 1 : i32
        %get3A_1036 = arith.constant 32 : i32
        %get3A_1037 = arith.index_cast %get3A_1035 : i32 to index
        %get3A_1038 = arith.index_cast %get3A_1036 : i32 to index
        %get3A_1039 = arith.index_cast %mul3A_555 : i32 to index
        %get3A_1040 = tpu.vector_load %arg7[%get3A_1037, %get3A_1038, %get3A_1039] {strides = array<i32>} : memref<2x64x512xf32, #tpu.memory_space<vmem>>, vector<1x1x16xf32>,
        %get3A_1041 = vector.shape_cast %get3A_1040 : vector<1x1x16xf32> to vector<16xf32>
        %mul3A_1042 = arith.mulf %get3A_560, %get3A_1041 : vector<16xf32>
        %gt3A_1043 = arith.cmpf ogt, %mul3A_1042, %select_n3A_1034 : vector<16xf32>
        %select_n3A_1044 = arith.select %gt3A_1043, %select_n3A_1034, %mul3A_1042 : vector<16xi1>, vector<16xf32>
        %max3A_1045 = arith.maximumf %max3A_1030, %select_n3A_1044 : vector<16xf32>
        %broadcast_in_dim3A_1046 = arith.constant 32 : i32
        %broadcast_in_dim3A_1047 = vector.broadcast %broadcast_in_dim3A_1046 : i32 to vector<16xi32>
        %select_n3A_1048 = arith.select %gt3A_1043, %broadcast_in_dim3A_1047, %select_n3A_1033 : vector<16xi1>, vector<16xi32>
        %select_n3A_1049 = arith.select %gt3A_1043, %mul3A_1042, %select_n3A_1034 : vector<16xi1>, vector<16xf32>
        %get3A_1050 = arith.constant 1 : i32
        %get3A_1051 = arith.constant 33 : i32
        %get3A_1052 = arith.index_cast %get3A_1050 : i32 to index
        %get3A_1053 = arith.index_cast %get3A_1051 : i32 to index
        %get3A_1054 = arith.index_cast %mul3A_555 : i32 to index
        %get3A_1055 = tpu.vector_load %arg7[%get3A_1052, %get3A_1053, %get3A_1054] {strides = array<i32>} : memref<2x64x512xf32, #tpu.memory_space<vmem>>, vector<1x1x16xf32>,
        %get3A_1056 = vector.shape_cast %get3A_1055 : vector<1x1x16xf32> to vector<16xf32>
        %mul3A_1057 = arith.mulf %get3A_560, %get3A_1056 : vector<16xf32>
        %gt3A_1058 = arith.cmpf ogt, %mul3A_1057, %select_n3A_1049 : vector<16xf32>
        %select_n3A_1059 = arith.select %gt3A_1058, %select_n3A_1049, %mul3A_1057 : vector<16xi1>, vector<16xf32>
        %max3A_1060 = arith.maximumf %max3A_1045, %select_n3A_1059 : vector<16xf32>
        %broadcast_in_dim3A_1061 = arith.constant 33 : i32
        %broadcast_in_dim3A_1062 = vector.broadcast %broadcast_in_dim3A_1061 : i32 to vector<16xi32>
        %select_n3A_1063 = arith.select %gt3A_1058, %broadcast_in_dim3A_1062, %select_n3A_1048 : vector<16xi1>, vector<16xi32>
        %select_n3A_1064 = arith.select %gt3A_1058, %mul3A_1057, %select_n3A_1049 : vector<16xi1>, vector<16xf32>
        %get3A_1065 = arith.constant 1 : i32
        %get3A_1066 = arith.constant 34 : i32
        %get3A_1067 = arith.index_cast %get3A_1065 : i32 to index
        %get3A_1068 = arith.index_cast %get3A_1066 : i32 to index
        %get3A_1069 = arith.index_cast %mul3A_555 : i32 to index
        %get3A_1070 = tpu.vector_load %arg7[%get3A_1067, %get3A_1068, %get3A_1069] {strides = array<i32>} : memref<2x64x512xf32, #tpu.memory_space<vmem>>, vector<1x1x16xf32>,
        %get3A_1071 = vector.shape_cast %get3A_1070 : vector<1x1x16xf32> to vector<16xf32>
        %mul3A_1072 = arith.mulf %get3A_560, %get3A_1071 : vector<16xf32>
        %gt3A_1073 = arith.cmpf ogt, %mul3A_1072, %select_n3A_1064 : vector<16xf32>
        %select_n3A_1074 = arith.select %gt3A_1073, %select_n3A_1064, %mul3A_1072 : vector<16xi1>, vector<16xf32>
        %max3A_1075 = arith.maximumf %max3A_1060, %select_n3A_1074 : vector<16xf32>
        %broadcast_in_dim3A_1076 = arith.constant 34 : i32
        %broadcast_in_dim3A_1077 = vector.broadcast %broadcast_in_dim3A_1076 : i32 to vector<16xi32>
        %select_n3A_1078 = arith.select %gt3A_1073, %broadcast_in_dim3A_1077, %select_n3A_1063 : vector<16xi1>, vector<16xi32>
        %select_n3A_1079 = arith.select %gt3A_1073, %mul3A_1072, %select_n3A_1064 : vector<16xi1>, vector<16xf32>
        %get3A_1080 = arith.constant 1 : i32
        %get3A_1081 = arith.constant 35 : i32
        %get3A_1082 = arith.index_cast %get3A_1080 : i32 to index
        %get3A_1083 = arith.index_cast %get3A_1081 : i32 to index
        %get3A_1084 = arith.index_cast %mul3A_555 : i32 to index
        %get3A_1085 = tpu.vector_load %arg7[%get3A_1082, %get3A_1083, %get3A_1084] {strides = array<i32>} : memref<2x64x512xf32, #tpu.memory_space<vmem>>, vector<1x1x16xf32>,
        %get3A_1086 = vector.shape_cast %get3A_1085 : vector<1x1x16xf32> to vector<16xf32>
        %mul3A_1087 = arith.mulf %get3A_560, %get3A_1086 : vector<16xf32>
        %gt3A_1088 = arith.cmpf ogt, %mul3A_1087, %select_n3A_1079 : vector<16xf32>
        %select_n3A_1089 = arith.select %gt3A_1088, %select_n3A_1079, %mul3A_1087 : vector<16xi1>, vector<16xf32>
        %max3A_1090 = arith.maximumf %max3A_1075, %select_n3A_1089 : vector<16xf32>
        %broadcast_in_dim3A_1091 = arith.constant 35 : i32
        %broadcast_in_dim3A_1092 = vector.broadcast %broadcast_in_dim3A_1091 : i32 to vector<16xi32>
        %select_n3A_1093 = arith.select %gt3A_1088, %broadcast_in_dim3A_1092, %select_n3A_1078 : vector<16xi1>, vector<16xi32>
        %select_n3A_1094 = arith.select %gt3A_1088, %mul3A_1087, %select_n3A_1079 : vector<16xi1>, vector<16xf32>
        %get3A_1095 = arith.constant 1 : i32
        %get3A_1096 = arith.constant 36 : i32
        %get3A_1097 = arith.index_cast %get3A_1095 : i32 to index
        %get3A_1098 = arith.index_cast %get3A_1096 : i32 to index
        %get3A_1099 = arith.index_cast %mul3A_555 : i32 to index
        %get3A_1100 = tpu.vector_load %arg7[%get3A_1097, %get3A_1098, %get3A_1099] {strides = array<i32>} : memref<2x64x512xf32, #tpu.memory_space<vmem>>, vector<1x1x16xf32>,
        %get3A_1101 = vector.shape_cast %get3A_1100 : vector<1x1x16xf32> to vector<16xf32>
        %mul3A_1102 = arith.mulf %get3A_560, %get3A_1101 : vector<16xf32>
        %gt3A_1103 = arith.cmpf ogt, %mul3A_1102, %select_n3A_1094 : vector<16xf32>
        %select_n3A_1104 = arith.select %gt3A_1103, %select_n3A_1094, %mul3A_1102 : vector<16xi1>, vector<16xf32>
        %max3A_1105 = arith.maximumf %max3A_1090, %select_n3A_1104 : vector<16xf32>
        %broadcast_in_dim3A_1106 = arith.constant 36 : i32
        %broadcast_in_dim3A_1107 = vector.broadcast %broadcast_in_dim3A_1106 : i32 to vector<16xi32>
        %select_n3A_1108 = arith.select %gt3A_1103, %broadcast_in_dim3A_1107, %select_n3A_1093 : vector<16xi1>, vector<16xi32>
        %select_n3A_1109 = arith.select %gt3A_1103, %mul3A_1102, %select_n3A_1094 : vector<16xi1>, vector<16xf32>
        %get3A_1110 = arith.constant 1 : i32
        %get3A_1111 = arith.constant 37 : i32
        %get3A_1112 = arith.index_cast %get3A_1110 : i32 to index
        %get3A_1113 = arith.index_cast %get3A_1111 : i32 to index
        %get3A_1114 = arith.index_cast %mul3A_555 : i32 to index
        %get3A_1115 = tpu.vector_load %arg7[%get3A_1112, %get3A_1113, %get3A_1114] {strides = array<i32>} : memref<2x64x512xf32, #tpu.memory_space<vmem>>, vector<1x1x16xf32>,
        %get3A_1116 = vector.shape_cast %get3A_1115 : vector<1x1x16xf32> to vector<16xf32>
        %mul3A_1117 = arith.mulf %get3A_560, %get3A_1116 : vector<16xf32>
        %gt3A_1118 = arith.cmpf ogt, %mul3A_1117, %select_n3A_1109 : vector<16xf32>
        %select_n3A_1119 = arith.select %gt3A_1118, %select_n3A_1109, %mul3A_1117 : vector<16xi1>, vector<16xf32>
        %max3A_1120 = arith.maximumf %max3A_1105, %select_n3A_1119 : vector<16xf32>
        %broadcast_in_dim3A_1121 = arith.constant 37 : i32
        %broadcast_in_dim3A_1122 = vector.broadcast %broadcast_in_dim3A_1121 : i32 to vector<16xi32>
        %select_n3A_1123 = arith.select %gt3A_1118, %broadcast_in_dim3A_1122, %select_n3A_1108 : vector<16xi1>, vector<16xi32>
        %select_n3A_1124 = arith.select %gt3A_1118, %mul3A_1117, %select_n3A_1109 : vector<16xi1>, vector<16xf32>
        %get3A_1125 = arith.constant 1 : i32
        %get3A_1126 = arith.constant 38 : i32
        %get3A_1127 = arith.index_cast %get3A_1125 : i32 to index
        %get3A_1128 = arith.index_cast %get3A_1126 : i32 to index
        %get3A_1129 = arith.index_cast %mul3A_555 : i32 to index
        %get3A_1130 = tpu.vector_load %arg7[%get3A_1127, %get3A_1128, %get3A_1129] {strides = array<i32>} : memref<2x64x512xf32, #tpu.memory_space<vmem>>, vector<1x1x16xf32>,
        %get3A_1131 = vector.shape_cast %get3A_1130 : vector<1x1x16xf32> to vector<16xf32>
        %mul3A_1132 = arith.mulf %get3A_560, %get3A_1131 : vector<16xf32>
        %gt3A_1133 = arith.cmpf ogt, %mul3A_1132, %select_n3A_1124 : vector<16xf32>
        %select_n3A_1134 = arith.select %gt3A_1133, %select_n3A_1124, %mul3A_1132 : vector<16xi1>, vector<16xf32>
        %max3A_1135 = arith.maximumf %max3A_1120, %select_n3A_1134 : vector<16xf32>
        %broadcast_in_dim3A_1136 = arith.constant 38 : i32
        %broadcast_in_dim3A_1137 = vector.broadcast %broadcast_in_dim3A_1136 : i32 to vector<16xi32>
        %select_n3A_1138 = arith.select %gt3A_1133, %broadcast_in_dim3A_1137, %select_n3A_1123 : vector<16xi1>, vector<16xi32>
        %select_n3A_1139 = arith.select %gt3A_1133, %mul3A_1132, %select_n3A_1124 : vector<16xi1>, vector<16xf32>
        %get3A_1140 = arith.constant 1 : i32
        %get3A_1141 = arith.constant 39 : i32
        %get3A_1142 = arith.index_cast %get3A_1140 : i32 to index
        %get3A_1143 = arith.index_cast %get3A_1141 : i32 to index
        %get3A_1144 = arith.index_cast %mul3A_555 : i32 to index
        %get3A_1145 = tpu.vector_load %arg7[%get3A_1142, %get3A_1143, %get3A_1144] {strides = array<i32>} : memref<2x64x512xf32, #tpu.memory_space<vmem>>, vector<1x1x16xf32>,
        %get3A_1146 = vector.shape_cast %get3A_1145 : vector<1x1x16xf32> to vector<16xf32>
        %mul3A_1147 = arith.mulf %get3A_560, %get3A_1146 : vector<16xf32>
        %gt3A_1148 = arith.cmpf ogt, %mul3A_1147, %select_n3A_1139 : vector<16xf32>
        %select_n3A_1149 = arith.select %gt3A_1148, %select_n3A_1139, %mul3A_1147 : vector<16xi1>, vector<16xf32>
        %max3A_1150 = arith.maximumf %max3A_1135, %select_n3A_1149 : vector<16xf32>
        %broadcast_in_dim3A_1151 = arith.constant 39 : i32
        %broadcast_in_dim3A_1152 = vector.broadcast %broadcast_in_dim3A_1151 : i32 to vector<16xi32>
        %select_n3A_1153 = arith.select %gt3A_1148, %broadcast_in_dim3A_1152, %select_n3A_1138 : vector<16xi1>, vector<16xi32>
        %select_n3A_1154 = arith.select %gt3A_1148, %mul3A_1147, %select_n3A_1139 : vector<16xi1>, vector<16xf32>
        %get3A_1155 = arith.constant 1 : i32
        %get3A_1156 = arith.constant 40 : i32
        %get3A_1157 = arith.index_cast %get3A_1155 : i32 to index
        %get3A_1158 = arith.index_cast %get3A_1156 : i32 to index
        %get3A_1159 = arith.index_cast %mul3A_555 : i32 to index
        %get3A_1160 = tpu.vector_load %arg7[%get3A_1157, %get3A_1158, %get3A_1159] {strides = array<i32>} : memref<2x64x512xf32, #tpu.memory_space<vmem>>, vector<1x1x16xf32>,
        %get3A_1161 = vector.shape_cast %get3A_1160 : vector<1x1x16xf32> to vector<16xf32>
        %mul3A_1162 = arith.mulf %get3A_560, %get3A_1161 : vector<16xf32>
        %gt3A_1163 = arith.cmpf ogt, %mul3A_1162, %select_n3A_1154 : vector<16xf32>
        %select_n3A_1164 = arith.select %gt3A_1163, %select_n3A_1154, %mul3A_1162 : vector<16xi1>, vector<16xf32>
        %max3A_1165 = arith.maximumf %max3A_1150, %select_n3A_1164 : vector<16xf32>
        %broadcast_in_dim3A_1166 = arith.constant 40 : i32
        %broadcast_in_dim3A_1167 = vector.broadcast %broadcast_in_dim3A_1166 : i32 to vector<16xi32>
        %select_n3A_1168 = arith.select %gt3A_1163, %broadcast_in_dim3A_1167, %select_n3A_1153 : vector<16xi1>, vector<16xi32>
        %select_n3A_1169 = arith.select %gt3A_1163, %mul3A_1162, %select_n3A_1154 : vector<16xi1>, vector<16xf32>
        %get3A_1170 = arith.constant 1 : i32
        %get3A_1171 = arith.constant 41 : i32
        %get3A_1172 = arith.index_cast %get3A_1170 : i32 to index
        %get3A_1173 = arith.index_cast %get3A_1171 : i32 to index
        %get3A_1174 = arith.index_cast %mul3A_555 : i32 to index
        %get3A_1175 = tpu.vector_load %arg7[%get3A_1172, %get3A_1173, %get3A_1174] {strides = array<i32>} : memref<2x64x512xf32, #tpu.memory_space<vmem>>, vector<1x1x16xf32>,
        %get3A_1176 = vector.shape_cast %get3A_1175 : vector<1x1x16xf32> to vector<16xf32>
        %mul3A_1177 = arith.mulf %get3A_560, %get3A_1176 : vector<16xf32>
        %gt3A_1178 = arith.cmpf ogt, %mul3A_1177, %select_n3A_1169 : vector<16xf32>
        %select_n3A_1179 = arith.select %gt3A_1178, %select_n3A_1169, %mul3A_1177 : vector<16xi1>, vector<16xf32>
        %max3A_1180 = arith.maximumf %max3A_1165, %select_n3A_1179 : vector<16xf32>
        %broadcast_in_dim3A_1181 = arith.constant 41 : i32
        %broadcast_in_dim3A_1182 = vector.broadcast %broadcast_in_dim3A_1181 : i32 to vector<16xi32>
        %select_n3A_1183 = arith.select %gt3A_1178, %broadcast_in_dim3A_1182, %select_n3A_1168 : vector<16xi1>, vector<16xi32>
        %select_n3A_1184 = arith.select %gt3A_1178, %mul3A_1177, %select_n3A_1169 : vector<16xi1>, vector<16xf32>
        %get3A_1185 = arith.constant 1 : i32
        %get3A_1186 = arith.constant 42 : i32
        %get3A_1187 = arith.index_cast %get3A_1185 : i32 to index
        %get3A_1188 = arith.index_cast %get3A_1186 : i32 to index
        %get3A_1189 = arith.index_cast %mul3A_555 : i32 to index
        %get3A_1190 = tpu.vector_load %arg7[%get3A_1187, %get3A_1188, %get3A_1189] {strides = array<i32>} : memref<2x64x512xf32, #tpu.memory_space<vmem>>, vector<1x1x16xf32>,
        %get3A_1191 = vector.shape_cast %get3A_1190 : vector<1x1x16xf32> to vector<16xf32>
        %mul3A_1192 = arith.mulf %get3A_560, %get3A_1191 : vector<16xf32>
        %gt3A_1193 = arith.cmpf ogt, %mul3A_1192, %select_n3A_1184 : vector<16xf32>
        %select_n3A_1194 = arith.select %gt3A_1193, %select_n3A_1184, %mul3A_1192 : vector<16xi1>, vector<16xf32>
        %max3A_1195 = arith.maximumf %max3A_1180, %select_n3A_1194 : vector<16xf32>
        %broadcast_in_dim3A_1196 = arith.constant 42 : i32
        %broadcast_in_dim3A_1197 = vector.broadcast %broadcast_in_dim3A_1196 : i32 to vector<16xi32>
        %select_n3A_1198 = arith.select %gt3A_1193, %broadcast_in_dim3A_1197, %select_n3A_1183 : vector<16xi1>, vector<16xi32>
        %select_n3A_1199 = arith.select %gt3A_1193, %mul3A_1192, %select_n3A_1184 : vector<16xi1>, vector<16xf32>
        %get3A_1200 = arith.constant 1 : i32
        %get3A_1201 = arith.constant 43 : i32
        %get3A_1202 = arith.index_cast %get3A_1200 : i32 to index
        %get3A_1203 = arith.index_cast %get3A_1201 : i32 to index
        %get3A_1204 = arith.index_cast %mul3A_555 : i32 to index
        %get3A_1205 = tpu.vector_load %arg7[%get3A_1202, %get3A_1203, %get3A_1204] {strides = array<i32>} : memref<2x64x512xf32, #tpu.memory_space<vmem>>, vector<1x1x16xf32>,
        %get3A_1206 = vector.shape_cast %get3A_1205 : vector<1x1x16xf32> to vector<16xf32>
        %mul3A_1207 = arith.mulf %get3A_560, %get3A_1206 : vector<16xf32>
        %gt3A_1208 = arith.cmpf ogt, %mul3A_1207, %select_n3A_1199 : vector<16xf32>
        %select_n3A_1209 = arith.select %gt3A_1208, %select_n3A_1199, %mul3A_1207 : vector<16xi1>, vector<16xf32>
        %max3A_1210 = arith.maximumf %max3A_1195, %select_n3A_1209 : vector<16xf32>
        %broadcast_in_dim3A_1211 = arith.constant 43 : i32
        %broadcast_in_dim3A_1212 = vector.broadcast %broadcast_in_dim3A_1211 : i32 to vector<16xi32>
        %select_n3A_1213 = arith.select %gt3A_1208, %broadcast_in_dim3A_1212, %select_n3A_1198 : vector<16xi1>, vector<16xi32>
        %select_n3A_1214 = arith.select %gt3A_1208, %mul3A_1207, %select_n3A_1199 : vector<16xi1>, vector<16xf32>
        %get3A_1215 = arith.constant 1 : i32
        %get3A_1216 = arith.constant 44 : i32
        %get3A_1217 = arith.index_cast %get3A_1215 : i32 to index
        %get3A_1218 = arith.index_cast %get3A_1216 : i32 to index
        %get3A_1219 = arith.index_cast %mul3A_555 : i32 to index
        %get3A_1220 = tpu.vector_load %arg7[%get3A_1217, %get3A_1218, %get3A_1219] {strides = array<i32>} : memref<2x64x512xf32, #tpu.memory_space<vmem>>, vector<1x1x16xf32>,
        %get3A_1221 = vector.shape_cast %get3A_1220 : vector<1x1x16xf32> to vector<16xf32>
        %mul3A_1222 = arith.mulf %get3A_560, %get3A_1221 : vector<16xf32>
        %gt3A_1223 = arith.cmpf ogt, %mul3A_1222, %select_n3A_1214 : vector<16xf32>
        %select_n3A_1224 = arith.select %gt3A_1223, %select_n3A_1214, %mul3A_1222 : vector<16xi1>, vector<16xf32>
        %max3A_1225 = arith.maximumf %max3A_1210, %select_n3A_1224 : vector<16xf32>
        %broadcast_in_dim3A_1226 = arith.constant 44 : i32
        %broadcast_in_dim3A_1227 = vector.broadcast %broadcast_in_dim3A_1226 : i32 to vector<16xi32>
        %select_n3A_1228 = arith.select %gt3A_1223, %broadcast_in_dim3A_1227, %select_n3A_1213 : vector<16xi1>, vector<16xi32>
        %select_n3A_1229 = arith.select %gt3A_1223, %mul3A_1222, %select_n3A_1214 : vector<16xi1>, vector<16xf32>
        %get3A_1230 = arith.constant 1 : i32
        %get3A_1231 = arith.constant 45 : i32
        %get3A_1232 = arith.index_cast %get3A_1230 : i32 to index
        %get3A_1233 = arith.index_cast %get3A_1231 : i32 to index
        %get3A_1234 = arith.index_cast %mul3A_555 : i32 to index
        %get3A_1235 = tpu.vector_load %arg7[%get3A_1232, %get3A_1233, %get3A_1234] {strides = array<i32>} : memref<2x64x512xf32, #tpu.memory_space<vmem>>, vector<1x1x16xf32>,
        %get3A_1236 = vector.shape_cast %get3A_1235 : vector<1x1x16xf32> to vector<16xf32>
        %mul3A_1237 = arith.mulf %get3A_560, %get3A_1236 : vector<16xf32>
        %gt3A_1238 = arith.cmpf ogt, %mul3A_1237, %select_n3A_1229 : vector<16xf32>
        %select_n3A_1239 = arith.select %gt3A_1238, %select_n3A_1229, %mul3A_1237 : vector<16xi1>, vector<16xf32>
        %max3A_1240 = arith.maximumf %max3A_1225, %select_n3A_1239 : vector<16xf32>
        %broadcast_in_dim3A_1241 = arith.constant 45 : i32
        %broadcast_in_dim3A_1242 = vector.broadcast %broadcast_in_dim3A_1241 : i32 to vector<16xi32>
        %select_n3A_1243 = arith.select %gt3A_1238, %broadcast_in_dim3A_1242, %select_n3A_1228 : vector<16xi1>, vector<16xi32>
        %select_n3A_1244 = arith.select %gt3A_1238, %mul3A_1237, %select_n3A_1229 : vector<16xi1>, vector<16xf32>
        %get3A_1245 = arith.constant 1 : i32
        %get3A_1246 = arith.constant 46 : i32
        %get3A_1247 = arith.index_cast %get3A_1245 : i32 to index
        %get3A_1248 = arith.index_cast %get3A_1246 : i32 to index
        %get3A_1249 = arith.index_cast %mul3A_555 : i32 to index
        %get3A_1250 = tpu.vector_load %arg7[%get3A_1247, %get3A_1248, %get3A_1249] {strides = array<i32>} : memref<2x64x512xf32, #tpu.memory_space<vmem>>, vector<1x1x16xf32>,
        %get3A_1251 = vector.shape_cast %get3A_1250 : vector<1x1x16xf32> to vector<16xf32>
        %mul3A_1252 = arith.mulf %get3A_560, %get3A_1251 : vector<16xf32>
        %gt3A_1253 = arith.cmpf ogt, %mul3A_1252, %select_n3A_1244 : vector<16xf32>
        %select_n3A_1254 = arith.select %gt3A_1253, %select_n3A_1244, %mul3A_1252 : vector<16xi1>, vector<16xf32>
        %max3A_1255 = arith.maximumf %max3A_1240, %select_n3A_1254 : vector<16xf32>
        %broadcast_in_dim3A_1256 = arith.constant 46 : i32
        %broadcast_in_dim3A_1257 = vector.broadcast %broadcast_in_dim3A_1256 : i32 to vector<16xi32>
        %select_n3A_1258 = arith.select %gt3A_1253, %broadcast_in_dim3A_1257, %select_n3A_1243 : vector<16xi1>, vector<16xi32>
        %select_n3A_1259 = arith.select %gt3A_1253, %mul3A_1252, %select_n3A_1244 : vector<16xi1>, vector<16xf32>
        %get3A_1260 = arith.constant 1 : i32
        %get3A_1261 = arith.constant 47 : i32
        %get3A_1262 = arith.index_cast %get3A_1260 : i32 to index
        %get3A_1263 = arith.index_cast %get3A_1261 : i32 to index
        %get3A_1264 = arith.index_cast %mul3A_555 : i32 to index
        %get3A_1265 = tpu.vector_load %arg7[%get3A_1262, %get3A_1263, %get3A_1264] {strides = array<i32>} : memref<2x64x512xf32, #tpu.memory_space<vmem>>, vector<1x1x16xf32>,
        %get3A_1266 = vector.shape_cast %get3A_1265 : vector<1x1x16xf32> to vector<16xf32>
        %mul3A_1267 = arith.mulf %get3A_560, %get3A_1266 : vector<16xf32>
        %gt3A_1268 = arith.cmpf ogt, %mul3A_1267, %select_n3A_1259 : vector<16xf32>
        %select_n3A_1269 = arith.select %gt3A_1268, %select_n3A_1259, %mul3A_1267 : vector<16xi1>, vector<16xf32>
        %max3A_1270 = arith.maximumf %max3A_1255, %select_n3A_1269 : vector<16xf32>
        %broadcast_in_dim3A_1271 = arith.constant 47 : i32
        %broadcast_in_dim3A_1272 = vector.broadcast %broadcast_in_dim3A_1271 : i32 to vector<16xi32>
        %select_n3A_1273 = arith.select %gt3A_1268, %broadcast_in_dim3A_1272, %select_n3A_1258 : vector<16xi1>, vector<16xi32>
        %select_n3A_1274 = arith.select %gt3A_1268, %mul3A_1267, %select_n3A_1259 : vector<16xi1>, vector<16xf32>
        %get3A_1275 = arith.constant 1 : i32
        %get3A_1276 = arith.constant 48 : i32
        %get3A_1277 = arith.index_cast %get3A_1275 : i32 to index
        %get3A_1278 = arith.index_cast %get3A_1276 : i32 to index
        %get3A_1279 = arith.index_cast %mul3A_555 : i32 to index
        %get3A_1280 = tpu.vector_load %arg7[%get3A_1277, %get3A_1278, %get3A_1279] {strides = array<i32>} : memref<2x64x512xf32, #tpu.memory_space<vmem>>, vector<1x1x16xf32>,
        %get3A_1281 = vector.shape_cast %get3A_1280 : vector<1x1x16xf32> to vector<16xf32>
        %mul3A_1282 = arith.mulf %get3A_560, %get3A_1281 : vector<16xf32>
        %gt3A_1283 = arith.cmpf ogt, %mul3A_1282, %select_n3A_1274 : vector<16xf32>
        %select_n3A_1284 = arith.select %gt3A_1283, %select_n3A_1274, %mul3A_1282 : vector<16xi1>, vector<16xf32>
        %max3A_1285 = arith.maximumf %max3A_1270, %select_n3A_1284 : vector<16xf32>
        %broadcast_in_dim3A_1286 = arith.constant 48 : i32
        %broadcast_in_dim3A_1287 = vector.broadcast %broadcast_in_dim3A_1286 : i32 to vector<16xi32>
        %select_n3A_1288 = arith.select %gt3A_1283, %broadcast_in_dim3A_1287, %select_n3A_1273 : vector<16xi1>, vector<16xi32>
        %select_n3A_1289 = arith.select %gt3A_1283, %mul3A_1282, %select_n3A_1274 : vector<16xi1>, vector<16xf32>
        %get3A_1290 = arith.constant 1 : i32
        %get3A_1291 = arith.constant 49 : i32
        %get3A_1292 = arith.index_cast %get3A_1290 : i32 to index
        %get3A_1293 = arith.index_cast %get3A_1291 : i32 to index
        %get3A_1294 = arith.index_cast %mul3A_555 : i32 to index
        %get3A_1295 = tpu.vector_load %arg7[%get3A_1292, %get3A_1293, %get3A_1294] {strides = array<i32>} : memref<2x64x512xf32, #tpu.memory_space<vmem>>, vector<1x1x16xf32>,
        %get3A_1296 = vector.shape_cast %get3A_1295 : vector<1x1x16xf32> to vector<16xf32>
        %mul3A_1297 = arith.mulf %get3A_560, %get3A_1296 : vector<16xf32>
        %gt3A_1298 = arith.cmpf ogt, %mul3A_1297, %select_n3A_1289 : vector<16xf32>
        %select_n3A_1299 = arith.select %gt3A_1298, %select_n3A_1289, %mul3A_1297 : vector<16xi1>, vector<16xf32>
        %max3A_1300 = arith.maximumf %max3A_1285, %select_n3A_1299 : vector<16xf32>
        %broadcast_in_dim3A_1301 = arith.constant 49 : i32
        %broadcast_in_dim3A_1302 = vector.broadcast %broadcast_in_dim3A_1301 : i32 to vector<16xi32>
        %select_n3A_1303 = arith.select %gt3A_1298, %broadcast_in_dim3A_1302, %select_n3A_1288 : vector<16xi1>, vector<16xi32>
        %select_n3A_1304 = arith.select %gt3A_1298, %mul3A_1297, %select_n3A_1289 : vector<16xi1>, vector<16xf32>
        %get3A_1305 = arith.constant 1 : i32
        %get3A_1306 = arith.constant 50 : i32
        %get3A_1307 = arith.index_cast %get3A_1305 : i32 to index
        %get3A_1308 = arith.index_cast %get3A_1306 : i32 to index
        %get3A_1309 = arith.index_cast %mul3A_555 : i32 to index
        %get3A_1310 = tpu.vector_load %arg7[%get3A_1307, %get3A_1308, %get3A_1309] {strides = array<i32>} : memref<2x64x512xf32, #tpu.memory_space<vmem>>, vector<1x1x16xf32>,
        %get3A_1311 = vector.shape_cast %get3A_1310 : vector<1x1x16xf32> to vector<16xf32>
        %mul3A_1312 = arith.mulf %get3A_560, %get3A_1311 : vector<16xf32>
        %gt3A_1313 = arith.cmpf ogt, %mul3A_1312, %select_n3A_1304 : vector<16xf32>
        %select_n3A_1314 = arith.select %gt3A_1313, %select_n3A_1304, %mul3A_1312 : vector<16xi1>, vector<16xf32>
        %max3A_1315 = arith.maximumf %max3A_1300, %select_n3A_1314 : vector<16xf32>
        %broadcast_in_dim3A_1316 = arith.constant 50 : i32
        %broadcast_in_dim3A_1317 = vector.broadcast %broadcast_in_dim3A_1316 : i32 to vector<16xi32>
        %select_n3A_1318 = arith.select %gt3A_1313, %broadcast_in_dim3A_1317, %select_n3A_1303 : vector<16xi1>, vector<16xi32>
        %select_n3A_1319 = arith.select %gt3A_1313, %mul3A_1312, %select_n3A_1304 : vector<16xi1>, vector<16xf32>
        %get3A_1320 = arith.constant 1 : i32
        %get3A_1321 = arith.constant 51 : i32
        %get3A_1322 = arith.index_cast %get3A_1320 : i32 to index
        %get3A_1323 = arith.index_cast %get3A_1321 : i32 to index
        %get3A_1324 = arith.index_cast %mul3A_555 : i32 to index
        %get3A_1325 = tpu.vector_load %arg7[%get3A_1322, %get3A_1323, %get3A_1324] {strides = array<i32>} : memref<2x64x512xf32, #tpu.memory_space<vmem>>, vector<1x1x16xf32>,
        %get3A_1326 = vector.shape_cast %get3A_1325 : vector<1x1x16xf32> to vector<16xf32>
        %mul3A_1327 = arith.mulf %get3A_560, %get3A_1326 : vector<16xf32>
        %gt3A_1328 = arith.cmpf ogt, %mul3A_1327, %select_n3A_1319 : vector<16xf32>
        %select_n3A_1329 = arith.select %gt3A_1328, %select_n3A_1319, %mul3A_1327 : vector<16xi1>, vector<16xf32>
        %max3A_1330 = arith.maximumf %max3A_1315, %select_n3A_1329 : vector<16xf32>
        %broadcast_in_dim3A_1331 = arith.constant 51 : i32
        %broadcast_in_dim3A_1332 = vector.broadcast %broadcast_in_dim3A_1331 : i32 to vector<16xi32>
        %select_n3A_1333 = arith.select %gt3A_1328, %broadcast_in_dim3A_1332, %select_n3A_1318 : vector<16xi1>, vector<16xi32>
        %select_n3A_1334 = arith.select %gt3A_1328, %mul3A_1327, %select_n3A_1319 : vector<16xi1>, vector<16xf32>
        %get3A_1335 = arith.constant 1 : i32
        %get3A_1336 = arith.constant 52 : i32
        %get3A_1337 = arith.index_cast %get3A_1335 : i32 to index
        %get3A_1338 = arith.index_cast %get3A_1336 : i32 to index
        %get3A_1339 = arith.index_cast %mul3A_555 : i32 to index
        %get3A_1340 = tpu.vector_load %arg7[%get3A_1337, %get3A_1338, %get3A_1339] {strides = array<i32>} : memref<2x64x512xf32, #tpu.memory_space<vmem>>, vector<1x1x16xf32>,
        %get3A_1341 = vector.shape_cast %get3A_1340 : vector<1x1x16xf32> to vector<16xf32>
        %mul3A_1342 = arith.mulf %get3A_560, %get3A_1341 : vector<16xf32>
        %gt3A_1343 = arith.cmpf ogt, %mul3A_1342, %select_n3A_1334 : vector<16xf32>
        %select_n3A_1344 = arith.select %gt3A_1343, %select_n3A_1334, %mul3A_1342 : vector<16xi1>, vector<16xf32>
        %max3A_1345 = arith.maximumf %max3A_1330, %select_n3A_1344 : vector<16xf32>
        %broadcast_in_dim3A_1346 = arith.constant 52 : i32
        %broadcast_in_dim3A_1347 = vector.broadcast %broadcast_in_dim3A_1346 : i32 to vector<16xi32>
        %select_n3A_1348 = arith.select %gt3A_1343, %broadcast_in_dim3A_1347, %select_n3A_1333 : vector<16xi1>, vector<16xi32>
        %select_n3A_1349 = arith.select %gt3A_1343, %mul3A_1342, %select_n3A_1334 : vector<16xi1>, vector<16xf32>
        %get3A_1350 = arith.constant 1 : i32
        %get3A_1351 = arith.constant 53 : i32
        %get3A_1352 = arith.index_cast %get3A_1350 : i32 to index
        %get3A_1353 = arith.index_cast %get3A_1351 : i32 to index
        %get3A_1354 = arith.index_cast %mul3A_555 : i32 to index
        %get3A_1355 = tpu.vector_load %arg7[%get3A_1352, %get3A_1353, %get3A_1354] {strides = array<i32>} : memref<2x64x512xf32, #tpu.memory_space<vmem>>, vector<1x1x16xf32>,
        %get3A_1356 = vector.shape_cast %get3A_1355 : vector<1x1x16xf32> to vector<16xf32>
        %mul3A_1357 = arith.mulf %get3A_560, %get3A_1356 : vector<16xf32>
        %gt3A_1358 = arith.cmpf ogt, %mul3A_1357, %select_n3A_1349 : vector<16xf32>
        %select_n3A_1359 = arith.select %gt3A_1358, %select_n3A_1349, %mul3A_1357 : vector<16xi1>, vector<16xf32>
        %max3A_1360 = arith.maximumf %max3A_1345, %select_n3A_1359 : vector<16xf32>
        %broadcast_in_dim3A_1361 = arith.constant 53 : i32
        %broadcast_in_dim3A_1362 = vector.broadcast %broadcast_in_dim3A_1361 : i32 to vector<16xi32>
        %select_n3A_1363 = arith.select %gt3A_1358, %broadcast_in_dim3A_1362, %select_n3A_1348 : vector<16xi1>, vector<16xi32>
        %select_n3A_1364 = arith.select %gt3A_1358, %mul3A_1357, %select_n3A_1349 : vector<16xi1>, vector<16xf32>
        %get3A_1365 = arith.constant 1 : i32
        %get3A_1366 = arith.constant 54 : i32
        %get3A_1367 = arith.index_cast %get3A_1365 : i32 to index
        %get3A_1368 = arith.index_cast %get3A_1366 : i32 to index
        %get3A_1369 = arith.index_cast %mul3A_555 : i32 to index
        %get3A_1370 = tpu.vector_load %arg7[%get3A_1367, %get3A_1368, %get3A_1369] {strides = array<i32>} : memref<2x64x512xf32, #tpu.memory_space<vmem>>, vector<1x1x16xf32>,
        %get3A_1371 = vector.shape_cast %get3A_1370 : vector<1x1x16xf32> to vector<16xf32>
        %mul3A_1372 = arith.mulf %get3A_560, %get3A_1371 : vector<16xf32>
        %gt3A_1373 = arith.cmpf ogt, %mul3A_1372, %select_n3A_1364 : vector<16xf32>
        %select_n3A_1374 = arith.select %gt3A_1373, %select_n3A_1364, %mul3A_1372 : vector<16xi1>, vector<16xf32>
        %max3A_1375 = arith.maximumf %max3A_1360, %select_n3A_1374 : vector<16xf32>
        %broadcast_in_dim3A_1376 = arith.constant 54 : i32
        %broadcast_in_dim3A_1377 = vector.broadcast %broadcast_in_dim3A_1376 : i32 to vector<16xi32>
        %select_n3A_1378 = arith.select %gt3A_1373, %broadcast_in_dim3A_1377, %select_n3A_1363 : vector<16xi1>, vector<16xi32>
        %select_n3A_1379 = arith.select %gt3A_1373, %mul3A_1372, %select_n3A_1364 : vector<16xi1>, vector<16xf32>
        %get3A_1380 = arith.constant 1 : i32
        %get3A_1381 = arith.constant 55 : i32
        %get3A_1382 = arith.index_cast %get3A_1380 : i32 to index
        %get3A_1383 = arith.index_cast %get3A_1381 : i32 to index
        %get3A_1384 = arith.index_cast %mul3A_555 : i32 to index
        %get3A_1385 = tpu.vector_load %arg7[%get3A_1382, %get3A_1383, %get3A_1384] {strides = array<i32>} : memref<2x64x512xf32, #tpu.memory_space<vmem>>, vector<1x1x16xf32>,
        %get3A_1386 = vector.shape_cast %get3A_1385 : vector<1x1x16xf32> to vector<16xf32>
        %mul3A_1387 = arith.mulf %get3A_560, %get3A_1386 : vector<16xf32>
        %gt3A_1388 = arith.cmpf ogt, %mul3A_1387, %select_n3A_1379 : vector<16xf32>
        %select_n3A_1389 = arith.select %gt3A_1388, %select_n3A_1379, %mul3A_1387 : vector<16xi1>, vector<16xf32>
        %max3A_1390 = arith.maximumf %max3A_1375, %select_n3A_1389 : vector<16xf32>
        %broadcast_in_dim3A_1391 = arith.constant 55 : i32
        %broadcast_in_dim3A_1392 = vector.broadcast %broadcast_in_dim3A_1391 : i32 to vector<16xi32>
        %select_n3A_1393 = arith.select %gt3A_1388, %broadcast_in_dim3A_1392, %select_n3A_1378 : vector<16xi1>, vector<16xi32>
        %select_n3A_1394 = arith.select %gt3A_1388, %mul3A_1387, %select_n3A_1379 : vector<16xi1>, vector<16xf32>
        %get3A_1395 = arith.constant 1 : i32
        %get3A_1396 = arith.constant 56 : i32
        %get3A_1397 = arith.index_cast %get3A_1395 : i32 to index
        %get3A_1398 = arith.index_cast %get3A_1396 : i32 to index
        %get3A_1399 = arith.index_cast %mul3A_555 : i32 to index
        %get3A_1400 = tpu.vector_load %arg7[%get3A_1397, %get3A_1398, %get3A_1399] {strides = array<i32>} : memref<2x64x512xf32, #tpu.memory_space<vmem>>, vector<1x1x16xf32>,
        %get3A_1401 = vector.shape_cast %get3A_1400 : vector<1x1x16xf32> to vector<16xf32>
        %mul3A_1402 = arith.mulf %get3A_560, %get3A_1401 : vector<16xf32>
        %gt3A_1403 = arith.cmpf ogt, %mul3A_1402, %select_n3A_1394 : vector<16xf32>
        %select_n3A_1404 = arith.select %gt3A_1403, %select_n3A_1394, %mul3A_1402 : vector<16xi1>, vector<16xf32>
        %max3A_1405 = arith.maximumf %max3A_1390, %select_n3A_1404 : vector<16xf32>
        %broadcast_in_dim3A_1406 = arith.constant 56 : i32
        %broadcast_in_dim3A_1407 = vector.broadcast %broadcast_in_dim3A_1406 : i32 to vector<16xi32>
        %select_n3A_1408 = arith.select %gt3A_1403, %broadcast_in_dim3A_1407, %select_n3A_1393 : vector<16xi1>, vector<16xi32>
        %select_n3A_1409 = arith.select %gt3A_1403, %mul3A_1402, %select_n3A_1394 : vector<16xi1>, vector<16xf32>
        %get3A_1410 = arith.constant 1 : i32
        %get3A_1411 = arith.constant 57 : i32
        %get3A_1412 = arith.index_cast %get3A_1410 : i32 to index
        %get3A_1413 = arith.index_cast %get3A_1411 : i32 to index
        %get3A_1414 = arith.index_cast %mul3A_555 : i32 to index
        %get3A_1415 = tpu.vector_load %arg7[%get3A_1412, %get3A_1413, %get3A_1414] {strides = array<i32>} : memref<2x64x512xf32, #tpu.memory_space<vmem>>, vector<1x1x16xf32>,
        %get3A_1416 = vector.shape_cast %get3A_1415 : vector<1x1x16xf32> to vector<16xf32>
        %mul3A_1417 = arith.mulf %get3A_560, %get3A_1416 : vector<16xf32>
        %gt3A_1418 = arith.cmpf ogt, %mul3A_1417, %select_n3A_1409 : vector<16xf32>
        %select_n3A_1419 = arith.select %gt3A_1418, %select_n3A_1409, %mul3A_1417 : vector<16xi1>, vector<16xf32>
        %max3A_1420 = arith.maximumf %max3A_1405, %select_n3A_1419 : vector<16xf32>
        %broadcast_in_dim3A_1421 = arith.constant 57 : i32
        %broadcast_in_dim3A_1422 = vector.broadcast %broadcast_in_dim3A_1421 : i32 to vector<16xi32>
        %select_n3A_1423 = arith.select %gt3A_1418, %broadcast_in_dim3A_1422, %select_n3A_1408 : vector<16xi1>, vector<16xi32>
        %select_n3A_1424 = arith.select %gt3A_1418, %mul3A_1417, %select_n3A_1409 : vector<16xi1>, vector<16xf32>
        %get3A_1425 = arith.constant 1 : i32
        %get3A_1426 = arith.constant 58 : i32
        %get3A_1427 = arith.index_cast %get3A_1425 : i32 to index
        %get3A_1428 = arith.index_cast %get3A_1426 : i32 to index
        %get3A_1429 = arith.index_cast %mul3A_555 : i32 to index
        %get3A_1430 = tpu.vector_load %arg7[%get3A_1427, %get3A_1428, %get3A_1429] {strides = array<i32>} : memref<2x64x512xf32, #tpu.memory_space<vmem>>, vector<1x1x16xf32>,
        %get3A_1431 = vector.shape_cast %get3A_1430 : vector<1x1x16xf32> to vector<16xf32>
        %mul3A_1432 = arith.mulf %get3A_560, %get3A_1431 : vector<16xf32>
        %gt3A_1433 = arith.cmpf ogt, %mul3A_1432, %select_n3A_1424 : vector<16xf32>
        %select_n3A_1434 = arith.select %gt3A_1433, %select_n3A_1424, %mul3A_1432 : vector<16xi1>, vector<16xf32>
        %max3A_1435 = arith.maximumf %max3A_1420, %select_n3A_1434 : vector<16xf32>
        %broadcast_in_dim3A_1436 = arith.constant 58 : i32
        %broadcast_in_dim3A_1437 = vector.broadcast %broadcast_in_dim3A_1436 : i32 to vector<16xi32>
        %select_n3A_1438 = arith.select %gt3A_1433, %broadcast_in_dim3A_1437, %select_n3A_1423 : vector<16xi1>, vector<16xi32>
        %select_n3A_1439 = arith.select %gt3A_1433, %mul3A_1432, %select_n3A_1424 : vector<16xi1>, vector<16xf32>
        %get3A_1440 = arith.constant 1 : i32
        %get3A_1441 = arith.constant 59 : i32
        %get3A_1442 = arith.index_cast %get3A_1440 : i32 to index
        %get3A_1443 = arith.index_cast %get3A_1441 : i32 to index
        %get3A_1444 = arith.index_cast %mul3A_555 : i32 to index
        %get3A_1445 = tpu.vector_load %arg7[%get3A_1442, %get3A_1443, %get3A_1444] {strides = array<i32>} : memref<2x64x512xf32, #tpu.memory_space<vmem>>, vector<1x1x16xf32>,
        %get3A_1446 = vector.shape_cast %get3A_1445 : vector<1x1x16xf32> to vector<16xf32>
        %mul3A_1447 = arith.mulf %get3A_560, %get3A_1446 : vector<16xf32>
        %gt3A_1448 = arith.cmpf ogt, %mul3A_1447, %select_n3A_1439 : vector<16xf32>
        %select_n3A_1449 = arith.select %gt3A_1448, %select_n3A_1439, %mul3A_1447 : vector<16xi1>, vector<16xf32>
        %max3A_1450 = arith.maximumf %max3A_1435, %select_n3A_1449 : vector<16xf32>
        %broadcast_in_dim3A_1451 = arith.constant 59 : i32
        %broadcast_in_dim3A_1452 = vector.broadcast %broadcast_in_dim3A_1451 : i32 to vector<16xi32>
        %select_n3A_1453 = arith.select %gt3A_1448, %broadcast_in_dim3A_1452, %select_n3A_1438 : vector<16xi1>, vector<16xi32>
        %select_n3A_1454 = arith.select %gt3A_1448, %mul3A_1447, %select_n3A_1439 : vector<16xi1>, vector<16xf32>
        %get3A_1455 = arith.constant 1 : i32
        %get3A_1456 = arith.constant 60 : i32
        %get3A_1457 = arith.index_cast %get3A_1455 : i32 to index
        %get3A_1458 = arith.index_cast %get3A_1456 : i32 to index
        %get3A_1459 = arith.index_cast %mul3A_555 : i32 to index
        %get3A_1460 = tpu.vector_load %arg7[%get3A_1457, %get3A_1458, %get3A_1459] {strides = array<i32>} : memref<2x64x512xf32, #tpu.memory_space<vmem>>, vector<1x1x16xf32>,
        %get3A_1461 = vector.shape_cast %get3A_1460 : vector<1x1x16xf32> to vector<16xf32>
        %mul3A_1462 = arith.mulf %get3A_560, %get3A_1461 : vector<16xf32>
        %gt3A_1463 = arith.cmpf ogt, %mul3A_1462, %select_n3A_1454 : vector<16xf32>
        %select_n3A_1464 = arith.select %gt3A_1463, %select_n3A_1454, %mul3A_1462 : vector<16xi1>, vector<16xf32>
        %max3A_1465 = arith.maximumf %max3A_1450, %select_n3A_1464 : vector<16xf32>
        %broadcast_in_dim3A_1466 = arith.constant 60 : i32
        %broadcast_in_dim3A_1467 = vector.broadcast %broadcast_in_dim3A_1466 : i32 to vector<16xi32>
        %select_n3A_1468 = arith.select %gt3A_1463, %broadcast_in_dim3A_1467, %select_n3A_1453 : vector<16xi1>, vector<16xi32>
        %select_n3A_1469 = arith.select %gt3A_1463, %mul3A_1462, %select_n3A_1454 : vector<16xi1>, vector<16xf32>
        %get3A_1470 = arith.constant 1 : i32
        %get3A_1471 = arith.constant 61 : i32
        %get3A_1472 = arith.index_cast %get3A_1470 : i32 to index
        %get3A_1473 = arith.index_cast %get3A_1471 : i32 to index
        %get3A_1474 = arith.index_cast %mul3A_555 : i32 to index
        %get3A_1475 = tpu.vector_load %arg7[%get3A_1472, %get3A_1473, %get3A_1474] {strides = array<i32>} : memref<2x64x512xf32, #tpu.memory_space<vmem>>, vector<1x1x16xf32>,
        %get3A_1476 = vector.shape_cast %get3A_1475 : vector<1x1x16xf32> to vector<16xf32>
        %mul3A_1477 = arith.mulf %get3A_560, %get3A_1476 : vector<16xf32>
        %gt3A_1478 = arith.cmpf ogt, %mul3A_1477, %select_n3A_1469 : vector<16xf32>
        %select_n3A_1479 = arith.select %gt3A_1478, %select_n3A_1469, %mul3A_1477 : vector<16xi1>, vector<16xf32>
        %max3A_1480 = arith.maximumf %max3A_1465, %select_n3A_1479 : vector<16xf32>
        %broadcast_in_dim3A_1481 = arith.constant 61 : i32
        %broadcast_in_dim3A_1482 = vector.broadcast %broadcast_in_dim3A_1481 : i32 to vector<16xi32>
        %select_n3A_1483 = arith.select %gt3A_1478, %broadcast_in_dim3A_1482, %select_n3A_1468 : vector<16xi1>, vector<16xi32>
        %select_n3A_1484 = arith.select %gt3A_1478, %mul3A_1477, %select_n3A_1469 : vector<16xi1>, vector<16xf32>
        %get3A_1485 = arith.constant 1 : i32
        %get3A_1486 = arith.constant 62 : i32
        %get3A_1487 = arith.index_cast %get3A_1485 : i32 to index
        %get3A_1488 = arith.index_cast %get3A_1486 : i32 to index
        %get3A_1489 = arith.index_cast %mul3A_555 : i32 to index
        %get3A_1490 = tpu.vector_load %arg7[%get3A_1487, %get3A_1488, %get3A_1489] {strides = array<i32>} : memref<2x64x512xf32, #tpu.memory_space<vmem>>, vector<1x1x16xf32>,
        %get3A_1491 = vector.shape_cast %get3A_1490 : vector<1x1x16xf32> to vector<16xf32>
        %mul3A_1492 = arith.mulf %get3A_560, %get3A_1491 : vector<16xf32>
        %gt3A_1493 = arith.cmpf ogt, %mul3A_1492, %select_n3A_1484 : vector<16xf32>
        %select_n3A_1494 = arith.select %gt3A_1493, %select_n3A_1484, %mul3A_1492 : vector<16xi1>, vector<16xf32>
        %max3A_1495 = arith.maximumf %max3A_1480, %select_n3A_1494 : vector<16xf32>
        %broadcast_in_dim3A_1496 = arith.constant 62 : i32
        %broadcast_in_dim3A_1497 = vector.broadcast %broadcast_in_dim3A_1496 : i32 to vector<16xi32>
        %select_n3A_1498 = arith.select %gt3A_1493, %broadcast_in_dim3A_1497, %select_n3A_1483 : vector<16xi1>, vector<16xi32>
        %select_n3A_1499 = arith.select %gt3A_1493, %mul3A_1492, %select_n3A_1484 : vector<16xi1>, vector<16xf32>
        %get3A_1500 = arith.constant 1 : i32
        %get3A_1501 = arith.constant 63 : i32
        %get3A_1502 = arith.index_cast %get3A_1500 : i32 to index
        %get3A_1503 = arith.index_cast %get3A_1501 : i32 to index
        %get3A_1504 = arith.index_cast %mul3A_555 : i32 to index
        %get3A_1505 = tpu.vector_load %arg7[%get3A_1502, %get3A_1503, %get3A_1504] {strides = array<i32>} : memref<2x64x512xf32, #tpu.memory_space<vmem>>, vector<1x1x16xf32>,
        %get3A_1506 = vector.shape_cast %get3A_1505 : vector<1x1x16xf32> to vector<16xf32>
        %mul3A_1507 = arith.mulf %get3A_560, %get3A_1506 : vector<16xf32>
        %gt3A_1508 = arith.cmpf ogt, %mul3A_1507, %select_n3A_1499 : vector<16xf32>
        %select_n3A_1509 = arith.select %gt3A_1508, %select_n3A_1499, %mul3A_1507 : vector<16xi1>, vector<16xf32>
        %max3A_1510 = arith.maximumf %max3A_1495, %select_n3A_1509 : vector<16xf32>
        %broadcast_in_dim3A_1511 = arith.constant 63 : i32
        %broadcast_in_dim3A_1512 = vector.broadcast %broadcast_in_dim3A_1511 : i32 to vector<16xi32>
        %select_n3A_1513 = arith.select %gt3A_1508, %broadcast_in_dim3A_1512, %select_n3A_1498 : vector<16xi1>, vector<16xi32>
        %select_n3A_1514 = arith.select %gt3A_1508, %mul3A_1507, %select_n3A_1499 : vector<16xi1>, vector<16xf32>
        %mul3A_1515 = arith.mulf %get3A_2, %select_n3A_1514 : vector<16xf32>
        %mul3A_1516 = arith.mulf %get3A_5, %max3A_1510 : vector<16xf32>
        %add3A_1517 = arith.addf %mul3A_1515, %mul3A_1516 : vector<16xf32>
        %swap3A = arith.constant 1 : i32
        %swap3A_1518 = arith.index_cast %swap3A : i32 to index
        %swap3A_1519 = arith.index_cast %mul3A_555 : i32 to index
        %swap3A_1520 = tpu.vector_load %arg9[%swap3A_1518, %swap3A_1519] {strides = array<i32>} : memref<2x512xf32, #tpu.memory_space<vmem>>, vector<1x16xf32>,
        %swap3A_1521 = vector.shape_cast %swap3A_1520 : vector<1x16xf32> to vector<16xf32>
        %swap3A_1522 = vector.shape_cast %add3A_1517 : vector<16xf32> to vector<1x16xf32>
        tpu.vector_store %arg9[%swap3A_1518, %swap3A_1519], %swap3A_1522 {strides = array<i32>} : memref<2x512xf32, #tpu.memory_space<vmem>>, vector<1x16xf32>,
        %swap3A_1523 = arith.constant 1 : i32
        %swap3A_1524 = arith.index_cast %swap3A_1523 : i32 to index
        %swap3A_1525 = arith.index_cast %mul3A_555 : i32 to index
        %swap3A_1526 = tpu.vector_load %arg10[%swap3A_1524, %swap3A_1525] {strides = array<i32>} : memref<2x512xi32, #tpu.memory_space<vmem>>, vector<1x16xi32>,
        %swap3A_1527 = vector.shape_cast %swap3A_1526 : vector<1x16xi32> to vector<16xi32>
        %swap3A_1528 = vector.shape_cast %select_n3A_1513 : vector<16xi32> to vector<1x16xi32>
        tpu.vector_store %arg10[%swap3A_1524, %swap3A_1525], %swap3A_1528 {strides = array<i32>} : memref<2x512xi32, #tpu.memory_space<vmem>>, vector<1x16xi32>,
      }
      %scan3A_405 = arith.constant 32 : i32
      %mul3A_406 = arith.constant 32 : i32
      %mul3A_407 = arith.muli %mul3A_406, %add3A_355 : i32
      %add3A_408 = arith.addi %add3A, %mul3A_407 : i32
      %jit3A_409 = arith.constant 56 : i32
      %div3A_410 = arith.divsi %add3A_408, %jit3A_409 : i32
      %sign3A_411 = arith.constant 0 : i32
      %sign3A_412 = arith.cmpi sgt, %add3A_408, %sign3A_411 : i32
      %sign3A_413 = arith.extui %sign3A_412 : i1 to i32
      %sign3A_414 = arith.constant 0 : i32
      %sign3A_415 = arith.cmpi slt, %add3A_408, %sign3A_414 : i32
      %sign3A_416 = arith.extui %sign3A_415 : i1 to i32
      %sign3A_417 = arith.subi %sign3A_413, %sign3A_416 : i32
      %sign3A_418 = arith.constant 0 : i32
      %sign3A_419 = arith.cmpi sgt, %jit3A_409, %sign3A_418 : i32
      %sign3A_420 = arith.extui %sign3A_419 : i1 to i32
      %sign3A_421 = arith.constant 0 : i32
      %sign3A_422 = arith.cmpi slt, %jit3A_409, %sign3A_421 : i32
      %sign3A_423 = arith.extui %sign3A_422 : i1 to i32
      %sign3A_424 = arith.subi %sign3A_420, %sign3A_423 : i32
      %ne3A_425 = arith.cmpi ne, %sign3A_417, %sign3A_424 : i32
      %rem3A_426 = arith.remsi %add3A_408, %jit3A_409 : i32
      %ne3A_427 = arith.constant 0 : i32
      %ne3A_428 = arith.cmpi ne, %rem3A_426, %ne3A_427 : i32
      %and3A_429 = arith.andi %ne3A_425, %ne3A_428 : i1
      %sub3A_430 = arith.constant 1 : i32
      %sub3A_431 = arith.subi %div3A_410, %sub3A_430 : i32
      %select_n3A_432 = arith.select %and3A_429, %sub3A_431, %div3A_410 : i32
      %jit3A_433 = arith.constant 56 : i32
      %eq3A_434 = arith.constant 0 : i32
      %eq3A_435 = arith.cmpi eq, %jit3A_433, %eq3A_434 : i32
      %jit3A_436 = arith.constant 1 : i32
      %select_n3A_437 = arith.select %eq3A_435, %jit3A_436, %jit3A_433 : i32
      %rem3A_438 = arith.remsi %add3A_408, %select_n3A_437 : i32
      %ne3A_439 = arith.constant 0 : i32
      %ne3A_440 = arith.cmpi ne, %rem3A_438, %ne3A_439 : i32
      %lt3A_441 = arith.constant 0 : i32
      %lt3A_442 = arith.cmpi slt, %rem3A_438, %lt3A_441 : i32
      %lt3A_443 = arith.constant 0 : i32
      %lt3A_444 = arith.cmpi slt, %select_n3A_437, %lt3A_443 : i32
      %ne3A_445 = arith.xori %lt3A_442, %lt3A_444 : i1
      %and3A_446 = arith.andi %ne3A_445, %ne3A_440 : i1
      %add3A_447 = arith.addi %rem3A_438, %select_n3A_437 : i32
      %select_n3A_448 = arith.select %and3A_446, %add3A_447, %rem3A_438 : i32
      %mul3A_449 = arith.constant 512 : i32
      %mul3A_450 = arith.muli %select_n3A_448, %mul3A_449 : i32
      %jit3A_451 = arith.constant 2 : i32
      %div3A_452 = arith.divsi %select_n3A_432, %jit3A_451 : i32
      %sign3A_453 = arith.constant 0 : i32
      %sign3A_454 = arith.cmpi sgt, %select_n3A_432, %sign3A_453 : i32
      %sign3A_455 = arith.extui %sign3A_454 : i1 to i32
      %sign3A_456 = arith.constant 0 : i32
      %sign3A_457 = arith.cmpi slt, %select_n3A_432, %sign3A_456 : i32
      %sign3A_458 = arith.extui %sign3A_457 : i1 to i32
      %sign3A_459 = arith.subi %sign3A_455, %sign3A_458 : i32
      %sign3A_460 = arith.constant 0 : i32
      %sign3A_461 = arith.cmpi sgt, %jit3A_451, %sign3A_460 : i32
      %sign3A_462 = arith.extui %sign3A_461 : i1 to i32
      %sign3A_463 = arith.constant 0 : i32
      %sign3A_464 = arith.cmpi slt, %jit3A_451, %sign3A_463 : i32
      %sign3A_465 = arith.extui %sign3A_464 : i1 to i32
      %sign3A_466 = arith.subi %sign3A_462, %sign3A_465 : i32
      %ne3A_467 = arith.cmpi ne, %sign3A_459, %sign3A_466 : i32
      %rem3A_468 = arith.remsi %select_n3A_432, %jit3A_451 : i32
      %ne3A_469 = arith.constant 0 : i32
      %ne3A_470 = arith.cmpi ne, %rem3A_468, %ne3A_469 : i32
      %and3A_471 = arith.andi %ne3A_467, %ne3A_470 : i1
      %sub3A_472 = arith.constant 1 : i32
      %sub3A_473 = arith.subi %div3A_452, %sub3A_472 : i32
      %select_n3A_474 = arith.select %and3A_471, %sub3A_473, %div3A_452 : i32
      %jit3A_475 = arith.constant 2 : i32
      %eq3A_476 = arith.constant 0 : i32
      %eq3A_477 = arith.cmpi eq, %jit3A_475, %eq3A_476 : i32
      %jit3A_478 = arith.constant 1 : i32
      %select_n3A_479 = arith.select %eq3A_477, %jit3A_478, %jit3A_475 : i32
      %rem3A_480 = arith.remsi %select_n3A_432, %select_n3A_479 : i32
      %ne3A_481 = arith.constant 0 : i32
      %ne3A_482 = arith.cmpi ne, %rem3A_480, %ne3A_481 : i32
      %lt3A_483 = arith.constant 0 : i32
      %lt3A_484 = arith.cmpi slt, %rem3A_480, %lt3A_483 : i32
      %lt3A_485 = arith.constant 0 : i32
      %lt3A_486 = arith.cmpi slt, %select_n3A_479, %lt3A_485 : i32
      %ne3A_487 = arith.xori %lt3A_484, %lt3A_486 : i1
      %and3A_488 = arith.andi %ne3A_487, %ne3A_482 : i1
      %add3A_489 = arith.addi %rem3A_480, %select_n3A_479 : i32
      %select_n3A_490 = arith.select %and3A_488, %add3A_489, %rem3A_480 : i32
      %dma_start3A_491 = arith.constant 1 : i32
      %dma_start3A_492 = arith.constant 0 : i32
      %dma_start3A_493 = tpu.memref_slice %arg9[%dma_start3A_491, %dma_start3A_492] : memref<2x512xf32, #tpu.memory_space<vmem>> -> memref<1x512xf32, #tpu.memory_space<vmem>>
      %dma_start3A_494 = tpu.memref_squeeze %dma_start3A_493 : memref<1x512xf32, #tpu.memory_space<vmem>> -> memref<512xf32, #tpu.memory_space<vmem>>
      %dma_start3A_495 = tpu.memref_slice %arg5[%select_n3A_474, %select_n3A_490, %mul3A_450] : memref<4x2x28672xf32, #tpu.memory_space<hbm>> -> memref<1x1x512xf32, #tpu.memory_space<hbm>>
      %dma_start3A_496 = tpu.memref_squeeze %dma_start3A_495 : memref<1x1x512xf32, #tpu.memory_space<hbm>> -> memref<512xf32, #tpu.memory_space<hbm>>
      %dma_start3A_497 = tpu.memref_slice %arg5[%select_n3A_474, %select_n3A_490, %mul3A_450] : memref<4x2x28672xf32, #tpu.memory_space<hbm>> -> memref<1x1x512xf32, #tpu.memory_space<hbm>>
      %dma_start3A_498 = tpu.memref_squeeze %dma_start3A_497 : memref<1x1x512xf32, #tpu.memory_space<hbm>> -> memref<512xf32, #tpu.memory_space<hbm>>
      %dma_start3A_499 = arith.constant 0 : i32
      %dma_start3A_500 = tpu.memref_slice %arg9[%dma_start3A_491, %dma_start3A_499] : memref<2x512xf32, #tpu.memory_space<vmem>> -> memref<1x512xf32, #tpu.memory_space<vmem>>
      %dma_start3A_501 = tpu.memref_squeeze %dma_start3A_500 : memref<1x512xf32, #tpu.memory_space<vmem>> -> memref<512xf32, #tpu.memory_space<vmem>>
      tpu.enqueue_dma source(%dma_start3A_501 : memref<512xf32, #tpu.memory_space<vmem>>) target(%dma_start3A_498 : memref<512xf32, #tpu.memory_space<hbm>>) target_semaphore(%arg15 : memref<!tpu.dma_semaphore, #tpu.memory_space<semaphore_mem>>)
      %jit3A_502 = arith.constant 2 : i32
      %div3A_503 = arith.divsi %select_n3A_432, %jit3A_502 : i32
      %sign3A_504 = arith.constant 0 : i32
      %sign3A_505 = arith.cmpi sgt, %select_n3A_432, %sign3A_504 : i32
      %sign3A_506 = arith.extui %sign3A_505 : i1 to i32
      %sign3A_507 = arith.constant 0 : i32
      %sign3A_508 = arith.cmpi slt, %select_n3A_432, %sign3A_507 : i32
      %sign3A_509 = arith.extui %sign3A_508 : i1 to i32
      %sign3A_510 = arith.subi %sign3A_506, %sign3A_509 : i32
      %sign3A_511 = arith.constant 0 : i32
      %sign3A_512 = arith.cmpi sgt, %jit3A_502, %sign3A_511 : i32
      %sign3A_513 = arith.extui %sign3A_512 : i1 to i32
      %sign3A_514 = arith.constant 0 : i32
      %sign3A_515 = arith.cmpi slt, %jit3A_502, %sign3A_514 : i32
      %sign3A_516 = arith.extui %sign3A_515 : i1 to i32
      %sign3A_517 = arith.subi %sign3A_513, %sign3A_516 : i32
      %ne3A_518 = arith.cmpi ne, %sign3A_510, %sign3A_517 : i32
      %rem3A_519 = arith.remsi %select_n3A_432, %jit3A_502 : i32
      %ne3A_520 = arith.constant 0 : i32
      %ne3A_521 = arith.cmpi ne, %rem3A_519, %ne3A_520 : i32
      %and3A_522 = arith.andi %ne3A_518, %ne3A_521 : i1
      %sub3A_523 = arith.constant 1 : i32
      %sub3A_524 = arith.subi %div3A_503, %sub3A_523 : i32
      %select_n3A_525 = arith.select %and3A_522, %sub3A_524, %div3A_503 : i32
      %jit3A_526 = arith.constant 2 : i32
      %eq3A_527 = arith.constant 0 : i32
      %eq3A_528 = arith.cmpi eq, %jit3A_526, %eq3A_527 : i32
      %jit3A_529 = arith.constant 1 : i32
      %select_n3A_530 = arith.select %eq3A_528, %jit3A_529, %jit3A_526 : i32
      %rem3A_531 = arith.remsi %select_n3A_432, %select_n3A_530 : i32
      %ne3A_532 = arith.constant 0 : i32
      %ne3A_533 = arith.cmpi ne, %rem3A_531, %ne3A_532 : i32
      %lt3A_534 = arith.constant 0 : i32
      %lt3A_535 = arith.cmpi slt, %rem3A_531, %lt3A_534 : i32
      %lt3A_536 = arith.constant 0 : i32
      %lt3A_537 = arith.cmpi slt, %select_n3A_530, %lt3A_536 : i32
      %ne3A_538 = arith.xori %lt3A_535, %lt3A_537 : i1
      %and3A_539 = arith.andi %ne3A_538, %ne3A_533 : i1
      %add3A_540 = arith.addi %rem3A_531, %select_n3A_530 : i32
      %select_n3A_541 = arith.select %and3A_539, %add3A_540, %rem3A_531 : i32
      %dma_start3A_542 = arith.constant 1 : i32
      %dma_start3A_543 = arith.constant 0 : i32
      %dma_start3A_544 = tpu.memref_slice %arg10[%dma_start3A_542, %dma_start3A_543] : memref<2x512xi32, #tpu.memory_space<vmem>> -> memref<1x512xi32, #tpu.memory_space<vmem>>
      %dma_start3A_545 = tpu.memref_squeeze %dma_start3A_544 : memref<1x512xi32, #tpu.memory_space<vmem>> -> memref<512xi32, #tpu.memory_space<vmem>>
      %dma_start3A_546 = tpu.memref_slice %arg6[%select_n3A_525, %select_n3A_541, %mul3A_450] : memref<4x2x28672xi32, #tpu.memory_space<hbm>> -> memref<1x1x512xi32, #tpu.memory_space<hbm>>
      %dma_start3A_547 = tpu.memref_squeeze %dma_start3A_546 : memref<1x1x512xi32, #tpu.memory_space<hbm>> -> memref<512xi32, #tpu.memory_space<hbm>>
      %dma_start3A_548 = tpu.memref_slice %arg6[%select_n3A_525, %select_n3A_541, %mul3A_450] : memref<4x2x28672xi32, #tpu.memory_space<hbm>> -> memref<1x1x512xi32, #tpu.memory_space<hbm>>
      %dma_start3A_549 = tpu.memref_squeeze %dma_start3A_548 : memref<1x1x512xi32, #tpu.memory_space<hbm>> -> memref<512xi32, #tpu.memory_space<hbm>>
      %dma_start3A_550 = arith.constant 0 : i32
      %dma_start3A_551 = tpu.memref_slice %arg10[%dma_start3A_542, %dma_start3A_550] : memref<2x512xi32, #tpu.memory_space<vmem>> -> memref<1x512xi32, #tpu.memory_space<vmem>>
      %dma_start3A_552 = tpu.memref_squeeze %dma_start3A_551 : memref<1x512xi32, #tpu.memory_space<vmem>> -> memref<512xi32, #tpu.memory_space<vmem>>
      tpu.enqueue_dma source(%dma_start3A_552 : memref<512xi32, #tpu.memory_space<vmem>>) target(%dma_start3A_549 : memref<512xi32, #tpu.memory_space<hbm>>) target_semaphore(%arg15 : memref<!tpu.dma_semaphore, #tpu.memory_space<semaphore_mem>>)
    }
    %scan3A_93 = arith.constant 7 : i32
    %dma_wait3A = arith.constant 0 : i32
    %dma_wait3A_94 = arith.constant 0 : i32
    %dma_wait3A_95 = arith.constant 0 : i32
    %dma_wait3A_96 = arith.constant 0 : i32
    %dma_wait3A_97 = tpu.memref_slice %arg9[%dma_wait3A, %dma_wait3A_96] : memref<2x512xf32, #tpu.memory_space<vmem>> -> memref<1x512xf32, #tpu.memory_space<vmem>>
    %dma_wait3A_98 = tpu.memref_squeeze %dma_wait3A_97 : memref<1x512xf32, #tpu.memory_space<vmem>> -> memref<512xf32, #tpu.memory_space<vmem>>
    %dma_wait3A_99 = arith.constant 0 : i32
    %dma_wait3A_100 = tpu.memref_slice %arg5[%dma_wait3A_94, %dma_wait3A_95, %dma_wait3A_99] : memref<4x2x28672xf32, #tpu.memory_space<hbm>> -> memref<1x1x512xf32, #tpu.memory_space<hbm>>
    %dma_wait3A_101 = tpu.memref_squeeze %dma_wait3A_100 : memref<1x1x512xf32, #tpu.memory_space<hbm>> -> memref<512xf32, #tpu.memory_space<hbm>>
    %dma_wait3A_102 = arith.constant 0 : i32
    %dma_wait3A_103 = tpu.memref_slice %arg5[%dma_wait3A_94, %dma_wait3A_95, %dma_wait3A_102] : memref<4x2x28672xf32, #tpu.memory_space<hbm>> -> memref<1x1x512xf32, #tpu.memory_space<hbm>>
    %dma_wait3A_104 = tpu.memref_squeeze %dma_wait3A_103 : memref<1x1x512xf32, #tpu.memory_space<hbm>> -> memref<512xf32, #tpu.memory_space<hbm>>
    %dma_wait3A_105 = arith.constant 0 : i32
    %dma_wait3A_106 = tpu.memref_slice %arg9[%dma_wait3A, %dma_wait3A_105] : memref<2x512xf32, #tpu.memory_space<vmem>> -> memref<1x512xf32, #tpu.memory_space<vmem>>
    %dma_wait3A_107 = tpu.memref_squeeze %dma_wait3A_106 : memref<1x512xf32, #tpu.memory_space<vmem>> -> memref<512xf32, #tpu.memory_space<vmem>>
    tpu.wait_dma2 semaphore(%arg14 : memref<!tpu.dma_semaphore, #tpu.memory_space<semaphore_mem>>) src(%dma_wait3A_107 : memref<512xf32, #tpu.memory_space<vmem>>) dst(%dma_wait3A_104 : memref<512xf32, #tpu.memory_space<hbm>>)
    %dma_wait3A_108 = arith.constant 0 : i32
    %dma_wait3A_109 = arith.constant 0 : i32
    %dma_wait3A_110 = arith.constant 0 : i32
    %dma_wait3A_111 = arith.constant 0 : i32
    %dma_wait3A_112 = tpu.memref_slice %arg10[%dma_wait3A_108, %dma_wait3A_111] : memref<2x512xi32, #tpu.memory_space<vmem>> -> memref<1x512xi32, #tpu.memory_space<vmem>>
    %dma_wait3A_113 = tpu.memref_squeeze %dma_wait3A_112 : memref<1x512xi32, #tpu.memory_space<vmem>> -> memref<512xi32, #tpu.memory_space<vmem>>
    %dma_wait3A_114 = arith.constant 0 : i32
    %dma_wait3A_115 = tpu.memref_slice %arg6[%dma_wait3A_109, %dma_wait3A_110, %dma_wait3A_114] : memref<4x2x28672xi32, #tpu.memory_space<hbm>> -> memref<1x1x512xi32, #tpu.memory_space<hbm>>
    %dma_wait3A_116 = tpu.memref_squeeze %dma_wait3A_115 : memref<1x1x512xi32, #tpu.memory_space<hbm>> -> memref<512xi32, #tpu.memory_space<hbm>>
    %dma_wait3A_117 = arith.constant 0 : i32
    %dma_wait3A_118 = tpu.memref_slice %arg6[%dma_wait3A_109, %dma_wait3A_110, %dma_wait3A_117] : memref<4x2x28672xi32, #tpu.memory_space<hbm>> -> memref<1x1x512xi32, #tpu.memory_space<hbm>>
    %dma_wait3A_119 = tpu.memref_squeeze %dma_wait3A_118 : memref<1x1x512xi32, #tpu.memory_space<hbm>> -> memref<512xi32, #tpu.memory_space<hbm>>
    %dma_wait3A_120 = arith.constant 0 : i32
    %dma_wait3A_121 = tpu.memref_slice %arg10[%dma_wait3A_108, %dma_wait3A_120] : memref<2x512xi32, #tpu.memory_space<vmem>> -> memref<1x512xi32, #tpu.memory_space<vmem>>
    %dma_wait3A_122 = tpu.memref_squeeze %dma_wait3A_121 : memref<1x512xi32, #tpu.memory_space<vmem>> -> memref<512xi32, #tpu.memory_space<vmem>>
    tpu.wait_dma2 semaphore(%arg14 : memref<!tpu.dma_semaphore, #tpu.memory_space<semaphore_mem>>) src(%dma_wait3A_122 : memref<512xi32, #tpu.memory_space<vmem>>) dst(%dma_wait3A_119 : memref<512xi32, #tpu.memory_space<hbm>>)
    %dma_wait3A_123 = arith.constant 1 : i32
    %dma_wait3A_124 = arith.constant 0 : i32
    %dma_wait3A_125 = arith.constant 0 : i32
    %dma_wait3A_126 = arith.constant 0 : i32
    %dma_wait3A_127 = tpu.memref_slice %arg9[%dma_wait3A_123, %dma_wait3A_126] : memref<2x512xf32, #tpu.memory_space<vmem>> -> memref<1x512xf32, #tpu.memory_space<vmem>>
    %dma_wait3A_128 = tpu.memref_squeeze %dma_wait3A_127 : memref<1x512xf32, #tpu.memory_space<vmem>> -> memref<512xf32, #tpu.memory_space<vmem>>
    %dma_wait3A_129 = arith.constant 0 : i32
    %dma_wait3A_130 = tpu.memref_slice %arg5[%dma_wait3A_124, %dma_wait3A_125, %dma_wait3A_129] : memref<4x2x28672xf32, #tpu.memory_space<hbm>> -> memref<1x1x512xf32, #tpu.memory_space<hbm>>
    %dma_wait3A_131 = tpu.memref_squeeze %dma_wait3A_130 : memref<1x1x512xf32, #tpu.memory_space<hbm>> -> memref<512xf32, #tpu.memory_space<hbm>>
    %dma_wait3A_132 = arith.constant 0 : i32
    %dma_wait3A_133 = tpu.memref_slice %arg5[%dma_wait3A_124, %dma_wait3A_125, %dma_wait3A_132] : memref<4x2x28672xf32, #tpu.memory_space<hbm>> -> memref<1x1x512xf32, #tpu.memory_space<hbm>>
    %dma_wait3A_134 = tpu.memref_squeeze %dma_wait3A_133 : memref<1x1x512xf32, #tpu.memory_space<hbm>> -> memref<512xf32, #tpu.memory_space<hbm>>
    %dma_wait3A_135 = arith.constant 0 : i32
    %dma_wait3A_136 = tpu.memref_slice %arg9[%dma_wait3A_123, %dma_wait3A_135] : memref<2x512xf32, #tpu.memory_space<vmem>> -> memref<1x512xf32, #tpu.memory_space<vmem>>
    %dma_wait3A_137 = tpu.memref_squeeze %dma_wait3A_136 : memref<1x512xf32, #tpu.memory_space<vmem>> -> memref<512xf32, #tpu.memory_space<vmem>>
    tpu.wait_dma2 semaphore(%arg15 : memref<!tpu.dma_semaphore, #tpu.memory_space<semaphore_mem>>) src(%dma_wait3A_137 : memref<512xf32, #tpu.memory_space<vmem>>) dst(%dma_wait3A_134 : memref<512xf32, #tpu.memory_space<hbm>>)
    %dma_wait3A_138 = arith.constant 1 : i32
    %dma_wait3A_139 = arith.constant 0 : i32
    %dma_wait3A_140 = arith.constant 0 : i32
    %dma_wait3A_141 = arith.constant 0 : i32
    %dma_wait3A_142 = tpu.memref_slice %arg10[%dma_wait3A_138, %dma_wait3A_141] : memref<2x512xi32, #tpu.memory_space<vmem>> -> memref<1x512xi32, #tpu.memory_space<vmem>>
    %dma_wait3A_143 = tpu.memref_squeeze %dma_wait3A_142 : memref<1x512xi32, #tpu.memory_space<vmem>> -> memref<512xi32, #tpu.memory_space<vmem>>
    %dma_wait3A_144 = arith.constant 0 : i32
    %dma_wait3A_145 = tpu.memref_slice %arg6[%dma_wait3A_139, %dma_wait3A_140, %dma_wait3A_144] : memref<4x2x28672xi32, #tpu.memory_space<hbm>> -> memref<1x1x512xi32, #tpu.memory_space<hbm>>
    %dma_wait3A_146 = tpu.memref_squeeze %dma_wait3A_145 : memref<1x1x512xi32, #tpu.memory_space<hbm>> -> memref<512xi32, #tpu.memory_space<hbm>>
    %dma_wait3A_147 = arith.constant 0 : i32
    %dma_wait3A_148 = tpu.memref_slice %arg6[%dma_wait3A_139, %dma_wait3A_140, %dma_wait3A_147] : memref<4x2x28672xi32, #tpu.memory_space<hbm>> -> memref<1x1x512xi32, #tpu.memory_space<hbm>>
    %dma_wait3A_149 = tpu.memref_squeeze %dma_wait3A_148 : memref<1x1x512xi32, #tpu.memory_space<hbm>> -> memref<512xi32, #tpu.memory_space<hbm>>
    %dma_wait3A_150 = arith.constant 0 : i32
    %dma_wait3A_151 = tpu.memref_slice %arg10[%dma_wait3A_138, %dma_wait3A_150] : memref<2x512xi32, #tpu.memory_space<vmem>> -> memref<1x512xi32, #tpu.memory_space<vmem>>
    %dma_wait3A_152 = tpu.memref_squeeze %dma_wait3A_151 : memref<1x512xi32, #tpu.memory_space<vmem>> -> memref<512xi32, #tpu.memory_space<vmem>>
    tpu.wait_dma2 semaphore(%arg15 : memref<!tpu.dma_semaphore, #tpu.memory_space<semaphore_mem>>) src(%dma_wait3A_152 : memref<512xi32, #tpu.memory_space<vmem>>) dst(%dma_wait3A_149 : memref<512xi32, #tpu.memory_space<hbm>>)
    return
  }
}

module attributes {stable_mosaic.version = 14 : i64} {
  func.func @tc_body(%arg0: i32, %arg1: memref<4x2048xf32, #tpu.memory_space<vmem>>, %arg2: memref<8x64x2048xf32, #tpu.memory_space<vmem>>, %arg3: memref<2x1xf32, #tpu.memory_space<vmem>>, %arg4: memref<4x2x2048xf32, #tpu.memory_space<vmem>>, %arg5: memref<4x2x2048xi32, #tpu.memory_space<vmem>>) attributes {dimension_semantics = [#tpu.dimension_semantics<arbitrary>], iteration_bounds = array<i64: 18>, scalar_prefetch = 0 : i64, scratch_operands = 0 : i64, tpu.core_type = #tpu.core_type<tc>, window_params = [{transform_indices = @transform_0, window_bounds = array<i64: 4, 2048>}, {transform_indices = @transform_1, window_bounds = array<i64: 8, 64, 2048>}, {pipeline_mode = #tpu.pipeline_mode<synchronous>, transform_indices = @transform_2, window_bounds = array<i64: 2, 1>}, {transform_indices = @transform_3, window_bounds = array<i64: 4, 2, 2048>}, {transform_indices = @transform_4, window_bounds = array<i64: 4, 2, 2048>}]} {
    %get3A = arith.constant 0 : index
    %get3A_0 = arith.constant 0 : index
    %get3A_1 = vector.load %arg3[%get3A, %get3A_0] : memref<2x1xf32, #tpu.memory_space<vmem>>, vector<1x1xf32>
    %get3A_2 = vector.extract %get3A_1[0, 0] : f32 from vector<1x1xf32>
    %get3A_3 = arith.constant 1 : index
    %get3A_4 = arith.constant 0 : index
    %get3A_5 = vector.load %arg3[%get3A_3, %get3A_4] : memref<2x1xf32, #tpu.memory_space<vmem>>, vector<1x1xf32>
    %get3A_6 = vector.extract %get3A_5[0, 0] : f32 from vector<1x1xf32>
    %iota3A = tpu.iota {dimensions = array<i32: 0>} : vector<8x2048xi32>
    %get3A_7 = arith.constant 0 : index
    %get3A_8 = arith.constant 0 : index
    %get3A_9 = vector.load %arg1[%get3A_7, %get3A_8] : memref<4x2048xf32, #tpu.memory_space<vmem>>, vector<1x2048xf32>
    %get3A_10 = vector.shape_cast %get3A_9 : vector<1x2048xf32> to vector<2048xf32>
    %broadcast_in_dim3A = vector.shape_cast %get3A_10 : vector<2048xf32> to vector<1x2048xf32>
    %get3A_11 = arith.constant 0 : index
    %get3A_12 = arith.constant 0 : index
    %get3A_13 = arith.constant 0 : index
    %get3A_14 = vector.load %arg2[%get3A_11, %get3A_12, %get3A_13] : memref<8x64x2048xf32, #tpu.memory_space<vmem>>, vector<1x8x2048xf32>
    %get3A_15 = vector.shape_cast %get3A_14 : vector<1x8x2048xf32> to vector<8x2048xf32>
    %mul3A = vector.broadcast %broadcast_in_dim3A : vector<1x2048xf32> to vector<8x2048xf32>
    %mul3A_16 = arith.mulf %mul3A, %get3A_15 : vector<8x2048xf32>
    %broadcast_in_dim3A_17 = arith.constant 0xFF800000 : f32
    %broadcast_in_dim3A_18 = vector.broadcast %broadcast_in_dim3A_17 : f32 to vector<8x2048xf32>
    %get3A_19 = arith.constant 0 : index
    %get3A_20 = arith.constant 8 : index
    %get3A_21 = arith.constant 0 : index
    %get3A_22 = vector.load %arg2[%get3A_19, %get3A_20, %get3A_21] : memref<8x64x2048xf32, #tpu.memory_space<vmem>>, vector<1x8x2048xf32>
    %get3A_23 = vector.shape_cast %get3A_22 : vector<1x8x2048xf32> to vector<8x2048xf32>
    %mul3A_24 = vector.broadcast %broadcast_in_dim3A : vector<1x2048xf32> to vector<8x2048xf32>
    %mul3A_25 = arith.mulf %mul3A_24, %get3A_23 : vector<8x2048xf32>
    %gt3A = arith.cmpf ogt, %mul3A_25, %mul3A_16 : vector<8x2048xf32>
    %select_n3A = arith.select %gt3A, %mul3A_16, %mul3A_25 : vector<8x2048xi1>, vector<8x2048xf32>
    %max3A = arith.maximumf %broadcast_in_dim3A_18, %select_n3A : vector<8x2048xf32>
    %add3A = arith.constant 8 : i32
    %add3A_26 = vector.broadcast %add3A : i32 to vector<8x2048xi32>
    %add3A_27 = arith.addi %iota3A, %add3A_26 : vector<8x2048xi32>
    %select_n3A_28 = arith.select %gt3A, %add3A_27, %iota3A : vector<8x2048xi1>, vector<8x2048xi32>
    %select_n3A_29 = arith.select %gt3A, %mul3A_25, %mul3A_16 : vector<8x2048xi1>, vector<8x2048xf32>
    %get3A_30 = arith.constant 0 : index
    %get3A_31 = arith.constant 16 : index
    %get3A_32 = arith.constant 0 : index
    %get3A_33 = vector.load %arg2[%get3A_30, %get3A_31, %get3A_32] : memref<8x64x2048xf32, #tpu.memory_space<vmem>>, vector<1x8x2048xf32>
    %get3A_34 = vector.shape_cast %get3A_33 : vector<1x8x2048xf32> to vector<8x2048xf32>
    %mul3A_35 = vector.broadcast %broadcast_in_dim3A : vector<1x2048xf32> to vector<8x2048xf32>
    %mul3A_36 = arith.mulf %mul3A_35, %get3A_34 : vector<8x2048xf32>
    %gt3A_37 = arith.cmpf ogt, %mul3A_36, %select_n3A_29 : vector<8x2048xf32>
    %select_n3A_38 = arith.select %gt3A_37, %select_n3A_29, %mul3A_36 : vector<8x2048xi1>, vector<8x2048xf32>
    %max3A_39 = arith.maximumf %max3A, %select_n3A_38 : vector<8x2048xf32>
    %add3A_40 = arith.constant 16 : i32
    %add3A_41 = vector.broadcast %add3A_40 : i32 to vector<8x2048xi32>
    %add3A_42 = arith.addi %iota3A, %add3A_41 : vector<8x2048xi32>
    %select_n3A_43 = arith.select %gt3A_37, %add3A_42, %select_n3A_28 : vector<8x2048xi1>, vector<8x2048xi32>
    %select_n3A_44 = arith.select %gt3A_37, %mul3A_36, %select_n3A_29 : vector<8x2048xi1>, vector<8x2048xf32>
    %get3A_45 = arith.constant 0 : index
    %get3A_46 = arith.constant 24 : index
    %get3A_47 = arith.constant 0 : index
    %get3A_48 = vector.load %arg2[%get3A_45, %get3A_46, %get3A_47] : memref<8x64x2048xf32, #tpu.memory_space<vmem>>, vector<1x8x2048xf32>
    %get3A_49 = vector.shape_cast %get3A_48 : vector<1x8x2048xf32> to vector<8x2048xf32>
    %mul3A_50 = vector.broadcast %broadcast_in_dim3A : vector<1x2048xf32> to vector<8x2048xf32>
    %mul3A_51 = arith.mulf %mul3A_50, %get3A_49 : vector<8x2048xf32>
    %gt3A_52 = arith.cmpf ogt, %mul3A_51, %select_n3A_44 : vector<8x2048xf32>
    %select_n3A_53 = arith.select %gt3A_52, %select_n3A_44, %mul3A_51 : vector<8x2048xi1>, vector<8x2048xf32>
    %max3A_54 = arith.maximumf %max3A_39, %select_n3A_53 : vector<8x2048xf32>
    %add3A_55 = arith.constant 24 : i32
    %add3A_56 = vector.broadcast %add3A_55 : i32 to vector<8x2048xi32>
    %add3A_57 = arith.addi %iota3A, %add3A_56 : vector<8x2048xi32>
    %select_n3A_58 = arith.select %gt3A_52, %add3A_57, %select_n3A_43 : vector<8x2048xi1>, vector<8x2048xi32>
    %select_n3A_59 = arith.select %gt3A_52, %mul3A_51, %select_n3A_44 : vector<8x2048xi1>, vector<8x2048xf32>
    %get3A_60 = arith.constant 0 : index
    %get3A_61 = arith.constant 32 : index
    %get3A_62 = arith.constant 0 : index
    %get3A_63 = vector.load %arg2[%get3A_60, %get3A_61, %get3A_62] : memref<8x64x2048xf32, #tpu.memory_space<vmem>>, vector<1x8x2048xf32>
    %get3A_64 = vector.shape_cast %get3A_63 : vector<1x8x2048xf32> to vector<8x2048xf32>
    %mul3A_65 = vector.broadcast %broadcast_in_dim3A : vector<1x2048xf32> to vector<8x2048xf32>
    %mul3A_66 = arith.mulf %mul3A_65, %get3A_64 : vector<8x2048xf32>
    %gt3A_67 = arith.cmpf ogt, %mul3A_66, %select_n3A_59 : vector<8x2048xf32>
    %select_n3A_68 = arith.select %gt3A_67, %select_n3A_59, %mul3A_66 : vector<8x2048xi1>, vector<8x2048xf32>
    %max3A_69 = arith.maximumf %max3A_54, %select_n3A_68 : vector<8x2048xf32>
    %add3A_70 = arith.constant 32 : i32
    %add3A_71 = vector.broadcast %add3A_70 : i32 to vector<8x2048xi32>
    %add3A_72 = arith.addi %iota3A, %add3A_71 : vector<8x2048xi32>
    %select_n3A_73 = arith.select %gt3A_67, %add3A_72, %select_n3A_58 : vector<8x2048xi1>, vector<8x2048xi32>
    %select_n3A_74 = arith.select %gt3A_67, %mul3A_66, %select_n3A_59 : vector<8x2048xi1>, vector<8x2048xf32>
    %get3A_75 = arith.constant 0 : index
    %get3A_76 = arith.constant 40 : index
    %get3A_77 = arith.constant 0 : index
    %get3A_78 = vector.load %arg2[%get3A_75, %get3A_76, %get3A_77] : memref<8x64x2048xf32, #tpu.memory_space<vmem>>, vector<1x8x2048xf32>
    %get3A_79 = vector.shape_cast %get3A_78 : vector<1x8x2048xf32> to vector<8x2048xf32>
    %mul3A_80 = vector.broadcast %broadcast_in_dim3A : vector<1x2048xf32> to vector<8x2048xf32>
    %mul3A_81 = arith.mulf %mul3A_80, %get3A_79 : vector<8x2048xf32>
    %gt3A_82 = arith.cmpf ogt, %mul3A_81, %select_n3A_74 : vector<8x2048xf32>
    %select_n3A_83 = arith.select %gt3A_82, %select_n3A_74, %mul3A_81 : vector<8x2048xi1>, vector<8x2048xf32>
    %max3A_84 = arith.maximumf %max3A_69, %select_n3A_83 : vector<8x2048xf32>
    %add3A_85 = arith.constant 40 : i32
    %add3A_86 = vector.broadcast %add3A_85 : i32 to vector<8x2048xi32>
    %add3A_87 = arith.addi %iota3A, %add3A_86 : vector<8x2048xi32>
    %select_n3A_88 = arith.select %gt3A_82, %add3A_87, %select_n3A_73 : vector<8x2048xi1>, vector<8x2048xi32>
    %select_n3A_89 = arith.select %gt3A_82, %mul3A_81, %select_n3A_74 : vector<8x2048xi1>, vector<8x2048xf32>
    %get3A_90 = arith.constant 0 : index
    %get3A_91 = arith.constant 48 : index
    %get3A_92 = arith.constant 0 : index
    %get3A_93 = vector.load %arg2[%get3A_90, %get3A_91, %get3A_92] : memref<8x64x2048xf32, #tpu.memory_space<vmem>>, vector<1x8x2048xf32>
    %get3A_94 = vector.shape_cast %get3A_93 : vector<1x8x2048xf32> to vector<8x2048xf32>
    %mul3A_95 = vector.broadcast %broadcast_in_dim3A : vector<1x2048xf32> to vector<8x2048xf32>
    %mul3A_96 = arith.mulf %mul3A_95, %get3A_94 : vector<8x2048xf32>
    %gt3A_97 = arith.cmpf ogt, %mul3A_96, %select_n3A_89 : vector<8x2048xf32>
    %select_n3A_98 = arith.select %gt3A_97, %select_n3A_89, %mul3A_96 : vector<8x2048xi1>, vector<8x2048xf32>
    %max3A_99 = arith.maximumf %max3A_84, %select_n3A_98 : vector<8x2048xf32>
    %add3A_100 = arith.constant 48 : i32
    %add3A_101 = vector.broadcast %add3A_100 : i32 to vector<8x2048xi32>
    %add3A_102 = arith.addi %iota3A, %add3A_101 : vector<8x2048xi32>
    %select_n3A_103 = arith.select %gt3A_97, %add3A_102, %select_n3A_88 : vector<8x2048xi1>, vector<8x2048xi32>
    %select_n3A_104 = arith.select %gt3A_97, %mul3A_96, %select_n3A_89 : vector<8x2048xi1>, vector<8x2048xf32>
    %get3A_105 = arith.constant 0 : index
    %get3A_106 = arith.constant 56 : index
    %get3A_107 = arith.constant 0 : index
    %get3A_108 = vector.load %arg2[%get3A_105, %get3A_106, %get3A_107] : memref<8x64x2048xf32, #tpu.memory_space<vmem>>, vector<1x8x2048xf32>
    %get3A_109 = vector.shape_cast %get3A_108 : vector<1x8x2048xf32> to vector<8x2048xf32>
    %mul3A_110 = vector.broadcast %broadcast_in_dim3A : vector<1x2048xf32> to vector<8x2048xf32>
    %mul3A_111 = arith.mulf %mul3A_110, %get3A_109 : vector<8x2048xf32>
    %gt3A_112 = arith.cmpf ogt, %mul3A_111, %select_n3A_104 : vector<8x2048xf32>
    %select_n3A_113 = arith.select %gt3A_112, %select_n3A_104, %mul3A_111 : vector<8x2048xi1>, vector<8x2048xf32>
    %max3A_114 = arith.maximumf %max3A_99, %select_n3A_113 : vector<8x2048xf32>
    %add3A_115 = arith.constant 56 : i32
    %add3A_116 = vector.broadcast %add3A_115 : i32 to vector<8x2048xi32>
    %add3A_117 = arith.addi %iota3A, %add3A_116 : vector<8x2048xi32>
    %select_n3A_118 = arith.select %gt3A_112, %add3A_117, %select_n3A_103 : vector<8x2048xi1>, vector<8x2048xi32>
    %select_n3A_119 = arith.select %gt3A_112, %mul3A_111, %select_n3A_104 : vector<8x2048xi1>, vector<8x2048xf32>
    %reduce_max3A = arith.constant dense<0xFF800000> : vector<2048xf32>
    %reduce_max3A_120 = vector.multi_reduction <maximumf>, %select_n3A_119, %reduce_max3A [0] : vector<8x2048xf32> to vector<2048xf32>
    %broadcast_in_dim3A_121 = vector.shape_cast %reduce_max3A_120 : vector<2048xf32> to vector<1x2048xf32>
    %eq3A = vector.broadcast %broadcast_in_dim3A_121 : vector<1x2048xf32> to vector<8x2048xf32>
    %eq3A_122 = arith.cmpf oeq, %select_n3A_119, %eq3A : vector<8x2048xf32>
    %jit3A = arith.constant 2147483647 : i32
    %broadcast_in_dim3A_123 = vector.broadcast %jit3A : i32 to vector<8x2048xi32>
    %select_n3A_124 = arith.select %eq3A_122, %select_n3A_118, %broadcast_in_dim3A_123 : vector<8x2048xi1>, vector<8x2048xi32>
    %reduce_min3A = arith.constant dense<2147483647> : vector<2048xi32>
    %reduce_min3A_125 = vector.multi_reduction <minsi>, %select_n3A_124, %reduce_min3A [0] : vector<8x2048xi32> to vector<2048xi32>
    %broadcast_in_dim3A_126 = vector.shape_cast %reduce_max3A_120 : vector<2048xf32> to vector<1x2048xf32>
    %eq3A_127 = vector.broadcast %broadcast_in_dim3A_126 : vector<1x2048xf32> to vector<8x2048xf32>
    %eq3A_128 = arith.cmpf oeq, %select_n3A_119, %eq3A_127 : vector<8x2048xf32>
    %broadcast_in_dim3A_129 = vector.shape_cast %reduce_min3A_125 : vector<2048xi32> to vector<1x2048xi32>
    %eq3A_130 = vector.broadcast %broadcast_in_dim3A_129 : vector<1x2048xi32> to vector<8x2048xi32>
    %eq3A_131 = arith.cmpi eq, %select_n3A_118, %eq3A_130 : vector<8x2048xi32>
    %and3A = arith.andi %eq3A_128, %eq3A_131 : vector<8x2048xi1>
    %jit3A_132 = arith.constant 0xFF800000 : f32
    %broadcast_in_dim3A_133 = vector.broadcast %jit3A_132 : f32 to vector<8x2048xf32>
    %select_n3A_134 = arith.select %and3A, %broadcast_in_dim3A_133, %select_n3A_119 : vector<8x2048xi1>, vector<8x2048xf32>
    %reduce_max3A_135 = arith.constant dense<0xFF800000> : vector<2048xf32>
    %reduce_max3A_136 = vector.multi_reduction <maximumf>, %select_n3A_134, %reduce_max3A_135 [0] : vector<8x2048xf32> to vector<2048xf32>
    %reduce_max3A_137 = arith.constant dense<0xFF800000> : vector<2048xf32>
    %reduce_max3A_138 = vector.multi_reduction <maximumf>, %max3A_114, %reduce_max3A_137 [0] : vector<8x2048xf32> to vector<2048xf32>
    %max3A_139 = arith.maximumf %reduce_max3A_136, %reduce_max3A_138 : vector<2048xf32>
    %mul3A_140 = vector.broadcast %get3A_2 : f32 to vector<2048xf32>
    %mul3A_141 = arith.mulf %mul3A_140, %reduce_max3A_120 : vector<2048xf32>
    %mul3A_142 = vector.broadcast %get3A_6 : f32 to vector<2048xf32>
    %mul3A_143 = arith.mulf %mul3A_142, %max3A_139 : vector<2048xf32>
    %add3A_144 = arith.addf %mul3A_141, %mul3A_143 : vector<2048xf32>
    %swap3A = arith.constant 0 : index
    %swap3A_145 = arith.constant 0 : index
    %swap3A_146 = arith.constant 0 : index
    %swap3A_147 = vector.load %arg4[%swap3A, %swap3A_145, %swap3A_146] : memref<4x2x2048xf32, #tpu.memory_space<vmem>>, vector<1x1x2048xf32>
    %swap3A_148 = vector.shape_cast %swap3A_147 : vector<1x1x2048xf32> to vector<2048xf32>
    %swap3A_149 = vector.shape_cast %add3A_144 : vector<2048xf32> to vector<1x1x2048xf32>
    tpu.vector_store %arg4[%swap3A, %swap3A_145, %swap3A_146], %swap3A_149 {strides = array<i32>} : memref<4x2x2048xf32, #tpu.memory_space<vmem>>, vector<1x1x2048xf32>,
    %swap3A_150 = arith.constant 0 : index
    %swap3A_151 = arith.constant 0 : index
    %swap3A_152 = arith.constant 0 : index
    %swap3A_153 = vector.load %arg5[%swap3A_150, %swap3A_151, %swap3A_152] : memref<4x2x2048xi32, #tpu.memory_space<vmem>>, vector<1x1x2048xi32>
    %swap3A_154 = vector.shape_cast %swap3A_153 : vector<1x1x2048xi32> to vector<2048xi32>
    %swap3A_155 = vector.shape_cast %reduce_min3A_125 : vector<2048xi32> to vector<1x1x2048xi32>
    tpu.vector_store %arg5[%swap3A_150, %swap3A_151, %swap3A_152], %swap3A_155 {strides = array<i32>} : memref<4x2x2048xi32, #tpu.memory_space<vmem>>, vector<1x1x2048xi32>,
    %get3A_156 = arith.constant 0 : index
    %get3A_157 = arith.constant 0 : index
    %get3A_158 = vector.load %arg1[%get3A_156, %get3A_157] : memref<4x2048xf32, #tpu.memory_space<vmem>>, vector<1x2048xf32>
    %get3A_159 = vector.shape_cast %get3A_158 : vector<1x2048xf32> to vector<2048xf32>
    %broadcast_in_dim3A_160 = vector.shape_cast %get3A_159 : vector<2048xf32> to vector<1x2048xf32>
    %get3A_161 = arith.constant 1 : index
    %get3A_162 = arith.constant 0 : index
    %get3A_163 = arith.constant 0 : index
    %get3A_164 = vector.load %arg2[%get3A_161, %get3A_162, %get3A_163] : memref<8x64x2048xf32, #tpu.memory_space<vmem>>, vector<1x8x2048xf32>
    %get3A_165 = vector.shape_cast %get3A_164 : vector<1x8x2048xf32> to vector<8x2048xf32>
    %mul3A_166 = vector.broadcast %broadcast_in_dim3A_160 : vector<1x2048xf32> to vector<8x2048xf32>
    %mul3A_167 = arith.mulf %mul3A_166, %get3A_165 : vector<8x2048xf32>
    %broadcast_in_dim3A_168 = arith.constant 0xFF800000 : f32
    %broadcast_in_dim3A_169 = vector.broadcast %broadcast_in_dim3A_168 : f32 to vector<8x2048xf32>
    %get3A_170 = arith.constant 1 : index
    %get3A_171 = arith.constant 8 : index
    %get3A_172 = arith.constant 0 : index
    %get3A_173 = vector.load %arg2[%get3A_170, %get3A_171, %get3A_172] : memref<8x64x2048xf32, #tpu.memory_space<vmem>>, vector<1x8x2048xf32>
    %get3A_174 = vector.shape_cast %get3A_173 : vector<1x8x2048xf32> to vector<8x2048xf32>
    %mul3A_175 = vector.broadcast %broadcast_in_dim3A_160 : vector<1x2048xf32> to vector<8x2048xf32>
    %mul3A_176 = arith.mulf %mul3A_175, %get3A_174 : vector<8x2048xf32>
    %gt3A_177 = arith.cmpf ogt, %mul3A_176, %mul3A_167 : vector<8x2048xf32>
    %select_n3A_178 = arith.select %gt3A_177, %mul3A_167, %mul3A_176 : vector<8x2048xi1>, vector<8x2048xf32>
    %max3A_179 = arith.maximumf %broadcast_in_dim3A_169, %select_n3A_178 : vector<8x2048xf32>
    %add3A_180 = arith.constant 8 : i32
    %add3A_181 = vector.broadcast %add3A_180 : i32 to vector<8x2048xi32>
    %add3A_182 = arith.addi %iota3A, %add3A_181 : vector<8x2048xi32>
    %select_n3A_183 = arith.select %gt3A_177, %add3A_182, %iota3A : vector<8x2048xi1>, vector<8x2048xi32>
    %select_n3A_184 = arith.select %gt3A_177, %mul3A_176, %mul3A_167 : vector<8x2048xi1>, vector<8x2048xf32>
    %get3A_185 = arith.constant 1 : index
    %get3A_186 = arith.constant 16 : index
    %get3A_187 = arith.constant 0 : index
    %get3A_188 = vector.load %arg2[%get3A_185, %get3A_186, %get3A_187] : memref<8x64x2048xf32, #tpu.memory_space<vmem>>, vector<1x8x2048xf32>
    %get3A_189 = vector.shape_cast %get3A_188 : vector<1x8x2048xf32> to vector<8x2048xf32>
    %mul3A_190 = vector.broadcast %broadcast_in_dim3A_160 : vector<1x2048xf32> to vector<8x2048xf32>
    %mul3A_191 = arith.mulf %mul3A_190, %get3A_189 : vector<8x2048xf32>
    %gt3A_192 = arith.cmpf ogt, %mul3A_191, %select_n3A_184 : vector<8x2048xf32>
    %select_n3A_193 = arith.select %gt3A_192, %select_n3A_184, %mul3A_191 : vector<8x2048xi1>, vector<8x2048xf32>
    %max3A_194 = arith.maximumf %max3A_179, %select_n3A_193 : vector<8x2048xf32>
    %add3A_195 = arith.constant 16 : i32
    %add3A_196 = vector.broadcast %add3A_195 : i32 to vector<8x2048xi32>
    %add3A_197 = arith.addi %iota3A, %add3A_196 : vector<8x2048xi32>
    %select_n3A_198 = arith.select %gt3A_192, %add3A_197, %select_n3A_183 : vector<8x2048xi1>, vector<8x2048xi32>
    %select_n3A_199 = arith.select %gt3A_192, %mul3A_191, %select_n3A_184 : vector<8x2048xi1>, vector<8x2048xf32>
    %get3A_200 = arith.constant 1 : index
    %get3A_201 = arith.constant 24 : index
    %get3A_202 = arith.constant 0 : index
    %get3A_203 = vector.load %arg2[%get3A_200, %get3A_201, %get3A_202] : memref<8x64x2048xf32, #tpu.memory_space<vmem>>, vector<1x8x2048xf32>
    %get3A_204 = vector.shape_cast %get3A_203 : vector<1x8x2048xf32> to vector<8x2048xf32>
    %mul3A_205 = vector.broadcast %broadcast_in_dim3A_160 : vector<1x2048xf32> to vector<8x2048xf32>
    %mul3A_206 = arith.mulf %mul3A_205, %get3A_204 : vector<8x2048xf32>
    %gt3A_207 = arith.cmpf ogt, %mul3A_206, %select_n3A_199 : vector<8x2048xf32>
    %select_n3A_208 = arith.select %gt3A_207, %select_n3A_199, %mul3A_206 : vector<8x2048xi1>, vector<8x2048xf32>
    %max3A_209 = arith.maximumf %max3A_194, %select_n3A_208 : vector<8x2048xf32>
    %add3A_210 = arith.constant 24 : i32
    %add3A_211 = vector.broadcast %add3A_210 : i32 to vector<8x2048xi32>
    %add3A_212 = arith.addi %iota3A, %add3A_211 : vector<8x2048xi32>
    %select_n3A_213 = arith.select %gt3A_207, %add3A_212, %select_n3A_198 : vector<8x2048xi1>, vector<8x2048xi32>
    %select_n3A_214 = arith.select %gt3A_207, %mul3A_206, %select_n3A_199 : vector<8x2048xi1>, vector<8x2048xf32>
    %get3A_215 = arith.constant 1 : index
    %get3A_216 = arith.constant 32 : index
    %get3A_217 = arith.constant 0 : index
    %get3A_218 = vector.load %arg2[%get3A_215, %get3A_216, %get3A_217] : memref<8x64x2048xf32, #tpu.memory_space<vmem>>, vector<1x8x2048xf32>
    %get3A_219 = vector.shape_cast %get3A_218 : vector<1x8x2048xf32> to vector<8x2048xf32>
    %mul3A_220 = vector.broadcast %broadcast_in_dim3A_160 : vector<1x2048xf32> to vector<8x2048xf32>
    %mul3A_221 = arith.mulf %mul3A_220, %get3A_219 : vector<8x2048xf32>
    %gt3A_222 = arith.cmpf ogt, %mul3A_221, %select_n3A_214 : vector<8x2048xf32>
    %select_n3A_223 = arith.select %gt3A_222, %select_n3A_214, %mul3A_221 : vector<8x2048xi1>, vector<8x2048xf32>
    %max3A_224 = arith.maximumf %max3A_209, %select_n3A_223 : vector<8x2048xf32>
    %add3A_225 = arith.constant 32 : i32
    %add3A_226 = vector.broadcast %add3A_225 : i32 to vector<8x2048xi32>
    %add3A_227 = arith.addi %iota3A, %add3A_226 : vector<8x2048xi32>
    %select_n3A_228 = arith.select %gt3A_222, %add3A_227, %select_n3A_213 : vector<8x2048xi1>, vector<8x2048xi32>
    %select_n3A_229 = arith.select %gt3A_222, %mul3A_221, %select_n3A_214 : vector<8x2048xi1>, vector<8x2048xf32>
    %get3A_230 = arith.constant 1 : index
    %get3A_231 = arith.constant 40 : index
    %get3A_232 = arith.constant 0 : index
    %get3A_233 = vector.load %arg2[%get3A_230, %get3A_231, %get3A_232] : memref<8x64x2048xf32, #tpu.memory_space<vmem>>, vector<1x8x2048xf32>
    %get3A_234 = vector.shape_cast %get3A_233 : vector<1x8x2048xf32> to vector<8x2048xf32>
    %mul3A_235 = vector.broadcast %broadcast_in_dim3A_160 : vector<1x2048xf32> to vector<8x2048xf32>
    %mul3A_236 = arith.mulf %mul3A_235, %get3A_234 : vector<8x2048xf32>
    %gt3A_237 = arith.cmpf ogt, %mul3A_236, %select_n3A_229 : vector<8x2048xf32>
    %select_n3A_238 = arith.select %gt3A_237, %select_n3A_229, %mul3A_236 : vector<8x2048xi1>, vector<8x2048xf32>
    %max3A_239 = arith.maximumf %max3A_224, %select_n3A_238 : vector<8x2048xf32>
    %add3A_240 = arith.constant 40 : i32
    %add3A_241 = vector.broadcast %add3A_240 : i32 to vector<8x2048xi32>
    %add3A_242 = arith.addi %iota3A, %add3A_241 : vector<8x2048xi32>
    %select_n3A_243 = arith.select %gt3A_237, %add3A_242, %select_n3A_228 : vector<8x2048xi1>, vector<8x2048xi32>
    %select_n3A_244 = arith.select %gt3A_237, %mul3A_236, %select_n3A_229 : vector<8x2048xi1>, vector<8x2048xf32>
    %get3A_245 = arith.constant 1 : index
    %get3A_246 = arith.constant 48 : index
    %get3A_247 = arith.constant 0 : index
    %get3A_248 = vector.load %arg2[%get3A_245, %get3A_246, %get3A_247] : memref<8x64x2048xf32, #tpu.memory_space<vmem>>, vector<1x8x2048xf32>
    %get3A_249 = vector.shape_cast %get3A_248 : vector<1x8x2048xf32> to vector<8x2048xf32>
    %mul3A_250 = vector.broadcast %broadcast_in_dim3A_160 : vector<1x2048xf32> to vector<8x2048xf32>
    %mul3A_251 = arith.mulf %mul3A_250, %get3A_249 : vector<8x2048xf32>
    %gt3A_252 = arith.cmpf ogt, %mul3A_251, %select_n3A_244 : vector<8x2048xf32>
    %select_n3A_253 = arith.select %gt3A_252, %select_n3A_244, %mul3A_251 : vector<8x2048xi1>, vector<8x2048xf32>
    %max3A_254 = arith.maximumf %max3A_239, %select_n3A_253 : vector<8x2048xf32>
    %add3A_255 = arith.constant 48 : i32
    %add3A_256 = vector.broadcast %add3A_255 : i32 to vector<8x2048xi32>
    %add3A_257 = arith.addi %iota3A, %add3A_256 : vector<8x2048xi32>
    %select_n3A_258 = arith.select %gt3A_252, %add3A_257, %select_n3A_243 : vector<8x2048xi1>, vector<8x2048xi32>
    %select_n3A_259 = arith.select %gt3A_252, %mul3A_251, %select_n3A_244 : vector<8x2048xi1>, vector<8x2048xf32>
    %get3A_260 = arith.constant 1 : index
    %get3A_261 = arith.constant 56 : index
    %get3A_262 = arith.constant 0 : index
    %get3A_263 = vector.load %arg2[%get3A_260, %get3A_261, %get3A_262] : memref<8x64x2048xf32, #tpu.memory_space<vmem>>, vector<1x8x2048xf32>
    %get3A_264 = vector.shape_cast %get3A_263 : vector<1x8x2048xf32> to vector<8x2048xf32>
    %mul3A_265 = vector.broadcast %broadcast_in_dim3A_160 : vector<1x2048xf32> to vector<8x2048xf32>
    %mul3A_266 = arith.mulf %mul3A_265, %get3A_264 : vector<8x2048xf32>
    %gt3A_267 = arith.cmpf ogt, %mul3A_266, %select_n3A_259 : vector<8x2048xf32>
    %select_n3A_268 = arith.select %gt3A_267, %select_n3A_259, %mul3A_266 : vector<8x2048xi1>, vector<8x2048xf32>
    %max3A_269 = arith.maximumf %max3A_254, %select_n3A_268 : vector<8x2048xf32>
    %add3A_270 = arith.constant 56 : i32
    %add3A_271 = vector.broadcast %add3A_270 : i32 to vector<8x2048xi32>
    %add3A_272 = arith.addi %iota3A, %add3A_271 : vector<8x2048xi32>
    %select_n3A_273 = arith.select %gt3A_267, %add3A_272, %select_n3A_258 : vector<8x2048xi1>, vector<8x2048xi32>
    %select_n3A_274 = arith.select %gt3A_267, %mul3A_266, %select_n3A_259 : vector<8x2048xi1>, vector<8x2048xf32>
    %reduce_max3A_275 = arith.constant dense<0xFF800000> : vector<2048xf32>
    %reduce_max3A_276 = vector.multi_reduction <maximumf>, %select_n3A_274, %reduce_max3A_275 [0] : vector<8x2048xf32> to vector<2048xf32>
    %broadcast_in_dim3A_277 = vector.shape_cast %reduce_max3A_276 : vector<2048xf32> to vector<1x2048xf32>
    %eq3A_278 = vector.broadcast %broadcast_in_dim3A_277 : vector<1x2048xf32> to vector<8x2048xf32>
    %eq3A_279 = arith.cmpf oeq, %select_n3A_274, %eq3A_278 : vector<8x2048xf32>
    %jit3A_280 = arith.constant 2147483647 : i32
    %broadcast_in_dim3A_281 = vector.broadcast %jit3A_280 : i32 to vector<8x2048xi32>
    %select_n3A_282 = arith.select %eq3A_279, %select_n3A_273, %broadcast_in_dim3A_281 : vector<8x2048xi1>, vector<8x2048xi32>
    %reduce_min3A_283 = arith.constant dense<2147483647> : vector<2048xi32>
    %reduce_min3A_284 = vector.multi_reduction <minsi>, %select_n3A_282, %reduce_min3A_283 [0] : vector<8x2048xi32> to vector<2048xi32>
    %broadcast_in_dim3A_285 = vector.shape_cast %reduce_max3A_276 : vector<2048xf32> to vector<1x2048xf32>
    %eq3A_286 = vector.broadcast %broadcast_in_dim3A_285 : vector<1x2048xf32> to vector<8x2048xf32>
    %eq3A_287 = arith.cmpf oeq, %select_n3A_274, %eq3A_286 : vector<8x2048xf32>
    %broadcast_in_dim3A_288 = vector.shape_cast %reduce_min3A_284 : vector<2048xi32> to vector<1x2048xi32>
    %eq3A_289 = vector.broadcast %broadcast_in_dim3A_288 : vector<1x2048xi32> to vector<8x2048xi32>
    %eq3A_290 = arith.cmpi eq, %select_n3A_273, %eq3A_289 : vector<8x2048xi32>
    %and3A_291 = arith.andi %eq3A_287, %eq3A_290 : vector<8x2048xi1>
    %jit3A_292 = arith.constant 0xFF800000 : f32
    %broadcast_in_dim3A_293 = vector.broadcast %jit3A_292 : f32 to vector<8x2048xf32>
    %select_n3A_294 = arith.select %and3A_291, %broadcast_in_dim3A_293, %select_n3A_274 : vector<8x2048xi1>, vector<8x2048xf32>
    %reduce_max3A_295 = arith.constant dense<0xFF800000> : vector<2048xf32>
    %reduce_max3A_296 = vector.multi_reduction <maximumf>, %select_n3A_294, %reduce_max3A_295 [0] : vector<8x2048xf32> to vector<2048xf32>
    %reduce_max3A_297 = arith.constant dense<0xFF800000> : vector<2048xf32>
    %reduce_max3A_298 = vector.multi_reduction <maximumf>, %max3A_269, %reduce_max3A_297 [0] : vector<8x2048xf32> to vector<2048xf32>
    %max3A_299 = arith.maximumf %reduce_max3A_296, %reduce_max3A_298 : vector<2048xf32>
    %mul3A_300 = vector.broadcast %get3A_2 : f32 to vector<2048xf32>
    %mul3A_301 = arith.mulf %mul3A_300, %reduce_max3A_276 : vector<2048xf32>
    %mul3A_302 = vector.broadcast %get3A_6 : f32 to vector<2048xf32>
    %mul3A_303 = arith.mulf %mul3A_302, %max3A_299 : vector<2048xf32>
    %add3A_304 = arith.addf %mul3A_301, %mul3A_303 : vector<2048xf32>
    %swap3A_305 = arith.constant 0 : index
    %swap3A_306 = arith.constant 1 : index
    %swap3A_307 = arith.constant 0 : index
    %swap3A_308 = vector.load %arg4[%swap3A_305, %swap3A_306, %swap3A_307] : memref<4x2x2048xf32, #tpu.memory_space<vmem>>, vector<1x1x2048xf32>
    %swap3A_309 = vector.shape_cast %swap3A_308 : vector<1x1x2048xf32> to vector<2048xf32>
    %swap3A_310 = vector.shape_cast %add3A_304 : vector<2048xf32> to vector<1x1x2048xf32>
    tpu.vector_store %arg4[%swap3A_305, %swap3A_306, %swap3A_307], %swap3A_310 {strides = array<i32>} : memref<4x2x2048xf32, #tpu.memory_space<vmem>>, vector<1x1x2048xf32>,
    %swap3A_311 = arith.constant 0 : index
    %swap3A_312 = arith.constant 1 : index
    %swap3A_313 = arith.constant 0 : index
    %swap3A_314 = vector.load %arg5[%swap3A_311, %swap3A_312, %swap3A_313] : memref<4x2x2048xi32, #tpu.memory_space<vmem>>, vector<1x1x2048xi32>
    %swap3A_315 = vector.shape_cast %swap3A_314 : vector<1x1x2048xi32> to vector<2048xi32>
    %swap3A_316 = vector.shape_cast %reduce_min3A_284 : vector<2048xi32> to vector<1x1x2048xi32>
    tpu.vector_store %arg5[%swap3A_311, %swap3A_312, %swap3A_313], %swap3A_316 {strides = array<i32>} : memref<4x2x2048xi32, #tpu.memory_space<vmem>>, vector<1x1x2048xi32>,
    %get3A_317 = arith.constant 1 : index
    %get3A_318 = arith.constant 0 : index
    %get3A_319 = vector.load %arg1[%get3A_317, %get3A_318] : memref<4x2048xf32, #tpu.memory_space<vmem>>, vector<1x2048xf32>
    %get3A_320 = vector.shape_cast %get3A_319 : vector<1x2048xf32> to vector<2048xf32>
    %broadcast_in_dim3A_321 = vector.shape_cast %get3A_320 : vector<2048xf32> to vector<1x2048xf32>
    %get3A_322 = arith.constant 2 : index
    %get3A_323 = arith.constant 0 : index
    %get3A_324 = arith.constant 0 : index
    %get3A_325 = vector.load %arg2[%get3A_322, %get3A_323, %get3A_324] : memref<8x64x2048xf32, #tpu.memory_space<vmem>>, vector<1x8x2048xf32>
    %get3A_326 = vector.shape_cast %get3A_325 : vector<1x8x2048xf32> to vector<8x2048xf32>
    %mul3A_327 = vector.broadcast %broadcast_in_dim3A_321 : vector<1x2048xf32> to vector<8x2048xf32>
    %mul3A_328 = arith.mulf %mul3A_327, %get3A_326 : vector<8x2048xf32>
    %broadcast_in_dim3A_329 = arith.constant 0xFF800000 : f32
    %broadcast_in_dim3A_330 = vector.broadcast %broadcast_in_dim3A_329 : f32 to vector<8x2048xf32>
    %get3A_331 = arith.constant 2 : index
    %get3A_332 = arith.constant 8 : index
    %get3A_333 = arith.constant 0 : index
    %get3A_334 = vector.load %arg2[%get3A_331, %get3A_332, %get3A_333] : memref<8x64x2048xf32, #tpu.memory_space<vmem>>, vector<1x8x2048xf32>
    %get3A_335 = vector.shape_cast %get3A_334 : vector<1x8x2048xf32> to vector<8x2048xf32>
    %mul3A_336 = vector.broadcast %broadcast_in_dim3A_321 : vector<1x2048xf32> to vector<8x2048xf32>
    %mul3A_337 = arith.mulf %mul3A_336, %get3A_335 : vector<8x2048xf32>
    %gt3A_338 = arith.cmpf ogt, %mul3A_337, %mul3A_328 : vector<8x2048xf32>
    %select_n3A_339 = arith.select %gt3A_338, %mul3A_328, %mul3A_337 : vector<8x2048xi1>, vector<8x2048xf32>
    %max3A_340 = arith.maximumf %broadcast_in_dim3A_330, %select_n3A_339 : vector<8x2048xf32>
    %add3A_341 = arith.constant 8 : i32
    %add3A_342 = vector.broadcast %add3A_341 : i32 to vector<8x2048xi32>
    %add3A_343 = arith.addi %iota3A, %add3A_342 : vector<8x2048xi32>
    %select_n3A_344 = arith.select %gt3A_338, %add3A_343, %iota3A : vector<8x2048xi1>, vector<8x2048xi32>
    %select_n3A_345 = arith.select %gt3A_338, %mul3A_337, %mul3A_328 : vector<8x2048xi1>, vector<8x2048xf32>
    %get3A_346 = arith.constant 2 : index
    %get3A_347 = arith.constant 16 : index
    %get3A_348 = arith.constant 0 : index
    %get3A_349 = vector.load %arg2[%get3A_346, %get3A_347, %get3A_348] : memref<8x64x2048xf32, #tpu.memory_space<vmem>>, vector<1x8x2048xf32>
    %get3A_350 = vector.shape_cast %get3A_349 : vector<1x8x2048xf32> to vector<8x2048xf32>
    %mul3A_351 = vector.broadcast %broadcast_in_dim3A_321 : vector<1x2048xf32> to vector<8x2048xf32>
    %mul3A_352 = arith.mulf %mul3A_351, %get3A_350 : vector<8x2048xf32>
    %gt3A_353 = arith.cmpf ogt, %mul3A_352, %select_n3A_345 : vector<8x2048xf32>
    %select_n3A_354 = arith.select %gt3A_353, %select_n3A_345, %mul3A_352 : vector<8x2048xi1>, vector<8x2048xf32>
    %max3A_355 = arith.maximumf %max3A_340, %select_n3A_354 : vector<8x2048xf32>
    %add3A_356 = arith.constant 16 : i32
    %add3A_357 = vector.broadcast %add3A_356 : i32 to vector<8x2048xi32>
    %add3A_358 = arith.addi %iota3A, %add3A_357 : vector<8x2048xi32>
    %select_n3A_359 = arith.select %gt3A_353, %add3A_358, %select_n3A_344 : vector<8x2048xi1>, vector<8x2048xi32>
    %select_n3A_360 = arith.select %gt3A_353, %mul3A_352, %select_n3A_345 : vector<8x2048xi1>, vector<8x2048xf32>
    %get3A_361 = arith.constant 2 : index
    %get3A_362 = arith.constant 24 : index
    %get3A_363 = arith.constant 0 : index
    %get3A_364 = vector.load %arg2[%get3A_361, %get3A_362, %get3A_363] : memref<8x64x2048xf32, #tpu.memory_space<vmem>>, vector<1x8x2048xf32>
    %get3A_365 = vector.shape_cast %get3A_364 : vector<1x8x2048xf32> to vector<8x2048xf32>
    %mul3A_366 = vector.broadcast %broadcast_in_dim3A_321 : vector<1x2048xf32> to vector<8x2048xf32>
    %mul3A_367 = arith.mulf %mul3A_366, %get3A_365 : vector<8x2048xf32>
    %gt3A_368 = arith.cmpf ogt, %mul3A_367, %select_n3A_360 : vector<8x2048xf32>
    %select_n3A_369 = arith.select %gt3A_368, %select_n3A_360, %mul3A_367 : vector<8x2048xi1>, vector<8x2048xf32>
    %max3A_370 = arith.maximumf %max3A_355, %select_n3A_369 : vector<8x2048xf32>
    %add3A_371 = arith.constant 24 : i32
    %add3A_372 = vector.broadcast %add3A_371 : i32 to vector<8x2048xi32>
    %add3A_373 = arith.addi %iota3A, %add3A_372 : vector<8x2048xi32>
    %select_n3A_374 = arith.select %gt3A_368, %add3A_373, %select_n3A_359 : vector<8x2048xi1>, vector<8x2048xi32>
    %select_n3A_375 = arith.select %gt3A_368, %mul3A_367, %select_n3A_360 : vector<8x2048xi1>, vector<8x2048xf32>
    %get3A_376 = arith.constant 2 : index
    %get3A_377 = arith.constant 32 : index
    %get3A_378 = arith.constant 0 : index
    %get3A_379 = vector.load %arg2[%get3A_376, %get3A_377, %get3A_378] : memref<8x64x2048xf32, #tpu.memory_space<vmem>>, vector<1x8x2048xf32>
    %get3A_380 = vector.shape_cast %get3A_379 : vector<1x8x2048xf32> to vector<8x2048xf32>
    %mul3A_381 = vector.broadcast %broadcast_in_dim3A_321 : vector<1x2048xf32> to vector<8x2048xf32>
    %mul3A_382 = arith.mulf %mul3A_381, %get3A_380 : vector<8x2048xf32>
    %gt3A_383 = arith.cmpf ogt, %mul3A_382, %select_n3A_375 : vector<8x2048xf32>
    %select_n3A_384 = arith.select %gt3A_383, %select_n3A_375, %mul3A_382 : vector<8x2048xi1>, vector<8x2048xf32>
    %max3A_385 = arith.maximumf %max3A_370, %select_n3A_384 : vector<8x2048xf32>
    %add3A_386 = arith.constant 32 : i32
    %add3A_387 = vector.broadcast %add3A_386 : i32 to vector<8x2048xi32>
    %add3A_388 = arith.addi %iota3A, %add3A_387 : vector<8x2048xi32>
    %select_n3A_389 = arith.select %gt3A_383, %add3A_388, %select_n3A_374 : vector<8x2048xi1>, vector<8x2048xi32>
    %select_n3A_390 = arith.select %gt3A_383, %mul3A_382, %select_n3A_375 : vector<8x2048xi1>, vector<8x2048xf32>
    %get3A_391 = arith.constant 2 : index
    %get3A_392 = arith.constant 40 : index
    %get3A_393 = arith.constant 0 : index
    %get3A_394 = vector.load %arg2[%get3A_391, %get3A_392, %get3A_393] : memref<8x64x2048xf32, #tpu.memory_space<vmem>>, vector<1x8x2048xf32>
    %get3A_395 = vector.shape_cast %get3A_394 : vector<1x8x2048xf32> to vector<8x2048xf32>
    %mul3A_396 = vector.broadcast %broadcast_in_dim3A_321 : vector<1x2048xf32> to vector<8x2048xf32>
    %mul3A_397 = arith.mulf %mul3A_396, %get3A_395 : vector<8x2048xf32>
    %gt3A_398 = arith.cmpf ogt, %mul3A_397, %select_n3A_390 : vector<8x2048xf32>
    %select_n3A_399 = arith.select %gt3A_398, %select_n3A_390, %mul3A_397 : vector<8x2048xi1>, vector<8x2048xf32>
    %max3A_400 = arith.maximumf %max3A_385, %select_n3A_399 : vector<8x2048xf32>
    %add3A_401 = arith.constant 40 : i32
    %add3A_402 = vector.broadcast %add3A_401 : i32 to vector<8x2048xi32>
    %add3A_403 = arith.addi %iota3A, %add3A_402 : vector<8x2048xi32>
    %select_n3A_404 = arith.select %gt3A_398, %add3A_403, %select_n3A_389 : vector<8x2048xi1>, vector<8x2048xi32>
    %select_n3A_405 = arith.select %gt3A_398, %mul3A_397, %select_n3A_390 : vector<8x2048xi1>, vector<8x2048xf32>
    %get3A_406 = arith.constant 2 : index
    %get3A_407 = arith.constant 48 : index
    %get3A_408 = arith.constant 0 : index
    %get3A_409 = vector.load %arg2[%get3A_406, %get3A_407, %get3A_408] : memref<8x64x2048xf32, #tpu.memory_space<vmem>>, vector<1x8x2048xf32>
    %get3A_410 = vector.shape_cast %get3A_409 : vector<1x8x2048xf32> to vector<8x2048xf32>
    %mul3A_411 = vector.broadcast %broadcast_in_dim3A_321 : vector<1x2048xf32> to vector<8x2048xf32>
    %mul3A_412 = arith.mulf %mul3A_411, %get3A_410 : vector<8x2048xf32>
    %gt3A_413 = arith.cmpf ogt, %mul3A_412, %select_n3A_405 : vector<8x2048xf32>
    %select_n3A_414 = arith.select %gt3A_413, %select_n3A_405, %mul3A_412 : vector<8x2048xi1>, vector<8x2048xf32>
    %max3A_415 = arith.maximumf %max3A_400, %select_n3A_414 : vector<8x2048xf32>
    %add3A_416 = arith.constant 48 : i32
    %add3A_417 = vector.broadcast %add3A_416 : i32 to vector<8x2048xi32>
    %add3A_418 = arith.addi %iota3A, %add3A_417 : vector<8x2048xi32>
    %select_n3A_419 = arith.select %gt3A_413, %add3A_418, %select_n3A_404 : vector<8x2048xi1>, vector<8x2048xi32>
    %select_n3A_420 = arith.select %gt3A_413, %mul3A_412, %select_n3A_405 : vector<8x2048xi1>, vector<8x2048xf32>
    %get3A_421 = arith.constant 2 : index
    %get3A_422 = arith.constant 56 : index
    %get3A_423 = arith.constant 0 : index
    %get3A_424 = vector.load %arg2[%get3A_421, %get3A_422, %get3A_423] : memref<8x64x2048xf32, #tpu.memory_space<vmem>>, vector<1x8x2048xf32>
    %get3A_425 = vector.shape_cast %get3A_424 : vector<1x8x2048xf32> to vector<8x2048xf32>
    %mul3A_426 = vector.broadcast %broadcast_in_dim3A_321 : vector<1x2048xf32> to vector<8x2048xf32>
    %mul3A_427 = arith.mulf %mul3A_426, %get3A_425 : vector<8x2048xf32>
    %gt3A_428 = arith.cmpf ogt, %mul3A_427, %select_n3A_420 : vector<8x2048xf32>
    %select_n3A_429 = arith.select %gt3A_428, %select_n3A_420, %mul3A_427 : vector<8x2048xi1>, vector<8x2048xf32>
    %max3A_430 = arith.maximumf %max3A_415, %select_n3A_429 : vector<8x2048xf32>
    %add3A_431 = arith.constant 56 : i32
    %add3A_432 = vector.broadcast %add3A_431 : i32 to vector<8x2048xi32>
    %add3A_433 = arith.addi %iota3A, %add3A_432 : vector<8x2048xi32>
    %select_n3A_434 = arith.select %gt3A_428, %add3A_433, %select_n3A_419 : vector<8x2048xi1>, vector<8x2048xi32>
    %select_n3A_435 = arith.select %gt3A_428, %mul3A_427, %select_n3A_420 : vector<8x2048xi1>, vector<8x2048xf32>
    %reduce_max3A_436 = arith.constant dense<0xFF800000> : vector<2048xf32>
    %reduce_max3A_437 = vector.multi_reduction <maximumf>, %select_n3A_435, %reduce_max3A_436 [0] : vector<8x2048xf32> to vector<2048xf32>
    %broadcast_in_dim3A_438 = vector.shape_cast %reduce_max3A_437 : vector<2048xf32> to vector<1x2048xf32>
    %eq3A_439 = vector.broadcast %broadcast_in_dim3A_438 : vector<1x2048xf32> to vector<8x2048xf32>
    %eq3A_440 = arith.cmpf oeq, %select_n3A_435, %eq3A_439 : vector<8x2048xf32>
    %jit3A_441 = arith.constant 2147483647 : i32
    %broadcast_in_dim3A_442 = vector.broadcast %jit3A_441 : i32 to vector<8x2048xi32>
    %select_n3A_443 = arith.select %eq3A_440, %select_n3A_434, %broadcast_in_dim3A_442 : vector<8x2048xi1>, vector<8x2048xi32>
    %reduce_min3A_444 = arith.constant dense<2147483647> : vector<2048xi32>
    %reduce_min3A_445 = vector.multi_reduction <minsi>, %select_n3A_443, %reduce_min3A_444 [0] : vector<8x2048xi32> to vector<2048xi32>
    %broadcast_in_dim3A_446 = vector.shape_cast %reduce_max3A_437 : vector<2048xf32> to vector<1x2048xf32>
    %eq3A_447 = vector.broadcast %broadcast_in_dim3A_446 : vector<1x2048xf32> to vector<8x2048xf32>
    %eq3A_448 = arith.cmpf oeq, %select_n3A_435, %eq3A_447 : vector<8x2048xf32>
    %broadcast_in_dim3A_449 = vector.shape_cast %reduce_min3A_445 : vector<2048xi32> to vector<1x2048xi32>
    %eq3A_450 = vector.broadcast %broadcast_in_dim3A_449 : vector<1x2048xi32> to vector<8x2048xi32>
    %eq3A_451 = arith.cmpi eq, %select_n3A_434, %eq3A_450 : vector<8x2048xi32>
    %and3A_452 = arith.andi %eq3A_448, %eq3A_451 : vector<8x2048xi1>
    %jit3A_453 = arith.constant 0xFF800000 : f32
    %broadcast_in_dim3A_454 = vector.broadcast %jit3A_453 : f32 to vector<8x2048xf32>
    %select_n3A_455 = arith.select %and3A_452, %broadcast_in_dim3A_454, %select_n3A_435 : vector<8x2048xi1>, vector<8x2048xf32>
    %reduce_max3A_456 = arith.constant dense<0xFF800000> : vector<2048xf32>
    %reduce_max3A_457 = vector.multi_reduction <maximumf>, %select_n3A_455, %reduce_max3A_456 [0] : vector<8x2048xf32> to vector<2048xf32>
    %reduce_max3A_458 = arith.constant dense<0xFF800000> : vector<2048xf32>
    %reduce_max3A_459 = vector.multi_reduction <maximumf>, %max3A_430, %reduce_max3A_458 [0] : vector<8x2048xf32> to vector<2048xf32>
    %max3A_460 = arith.maximumf %reduce_max3A_457, %reduce_max3A_459 : vector<2048xf32>
    %mul3A_461 = vector.broadcast %get3A_2 : f32 to vector<2048xf32>
    %mul3A_462 = arith.mulf %mul3A_461, %reduce_max3A_437 : vector<2048xf32>
    %mul3A_463 = vector.broadcast %get3A_6 : f32 to vector<2048xf32>
    %mul3A_464 = arith.mulf %mul3A_463, %max3A_460 : vector<2048xf32>
    %add3A_465 = arith.addf %mul3A_462, %mul3A_464 : vector<2048xf32>
    %swap3A_466 = arith.constant 1 : index
    %swap3A_467 = arith.constant 0 : index
    %swap3A_468 = arith.constant 0 : index
    %swap3A_469 = vector.load %arg4[%swap3A_466, %swap3A_467, %swap3A_468] : memref<4x2x2048xf32, #tpu.memory_space<vmem>>, vector<1x1x2048xf32>
    %swap3A_470 = vector.shape_cast %swap3A_469 : vector<1x1x2048xf32> to vector<2048xf32>
    %swap3A_471 = vector.shape_cast %add3A_465 : vector<2048xf32> to vector<1x1x2048xf32>
    tpu.vector_store %arg4[%swap3A_466, %swap3A_467, %swap3A_468], %swap3A_471 {strides = array<i32>} : memref<4x2x2048xf32, #tpu.memory_space<vmem>>, vector<1x1x2048xf32>,
    %swap3A_472 = arith.constant 1 : index
    %swap3A_473 = arith.constant 0 : index
    %swap3A_474 = arith.constant 0 : index
    %swap3A_475 = vector.load %arg5[%swap3A_472, %swap3A_473, %swap3A_474] : memref<4x2x2048xi32, #tpu.memory_space<vmem>>, vector<1x1x2048xi32>
    %swap3A_476 = vector.shape_cast %swap3A_475 : vector<1x1x2048xi32> to vector<2048xi32>
    %swap3A_477 = vector.shape_cast %reduce_min3A_445 : vector<2048xi32> to vector<1x1x2048xi32>
    tpu.vector_store %arg5[%swap3A_472, %swap3A_473, %swap3A_474], %swap3A_477 {strides = array<i32>} : memref<4x2x2048xi32, #tpu.memory_space<vmem>>, vector<1x1x2048xi32>,
    %get3A_478 = arith.constant 1 : index
    %get3A_479 = arith.constant 0 : index
    %get3A_480 = vector.load %arg1[%get3A_478, %get3A_479] : memref<4x2048xf32, #tpu.memory_space<vmem>>, vector<1x2048xf32>
    %get3A_481 = vector.shape_cast %get3A_480 : vector<1x2048xf32> to vector<2048xf32>
    %broadcast_in_dim3A_482 = vector.shape_cast %get3A_481 : vector<2048xf32> to vector<1x2048xf32>
    %get3A_483 = arith.constant 3 : index
    %get3A_484 = arith.constant 0 : index
    %get3A_485 = arith.constant 0 : index
    %get3A_486 = vector.load %arg2[%get3A_483, %get3A_484, %get3A_485] : memref<8x64x2048xf32, #tpu.memory_space<vmem>>, vector<1x8x2048xf32>
    %get3A_487 = vector.shape_cast %get3A_486 : vector<1x8x2048xf32> to vector<8x2048xf32>
    %mul3A_488 = vector.broadcast %broadcast_in_dim3A_482 : vector<1x2048xf32> to vector<8x2048xf32>
    %mul3A_489 = arith.mulf %mul3A_488, %get3A_487 : vector<8x2048xf32>
    %broadcast_in_dim3A_490 = arith.constant 0xFF800000 : f32
    %broadcast_in_dim3A_491 = vector.broadcast %broadcast_in_dim3A_490 : f32 to vector<8x2048xf32>
    %get3A_492 = arith.constant 3 : index
    %get3A_493 = arith.constant 8 : index
    %get3A_494 = arith.constant 0 : index
    %get3A_495 = vector.load %arg2[%get3A_492, %get3A_493, %get3A_494] : memref<8x64x2048xf32, #tpu.memory_space<vmem>>, vector<1x8x2048xf32>
    %get3A_496 = vector.shape_cast %get3A_495 : vector<1x8x2048xf32> to vector<8x2048xf32>
    %mul3A_497 = vector.broadcast %broadcast_in_dim3A_482 : vector<1x2048xf32> to vector<8x2048xf32>
    %mul3A_498 = arith.mulf %mul3A_497, %get3A_496 : vector<8x2048xf32>
    %gt3A_499 = arith.cmpf ogt, %mul3A_498, %mul3A_489 : vector<8x2048xf32>
    %select_n3A_500 = arith.select %gt3A_499, %mul3A_489, %mul3A_498 : vector<8x2048xi1>, vector<8x2048xf32>
    %max3A_501 = arith.maximumf %broadcast_in_dim3A_491, %select_n3A_500 : vector<8x2048xf32>
    %add3A_502 = arith.constant 8 : i32
    %add3A_503 = vector.broadcast %add3A_502 : i32 to vector<8x2048xi32>
    %add3A_504 = arith.addi %iota3A, %add3A_503 : vector<8x2048xi32>
    %select_n3A_505 = arith.select %gt3A_499, %add3A_504, %iota3A : vector<8x2048xi1>, vector<8x2048xi32>
    %select_n3A_506 = arith.select %gt3A_499, %mul3A_498, %mul3A_489 : vector<8x2048xi1>, vector<8x2048xf32>
    %get3A_507 = arith.constant 3 : index
    %get3A_508 = arith.constant 16 : index
    %get3A_509 = arith.constant 0 : index
    %get3A_510 = vector.load %arg2[%get3A_507, %get3A_508, %get3A_509] : memref<8x64x2048xf32, #tpu.memory_space<vmem>>, vector<1x8x2048xf32>
    %get3A_511 = vector.shape_cast %get3A_510 : vector<1x8x2048xf32> to vector<8x2048xf32>
    %mul3A_512 = vector.broadcast %broadcast_in_dim3A_482 : vector<1x2048xf32> to vector<8x2048xf32>
    %mul3A_513 = arith.mulf %mul3A_512, %get3A_511 : vector<8x2048xf32>
    %gt3A_514 = arith.cmpf ogt, %mul3A_513, %select_n3A_506 : vector<8x2048xf32>
    %select_n3A_515 = arith.select %gt3A_514, %select_n3A_506, %mul3A_513 : vector<8x2048xi1>, vector<8x2048xf32>
    %max3A_516 = arith.maximumf %max3A_501, %select_n3A_515 : vector<8x2048xf32>
    %add3A_517 = arith.constant 16 : i32
    %add3A_518 = vector.broadcast %add3A_517 : i32 to vector<8x2048xi32>
    %add3A_519 = arith.addi %iota3A, %add3A_518 : vector<8x2048xi32>
    %select_n3A_520 = arith.select %gt3A_514, %add3A_519, %select_n3A_505 : vector<8x2048xi1>, vector<8x2048xi32>
    %select_n3A_521 = arith.select %gt3A_514, %mul3A_513, %select_n3A_506 : vector<8x2048xi1>, vector<8x2048xf32>
    %get3A_522 = arith.constant 3 : index
    %get3A_523 = arith.constant 24 : index
    %get3A_524 = arith.constant 0 : index
    %get3A_525 = vector.load %arg2[%get3A_522, %get3A_523, %get3A_524] : memref<8x64x2048xf32, #tpu.memory_space<vmem>>, vector<1x8x2048xf32>
    %get3A_526 = vector.shape_cast %get3A_525 : vector<1x8x2048xf32> to vector<8x2048xf32>
    %mul3A_527 = vector.broadcast %broadcast_in_dim3A_482 : vector<1x2048xf32> to vector<8x2048xf32>
    %mul3A_528 = arith.mulf %mul3A_527, %get3A_526 : vector<8x2048xf32>
    %gt3A_529 = arith.cmpf ogt, %mul3A_528, %select_n3A_521 : vector<8x2048xf32>
    %select_n3A_530 = arith.select %gt3A_529, %select_n3A_521, %mul3A_528 : vector<8x2048xi1>, vector<8x2048xf32>
    %max3A_531 = arith.maximumf %max3A_516, %select_n3A_530 : vector<8x2048xf32>
    %add3A_532 = arith.constant 24 : i32
    %add3A_533 = vector.broadcast %add3A_532 : i32 to vector<8x2048xi32>
    %add3A_534 = arith.addi %iota3A, %add3A_533 : vector<8x2048xi32>
    %select_n3A_535 = arith.select %gt3A_529, %add3A_534, %select_n3A_520 : vector<8x2048xi1>, vector<8x2048xi32>
    %select_n3A_536 = arith.select %gt3A_529, %mul3A_528, %select_n3A_521 : vector<8x2048xi1>, vector<8x2048xf32>
    %get3A_537 = arith.constant 3 : index
    %get3A_538 = arith.constant 32 : index
    %get3A_539 = arith.constant 0 : index
    %get3A_540 = vector.load %arg2[%get3A_537, %get3A_538, %get3A_539] : memref<8x64x2048xf32, #tpu.memory_space<vmem>>, vector<1x8x2048xf32>
    %get3A_541 = vector.shape_cast %get3A_540 : vector<1x8x2048xf32> to vector<8x2048xf32>
    %mul3A_542 = vector.broadcast %broadcast_in_dim3A_482 : vector<1x2048xf32> to vector<8x2048xf32>
    %mul3A_543 = arith.mulf %mul3A_542, %get3A_541 : vector<8x2048xf32>
    %gt3A_544 = arith.cmpf ogt, %mul3A_543, %select_n3A_536 : vector<8x2048xf32>
    %select_n3A_545 = arith.select %gt3A_544, %select_n3A_536, %mul3A_543 : vector<8x2048xi1>, vector<8x2048xf32>
    %max3A_546 = arith.maximumf %max3A_531, %select_n3A_545 : vector<8x2048xf32>
    %add3A_547 = arith.constant 32 : i32
    %add3A_548 = vector.broadcast %add3A_547 : i32 to vector<8x2048xi32>
    %add3A_549 = arith.addi %iota3A, %add3A_548 : vector<8x2048xi32>
    %select_n3A_550 = arith.select %gt3A_544, %add3A_549, %select_n3A_535 : vector<8x2048xi1>, vector<8x2048xi32>
    %select_n3A_551 = arith.select %gt3A_544, %mul3A_543, %select_n3A_536 : vector<8x2048xi1>, vector<8x2048xf32>
    %get3A_552 = arith.constant 3 : index
    %get3A_553 = arith.constant 40 : index
    %get3A_554 = arith.constant 0 : index
    %get3A_555 = vector.load %arg2[%get3A_552, %get3A_553, %get3A_554] : memref<8x64x2048xf32, #tpu.memory_space<vmem>>, vector<1x8x2048xf32>
    %get3A_556 = vector.shape_cast %get3A_555 : vector<1x8x2048xf32> to vector<8x2048xf32>
    %mul3A_557 = vector.broadcast %broadcast_in_dim3A_482 : vector<1x2048xf32> to vector<8x2048xf32>
    %mul3A_558 = arith.mulf %mul3A_557, %get3A_556 : vector<8x2048xf32>
    %gt3A_559 = arith.cmpf ogt, %mul3A_558, %select_n3A_551 : vector<8x2048xf32>
    %select_n3A_560 = arith.select %gt3A_559, %select_n3A_551, %mul3A_558 : vector<8x2048xi1>, vector<8x2048xf32>
    %max3A_561 = arith.maximumf %max3A_546, %select_n3A_560 : vector<8x2048xf32>
    %add3A_562 = arith.constant 40 : i32
    %add3A_563 = vector.broadcast %add3A_562 : i32 to vector<8x2048xi32>
    %add3A_564 = arith.addi %iota3A, %add3A_563 : vector<8x2048xi32>
    %select_n3A_565 = arith.select %gt3A_559, %add3A_564, %select_n3A_550 : vector<8x2048xi1>, vector<8x2048xi32>
    %select_n3A_566 = arith.select %gt3A_559, %mul3A_558, %select_n3A_551 : vector<8x2048xi1>, vector<8x2048xf32>
    %get3A_567 = arith.constant 3 : index
    %get3A_568 = arith.constant 48 : index
    %get3A_569 = arith.constant 0 : index
    %get3A_570 = vector.load %arg2[%get3A_567, %get3A_568, %get3A_569] : memref<8x64x2048xf32, #tpu.memory_space<vmem>>, vector<1x8x2048xf32>
    %get3A_571 = vector.shape_cast %get3A_570 : vector<1x8x2048xf32> to vector<8x2048xf32>
    %mul3A_572 = vector.broadcast %broadcast_in_dim3A_482 : vector<1x2048xf32> to vector<8x2048xf32>
    %mul3A_573 = arith.mulf %mul3A_572, %get3A_571 : vector<8x2048xf32>
    %gt3A_574 = arith.cmpf ogt, %mul3A_573, %select_n3A_566 : vector<8x2048xf32>
    %select_n3A_575 = arith.select %gt3A_574, %select_n3A_566, %mul3A_573 : vector<8x2048xi1>, vector<8x2048xf32>
    %max3A_576 = arith.maximumf %max3A_561, %select_n3A_575 : vector<8x2048xf32>
    %add3A_577 = arith.constant 48 : i32
    %add3A_578 = vector.broadcast %add3A_577 : i32 to vector<8x2048xi32>
    %add3A_579 = arith.addi %iota3A, %add3A_578 : vector<8x2048xi32>
    %select_n3A_580 = arith.select %gt3A_574, %add3A_579, %select_n3A_565 : vector<8x2048xi1>, vector<8x2048xi32>
    %select_n3A_581 = arith.select %gt3A_574, %mul3A_573, %select_n3A_566 : vector<8x2048xi1>, vector<8x2048xf32>
    %get3A_582 = arith.constant 3 : index
    %get3A_583 = arith.constant 56 : index
    %get3A_584 = arith.constant 0 : index
    %get3A_585 = vector.load %arg2[%get3A_582, %get3A_583, %get3A_584] : memref<8x64x2048xf32, #tpu.memory_space<vmem>>, vector<1x8x2048xf32>
    %get3A_586 = vector.shape_cast %get3A_585 : vector<1x8x2048xf32> to vector<8x2048xf32>
    %mul3A_587 = vector.broadcast %broadcast_in_dim3A_482 : vector<1x2048xf32> to vector<8x2048xf32>
    %mul3A_588 = arith.mulf %mul3A_587, %get3A_586 : vector<8x2048xf32>
    %gt3A_589 = arith.cmpf ogt, %mul3A_588, %select_n3A_581 : vector<8x2048xf32>
    %select_n3A_590 = arith.select %gt3A_589, %select_n3A_581, %mul3A_588 : vector<8x2048xi1>, vector<8x2048xf32>
    %max3A_591 = arith.maximumf %max3A_576, %select_n3A_590 : vector<8x2048xf32>
    %add3A_592 = arith.constant 56 : i32
    %add3A_593 = vector.broadcast %add3A_592 : i32 to vector<8x2048xi32>
    %add3A_594 = arith.addi %iota3A, %add3A_593 : vector<8x2048xi32>
    %select_n3A_595 = arith.select %gt3A_589, %add3A_594, %select_n3A_580 : vector<8x2048xi1>, vector<8x2048xi32>
    %select_n3A_596 = arith.select %gt3A_589, %mul3A_588, %select_n3A_581 : vector<8x2048xi1>, vector<8x2048xf32>
    %reduce_max3A_597 = arith.constant dense<0xFF800000> : vector<2048xf32>
    %reduce_max3A_598 = vector.multi_reduction <maximumf>, %select_n3A_596, %reduce_max3A_597 [0] : vector<8x2048xf32> to vector<2048xf32>
    %broadcast_in_dim3A_599 = vector.shape_cast %reduce_max3A_598 : vector<2048xf32> to vector<1x2048xf32>
    %eq3A_600 = vector.broadcast %broadcast_in_dim3A_599 : vector<1x2048xf32> to vector<8x2048xf32>
    %eq3A_601 = arith.cmpf oeq, %select_n3A_596, %eq3A_600 : vector<8x2048xf32>
    %jit3A_602 = arith.constant 2147483647 : i32
    %broadcast_in_dim3A_603 = vector.broadcast %jit3A_602 : i32 to vector<8x2048xi32>
    %select_n3A_604 = arith.select %eq3A_601, %select_n3A_595, %broadcast_in_dim3A_603 : vector<8x2048xi1>, vector<8x2048xi32>
    %reduce_min3A_605 = arith.constant dense<2147483647> : vector<2048xi32>
    %reduce_min3A_606 = vector.multi_reduction <minsi>, %select_n3A_604, %reduce_min3A_605 [0] : vector<8x2048xi32> to vector<2048xi32>
    %broadcast_in_dim3A_607 = vector.shape_cast %reduce_max3A_598 : vector<2048xf32> to vector<1x2048xf32>
    %eq3A_608 = vector.broadcast %broadcast_in_dim3A_607 : vector<1x2048xf32> to vector<8x2048xf32>
    %eq3A_609 = arith.cmpf oeq, %select_n3A_596, %eq3A_608 : vector<8x2048xf32>
    %broadcast_in_dim3A_610 = vector.shape_cast %reduce_min3A_606 : vector<2048xi32> to vector<1x2048xi32>
    %eq3A_611 = vector.broadcast %broadcast_in_dim3A_610 : vector<1x2048xi32> to vector<8x2048xi32>
    %eq3A_612 = arith.cmpi eq, %select_n3A_595, %eq3A_611 : vector<8x2048xi32>
    %and3A_613 = arith.andi %eq3A_609, %eq3A_612 : vector<8x2048xi1>
    %jit3A_614 = arith.constant 0xFF800000 : f32
    %broadcast_in_dim3A_615 = vector.broadcast %jit3A_614 : f32 to vector<8x2048xf32>
    %select_n3A_616 = arith.select %and3A_613, %broadcast_in_dim3A_615, %select_n3A_596 : vector<8x2048xi1>, vector<8x2048xf32>
    %reduce_max3A_617 = arith.constant dense<0xFF800000> : vector<2048xf32>
    %reduce_max3A_618 = vector.multi_reduction <maximumf>, %select_n3A_616, %reduce_max3A_617 [0] : vector<8x2048xf32> to vector<2048xf32>
    %reduce_max3A_619 = arith.constant dense<0xFF800000> : vector<2048xf32>
    %reduce_max3A_620 = vector.multi_reduction <maximumf>, %max3A_591, %reduce_max3A_619 [0] : vector<8x2048xf32> to vector<2048xf32>
    %max3A_621 = arith.maximumf %reduce_max3A_618, %reduce_max3A_620 : vector<2048xf32>
    %mul3A_622 = vector.broadcast %get3A_2 : f32 to vector<2048xf32>
    %mul3A_623 = arith.mulf %mul3A_622, %reduce_max3A_598 : vector<2048xf32>
    %mul3A_624 = vector.broadcast %get3A_6 : f32 to vector<2048xf32>
    %mul3A_625 = arith.mulf %mul3A_624, %max3A_621 : vector<2048xf32>
    %add3A_626 = arith.addf %mul3A_623, %mul3A_625 : vector<2048xf32>
    %swap3A_627 = arith.constant 1 : index
    %swap3A_628 = arith.constant 1 : index
    %swap3A_629 = arith.constant 0 : index
    %swap3A_630 = vector.load %arg4[%swap3A_627, %swap3A_628, %swap3A_629] : memref<4x2x2048xf32, #tpu.memory_space<vmem>>, vector<1x1x2048xf32>
    %swap3A_631 = vector.shape_cast %swap3A_630 : vector<1x1x2048xf32> to vector<2048xf32>
    %swap3A_632 = vector.shape_cast %add3A_626 : vector<2048xf32> to vector<1x1x2048xf32>
    tpu.vector_store %arg4[%swap3A_627, %swap3A_628, %swap3A_629], %swap3A_632 {strides = array<i32>} : memref<4x2x2048xf32, #tpu.memory_space<vmem>>, vector<1x1x2048xf32>,
    %swap3A_633 = arith.constant 1 : index
    %swap3A_634 = arith.constant 1 : index
    %swap3A_635 = arith.constant 0 : index
    %swap3A_636 = vector.load %arg5[%swap3A_633, %swap3A_634, %swap3A_635] : memref<4x2x2048xi32, #tpu.memory_space<vmem>>, vector<1x1x2048xi32>
    %swap3A_637 = vector.shape_cast %swap3A_636 : vector<1x1x2048xi32> to vector<2048xi32>
    %swap3A_638 = vector.shape_cast %reduce_min3A_606 : vector<2048xi32> to vector<1x1x2048xi32>
    tpu.vector_store %arg5[%swap3A_633, %swap3A_634, %swap3A_635], %swap3A_638 {strides = array<i32>} : memref<4x2x2048xi32, #tpu.memory_space<vmem>>, vector<1x1x2048xi32>,
    %get3A_639 = arith.constant 2 : index
    %get3A_640 = arith.constant 0 : index
    %get3A_641 = vector.load %arg1[%get3A_639, %get3A_640] : memref<4x2048xf32, #tpu.memory_space<vmem>>, vector<1x2048xf32>
    %get3A_642 = vector.shape_cast %get3A_641 : vector<1x2048xf32> to vector<2048xf32>
    %broadcast_in_dim3A_643 = vector.shape_cast %get3A_642 : vector<2048xf32> to vector<1x2048xf32>
    %get3A_644 = arith.constant 4 : index
    %get3A_645 = arith.constant 0 : index
    %get3A_646 = arith.constant 0 : index
    %get3A_647 = vector.load %arg2[%get3A_644, %get3A_645, %get3A_646] : memref<8x64x2048xf32, #tpu.memory_space<vmem>>, vector<1x8x2048xf32>
    %get3A_648 = vector.shape_cast %get3A_647 : vector<1x8x2048xf32> to vector<8x2048xf32>
    %mul3A_649 = vector.broadcast %broadcast_in_dim3A_643 : vector<1x2048xf32> to vector<8x2048xf32>
    %mul3A_650 = arith.mulf %mul3A_649, %get3A_648 : vector<8x2048xf32>
    %broadcast_in_dim3A_651 = arith.constant 0xFF800000 : f32
    %broadcast_in_dim3A_652 = vector.broadcast %broadcast_in_dim3A_651 : f32 to vector<8x2048xf32>
    %get3A_653 = arith.constant 4 : index
    %get3A_654 = arith.constant 8 : index
    %get3A_655 = arith.constant 0 : index
    %get3A_656 = vector.load %arg2[%get3A_653, %get3A_654, %get3A_655] : memref<8x64x2048xf32, #tpu.memory_space<vmem>>, vector<1x8x2048xf32>
    %get3A_657 = vector.shape_cast %get3A_656 : vector<1x8x2048xf32> to vector<8x2048xf32>
    %mul3A_658 = vector.broadcast %broadcast_in_dim3A_643 : vector<1x2048xf32> to vector<8x2048xf32>
    %mul3A_659 = arith.mulf %mul3A_658, %get3A_657 : vector<8x2048xf32>
    %gt3A_660 = arith.cmpf ogt, %mul3A_659, %mul3A_650 : vector<8x2048xf32>
    %select_n3A_661 = arith.select %gt3A_660, %mul3A_650, %mul3A_659 : vector<8x2048xi1>, vector<8x2048xf32>
    %max3A_662 = arith.maximumf %broadcast_in_dim3A_652, %select_n3A_661 : vector<8x2048xf32>
    %add3A_663 = arith.constant 8 : i32
    %add3A_664 = vector.broadcast %add3A_663 : i32 to vector<8x2048xi32>
    %add3A_665 = arith.addi %iota3A, %add3A_664 : vector<8x2048xi32>
    %select_n3A_666 = arith.select %gt3A_660, %add3A_665, %iota3A : vector<8x2048xi1>, vector<8x2048xi32>
    %select_n3A_667 = arith.select %gt3A_660, %mul3A_659, %mul3A_650 : vector<8x2048xi1>, vector<8x2048xf32>
    %get3A_668 = arith.constant 4 : index
    %get3A_669 = arith.constant 16 : index
    %get3A_670 = arith.constant 0 : index
    %get3A_671 = vector.load %arg2[%get3A_668, %get3A_669, %get3A_670] : memref<8x64x2048xf32, #tpu.memory_space<vmem>>, vector<1x8x2048xf32>
    %get3A_672 = vector.shape_cast %get3A_671 : vector<1x8x2048xf32> to vector<8x2048xf32>
    %mul3A_673 = vector.broadcast %broadcast_in_dim3A_643 : vector<1x2048xf32> to vector<8x2048xf32>
    %mul3A_674 = arith.mulf %mul3A_673, %get3A_672 : vector<8x2048xf32>
    %gt3A_675 = arith.cmpf ogt, %mul3A_674, %select_n3A_667 : vector<8x2048xf32>
    %select_n3A_676 = arith.select %gt3A_675, %select_n3A_667, %mul3A_674 : vector<8x2048xi1>, vector<8x2048xf32>
    %max3A_677 = arith.maximumf %max3A_662, %select_n3A_676 : vector<8x2048xf32>
    %add3A_678 = arith.constant 16 : i32
    %add3A_679 = vector.broadcast %add3A_678 : i32 to vector<8x2048xi32>
    %add3A_680 = arith.addi %iota3A, %add3A_679 : vector<8x2048xi32>
    %select_n3A_681 = arith.select %gt3A_675, %add3A_680, %select_n3A_666 : vector<8x2048xi1>, vector<8x2048xi32>
    %select_n3A_682 = arith.select %gt3A_675, %mul3A_674, %select_n3A_667 : vector<8x2048xi1>, vector<8x2048xf32>
    %get3A_683 = arith.constant 4 : index
    %get3A_684 = arith.constant 24 : index
    %get3A_685 = arith.constant 0 : index
    %get3A_686 = vector.load %arg2[%get3A_683, %get3A_684, %get3A_685] : memref<8x64x2048xf32, #tpu.memory_space<vmem>>, vector<1x8x2048xf32>
    %get3A_687 = vector.shape_cast %get3A_686 : vector<1x8x2048xf32> to vector<8x2048xf32>
    %mul3A_688 = vector.broadcast %broadcast_in_dim3A_643 : vector<1x2048xf32> to vector<8x2048xf32>
    %mul3A_689 = arith.mulf %mul3A_688, %get3A_687 : vector<8x2048xf32>
    %gt3A_690 = arith.cmpf ogt, %mul3A_689, %select_n3A_682 : vector<8x2048xf32>
    %select_n3A_691 = arith.select %gt3A_690, %select_n3A_682, %mul3A_689 : vector<8x2048xi1>, vector<8x2048xf32>
    %max3A_692 = arith.maximumf %max3A_677, %select_n3A_691 : vector<8x2048xf32>
    %add3A_693 = arith.constant 24 : i32
    %add3A_694 = vector.broadcast %add3A_693 : i32 to vector<8x2048xi32>
    %add3A_695 = arith.addi %iota3A, %add3A_694 : vector<8x2048xi32>
    %select_n3A_696 = arith.select %gt3A_690, %add3A_695, %select_n3A_681 : vector<8x2048xi1>, vector<8x2048xi32>
    %select_n3A_697 = arith.select %gt3A_690, %mul3A_689, %select_n3A_682 : vector<8x2048xi1>, vector<8x2048xf32>
    %get3A_698 = arith.constant 4 : index
    %get3A_699 = arith.constant 32 : index
    %get3A_700 = arith.constant 0 : index
    %get3A_701 = vector.load %arg2[%get3A_698, %get3A_699, %get3A_700] : memref<8x64x2048xf32, #tpu.memory_space<vmem>>, vector<1x8x2048xf32>
    %get3A_702 = vector.shape_cast %get3A_701 : vector<1x8x2048xf32> to vector<8x2048xf32>
    %mul3A_703 = vector.broadcast %broadcast_in_dim3A_643 : vector<1x2048xf32> to vector<8x2048xf32>
    %mul3A_704 = arith.mulf %mul3A_703, %get3A_702 : vector<8x2048xf32>
    %gt3A_705 = arith.cmpf ogt, %mul3A_704, %select_n3A_697 : vector<8x2048xf32>
    %select_n3A_706 = arith.select %gt3A_705, %select_n3A_697, %mul3A_704 : vector<8x2048xi1>, vector<8x2048xf32>
    %max3A_707 = arith.maximumf %max3A_692, %select_n3A_706 : vector<8x2048xf32>
    %add3A_708 = arith.constant 32 : i32
    %add3A_709 = vector.broadcast %add3A_708 : i32 to vector<8x2048xi32>
    %add3A_710 = arith.addi %iota3A, %add3A_709 : vector<8x2048xi32>
    %select_n3A_711 = arith.select %gt3A_705, %add3A_710, %select_n3A_696 : vector<8x2048xi1>, vector<8x2048xi32>
    %select_n3A_712 = arith.select %gt3A_705, %mul3A_704, %select_n3A_697 : vector<8x2048xi1>, vector<8x2048xf32>
    %get3A_713 = arith.constant 4 : index
    %get3A_714 = arith.constant 40 : index
    %get3A_715 = arith.constant 0 : index
    %get3A_716 = vector.load %arg2[%get3A_713, %get3A_714, %get3A_715] : memref<8x64x2048xf32, #tpu.memory_space<vmem>>, vector<1x8x2048xf32>
    %get3A_717 = vector.shape_cast %get3A_716 : vector<1x8x2048xf32> to vector<8x2048xf32>
    %mul3A_718 = vector.broadcast %broadcast_in_dim3A_643 : vector<1x2048xf32> to vector<8x2048xf32>
    %mul3A_719 = arith.mulf %mul3A_718, %get3A_717 : vector<8x2048xf32>
    %gt3A_720 = arith.cmpf ogt, %mul3A_719, %select_n3A_712 : vector<8x2048xf32>
    %select_n3A_721 = arith.select %gt3A_720, %select_n3A_712, %mul3A_719 : vector<8x2048xi1>, vector<8x2048xf32>
    %max3A_722 = arith.maximumf %max3A_707, %select_n3A_721 : vector<8x2048xf32>
    %add3A_723 = arith.constant 40 : i32
    %add3A_724 = vector.broadcast %add3A_723 : i32 to vector<8x2048xi32>
    %add3A_725 = arith.addi %iota3A, %add3A_724 : vector<8x2048xi32>
    %select_n3A_726 = arith.select %gt3A_720, %add3A_725, %select_n3A_711 : vector<8x2048xi1>, vector<8x2048xi32>
    %select_n3A_727 = arith.select %gt3A_720, %mul3A_719, %select_n3A_712 : vector<8x2048xi1>, vector<8x2048xf32>
    %get3A_728 = arith.constant 4 : index
    %get3A_729 = arith.constant 48 : index
    %get3A_730 = arith.constant 0 : index
    %get3A_731 = vector.load %arg2[%get3A_728, %get3A_729, %get3A_730] : memref<8x64x2048xf32, #tpu.memory_space<vmem>>, vector<1x8x2048xf32>
    %get3A_732 = vector.shape_cast %get3A_731 : vector<1x8x2048xf32> to vector<8x2048xf32>
    %mul3A_733 = vector.broadcast %broadcast_in_dim3A_643 : vector<1x2048xf32> to vector<8x2048xf32>
    %mul3A_734 = arith.mulf %mul3A_733, %get3A_732 : vector<8x2048xf32>
    %gt3A_735 = arith.cmpf ogt, %mul3A_734, %select_n3A_727 : vector<8x2048xf32>
    %select_n3A_736 = arith.select %gt3A_735, %select_n3A_727, %mul3A_734 : vector<8x2048xi1>, vector<8x2048xf32>
    %max3A_737 = arith.maximumf %max3A_722, %select_n3A_736 : vector<8x2048xf32>
    %add3A_738 = arith.constant 48 : i32
    %add3A_739 = vector.broadcast %add3A_738 : i32 to vector<8x2048xi32>
    %add3A_740 = arith.addi %iota3A, %add3A_739 : vector<8x2048xi32>
    %select_n3A_741 = arith.select %gt3A_735, %add3A_740, %select_n3A_726 : vector<8x2048xi1>, vector<8x2048xi32>
    %select_n3A_742 = arith.select %gt3A_735, %mul3A_734, %select_n3A_727 : vector<8x2048xi1>, vector<8x2048xf32>
    %get3A_743 = arith.constant 4 : index
    %get3A_744 = arith.constant 56 : index
    %get3A_745 = arith.constant 0 : index
    %get3A_746 = vector.load %arg2[%get3A_743, %get3A_744, %get3A_745] : memref<8x64x2048xf32, #tpu.memory_space<vmem>>, vector<1x8x2048xf32>
    %get3A_747 = vector.shape_cast %get3A_746 : vector<1x8x2048xf32> to vector<8x2048xf32>
    %mul3A_748 = vector.broadcast %broadcast_in_dim3A_643 : vector<1x2048xf32> to vector<8x2048xf32>
    %mul3A_749 = arith.mulf %mul3A_748, %get3A_747 : vector<8x2048xf32>
    %gt3A_750 = arith.cmpf ogt, %mul3A_749, %select_n3A_742 : vector<8x2048xf32>
    %select_n3A_751 = arith.select %gt3A_750, %select_n3A_742, %mul3A_749 : vector<8x2048xi1>, vector<8x2048xf32>
    %max3A_752 = arith.maximumf %max3A_737, %select_n3A_751 : vector<8x2048xf32>
    %add3A_753 = arith.constant 56 : i32
    %add3A_754 = vector.broadcast %add3A_753 : i32 to vector<8x2048xi32>
    %add3A_755 = arith.addi %iota3A, %add3A_754 : vector<8x2048xi32>
    %select_n3A_756 = arith.select %gt3A_750, %add3A_755, %select_n3A_741 : vector<8x2048xi1>, vector<8x2048xi32>
    %select_n3A_757 = arith.select %gt3A_750, %mul3A_749, %select_n3A_742 : vector<8x2048xi1>, vector<8x2048xf32>
    %reduce_max3A_758 = arith.constant dense<0xFF800000> : vector<2048xf32>
    %reduce_max3A_759 = vector.multi_reduction <maximumf>, %select_n3A_757, %reduce_max3A_758 [0] : vector<8x2048xf32> to vector<2048xf32>
    %broadcast_in_dim3A_760 = vector.shape_cast %reduce_max3A_759 : vector<2048xf32> to vector<1x2048xf32>
    %eq3A_761 = vector.broadcast %broadcast_in_dim3A_760 : vector<1x2048xf32> to vector<8x2048xf32>
    %eq3A_762 = arith.cmpf oeq, %select_n3A_757, %eq3A_761 : vector<8x2048xf32>
    %jit3A_763 = arith.constant 2147483647 : i32
    %broadcast_in_dim3A_764 = vector.broadcast %jit3A_763 : i32 to vector<8x2048xi32>
    %select_n3A_765 = arith.select %eq3A_762, %select_n3A_756, %broadcast_in_dim3A_764 : vector<8x2048xi1>, vector<8x2048xi32>
    %reduce_min3A_766 = arith.constant dense<2147483647> : vector<2048xi32>
    %reduce_min3A_767 = vector.multi_reduction <minsi>, %select_n3A_765, %reduce_min3A_766 [0] : vector<8x2048xi32> to vector<2048xi32>
    %broadcast_in_dim3A_768 = vector.shape_cast %reduce_max3A_759 : vector<2048xf32> to vector<1x2048xf32>
    %eq3A_769 = vector.broadcast %broadcast_in_dim3A_768 : vector<1x2048xf32> to vector<8x2048xf32>
    %eq3A_770 = arith.cmpf oeq, %select_n3A_757, %eq3A_769 : vector<8x2048xf32>
    %broadcast_in_dim3A_771 = vector.shape_cast %reduce_min3A_767 : vector<2048xi32> to vector<1x2048xi32>
    %eq3A_772 = vector.broadcast %broadcast_in_dim3A_771 : vector<1x2048xi32> to vector<8x2048xi32>
    %eq3A_773 = arith.cmpi eq, %select_n3A_756, %eq3A_772 : vector<8x2048xi32>
    %and3A_774 = arith.andi %eq3A_770, %eq3A_773 : vector<8x2048xi1>
    %jit3A_775 = arith.constant 0xFF800000 : f32
    %broadcast_in_dim3A_776 = vector.broadcast %jit3A_775 : f32 to vector<8x2048xf32>
    %select_n3A_777 = arith.select %and3A_774, %broadcast_in_dim3A_776, %select_n3A_757 : vector<8x2048xi1>, vector<8x2048xf32>
    %reduce_max3A_778 = arith.constant dense<0xFF800000> : vector<2048xf32>
    %reduce_max3A_779 = vector.multi_reduction <maximumf>, %select_n3A_777, %reduce_max3A_778 [0] : vector<8x2048xf32> to vector<2048xf32>
    %reduce_max3A_780 = arith.constant dense<0xFF800000> : vector<2048xf32>
    %reduce_max3A_781 = vector.multi_reduction <maximumf>, %max3A_752, %reduce_max3A_780 [0] : vector<8x2048xf32> to vector<2048xf32>
    %max3A_782 = arith.maximumf %reduce_max3A_779, %reduce_max3A_781 : vector<2048xf32>
    %mul3A_783 = vector.broadcast %get3A_2 : f32 to vector<2048xf32>
    %mul3A_784 = arith.mulf %mul3A_783, %reduce_max3A_759 : vector<2048xf32>
    %mul3A_785 = vector.broadcast %get3A_6 : f32 to vector<2048xf32>
    %mul3A_786 = arith.mulf %mul3A_785, %max3A_782 : vector<2048xf32>
    %add3A_787 = arith.addf %mul3A_784, %mul3A_786 : vector<2048xf32>
    %swap3A_788 = arith.constant 2 : index
    %swap3A_789 = arith.constant 0 : index
    %swap3A_790 = arith.constant 0 : index
    %swap3A_791 = vector.load %arg4[%swap3A_788, %swap3A_789, %swap3A_790] : memref<4x2x2048xf32, #tpu.memory_space<vmem>>, vector<1x1x2048xf32>
    %swap3A_792 = vector.shape_cast %swap3A_791 : vector<1x1x2048xf32> to vector<2048xf32>
    %swap3A_793 = vector.shape_cast %add3A_787 : vector<2048xf32> to vector<1x1x2048xf32>
    tpu.vector_store %arg4[%swap3A_788, %swap3A_789, %swap3A_790], %swap3A_793 {strides = array<i32>} : memref<4x2x2048xf32, #tpu.memory_space<vmem>>, vector<1x1x2048xf32>,
    %swap3A_794 = arith.constant 2 : index
    %swap3A_795 = arith.constant 0 : index
    %swap3A_796 = arith.constant 0 : index
    %swap3A_797 = vector.load %arg5[%swap3A_794, %swap3A_795, %swap3A_796] : memref<4x2x2048xi32, #tpu.memory_space<vmem>>, vector<1x1x2048xi32>
    %swap3A_798 = vector.shape_cast %swap3A_797 : vector<1x1x2048xi32> to vector<2048xi32>
    %swap3A_799 = vector.shape_cast %reduce_min3A_767 : vector<2048xi32> to vector<1x1x2048xi32>
    tpu.vector_store %arg5[%swap3A_794, %swap3A_795, %swap3A_796], %swap3A_799 {strides = array<i32>} : memref<4x2x2048xi32, #tpu.memory_space<vmem>>, vector<1x1x2048xi32>,
    %get3A_800 = arith.constant 2 : index
    %get3A_801 = arith.constant 0 : index
    %get3A_802 = vector.load %arg1[%get3A_800, %get3A_801] : memref<4x2048xf32, #tpu.memory_space<vmem>>, vector<1x2048xf32>
    %get3A_803 = vector.shape_cast %get3A_802 : vector<1x2048xf32> to vector<2048xf32>
    %broadcast_in_dim3A_804 = vector.shape_cast %get3A_803 : vector<2048xf32> to vector<1x2048xf32>
    %get3A_805 = arith.constant 5 : index
    %get3A_806 = arith.constant 0 : index
    %get3A_807 = arith.constant 0 : index
    %get3A_808 = vector.load %arg2[%get3A_805, %get3A_806, %get3A_807] : memref<8x64x2048xf32, #tpu.memory_space<vmem>>, vector<1x8x2048xf32>
    %get3A_809 = vector.shape_cast %get3A_808 : vector<1x8x2048xf32> to vector<8x2048xf32>
    %mul3A_810 = vector.broadcast %broadcast_in_dim3A_804 : vector<1x2048xf32> to vector<8x2048xf32>
    %mul3A_811 = arith.mulf %mul3A_810, %get3A_809 : vector<8x2048xf32>
    %broadcast_in_dim3A_812 = arith.constant 0xFF800000 : f32
    %broadcast_in_dim3A_813 = vector.broadcast %broadcast_in_dim3A_812 : f32 to vector<8x2048xf32>
    %get3A_814 = arith.constant 5 : index
    %get3A_815 = arith.constant 8 : index
    %get3A_816 = arith.constant 0 : index
    %get3A_817 = vector.load %arg2[%get3A_814, %get3A_815, %get3A_816] : memref<8x64x2048xf32, #tpu.memory_space<vmem>>, vector<1x8x2048xf32>
    %get3A_818 = vector.shape_cast %get3A_817 : vector<1x8x2048xf32> to vector<8x2048xf32>
    %mul3A_819 = vector.broadcast %broadcast_in_dim3A_804 : vector<1x2048xf32> to vector<8x2048xf32>
    %mul3A_820 = arith.mulf %mul3A_819, %get3A_818 : vector<8x2048xf32>
    %gt3A_821 = arith.cmpf ogt, %mul3A_820, %mul3A_811 : vector<8x2048xf32>
    %select_n3A_822 = arith.select %gt3A_821, %mul3A_811, %mul3A_820 : vector<8x2048xi1>, vector<8x2048xf32>
    %max3A_823 = arith.maximumf %broadcast_in_dim3A_813, %select_n3A_822 : vector<8x2048xf32>
    %add3A_824 = arith.constant 8 : i32
    %add3A_825 = vector.broadcast %add3A_824 : i32 to vector<8x2048xi32>
    %add3A_826 = arith.addi %iota3A, %add3A_825 : vector<8x2048xi32>
    %select_n3A_827 = arith.select %gt3A_821, %add3A_826, %iota3A : vector<8x2048xi1>, vector<8x2048xi32>
    %select_n3A_828 = arith.select %gt3A_821, %mul3A_820, %mul3A_811 : vector<8x2048xi1>, vector<8x2048xf32>
    %get3A_829 = arith.constant 5 : index
    %get3A_830 = arith.constant 16 : index
    %get3A_831 = arith.constant 0 : index
    %get3A_832 = vector.load %arg2[%get3A_829, %get3A_830, %get3A_831] : memref<8x64x2048xf32, #tpu.memory_space<vmem>>, vector<1x8x2048xf32>
    %get3A_833 = vector.shape_cast %get3A_832 : vector<1x8x2048xf32> to vector<8x2048xf32>
    %mul3A_834 = vector.broadcast %broadcast_in_dim3A_804 : vector<1x2048xf32> to vector<8x2048xf32>
    %mul3A_835 = arith.mulf %mul3A_834, %get3A_833 : vector<8x2048xf32>
    %gt3A_836 = arith.cmpf ogt, %mul3A_835, %select_n3A_828 : vector<8x2048xf32>
    %select_n3A_837 = arith.select %gt3A_836, %select_n3A_828, %mul3A_835 : vector<8x2048xi1>, vector<8x2048xf32>
    %max3A_838 = arith.maximumf %max3A_823, %select_n3A_837 : vector<8x2048xf32>
    %add3A_839 = arith.constant 16 : i32
    %add3A_840 = vector.broadcast %add3A_839 : i32 to vector<8x2048xi32>
    %add3A_841 = arith.addi %iota3A, %add3A_840 : vector<8x2048xi32>
    %select_n3A_842 = arith.select %gt3A_836, %add3A_841, %select_n3A_827 : vector<8x2048xi1>, vector<8x2048xi32>
    %select_n3A_843 = arith.select %gt3A_836, %mul3A_835, %select_n3A_828 : vector<8x2048xi1>, vector<8x2048xf32>
    %get3A_844 = arith.constant 5 : index
    %get3A_845 = arith.constant 24 : index
    %get3A_846 = arith.constant 0 : index
    %get3A_847 = vector.load %arg2[%get3A_844, %get3A_845, %get3A_846] : memref<8x64x2048xf32, #tpu.memory_space<vmem>>, vector<1x8x2048xf32>
    %get3A_848 = vector.shape_cast %get3A_847 : vector<1x8x2048xf32> to vector<8x2048xf32>
    %mul3A_849 = vector.broadcast %broadcast_in_dim3A_804 : vector<1x2048xf32> to vector<8x2048xf32>
    %mul3A_850 = arith.mulf %mul3A_849, %get3A_848 : vector<8x2048xf32>
    %gt3A_851 = arith.cmpf ogt, %mul3A_850, %select_n3A_843 : vector<8x2048xf32>
    %select_n3A_852 = arith.select %gt3A_851, %select_n3A_843, %mul3A_850 : vector<8x2048xi1>, vector<8x2048xf32>
    %max3A_853 = arith.maximumf %max3A_838, %select_n3A_852 : vector<8x2048xf32>
    %add3A_854 = arith.constant 24 : i32
    %add3A_855 = vector.broadcast %add3A_854 : i32 to vector<8x2048xi32>
    %add3A_856 = arith.addi %iota3A, %add3A_855 : vector<8x2048xi32>
    %select_n3A_857 = arith.select %gt3A_851, %add3A_856, %select_n3A_842 : vector<8x2048xi1>, vector<8x2048xi32>
    %select_n3A_858 = arith.select %gt3A_851, %mul3A_850, %select_n3A_843 : vector<8x2048xi1>, vector<8x2048xf32>
    %get3A_859 = arith.constant 5 : index
    %get3A_860 = arith.constant 32 : index
    %get3A_861 = arith.constant 0 : index
    %get3A_862 = vector.load %arg2[%get3A_859, %get3A_860, %get3A_861] : memref<8x64x2048xf32, #tpu.memory_space<vmem>>, vector<1x8x2048xf32>
    %get3A_863 = vector.shape_cast %get3A_862 : vector<1x8x2048xf32> to vector<8x2048xf32>
    %mul3A_864 = vector.broadcast %broadcast_in_dim3A_804 : vector<1x2048xf32> to vector<8x2048xf32>
    %mul3A_865 = arith.mulf %mul3A_864, %get3A_863 : vector<8x2048xf32>
    %gt3A_866 = arith.cmpf ogt, %mul3A_865, %select_n3A_858 : vector<8x2048xf32>
    %select_n3A_867 = arith.select %gt3A_866, %select_n3A_858, %mul3A_865 : vector<8x2048xi1>, vector<8x2048xf32>
    %max3A_868 = arith.maximumf %max3A_853, %select_n3A_867 : vector<8x2048xf32>
    %add3A_869 = arith.constant 32 : i32
    %add3A_870 = vector.broadcast %add3A_869 : i32 to vector<8x2048xi32>
    %add3A_871 = arith.addi %iota3A, %add3A_870 : vector<8x2048xi32>
    %select_n3A_872 = arith.select %gt3A_866, %add3A_871, %select_n3A_857 : vector<8x2048xi1>, vector<8x2048xi32>
    %select_n3A_873 = arith.select %gt3A_866, %mul3A_865, %select_n3A_858 : vector<8x2048xi1>, vector<8x2048xf32>
    %get3A_874 = arith.constant 5 : index
    %get3A_875 = arith.constant 40 : index
    %get3A_876 = arith.constant 0 : index
    %get3A_877 = vector.load %arg2[%get3A_874, %get3A_875, %get3A_876] : memref<8x64x2048xf32, #tpu.memory_space<vmem>>, vector<1x8x2048xf32>
    %get3A_878 = vector.shape_cast %get3A_877 : vector<1x8x2048xf32> to vector<8x2048xf32>
    %mul3A_879 = vector.broadcast %broadcast_in_dim3A_804 : vector<1x2048xf32> to vector<8x2048xf32>
    %mul3A_880 = arith.mulf %mul3A_879, %get3A_878 : vector<8x2048xf32>
    %gt3A_881 = arith.cmpf ogt, %mul3A_880, %select_n3A_873 : vector<8x2048xf32>
    %select_n3A_882 = arith.select %gt3A_881, %select_n3A_873, %mul3A_880 : vector<8x2048xi1>, vector<8x2048xf32>
    %max3A_883 = arith.maximumf %max3A_868, %select_n3A_882 : vector<8x2048xf32>
    %add3A_884 = arith.constant 40 : i32
    %add3A_885 = vector.broadcast %add3A_884 : i32 to vector<8x2048xi32>
    %add3A_886 = arith.addi %iota3A, %add3A_885 : vector<8x2048xi32>
    %select_n3A_887 = arith.select %gt3A_881, %add3A_886, %select_n3A_872 : vector<8x2048xi1>, vector<8x2048xi32>
    %select_n3A_888 = arith.select %gt3A_881, %mul3A_880, %select_n3A_873 : vector<8x2048xi1>, vector<8x2048xf32>
    %get3A_889 = arith.constant 5 : index
    %get3A_890 = arith.constant 48 : index
    %get3A_891 = arith.constant 0 : index
    %get3A_892 = vector.load %arg2[%get3A_889, %get3A_890, %get3A_891] : memref<8x64x2048xf32, #tpu.memory_space<vmem>>, vector<1x8x2048xf32>
    %get3A_893 = vector.shape_cast %get3A_892 : vector<1x8x2048xf32> to vector<8x2048xf32>
    %mul3A_894 = vector.broadcast %broadcast_in_dim3A_804 : vector<1x2048xf32> to vector<8x2048xf32>
    %mul3A_895 = arith.mulf %mul3A_894, %get3A_893 : vector<8x2048xf32>
    %gt3A_896 = arith.cmpf ogt, %mul3A_895, %select_n3A_888 : vector<8x2048xf32>
    %select_n3A_897 = arith.select %gt3A_896, %select_n3A_888, %mul3A_895 : vector<8x2048xi1>, vector<8x2048xf32>
    %max3A_898 = arith.maximumf %max3A_883, %select_n3A_897 : vector<8x2048xf32>
    %add3A_899 = arith.constant 48 : i32
    %add3A_900 = vector.broadcast %add3A_899 : i32 to vector<8x2048xi32>
    %add3A_901 = arith.addi %iota3A, %add3A_900 : vector<8x2048xi32>
    %select_n3A_902 = arith.select %gt3A_896, %add3A_901, %select_n3A_887 : vector<8x2048xi1>, vector<8x2048xi32>
    %select_n3A_903 = arith.select %gt3A_896, %mul3A_895, %select_n3A_888 : vector<8x2048xi1>, vector<8x2048xf32>
    %get3A_904 = arith.constant 5 : index
    %get3A_905 = arith.constant 56 : index
    %get3A_906 = arith.constant 0 : index
    %get3A_907 = vector.load %arg2[%get3A_904, %get3A_905, %get3A_906] : memref<8x64x2048xf32, #tpu.memory_space<vmem>>, vector<1x8x2048xf32>
    %get3A_908 = vector.shape_cast %get3A_907 : vector<1x8x2048xf32> to vector<8x2048xf32>
    %mul3A_909 = vector.broadcast %broadcast_in_dim3A_804 : vector<1x2048xf32> to vector<8x2048xf32>
    %mul3A_910 = arith.mulf %mul3A_909, %get3A_908 : vector<8x2048xf32>
    %gt3A_911 = arith.cmpf ogt, %mul3A_910, %select_n3A_903 : vector<8x2048xf32>
    %select_n3A_912 = arith.select %gt3A_911, %select_n3A_903, %mul3A_910 : vector<8x2048xi1>, vector<8x2048xf32>
    %max3A_913 = arith.maximumf %max3A_898, %select_n3A_912 : vector<8x2048xf32>
    %add3A_914 = arith.constant 56 : i32
    %add3A_915 = vector.broadcast %add3A_914 : i32 to vector<8x2048xi32>
    %add3A_916 = arith.addi %iota3A, %add3A_915 : vector<8x2048xi32>
    %select_n3A_917 = arith.select %gt3A_911, %add3A_916, %select_n3A_902 : vector<8x2048xi1>, vector<8x2048xi32>
    %select_n3A_918 = arith.select %gt3A_911, %mul3A_910, %select_n3A_903 : vector<8x2048xi1>, vector<8x2048xf32>
    %reduce_max3A_919 = arith.constant dense<0xFF800000> : vector<2048xf32>
    %reduce_max3A_920 = vector.multi_reduction <maximumf>, %select_n3A_918, %reduce_max3A_919 [0] : vector<8x2048xf32> to vector<2048xf32>
    %broadcast_in_dim3A_921 = vector.shape_cast %reduce_max3A_920 : vector<2048xf32> to vector<1x2048xf32>
    %eq3A_922 = vector.broadcast %broadcast_in_dim3A_921 : vector<1x2048xf32> to vector<8x2048xf32>
    %eq3A_923 = arith.cmpf oeq, %select_n3A_918, %eq3A_922 : vector<8x2048xf32>
    %jit3A_924 = arith.constant 2147483647 : i32
    %broadcast_in_dim3A_925 = vector.broadcast %jit3A_924 : i32 to vector<8x2048xi32>
    %select_n3A_926 = arith.select %eq3A_923, %select_n3A_917, %broadcast_in_dim3A_925 : vector<8x2048xi1>, vector<8x2048xi32>
    %reduce_min3A_927 = arith.constant dense<2147483647> : vector<2048xi32>
    %reduce_min3A_928 = vector.multi_reduction <minsi>, %select_n3A_926, %reduce_min3A_927 [0] : vector<8x2048xi32> to vector<2048xi32>
    %broadcast_in_dim3A_929 = vector.shape_cast %reduce_max3A_920 : vector<2048xf32> to vector<1x2048xf32>
    %eq3A_930 = vector.broadcast %broadcast_in_dim3A_929 : vector<1x2048xf32> to vector<8x2048xf32>
    %eq3A_931 = arith.cmpf oeq, %select_n3A_918, %eq3A_930 : vector<8x2048xf32>
    %broadcast_in_dim3A_932 = vector.shape_cast %reduce_min3A_928 : vector<2048xi32> to vector<1x2048xi32>
    %eq3A_933 = vector.broadcast %broadcast_in_dim3A_932 : vector<1x2048xi32> to vector<8x2048xi32>
    %eq3A_934 = arith.cmpi eq, %select_n3A_917, %eq3A_933 : vector<8x2048xi32>
    %and3A_935 = arith.andi %eq3A_931, %eq3A_934 : vector<8x2048xi1>
    %jit3A_936 = arith.constant 0xFF800000 : f32
    %broadcast_in_dim3A_937 = vector.broadcast %jit3A_936 : f32 to vector<8x2048xf32>
    %select_n3A_938 = arith.select %and3A_935, %broadcast_in_dim3A_937, %select_n3A_918 : vector<8x2048xi1>, vector<8x2048xf32>
    %reduce_max3A_939 = arith.constant dense<0xFF800000> : vector<2048xf32>
    %reduce_max3A_940 = vector.multi_reduction <maximumf>, %select_n3A_938, %reduce_max3A_939 [0] : vector<8x2048xf32> to vector<2048xf32>
    %reduce_max3A_941 = arith.constant dense<0xFF800000> : vector<2048xf32>
    %reduce_max3A_942 = vector.multi_reduction <maximumf>, %max3A_913, %reduce_max3A_941 [0] : vector<8x2048xf32> to vector<2048xf32>
    %max3A_943 = arith.maximumf %reduce_max3A_940, %reduce_max3A_942 : vector<2048xf32>
    %mul3A_944 = vector.broadcast %get3A_2 : f32 to vector<2048xf32>
    %mul3A_945 = arith.mulf %mul3A_944, %reduce_max3A_920 : vector<2048xf32>
    %mul3A_946 = vector.broadcast %get3A_6 : f32 to vector<2048xf32>
    %mul3A_947 = arith.mulf %mul3A_946, %max3A_943 : vector<2048xf32>
    %add3A_948 = arith.addf %mul3A_945, %mul3A_947 : vector<2048xf32>
    %swap3A_949 = arith.constant 2 : index
    %swap3A_950 = arith.constant 1 : index
    %swap3A_951 = arith.constant 0 : index
    %swap3A_952 = vector.load %arg4[%swap3A_949, %swap3A_950, %swap3A_951] : memref<4x2x2048xf32, #tpu.memory_space<vmem>>, vector<1x1x2048xf32>
    %swap3A_953 = vector.shape_cast %swap3A_952 : vector<1x1x2048xf32> to vector<2048xf32>
    %swap3A_954 = vector.shape_cast %add3A_948 : vector<2048xf32> to vector<1x1x2048xf32>
    tpu.vector_store %arg4[%swap3A_949, %swap3A_950, %swap3A_951], %swap3A_954 {strides = array<i32>} : memref<4x2x2048xf32, #tpu.memory_space<vmem>>, vector<1x1x2048xf32>,
    %swap3A_955 = arith.constant 2 : index
    %swap3A_956 = arith.constant 1 : index
    %swap3A_957 = arith.constant 0 : index
    %swap3A_958 = vector.load %arg5[%swap3A_955, %swap3A_956, %swap3A_957] : memref<4x2x2048xi32, #tpu.memory_space<vmem>>, vector<1x1x2048xi32>
    %swap3A_959 = vector.shape_cast %swap3A_958 : vector<1x1x2048xi32> to vector<2048xi32>
    %swap3A_960 = vector.shape_cast %reduce_min3A_928 : vector<2048xi32> to vector<1x1x2048xi32>
    tpu.vector_store %arg5[%swap3A_955, %swap3A_956, %swap3A_957], %swap3A_960 {strides = array<i32>} : memref<4x2x2048xi32, #tpu.memory_space<vmem>>, vector<1x1x2048xi32>,
    %get3A_961 = arith.constant 3 : index
    %get3A_962 = arith.constant 0 : index
    %get3A_963 = vector.load %arg1[%get3A_961, %get3A_962] : memref<4x2048xf32, #tpu.memory_space<vmem>>, vector<1x2048xf32>
    %get3A_964 = vector.shape_cast %get3A_963 : vector<1x2048xf32> to vector<2048xf32>
    %broadcast_in_dim3A_965 = vector.shape_cast %get3A_964 : vector<2048xf32> to vector<1x2048xf32>
    %get3A_966 = arith.constant 6 : index
    %get3A_967 = arith.constant 0 : index
    %get3A_968 = arith.constant 0 : index
    %get3A_969 = vector.load %arg2[%get3A_966, %get3A_967, %get3A_968] : memref<8x64x2048xf32, #tpu.memory_space<vmem>>, vector<1x8x2048xf32>
    %get3A_970 = vector.shape_cast %get3A_969 : vector<1x8x2048xf32> to vector<8x2048xf32>
    %mul3A_971 = vector.broadcast %broadcast_in_dim3A_965 : vector<1x2048xf32> to vector<8x2048xf32>
    %mul3A_972 = arith.mulf %mul3A_971, %get3A_970 : vector<8x2048xf32>
    %broadcast_in_dim3A_973 = arith.constant 0xFF800000 : f32
    %broadcast_in_dim3A_974 = vector.broadcast %broadcast_in_dim3A_973 : f32 to vector<8x2048xf32>
    %get3A_975 = arith.constant 6 : index
    %get3A_976 = arith.constant 8 : index
    %get3A_977 = arith.constant 0 : index
    %get3A_978 = vector.load %arg2[%get3A_975, %get3A_976, %get3A_977] : memref<8x64x2048xf32, #tpu.memory_space<vmem>>, vector<1x8x2048xf32>
    %get3A_979 = vector.shape_cast %get3A_978 : vector<1x8x2048xf32> to vector<8x2048xf32>
    %mul3A_980 = vector.broadcast %broadcast_in_dim3A_965 : vector<1x2048xf32> to vector<8x2048xf32>
    %mul3A_981 = arith.mulf %mul3A_980, %get3A_979 : vector<8x2048xf32>
    %gt3A_982 = arith.cmpf ogt, %mul3A_981, %mul3A_972 : vector<8x2048xf32>
    %select_n3A_983 = arith.select %gt3A_982, %mul3A_972, %mul3A_981 : vector<8x2048xi1>, vector<8x2048xf32>
    %max3A_984 = arith.maximumf %broadcast_in_dim3A_974, %select_n3A_983 : vector<8x2048xf32>
    %add3A_985 = arith.constant 8 : i32
    %add3A_986 = vector.broadcast %add3A_985 : i32 to vector<8x2048xi32>
    %add3A_987 = arith.addi %iota3A, %add3A_986 : vector<8x2048xi32>
    %select_n3A_988 = arith.select %gt3A_982, %add3A_987, %iota3A : vector<8x2048xi1>, vector<8x2048xi32>
    %select_n3A_989 = arith.select %gt3A_982, %mul3A_981, %mul3A_972 : vector<8x2048xi1>, vector<8x2048xf32>
    %get3A_990 = arith.constant 6 : index
    %get3A_991 = arith.constant 16 : index
    %get3A_992 = arith.constant 0 : index
    %get3A_993 = vector.load %arg2[%get3A_990, %get3A_991, %get3A_992] : memref<8x64x2048xf32, #tpu.memory_space<vmem>>, vector<1x8x2048xf32>
    %get3A_994 = vector.shape_cast %get3A_993 : vector<1x8x2048xf32> to vector<8x2048xf32>
    %mul3A_995 = vector.broadcast %broadcast_in_dim3A_965 : vector<1x2048xf32> to vector<8x2048xf32>
    %mul3A_996 = arith.mulf %mul3A_995, %get3A_994 : vector<8x2048xf32>
    %gt3A_997 = arith.cmpf ogt, %mul3A_996, %select_n3A_989 : vector<8x2048xf32>
    %select_n3A_998 = arith.select %gt3A_997, %select_n3A_989, %mul3A_996 : vector<8x2048xi1>, vector<8x2048xf32>
    %max3A_999 = arith.maximumf %max3A_984, %select_n3A_998 : vector<8x2048xf32>
    %add3A_1000 = arith.constant 16 : i32
    %add3A_1001 = vector.broadcast %add3A_1000 : i32 to vector<8x2048xi32>
    %add3A_1002 = arith.addi %iota3A, %add3A_1001 : vector<8x2048xi32>
    %select_n3A_1003 = arith.select %gt3A_997, %add3A_1002, %select_n3A_988 : vector<8x2048xi1>, vector<8x2048xi32>
    %select_n3A_1004 = arith.select %gt3A_997, %mul3A_996, %select_n3A_989 : vector<8x2048xi1>, vector<8x2048xf32>
    %get3A_1005 = arith.constant 6 : index
    %get3A_1006 = arith.constant 24 : index
    %get3A_1007 = arith.constant 0 : index
    %get3A_1008 = vector.load %arg2[%get3A_1005, %get3A_1006, %get3A_1007] : memref<8x64x2048xf32, #tpu.memory_space<vmem>>, vector<1x8x2048xf32>
    %get3A_1009 = vector.shape_cast %get3A_1008 : vector<1x8x2048xf32> to vector<8x2048xf32>
    %mul3A_1010 = vector.broadcast %broadcast_in_dim3A_965 : vector<1x2048xf32> to vector<8x2048xf32>
    %mul3A_1011 = arith.mulf %mul3A_1010, %get3A_1009 : vector<8x2048xf32>
    %gt3A_1012 = arith.cmpf ogt, %mul3A_1011, %select_n3A_1004 : vector<8x2048xf32>
    %select_n3A_1013 = arith.select %gt3A_1012, %select_n3A_1004, %mul3A_1011 : vector<8x2048xi1>, vector<8x2048xf32>
    %max3A_1014 = arith.maximumf %max3A_999, %select_n3A_1013 : vector<8x2048xf32>
    %add3A_1015 = arith.constant 24 : i32
    %add3A_1016 = vector.broadcast %add3A_1015 : i32 to vector<8x2048xi32>
    %add3A_1017 = arith.addi %iota3A, %add3A_1016 : vector<8x2048xi32>
    %select_n3A_1018 = arith.select %gt3A_1012, %add3A_1017, %select_n3A_1003 : vector<8x2048xi1>, vector<8x2048xi32>
    %select_n3A_1019 = arith.select %gt3A_1012, %mul3A_1011, %select_n3A_1004 : vector<8x2048xi1>, vector<8x2048xf32>
    %get3A_1020 = arith.constant 6 : index
    %get3A_1021 = arith.constant 32 : index
    %get3A_1022 = arith.constant 0 : index
    %get3A_1023 = vector.load %arg2[%get3A_1020, %get3A_1021, %get3A_1022] : memref<8x64x2048xf32, #tpu.memory_space<vmem>>, vector<1x8x2048xf32>
    %get3A_1024 = vector.shape_cast %get3A_1023 : vector<1x8x2048xf32> to vector<8x2048xf32>
    %mul3A_1025 = vector.broadcast %broadcast_in_dim3A_965 : vector<1x2048xf32> to vector<8x2048xf32>
    %mul3A_1026 = arith.mulf %mul3A_1025, %get3A_1024 : vector<8x2048xf32>
    %gt3A_1027 = arith.cmpf ogt, %mul3A_1026, %select_n3A_1019 : vector<8x2048xf32>
    %select_n3A_1028 = arith.select %gt3A_1027, %select_n3A_1019, %mul3A_1026 : vector<8x2048xi1>, vector<8x2048xf32>
    %max3A_1029 = arith.maximumf %max3A_1014, %select_n3A_1028 : vector<8x2048xf32>
    %add3A_1030 = arith.constant 32 : i32
    %add3A_1031 = vector.broadcast %add3A_1030 : i32 to vector<8x2048xi32>
    %add3A_1032 = arith.addi %iota3A, %add3A_1031 : vector<8x2048xi32>
    %select_n3A_1033 = arith.select %gt3A_1027, %add3A_1032, %select_n3A_1018 : vector<8x2048xi1>, vector<8x2048xi32>
    %select_n3A_1034 = arith.select %gt3A_1027, %mul3A_1026, %select_n3A_1019 : vector<8x2048xi1>, vector<8x2048xf32>
    %get3A_1035 = arith.constant 6 : index
    %get3A_1036 = arith.constant 40 : index
    %get3A_1037 = arith.constant 0 : index
    %get3A_1038 = vector.load %arg2[%get3A_1035, %get3A_1036, %get3A_1037] : memref<8x64x2048xf32, #tpu.memory_space<vmem>>, vector<1x8x2048xf32>
    %get3A_1039 = vector.shape_cast %get3A_1038 : vector<1x8x2048xf32> to vector<8x2048xf32>
    %mul3A_1040 = vector.broadcast %broadcast_in_dim3A_965 : vector<1x2048xf32> to vector<8x2048xf32>
    %mul3A_1041 = arith.mulf %mul3A_1040, %get3A_1039 : vector<8x2048xf32>
    %gt3A_1042 = arith.cmpf ogt, %mul3A_1041, %select_n3A_1034 : vector<8x2048xf32>
    %select_n3A_1043 = arith.select %gt3A_1042, %select_n3A_1034, %mul3A_1041 : vector<8x2048xi1>, vector<8x2048xf32>
    %max3A_1044 = arith.maximumf %max3A_1029, %select_n3A_1043 : vector<8x2048xf32>
    %add3A_1045 = arith.constant 40 : i32
    %add3A_1046 = vector.broadcast %add3A_1045 : i32 to vector<8x2048xi32>
    %add3A_1047 = arith.addi %iota3A, %add3A_1046 : vector<8x2048xi32>
    %select_n3A_1048 = arith.select %gt3A_1042, %add3A_1047, %select_n3A_1033 : vector<8x2048xi1>, vector<8x2048xi32>
    %select_n3A_1049 = arith.select %gt3A_1042, %mul3A_1041, %select_n3A_1034 : vector<8x2048xi1>, vector<8x2048xf32>
    %get3A_1050 = arith.constant 6 : index
    %get3A_1051 = arith.constant 48 : index
    %get3A_1052 = arith.constant 0 : index
    %get3A_1053 = vector.load %arg2[%get3A_1050, %get3A_1051, %get3A_1052] : memref<8x64x2048xf32, #tpu.memory_space<vmem>>, vector<1x8x2048xf32>
    %get3A_1054 = vector.shape_cast %get3A_1053 : vector<1x8x2048xf32> to vector<8x2048xf32>
    %mul3A_1055 = vector.broadcast %broadcast_in_dim3A_965 : vector<1x2048xf32> to vector<8x2048xf32>
    %mul3A_1056 = arith.mulf %mul3A_1055, %get3A_1054 : vector<8x2048xf32>
    %gt3A_1057 = arith.cmpf ogt, %mul3A_1056, %select_n3A_1049 : vector<8x2048xf32>
    %select_n3A_1058 = arith.select %gt3A_1057, %select_n3A_1049, %mul3A_1056 : vector<8x2048xi1>, vector<8x2048xf32>
    %max3A_1059 = arith.maximumf %max3A_1044, %select_n3A_1058 : vector<8x2048xf32>
    %add3A_1060 = arith.constant 48 : i32
    %add3A_1061 = vector.broadcast %add3A_1060 : i32 to vector<8x2048xi32>
    %add3A_1062 = arith.addi %iota3A, %add3A_1061 : vector<8x2048xi32>
    %select_n3A_1063 = arith.select %gt3A_1057, %add3A_1062, %select_n3A_1048 : vector<8x2048xi1>, vector<8x2048xi32>
    %select_n3A_1064 = arith.select %gt3A_1057, %mul3A_1056, %select_n3A_1049 : vector<8x2048xi1>, vector<8x2048xf32>
    %get3A_1065 = arith.constant 6 : index
    %get3A_1066 = arith.constant 56 : index
    %get3A_1067 = arith.constant 0 : index
    %get3A_1068 = vector.load %arg2[%get3A_1065, %get3A_1066, %get3A_1067] : memref<8x64x2048xf32, #tpu.memory_space<vmem>>, vector<1x8x2048xf32>
    %get3A_1069 = vector.shape_cast %get3A_1068 : vector<1x8x2048xf32> to vector<8x2048xf32>
    %mul3A_1070 = vector.broadcast %broadcast_in_dim3A_965 : vector<1x2048xf32> to vector<8x2048xf32>
    %mul3A_1071 = arith.mulf %mul3A_1070, %get3A_1069 : vector<8x2048xf32>
    %gt3A_1072 = arith.cmpf ogt, %mul3A_1071, %select_n3A_1064 : vector<8x2048xf32>
    %select_n3A_1073 = arith.select %gt3A_1072, %select_n3A_1064, %mul3A_1071 : vector<8x2048xi1>, vector<8x2048xf32>
    %max3A_1074 = arith.maximumf %max3A_1059, %select_n3A_1073 : vector<8x2048xf32>
    %add3A_1075 = arith.constant 56 : i32
    %add3A_1076 = vector.broadcast %add3A_1075 : i32 to vector<8x2048xi32>
    %add3A_1077 = arith.addi %iota3A, %add3A_1076 : vector<8x2048xi32>
    %select_n3A_1078 = arith.select %gt3A_1072, %add3A_1077, %select_n3A_1063 : vector<8x2048xi1>, vector<8x2048xi32>
    %select_n3A_1079 = arith.select %gt3A_1072, %mul3A_1071, %select_n3A_1064 : vector<8x2048xi1>, vector<8x2048xf32>
    %reduce_max3A_1080 = arith.constant dense<0xFF800000> : vector<2048xf32>
    %reduce_max3A_1081 = vector.multi_reduction <maximumf>, %select_n3A_1079, %reduce_max3A_1080 [0] : vector<8x2048xf32> to vector<2048xf32>
    %broadcast_in_dim3A_1082 = vector.shape_cast %reduce_max3A_1081 : vector<2048xf32> to vector<1x2048xf32>
    %eq3A_1083 = vector.broadcast %broadcast_in_dim3A_1082 : vector<1x2048xf32> to vector<8x2048xf32>
    %eq3A_1084 = arith.cmpf oeq, %select_n3A_1079, %eq3A_1083 : vector<8x2048xf32>
    %jit3A_1085 = arith.constant 2147483647 : i32
    %broadcast_in_dim3A_1086 = vector.broadcast %jit3A_1085 : i32 to vector<8x2048xi32>
    %select_n3A_1087 = arith.select %eq3A_1084, %select_n3A_1078, %broadcast_in_dim3A_1086 : vector<8x2048xi1>, vector<8x2048xi32>
    %reduce_min3A_1088 = arith.constant dense<2147483647> : vector<2048xi32>
    %reduce_min3A_1089 = vector.multi_reduction <minsi>, %select_n3A_1087, %reduce_min3A_1088 [0] : vector<8x2048xi32> to vector<2048xi32>
    %broadcast_in_dim3A_1090 = vector.shape_cast %reduce_max3A_1081 : vector<2048xf32> to vector<1x2048xf32>
    %eq3A_1091 = vector.broadcast %broadcast_in_dim3A_1090 : vector<1x2048xf32> to vector<8x2048xf32>
    %eq3A_1092 = arith.cmpf oeq, %select_n3A_1079, %eq3A_1091 : vector<8x2048xf32>
    %broadcast_in_dim3A_1093 = vector.shape_cast %reduce_min3A_1089 : vector<2048xi32> to vector<1x2048xi32>
    %eq3A_1094 = vector.broadcast %broadcast_in_dim3A_1093 : vector<1x2048xi32> to vector<8x2048xi32>
    %eq3A_1095 = arith.cmpi eq, %select_n3A_1078, %eq3A_1094 : vector<8x2048xi32>
    %and3A_1096 = arith.andi %eq3A_1092, %eq3A_1095 : vector<8x2048xi1>
    %jit3A_1097 = arith.constant 0xFF800000 : f32
    %broadcast_in_dim3A_1098 = vector.broadcast %jit3A_1097 : f32 to vector<8x2048xf32>
    %select_n3A_1099 = arith.select %and3A_1096, %broadcast_in_dim3A_1098, %select_n3A_1079 : vector<8x2048xi1>, vector<8x2048xf32>
    %reduce_max3A_1100 = arith.constant dense<0xFF800000> : vector<2048xf32>
    %reduce_max3A_1101 = vector.multi_reduction <maximumf>, %select_n3A_1099, %reduce_max3A_1100 [0] : vector<8x2048xf32> to vector<2048xf32>
    %reduce_max3A_1102 = arith.constant dense<0xFF800000> : vector<2048xf32>
    %reduce_max3A_1103 = vector.multi_reduction <maximumf>, %max3A_1074, %reduce_max3A_1102 [0] : vector<8x2048xf32> to vector<2048xf32>
    %max3A_1104 = arith.maximumf %reduce_max3A_1101, %reduce_max3A_1103 : vector<2048xf32>
    %mul3A_1105 = vector.broadcast %get3A_2 : f32 to vector<2048xf32>
    %mul3A_1106 = arith.mulf %mul3A_1105, %reduce_max3A_1081 : vector<2048xf32>
    %mul3A_1107 = vector.broadcast %get3A_6 : f32 to vector<2048xf32>
    %mul3A_1108 = arith.mulf %mul3A_1107, %max3A_1104 : vector<2048xf32>
    %add3A_1109 = arith.addf %mul3A_1106, %mul3A_1108 : vector<2048xf32>
    %swap3A_1110 = arith.constant 3 : index
    %swap3A_1111 = arith.constant 0 : index
    %swap3A_1112 = arith.constant 0 : index
    %swap3A_1113 = vector.load %arg4[%swap3A_1110, %swap3A_1111, %swap3A_1112] : memref<4x2x2048xf32, #tpu.memory_space<vmem>>, vector<1x1x2048xf32>
    %swap3A_1114 = vector.shape_cast %swap3A_1113 : vector<1x1x2048xf32> to vector<2048xf32>
    %swap3A_1115 = vector.shape_cast %add3A_1109 : vector<2048xf32> to vector<1x1x2048xf32>
    tpu.vector_store %arg4[%swap3A_1110, %swap3A_1111, %swap3A_1112], %swap3A_1115 {strides = array<i32>} : memref<4x2x2048xf32, #tpu.memory_space<vmem>>, vector<1x1x2048xf32>,
    %swap3A_1116 = arith.constant 3 : index
    %swap3A_1117 = arith.constant 0 : index
    %swap3A_1118 = arith.constant 0 : index
    %swap3A_1119 = vector.load %arg5[%swap3A_1116, %swap3A_1117, %swap3A_1118] : memref<4x2x2048xi32, #tpu.memory_space<vmem>>, vector<1x1x2048xi32>
    %swap3A_1120 = vector.shape_cast %swap3A_1119 : vector<1x1x2048xi32> to vector<2048xi32>
    %swap3A_1121 = vector.shape_cast %reduce_min3A_1089 : vector<2048xi32> to vector<1x1x2048xi32>
    tpu.vector_store %arg5[%swap3A_1116, %swap3A_1117, %swap3A_1118], %swap3A_1121 {strides = array<i32>} : memref<4x2x2048xi32, #tpu.memory_space<vmem>>, vector<1x1x2048xi32>,
    %get3A_1122 = arith.constant 3 : index
    %get3A_1123 = arith.constant 0 : index
    %get3A_1124 = vector.load %arg1[%get3A_1122, %get3A_1123] : memref<4x2048xf32, #tpu.memory_space<vmem>>, vector<1x2048xf32>
    %get3A_1125 = vector.shape_cast %get3A_1124 : vector<1x2048xf32> to vector<2048xf32>
    %broadcast_in_dim3A_1126 = vector.shape_cast %get3A_1125 : vector<2048xf32> to vector<1x2048xf32>
    %get3A_1127 = arith.constant 7 : index
    %get3A_1128 = arith.constant 0 : index
    %get3A_1129 = arith.constant 0 : index
    %get3A_1130 = vector.load %arg2[%get3A_1127, %get3A_1128, %get3A_1129] : memref<8x64x2048xf32, #tpu.memory_space<vmem>>, vector<1x8x2048xf32>
    %get3A_1131 = vector.shape_cast %get3A_1130 : vector<1x8x2048xf32> to vector<8x2048xf32>
    %mul3A_1132 = vector.broadcast %broadcast_in_dim3A_1126 : vector<1x2048xf32> to vector<8x2048xf32>
    %mul3A_1133 = arith.mulf %mul3A_1132, %get3A_1131 : vector<8x2048xf32>
    %broadcast_in_dim3A_1134 = arith.constant 0xFF800000 : f32
    %broadcast_in_dim3A_1135 = vector.broadcast %broadcast_in_dim3A_1134 : f32 to vector<8x2048xf32>
    %get3A_1136 = arith.constant 7 : index
    %get3A_1137 = arith.constant 8 : index
    %get3A_1138 = arith.constant 0 : index
    %get3A_1139 = vector.load %arg2[%get3A_1136, %get3A_1137, %get3A_1138] : memref<8x64x2048xf32, #tpu.memory_space<vmem>>, vector<1x8x2048xf32>
    %get3A_1140 = vector.shape_cast %get3A_1139 : vector<1x8x2048xf32> to vector<8x2048xf32>
    %mul3A_1141 = vector.broadcast %broadcast_in_dim3A_1126 : vector<1x2048xf32> to vector<8x2048xf32>
    %mul3A_1142 = arith.mulf %mul3A_1141, %get3A_1140 : vector<8x2048xf32>
    %gt3A_1143 = arith.cmpf ogt, %mul3A_1142, %mul3A_1133 : vector<8x2048xf32>
    %select_n3A_1144 = arith.select %gt3A_1143, %mul3A_1133, %mul3A_1142 : vector<8x2048xi1>, vector<8x2048xf32>
    %max3A_1145 = arith.maximumf %broadcast_in_dim3A_1135, %select_n3A_1144 : vector<8x2048xf32>
    %add3A_1146 = arith.constant 8 : i32
    %add3A_1147 = vector.broadcast %add3A_1146 : i32 to vector<8x2048xi32>
    %add3A_1148 = arith.addi %iota3A, %add3A_1147 : vector<8x2048xi32>
    %select_n3A_1149 = arith.select %gt3A_1143, %add3A_1148, %iota3A : vector<8x2048xi1>, vector<8x2048xi32>
    %select_n3A_1150 = arith.select %gt3A_1143, %mul3A_1142, %mul3A_1133 : vector<8x2048xi1>, vector<8x2048xf32>
    %get3A_1151 = arith.constant 7 : index
    %get3A_1152 = arith.constant 16 : index
    %get3A_1153 = arith.constant 0 : index
    %get3A_1154 = vector.load %arg2[%get3A_1151, %get3A_1152, %get3A_1153] : memref<8x64x2048xf32, #tpu.memory_space<vmem>>, vector<1x8x2048xf32>
    %get3A_1155 = vector.shape_cast %get3A_1154 : vector<1x8x2048xf32> to vector<8x2048xf32>
    %mul3A_1156 = vector.broadcast %broadcast_in_dim3A_1126 : vector<1x2048xf32> to vector<8x2048xf32>
    %mul3A_1157 = arith.mulf %mul3A_1156, %get3A_1155 : vector<8x2048xf32>
    %gt3A_1158 = arith.cmpf ogt, %mul3A_1157, %select_n3A_1150 : vector<8x2048xf32>
    %select_n3A_1159 = arith.select %gt3A_1158, %select_n3A_1150, %mul3A_1157 : vector<8x2048xi1>, vector<8x2048xf32>
    %max3A_1160 = arith.maximumf %max3A_1145, %select_n3A_1159 : vector<8x2048xf32>
    %add3A_1161 = arith.constant 16 : i32
    %add3A_1162 = vector.broadcast %add3A_1161 : i32 to vector<8x2048xi32>
    %add3A_1163 = arith.addi %iota3A, %add3A_1162 : vector<8x2048xi32>
    %select_n3A_1164 = arith.select %gt3A_1158, %add3A_1163, %select_n3A_1149 : vector<8x2048xi1>, vector<8x2048xi32>
    %select_n3A_1165 = arith.select %gt3A_1158, %mul3A_1157, %select_n3A_1150 : vector<8x2048xi1>, vector<8x2048xf32>
    %get3A_1166 = arith.constant 7 : index
    %get3A_1167 = arith.constant 24 : index
    %get3A_1168 = arith.constant 0 : index
    %get3A_1169 = vector.load %arg2[%get3A_1166, %get3A_1167, %get3A_1168] : memref<8x64x2048xf32, #tpu.memory_space<vmem>>, vector<1x8x2048xf32>
    %get3A_1170 = vector.shape_cast %get3A_1169 : vector<1x8x2048xf32> to vector<8x2048xf32>
    %mul3A_1171 = vector.broadcast %broadcast_in_dim3A_1126 : vector<1x2048xf32> to vector<8x2048xf32>
    %mul3A_1172 = arith.mulf %mul3A_1171, %get3A_1170 : vector<8x2048xf32>
    %gt3A_1173 = arith.cmpf ogt, %mul3A_1172, %select_n3A_1165 : vector<8x2048xf32>
    %select_n3A_1174 = arith.select %gt3A_1173, %select_n3A_1165, %mul3A_1172 : vector<8x2048xi1>, vector<8x2048xf32>
    %max3A_1175 = arith.maximumf %max3A_1160, %select_n3A_1174 : vector<8x2048xf32>
    %add3A_1176 = arith.constant 24 : i32
    %add3A_1177 = vector.broadcast %add3A_1176 : i32 to vector<8x2048xi32>
    %add3A_1178 = arith.addi %iota3A, %add3A_1177 : vector<8x2048xi32>
    %select_n3A_1179 = arith.select %gt3A_1173, %add3A_1178, %select_n3A_1164 : vector<8x2048xi1>, vector<8x2048xi32>
    %select_n3A_1180 = arith.select %gt3A_1173, %mul3A_1172, %select_n3A_1165 : vector<8x2048xi1>, vector<8x2048xf32>
    %get3A_1181 = arith.constant 7 : index
    %get3A_1182 = arith.constant 32 : index
    %get3A_1183 = arith.constant 0 : index
    %get3A_1184 = vector.load %arg2[%get3A_1181, %get3A_1182, %get3A_1183] : memref<8x64x2048xf32, #tpu.memory_space<vmem>>, vector<1x8x2048xf32>
    %get3A_1185 = vector.shape_cast %get3A_1184 : vector<1x8x2048xf32> to vector<8x2048xf32>
    %mul3A_1186 = vector.broadcast %broadcast_in_dim3A_1126 : vector<1x2048xf32> to vector<8x2048xf32>
    %mul3A_1187 = arith.mulf %mul3A_1186, %get3A_1185 : vector<8x2048xf32>
    %gt3A_1188 = arith.cmpf ogt, %mul3A_1187, %select_n3A_1180 : vector<8x2048xf32>
    %select_n3A_1189 = arith.select %gt3A_1188, %select_n3A_1180, %mul3A_1187 : vector<8x2048xi1>, vector<8x2048xf32>
    %max3A_1190 = arith.maximumf %max3A_1175, %select_n3A_1189 : vector<8x2048xf32>
    %add3A_1191 = arith.constant 32 : i32
    %add3A_1192 = vector.broadcast %add3A_1191 : i32 to vector<8x2048xi32>
    %add3A_1193 = arith.addi %iota3A, %add3A_1192 : vector<8x2048xi32>
    %select_n3A_1194 = arith.select %gt3A_1188, %add3A_1193, %select_n3A_1179 : vector<8x2048xi1>, vector<8x2048xi32>
    %select_n3A_1195 = arith.select %gt3A_1188, %mul3A_1187, %select_n3A_1180 : vector<8x2048xi1>, vector<8x2048xf32>
    %get3A_1196 = arith.constant 7 : index
    %get3A_1197 = arith.constant 40 : index
    %get3A_1198 = arith.constant 0 : index
    %get3A_1199 = vector.load %arg2[%get3A_1196, %get3A_1197, %get3A_1198] : memref<8x64x2048xf32, #tpu.memory_space<vmem>>, vector<1x8x2048xf32>
    %get3A_1200 = vector.shape_cast %get3A_1199 : vector<1x8x2048xf32> to vector<8x2048xf32>
    %mul3A_1201 = vector.broadcast %broadcast_in_dim3A_1126 : vector<1x2048xf32> to vector<8x2048xf32>
    %mul3A_1202 = arith.mulf %mul3A_1201, %get3A_1200 : vector<8x2048xf32>
    %gt3A_1203 = arith.cmpf ogt, %mul3A_1202, %select_n3A_1195 : vector<8x2048xf32>
    %select_n3A_1204 = arith.select %gt3A_1203, %select_n3A_1195, %mul3A_1202 : vector<8x2048xi1>, vector<8x2048xf32>
    %max3A_1205 = arith.maximumf %max3A_1190, %select_n3A_1204 : vector<8x2048xf32>
    %add3A_1206 = arith.constant 40 : i32
    %add3A_1207 = vector.broadcast %add3A_1206 : i32 to vector<8x2048xi32>
    %add3A_1208 = arith.addi %iota3A, %add3A_1207 : vector<8x2048xi32>
    %select_n3A_1209 = arith.select %gt3A_1203, %add3A_1208, %select_n3A_1194 : vector<8x2048xi1>, vector<8x2048xi32>
    %select_n3A_1210 = arith.select %gt3A_1203, %mul3A_1202, %select_n3A_1195 : vector<8x2048xi1>, vector<8x2048xf32>
    %get3A_1211 = arith.constant 7 : index
    %get3A_1212 = arith.constant 48 : index
    %get3A_1213 = arith.constant 0 : index
    %get3A_1214 = vector.load %arg2[%get3A_1211, %get3A_1212, %get3A_1213] : memref<8x64x2048xf32, #tpu.memory_space<vmem>>, vector<1x8x2048xf32>
    %get3A_1215 = vector.shape_cast %get3A_1214 : vector<1x8x2048xf32> to vector<8x2048xf32>
    %mul3A_1216 = vector.broadcast %broadcast_in_dim3A_1126 : vector<1x2048xf32> to vector<8x2048xf32>
    %mul3A_1217 = arith.mulf %mul3A_1216, %get3A_1215 : vector<8x2048xf32>
    %gt3A_1218 = arith.cmpf ogt, %mul3A_1217, %select_n3A_1210 : vector<8x2048xf32>
    %select_n3A_1219 = arith.select %gt3A_1218, %select_n3A_1210, %mul3A_1217 : vector<8x2048xi1>, vector<8x2048xf32>
    %max3A_1220 = arith.maximumf %max3A_1205, %select_n3A_1219 : vector<8x2048xf32>
    %add3A_1221 = arith.constant 48 : i32
    %add3A_1222 = vector.broadcast %add3A_1221 : i32 to vector<8x2048xi32>
    %add3A_1223 = arith.addi %iota3A, %add3A_1222 : vector<8x2048xi32>
    %select_n3A_1224 = arith.select %gt3A_1218, %add3A_1223, %select_n3A_1209 : vector<8x2048xi1>, vector<8x2048xi32>
    %select_n3A_1225 = arith.select %gt3A_1218, %mul3A_1217, %select_n3A_1210 : vector<8x2048xi1>, vector<8x2048xf32>
    %get3A_1226 = arith.constant 7 : index
    %get3A_1227 = arith.constant 56 : index
    %get3A_1228 = arith.constant 0 : index
    %get3A_1229 = vector.load %arg2[%get3A_1226, %get3A_1227, %get3A_1228] : memref<8x64x2048xf32, #tpu.memory_space<vmem>>, vector<1x8x2048xf32>
    %get3A_1230 = vector.shape_cast %get3A_1229 : vector<1x8x2048xf32> to vector<8x2048xf32>
    %mul3A_1231 = vector.broadcast %broadcast_in_dim3A_1126 : vector<1x2048xf32> to vector<8x2048xf32>
    %mul3A_1232 = arith.mulf %mul3A_1231, %get3A_1230 : vector<8x2048xf32>
    %gt3A_1233 = arith.cmpf ogt, %mul3A_1232, %select_n3A_1225 : vector<8x2048xf32>
    %select_n3A_1234 = arith.select %gt3A_1233, %select_n3A_1225, %mul3A_1232 : vector<8x2048xi1>, vector<8x2048xf32>
    %max3A_1235 = arith.maximumf %max3A_1220, %select_n3A_1234 : vector<8x2048xf32>
    %add3A_1236 = arith.constant 56 : i32
    %add3A_1237 = vector.broadcast %add3A_1236 : i32 to vector<8x2048xi32>
    %add3A_1238 = arith.addi %iota3A, %add3A_1237 : vector<8x2048xi32>
    %select_n3A_1239 = arith.select %gt3A_1233, %add3A_1238, %select_n3A_1224 : vector<8x2048xi1>, vector<8x2048xi32>
    %select_n3A_1240 = arith.select %gt3A_1233, %mul3A_1232, %select_n3A_1225 : vector<8x2048xi1>, vector<8x2048xf32>
    %reduce_max3A_1241 = arith.constant dense<0xFF800000> : vector<2048xf32>
    %reduce_max3A_1242 = vector.multi_reduction <maximumf>, %select_n3A_1240, %reduce_max3A_1241 [0] : vector<8x2048xf32> to vector<2048xf32>
    %broadcast_in_dim3A_1243 = vector.shape_cast %reduce_max3A_1242 : vector<2048xf32> to vector<1x2048xf32>
    %eq3A_1244 = vector.broadcast %broadcast_in_dim3A_1243 : vector<1x2048xf32> to vector<8x2048xf32>
    %eq3A_1245 = arith.cmpf oeq, %select_n3A_1240, %eq3A_1244 : vector<8x2048xf32>
    %jit3A_1246 = arith.constant 2147483647 : i32
    %broadcast_in_dim3A_1247 = vector.broadcast %jit3A_1246 : i32 to vector<8x2048xi32>
    %select_n3A_1248 = arith.select %eq3A_1245, %select_n3A_1239, %broadcast_in_dim3A_1247 : vector<8x2048xi1>, vector<8x2048xi32>
    %reduce_min3A_1249 = arith.constant dense<2147483647> : vector<2048xi32>
    %reduce_min3A_1250 = vector.multi_reduction <minsi>, %select_n3A_1248, %reduce_min3A_1249 [0] : vector<8x2048xi32> to vector<2048xi32>
    %broadcast_in_dim3A_1251 = vector.shape_cast %reduce_max3A_1242 : vector<2048xf32> to vector<1x2048xf32>
    %eq3A_1252 = vector.broadcast %broadcast_in_dim3A_1251 : vector<1x2048xf32> to vector<8x2048xf32>
    %eq3A_1253 = arith.cmpf oeq, %select_n3A_1240, %eq3A_1252 : vector<8x2048xf32>
    %broadcast_in_dim3A_1254 = vector.shape_cast %reduce_min3A_1250 : vector<2048xi32> to vector<1x2048xi32>
    %eq3A_1255 = vector.broadcast %broadcast_in_dim3A_1254 : vector<1x2048xi32> to vector<8x2048xi32>
    %eq3A_1256 = arith.cmpi eq, %select_n3A_1239, %eq3A_1255 : vector<8x2048xi32>
    %and3A_1257 = arith.andi %eq3A_1253, %eq3A_1256 : vector<8x2048xi1>
    %jit3A_1258 = arith.constant 0xFF800000 : f32
    %broadcast_in_dim3A_1259 = vector.broadcast %jit3A_1258 : f32 to vector<8x2048xf32>
    %select_n3A_1260 = arith.select %and3A_1257, %broadcast_in_dim3A_1259, %select_n3A_1240 : vector<8x2048xi1>, vector<8x2048xf32>
    %reduce_max3A_1261 = arith.constant dense<0xFF800000> : vector<2048xf32>
    %reduce_max3A_1262 = vector.multi_reduction <maximumf>, %select_n3A_1260, %reduce_max3A_1261 [0] : vector<8x2048xf32> to vector<2048xf32>
    %reduce_max3A_1263 = arith.constant dense<0xFF800000> : vector<2048xf32>
    %reduce_max3A_1264 = vector.multi_reduction <maximumf>, %max3A_1235, %reduce_max3A_1263 [0] : vector<8x2048xf32> to vector<2048xf32>
    %max3A_1265 = arith.maximumf %reduce_max3A_1262, %reduce_max3A_1264 : vector<2048xf32>
    %mul3A_1266 = vector.broadcast %get3A_2 : f32 to vector<2048xf32>
    %mul3A_1267 = arith.mulf %mul3A_1266, %reduce_max3A_1242 : vector<2048xf32>
    %mul3A_1268 = vector.broadcast %get3A_6 : f32 to vector<2048xf32>
    %mul3A_1269 = arith.mulf %mul3A_1268, %max3A_1265 : vector<2048xf32>
    %add3A_1270 = arith.addf %mul3A_1267, %mul3A_1269 : vector<2048xf32>
    %swap3A_1271 = arith.constant 3 : index
    %swap3A_1272 = arith.constant 1 : index
    %swap3A_1273 = arith.constant 0 : index
    %swap3A_1274 = vector.load %arg4[%swap3A_1271, %swap3A_1272, %swap3A_1273] : memref<4x2x2048xf32, #tpu.memory_space<vmem>>, vector<1x1x2048xf32>
    %swap3A_1275 = vector.shape_cast %swap3A_1274 : vector<1x1x2048xf32> to vector<2048xf32>
    %swap3A_1276 = vector.shape_cast %add3A_1270 : vector<2048xf32> to vector<1x1x2048xf32>
    tpu.vector_store %arg4[%swap3A_1271, %swap3A_1272, %swap3A_1273], %swap3A_1276 {strides = array<i32>} : memref<4x2x2048xf32, #tpu.memory_space<vmem>>, vector<1x1x2048xf32>,
    %swap3A_1277 = arith.constant 3 : index
    %swap3A_1278 = arith.constant 1 : index
    %swap3A_1279 = arith.constant 0 : index
    %swap3A_1280 = vector.load %arg5[%swap3A_1277, %swap3A_1278, %swap3A_1279] : memref<4x2x2048xi32, #tpu.memory_space<vmem>>, vector<1x1x2048xi32>
    %swap3A_1281 = vector.shape_cast %swap3A_1280 : vector<1x1x2048xi32> to vector<2048xi32>
    %swap3A_1282 = vector.shape_cast %reduce_min3A_1250 : vector<2048xi32> to vector<1x1x2048xi32>
    tpu.vector_store %arg5[%swap3A_1277, %swap3A_1278, %swap3A_1279], %swap3A_1282 {strides = array<i32>} : memref<4x2x2048xi32, #tpu.memory_space<vmem>>, vector<1x1x2048xi32>,
    return
  }
  func.func @transform_0(%arg0: i32) -> (i32, i32) {
    %add3A = arith.constant 14 : i32
    %add3A_0 = arith.addi %arg0, %add3A : i32
    %c0_i32 = arith.constant 0 : i32
    %c0_i32_1 = arith.constant 0 : i32
    return %c0_i32, %add3A_0 : i32, i32
  }
  func.func @transform_1(%arg0: i32) -> (i32, i32, i32) {
    %add3A = arith.constant 14 : i32
    %add3A_0 = arith.addi %arg0, %add3A : i32
    %c0_i32 = arith.constant 0 : i32
    %c0_i32_1 = arith.constant 0 : i32
    %c0_i32_2 = arith.constant 0 : i32
    return %c0_i32, %c0_i32_1, %add3A_0 : i32, i32, i32
  }
  func.func @transform_2(%arg0: i32) -> (i32, i32) {
    %c0_i32 = arith.constant 0 : i32
    %c0_i32_0 = arith.constant 0 : i32
    %c0_i32_1 = arith.constant 0 : i32
    return %c0_i32, %c0_i32_0 : i32, i32
  }
  func.func @transform_3(%arg0: i32) -> (i32, i32, i32) {
    %c0_i32 = arith.constant 0 : i32
    %c0_i32_0 = arith.constant 0 : i32
    %c0_i32_1 = arith.constant 0 : i32
    return %c0_i32, %c0_i32_0, %arg0 : i32, i32, i32
  }
  func.func @transform_4(%arg0: i32) -> (i32, i32, i32) {
    %c0_i32 = arith.constant 0 : i32
    %c0_i32_0 = arith.constant 0 : i32
    %c0_i32_1 = arith.constant 0 : i32
    return %c0_i32, %c0_i32_0, %arg0 : i32, i32, i32
  }
}

</mosaic_0001>

<sc_bundles>
// kernel: kernel.4.cloned.1.call-start
scs
__scs_entry_jumppad:
0x0: {  	(pc) =	sbr.rel $0x88, $3  }
0x1: {  	(tag) =	ssettag $0x0;
	lr =	simm.s32 $0x1  }
0x2: {  	[smem:$0x3F9E] =	sst lr;
	_ =	strace $0xD0000000  }
0x3: {  	_ = 	snop  }
0x4: {  	_ = 	snop  }
0x5: {  	_ = 	snop  }
0x6: {  	_ = 	snop  }
0x7: {  	_ = 	snop  }
__scs_overlays_trampoline_lowered:
0x8: {  	[smem:$0x3FAD] =	sst s0  }
0x9: {  	[smem:$0x3FAE] =	sst s1  }
0xa: {  	[smem:$0x3FAF] =	sst s2  }
0xb: {  	[smem:$0x3FB0] =	sst s3  }
0xc: {  	[smem:$0x3FB1] =	sst s4  }
0xd: {  	[smem:$0x3FB2] =	sst s5  }
0xe: {  	[smem:$0x3FB3] =	sst s6  }
0xf: {  	[smem:$0x3FB4] =	sst s7  }
0x10: {  	[smem:$0x3FB5] =	sst s8  }
0x11: {  	[smem:$0x3FB6] =	sst s9;
	s0 =	simm.s32 @!p0 $0x0  }
0x12: {  	s1 =	sld [smem:$0x3F9C];
	s0 =	simm.s32 @p0 $0x1  }
0x13: {  	[smem:$0x3FB7] =	sst s0;
	s0 =	simm.s32 @!p1 $0x0  }
0x14: {  	s2 =	sld [smem:$0x3F9B];
	s0 =	simm.s32 @p1 $0x1  }
0x15: {  	[smem:$0x3FB8] =	sst s0;
	s0 =	simm.s32 @!p2 $0x0  }
0x16: {  	s3 =	sld [smem:$0x3FDB];
	s0 =	simm.s32 @p2 $0x1  }
0x17: {  	s4 =	simm.s32 $0x1BF5;
	[smem:$0x3FBA] =	sst s0  }
0x18: {  	s0 =	sld [smem:$0x3F9D];
	_ =	swait.ge [sflag:s4], $0x0  }
0x19: {  	s7 =	sld [smem:$0x3F9E]  }
0x1a: {  	s8 =	sadd.s32 $0xFFFFE003, lr  }
0x1b: {  	s9 =	sadd.s32 $0xFFFFFEF7, lr;
	s5 =	simm.s32 $0xFFFFFFFF;
	p2 =	slt.u32 s8, $0xFFFFF086  }
0x1c: {  	p1 =	slt.u32 s9, $0xF7A;
	s5 =	simm.s32 @!p2 $0x0  }
0x1d: {  	s5 =	simm.s32 @p1 $0x1;
	p0 =	seq.s32 s7, s2  }
0x1e: {  	s7 =	smul.u32 @!p0 $0xF7A, s2;
	p2 =	seq.s32 @!p0 s5, $0x0  }
0x1f: {  	s9 =	smul.u32 $0xF7A, s1;
	s8 =	simm.s32 @!p0 $0x1BF5;
	p2 =	por !p2, p0  }
0x20: {  	[sflag:s8] =	ssyncset.s32 @!p0 $0xFFFFF086;
	s6 =	sadd.s32 @!p0 s3, s7;
	s7 =	simm.s32 @!p0 $0x108  }
0x21: {  	s3 =	sadd.s32 s3, s9;
	s6 =	sadd.s32 @!p0 $0x88, s6;
	s7 =	simm.s32 @p2 $0x1082  }
0x22: {  	[simem:s7], [sflag:s8] =	dma.local @!p0 [hbm:s6], $0xF7A  }
0x23: {  	s9 =	sor.u32 $0xD0000000, s2;
	s6 =	simm.s32 $0x108;
	_ =	swait.ge @!p0 [sflag:s8], $0x0  }
0x24: {  	s3 =	sadd.s32 $0x88, s3;
	s6 =	simm.s32 @!p1 $0x1082;
	[sflag:s4] =	ssyncset.s32 $0xFFFFF086  }
0x25: {  	[simem:s6], [sflag:s4] =	dma.local [hbm:s3], $0xF7A  }
0x26: {  	[smem:$0x3F9E] =	sst s1;
	(tag) =	ssettag s2;
	_ =	strace s9  }
0x27: {  	s1 =	sld [smem:$0x3FAE]  }
0x28: {  	s2 =	sld [smem:$0x3FAF]  }
0x29: {  	s4 =	sld [smem:$0x3FB1]  }
0x2a: {  	p0 =	seq.s32 s5, $0x0;
	s5 =	sld [smem:$0x3FB2]  }
0x2b: {  	s6 =	sld [smem:$0x3FB3]  }
0x2c: {  	s7 =	sld [smem:$0x3FB4]  }
0x2d: {  	s3 =	simm.s32 $0x108;
	s8 =	sld [smem:$0x3FB5]  }
0x2e: {  	s3 =	simm.s32 @!p0 $0x1082;
	s9 =	sld [smem:$0x3FB6]  }
0x2f: {  	lr =	sadd.s32 s0, s3;
	s0 =	sld [smem:$0x3FAD]  }
0x30: {  	s3 =	sld [smem:$0x3FB0]  }
0x31: {  	[smem:$0x3FB9] =	sst s10  }
0x32: {  	s10 =	sld [smem:$0x3FB7];
	_ =	sdelay $0x3  }
0x33: {  	p0 =	seq.s32 s10, $0x1;
	s10 =	sld [smem:$0x3FB9];
	_ =	sdelay $0x3  }
0x34: {  	[smem:$0x3FB9] =	sst s10  }
0x35: {  	s10 =	sld [smem:$0x3FB8];
	_ =	sdelay $0x3  }
0x36: {  	p1 =	seq.s32 s10, $0x1;
	s10 =	sld [smem:$0x3FB9];
	_ =	sdelay $0x3  }
0x37: {  	[smem:$0x3FB9] =	sst s10  }
0x38: {  	s10 =	sld [smem:$0x3FBA]  }
0x39: {  	_ = 	snop;
	(pc) =	sbr.ind lr, $3  }
0x3a: {  	_ = 	snop  }
0x3b: {  	_ = 	snop  }
0x3c: {  	p2 =	seq.s32 s10, $0x1;
	s10 =	sld [smem:$0x3FB9]  }
0x3d: {  	_ =	shalt  }
0x3e: {  	_ =	shalt  }
0x3f: {  	_ =	shalt  }
0x40: {  	_ =	shalt  }
0x41: {  	_ =	shalt  }
0x42: {  	_ =	shalt  }
0x43: {  	_ =	shalt  }
0x44: {  	_ =	shalt  }
0x45: {  	_ =	shalt  }
0x46: {  	_ =	shalt  }
0x47: {  	_ =	shalt  }
0x48: {  	_ =	shalt  }
0x49: {  	_ =	shalt  }
0x4a: {  	_ =	shalt  }
0x4b: {  	_ =	shalt  }
0x4c: {  	_ =	shalt  }
0x4d: {  	_ =	shalt  }
0x4e: {  	_ =	shalt  }
0x4f: {  	_ =	shalt  }
0x50: {  	_ =	shalt  }
0x51: {  	_ =	shalt  }
0x52: {  	_ =	shalt  }
0x53: {  	_ =	shalt  }
0x54: {  	_ =	shalt  }
0x55: {  	_ =	shalt  }
0x56: {  	_ =	shalt  }
0x57: {  	_ =	shalt  }
0x58: {  	_ =	shalt  }
0x59: {  	_ =	shalt  }
0x5a: {  	_ =	shalt  }
0x5b: {  	_ =	shalt  }
0x5c: {  	_ =	shalt  }
0x5d: {  	_ =	shalt  }
0x5e: {  	_ =	shalt  }
0x5f: {  	_ =	shalt  }
0x60: {  	_ =	shalt  }
0x61: {  	_ =	shalt  }
0x62: {  	_ =	shalt  }
0x63: {  	_ =	shalt  }
0x64: {  	_ =	shalt  }
0x65: {  	_ =	shalt  }
0x66: {  	_ =	shalt  }
0x67: {  	_ =	shalt  }
0x68: {  	_ =	shalt  }
0x69: {  	_ =	shalt  }
0x6a: {  	_ =	shalt  }
0x6b: {  	_ =	shalt  }
0x6c: {  	_ =	shalt  }
0x6d: {  	_ =	shalt  }
0x6e: {  	_ =	shalt  }
0x6f: {  	_ =	shalt  }
0x70: {  	_ =	shalt  }
0x71: {  	_ =	shalt  }
0x72: {  	_ =	shalt  }
0x73: {  	_ =	shalt  }
0x74: {  	_ =	shalt  }
0x75: {  	_ =	shalt  }
0x76: {  	_ =	shalt  }
0x77: {  	_ =	shalt  }
0x78: {  	_ =	shalt  }
0x79: {  	_ =	shalt  }
0x7a: {  	_ =	shalt  }
0x7b: {  	_ =	shalt  }
0x7c: {  	_ =	shalt  }
0x7d: {  	_ =	shalt  }
0x7e: {  	_ =	shalt  }
0x7f: {  	_ =	shalt  }
0x80: {  	_ =	shalt  }
0x81: {  	_ =	shalt  }
0x82: {  	_ =	shalt  }
0x83: {  	_ =	shalt  }
0x84: {  	_ =	shalt  }
0x85: {  	_ =	shalt  }
0x86: {  	_ =	shalt  }
0x87: {  	_ =	shalt  }
.Lfunc_end0:
.L_simem_size_0:
called_computation_lowered:
.L_overlay_start_0:
0x88: {  	s2 =	sld [smem:$0x3FD9]  }
0x89: {  	s3 =	sld [smem:$0x3FFE];
	_ =	sdelay $0x1  }
0x8a: {  	s1 =	srdreg.scid  }
0x8b: {  	s0 =	sand.u32 $0x1, s1  }
0x8c: {  	s14 =	sshll.u32 s0, $0xA;
	s2 =	sadd.s32 s3, s2  }
0x8d: {  	s2 =	sadd.s32 s2, s14  }
0x8e: {  	[smem:$0x3FC5] =	sst s2  }
0x8f: {  	_ = 	snop  }
0x90: {  	s2 =	sld [smem:$0x3FD0];
	_ =	sdelay $0x1  }
0x91: {  	s15 =	sld [smem:$0x3FC9]  }
0x92: {  	s5 =	simm.s32 $0xA;
	s6 =	simm.s32 $0x10;
	s4 =	sld [smem:$0x3FC8]  }
0x93: {  	[smem:s6], [sflag:s5] =	dma.local [hbm:s2], $0x1  }
0x94: {  	_ =	swait.eq [sflag:s5], $0x1  }
0x95: {  	[sflag:s5] =	ssyncset.done $0x0  }
0x96: {  	s16 =	sld [smem:$0x10];
	[sflag:s5] =	ssyncadd.s32 $0xFFFFFFFF  }
0x97: {  	s17 =	sld [smem:$0x11];
	(tm) =	ssettm $0x1  }
0x98: {  	s18 =	sld [smem:$0x3FFB];
	_ =	sdelay $0x3  }
0x99: {  	_ =	strace s18  }
0x9a: {  	s6 =	sld [smem:$0x3FFC];
	_ =	sdelay $0x3  }
0x9b: {  	_ =	strace s6  }
0x9c: {  	s6 =	sld [smem:$0x3FFD];
	_ =	sdelay $0x3  }
0x9d: {  	_ =	strace s6  }
0x9e: {  	_ =	strace $0x8FFFFFFF  }
0x9f: {  	s19 =	sld [smem:$0x3FDB];
	_ =	sdelay $0x1  }
0xa0: {  	s7 =	simm.s32 $_scs_section_size  }
0xa1: {  	s8 =	simm.s32 $_size__tile_overlayer_lowered;
	s9 =	simm.s32 $_tile_overlayer_lowered  }
0xa2: {  	s22 =	simm.s32 $0x1BFF;
	s21 =	sshll.u32 s9, $0x1;
	s6 =	sadd.s32 s7, s19  }
0xa3: {  	s10 =	simm.s32 $0x0;
	s20 =	sshll.u32 s8, $0x1;
	s8 =	sadd.s32 s21, s6  }
0xa4: {  	[timem:s10], [sflag:s22] =	dma.local [hbm:s8], s20  }
0xa5: {  	_ =	swait.ge [sflag:s22], s20  }
0xa6: {  	s7 =	ssub.s32 $0x0, s20;
	[sflag:s22] =	ssyncset.done $0x0  }
0xa7: {  	[sflag:s22] =	ssyncadd.s32 s7;
	_ =	sdelay $0x1  }
0xa8: {  	s23 =	simm.s32 $0x1B8B  }
0xa9: {  	_ =	swait.ge [sflag:s23], $0x1  }
0xaa: {  	[sflag:s23] =	ssyncset.done $0x0  }
0xab: {  	s25 =	simm.s32 $0x1B8E;
	s24 =	sld [smem:$0x3FFE];
	[sflag:s23] =	ssyncadd.s32 $0xFFFFFFFF  }
0xac: {  	s26 =	simm.s32 $execute0_lowered;
	[smem:$0x3FD2] =	sst s25  }
0xad: {  	s8 =	sshll.u32 s26, $0x1;
	_ =	strace $0x80000046;
	[dreg:$0x1] =	wrdreg $0xFFFFFFFF  }
0xae: {  	s28 =	simm.s32 $_size_execute0_lowered;
	s6 =	sadd.s32 s6, s8;
	[dreg:$0x0] =	wrdreg $0x0  }
0xaf: {  	s8 =	sshll.u32 s28, $0x1;
	[dreg:$0x2] =	wrdreg s6  }
0xb0: {  	[dreg:$0x3] =	wrdreg s8  }
0xb1: {  	[dreg:$0x4] =	wrdreg $0xC0  }
0xb2: {  	_ =	task [dreg:s10], $0x5FFFF  }
0xb3: {  	[dreg:$0x1] =	wrdreg $0xFFFFFFFF  }
0xb4: {  	[dreg:$0x0] =	wrdreg $0x60  }
0xb5: {  	[dreg:$0x2] =	wrdreg s15  }
0xb6: {  	[dreg:$0x3] =	wrdreg s4  }
0xb7: {  	[dreg:$0x4] =	wrdreg s16  }
0xb8: {  	[dreg:$0x5] =	wrdreg s17  }
0xb9: {  	[dreg:$0x6] =	wrdreg s24  }
0xba: {  	[dreg:$0x7] =	wrdreg $0x9  }
0xbb: {  	_ =	task.clear_ibuf [dreg:s10], $0x8FFFF;
	_ =	strace $0x90000046  }
0xbc: {  	s29 =	simm.s32 $0x9;
	_ =	strace $0x80000048  }
0xbd: {  	_ =	swait.ge [sflag:s29], $0x1  }
0xbe: {  	[sflag:s29] =	ssyncadd.s32 $0xFFFFFFFF  }
0xbf: {  	_ =	strace $0x90000048  }
0xc0: {  	_ =	sfence  }
0xc1: {  	s30 =	sld [smem:$0x0];
	_ =	sdelay $0x2  }
0xc2: {  	s31 =	sshll.u32 s1, $0xD;
	s1 =	sshrl.u32 s1, $0x2  }
0xc3: {  	s3 =	sand.u32 $0x4000, s31;
	s1 =	sadd.s32 s1, s30  }
0xc4: {  	s0 =	sor.u32 s3, s0;
	s1 =	sshll.u32 s1, $0x11  }
0xc5: {  	s0 =	sor.u32 s1, s0  }
0xc6: {  	s0 =	sadd.s32 $0x8F2B, s0  }
0xc7: {  	[sflag:s0] =	ssyncadd.remote.s32 $0x1  }
0xc8: {  	_ =	sfence.sel $0xFFFF  }
0xc9: {  	[dreg:$0x0] =	wrdreg $0xFFFFFFFF;
	(pc) =	sbr.abs _section_cstart, $3  }
0xca: {  	[dreg:$0x1] =	wrdreg $0xFFFFFFFF  }
0xcb: {  	_ =	task.clear_ibuf [dreg:s10], $0x2FFFF;
	_ =	strace $0x9FFFFFFF  }
0xcc: {  	(tm) =	ssettm $0x7FFFFFFF  }
0xcd: {  	_ =	shalt  }
tec
execute0_lowered:
.L_overlay_start_1:
0x0: {  	(tag) =	ssettag $0x1  }
0x1: {  	s1 =	rddreg [dreg:$0x0]  }
0x2: {  	s2 =	rddreg [dreg:$0x1]  }
0x3: {  	s4 =	rddreg [dreg:$0x3]  }
0x4: {  	s0 =	rddreg [dreg:$0x4]  }
0x5: {  	s6 =	simm.s32 $0x0;
	s3 =	srdreg.scid;
	s7 =	stileid.u32  }
0x6: {  	s16 =	simm.s32 $0x1000;
	s17 =	simm.s32 $0x80000;
	s9 =	simm.s32 $0x2  }
0x7: {  	s21 =	simm.s32 $0x10680;
	s23 =	simm.s32 $0x10780;
	s10 =	simm.s32 $0x10880  }
0x8: {  	s15 =	simm.s32 $0x10980;
	s3 =	sand.u32 $0x1, s3;
	s8 =	sshll.u32 s7, $0x1  }
0x9: {  	[smem:$0x7FF] =	sst s6;
	s7 =	sadd.s32 $0x1000, s0;
	s8 =	sor.u32 s3, s8  }
0xa: {  	_ =	strace $0x80000047;
	s5 =	ssub.s32 $0x2, s3;
	s3 =	sshll.u32 s8, $0x9  }
0xb: {  	s24 =	sshrl.u32 s5, $0x1;
	s25 =	sshll.u32 s8, $0x8;
	s3 =	sadd.s32 s2, s3  }
0xc: {  	s0 =	ssub.s32 s5, s24;
	s26 =	sadd.s32 s1, s25;
	[dreg:$0x6] =	wrdreg s3  }
0xd: {  	s28 =	simm.s32 $0x10B80;
	s0 =	smax.u32 s0, $0x1;
	[dreg:$0x7] =	wrdreg s26  }
0xe: {  	s11 =	sor.u32 $0x20, s8;
	s29 =	sadd.s32 $0x40, s26;
	[dreg:$0x8] =	wrdreg s0  }
0xf: {  	s12 =	sor.u32 $0x40, s8;
	s30 =	sadd.s32 $0x80, s26;
	[dreg:$0x9] =	wrdreg s29  }
0x10: {  	s25 =	simm.s32 $0x10A80;
	s31 =	sadd.s32 $0xC0, s26;
	[dreg:$0xa] =	wrdreg s30  }
0x11: {  	v0 =	vimm.s32 $0x0;
	s5 =	simm.s32 $0x0;
	s26 =	simm.s32 $0x1;
	[dreg:$0xb] =	wrdreg s31  }
.LBB2_1:
0x12: {  	[dreg:$0xc] =	wrdreg s5  }
0x13: {  	s0 =	rddreg [dreg:$0x2];
	s3 =	simm.s32 $0x10C00;
	s5 =	simm.s32 $0x5  }
0x14: {  	[tilespmem:s3], [sflag:$0x5] =	stream.linear.gather [hbm4b:s0+s6], $0x80, $0x38;
	[tilespmem:$0x10C80] =	vst v63  }
0x15: {  	_ =	swait.ge [sflag:s5], $0x80  }
0x16: {  	[sflag:s5] =	ssyncset.done $0x0  }
0x17: {  	[sflag:s5] =	ssyncadd.s32 $0xFFFFFF80  }
0x18: {  	s13 =	rddreg [dreg:$0x6];
	v1 =	vld [tilespmem:$0x10C00]  }
0x19: {  	v2 =	vld [tilespmem:$0x10C10];
	[tilespmem:s6], [sflag:$0x1] =	stream.strided.gather [hbm4b:s13+s16], $0x8000, s17, s16, $0x38  }
0x1a: {  	s18 =	simm.s32 $0x10000;
	s14 =	rddreg [dreg:$0x7]  }
0x1b: {  	[tilespmem:s18], [sflag:$0x1] =	stream.linear.gather [hbm4b:s14+s6], $0x80, $0x38;
	[tilespmem:$0x10C80] =	vst v63  }
0x1c: {  	s20 =	simm.s32 $0x10100;
	s19 =	rddreg [dreg:$0x9]  }
0x1d: {  	[tilespmem:s20], [sflag:$0x1] =	stream.linear.gather [hbm4b:s19+s6], $0x80, $0x38;
	[tilespmem:$0x10C80] =	vst v63  }
0x1e: {  	s24 =	simm.s32 $0x10200;
	s22 =	rddreg [dreg:$0xa]  }
0x1f: {  	[tilespmem:s24], [sflag:$0x1] =	stream.linear.gather [hbm4b:s22+s6], $0x80, $0x38;
	[tilespmem:$0x10C80] =	vst v63  }
0x20: {  	s31 =	simm.s32 $0x10300;
	s29 =	simm.s32 $0x0;
	s30 =	rddreg [dreg:$0xb]  }
0x21: {  	[tilespmem:s31], [sflag:$0x1] =	stream.linear.gather [hbm4b:s30+s6], $0x80, $0x38;
	[tilespmem:$0x10C80] =	vst v63  }
.LBB2_2:
0x22: {  	s5 =	sshll.u32 s29, $0x6  }
0x23: {  	s0 =	sor.u32 s11, s5  }
0x24: {  	s3 =	smulhi.u32 $0x92492493, s0;
	_ =	sdelay $0x1  }
0x25: {  	s30 =	sshrl.u32 s3, $0x5  }
0x26: {  	s14 =	smul.u32 $0x38, s30;
	s22 =	sand.u32 $0x1, s30  }
0x27: {  	p0 =	slt.u32 s0, $0x38;
	s18 =	sshll.u32 s3, $0xE;
	p1 =	seq.s32 s22, $0x1  }
0x28: {  	s3 =	sshrl.u32 s3, $0x6;
	s31 =	ssub.s32 s0, s14;
	p0 =	por !p0, !p1  }
0x29: {  	s0 =	simm.s32 $0x1;
	s14 =	sshll.u32 s31, $0x9;
	p0 =	por !p0, !p0  }
0x2a: {  	s18 =	sand.u32 $0x1FF80000, s18;
	s14 =	sadd.s32 s2, s14;
	s0 =	simm.s32 @!p0 $0x0  }
0x2b: {  	s13 =	simm.s32 $0x8000;
	s14 =	sadd.s32 s18, s14;
	s0 =	ssub.s32 s3, s0  }
0x2c: {  	[tilespmem:s13], [sflag:$0x2] =	stream.strided.gather [hbm4b:s14+s16], $0x8000, s17, s16, $0x38;
	[tilespmem:$0x10C80] =	vst v63  }
0x2d: {  	s3 =	sshll.u32 s0, $0x10  }
0x2e: {  	s24 =	sshll.u32 s31, $0xB;
	s13 =	sshll.u32 s0, $0x7;
	s3 =	sand.u32 $0xFFFC0000, s3  }
0x2f: {  	s19 =	sand.u32 $0x180, s13;
	s3 =	sor.u32 s24, s3  }
0x30: {  	s3 =	sor.u32 s19, s3  }
0x31: {  	s3 =	sshrl.u32 s3, $0x3  }
0x32: {  	s20 =	simm.s32 $0x10080;
	s3 =	sadd.s32 s1, s3  }
0x33: {  	[tilespmem:s20], [sflag:$0x2] =	stream.linear.gather [hbm4b:s3+s6], $0x80, $0x38;
	[tilespmem:$0x10C80] =	vst v63  }
0x34: {  	s24 =	simm.s32 $0x10180;
	s22 =	sadd.s32 $0x40, s3  }
0x35: {  	[tilespmem:s24], [sflag:$0x2] =	stream.linear.gather [hbm4b:s22+s6], $0x80, $0x38;
	[tilespmem:$0x10C80] =	vst v63  }
0x36: {  	s19 =	simm.s32 $0x10280;
	s18 =	sadd.s32 $0x80, s3  }
0x37: {  	[tilespmem:s19], [sflag:$0x2] =	stream.linear.gather [hbm4b:s18+s6], $0x80, $0x38;
	[tilespmem:$0x10C80] =	vst v63  }
0x38: {  	s3 =	sadd.s32 $0xC0, s3;
	s20 =	simm.s32 $0x10380  }
0x39: {  	[tilespmem:s20], [sflag:$0x2] =	stream.linear.gather [hbm4b:s3+s6], $0x80, $0x38;
	[tilespmem:$0x10C80] =	vst v63  }
0x3a: {  	_ =	swait.ge [sflag:s26], $0x8000  }
0x3b: {  	[sflag:s26] =	ssyncset.done $0x0  }
0x3c: {  	[sflag:s26] =	ssyncadd.s32 $0xFFFF8000  }
0x3d: {  	_ =	swait.ge [sflag:s26], $0x200  }
0x3e: {  	p0 =	seq.s32 s29, $0x0;
	[sflag:s26] =	ssyncset.done $0x0  }
0x3f: {  	s3 =	simm.s32 @!p0 $0x3;
	[sflag:s26] =	ssyncadd.s32 $0xFFFFFE00  }
0x40: {  	_ =	swait.ge @!p0 [sflag:s3], $0x200  }
0x41: {  	[sflag:s3] =	ssyncset.done @!p0 $0x0  }
0x42: {  	s22 =	simm.s32 $0x0;
	[sflag:s3] =	ssyncadd.s32 @!p0 $0xFFFFFE00  }
0x43: {  	s24 =	simm.s32 $0x0;
	s14 =	sand.u32 $0x70, s22;
	_ =	swait.ge @!p0 [sflag:s3], $0x200  }
0x44: {  	s18 =	sand.u32 $0xFFFFFF00, s24;
	s20 =	simm.s32 $0x0;
	[sflag:s3] =	ssyncset.done @!p0 $0x0  }
0x45: {  	s20 =	sand.u32 $0x3FFFFC00, s20;
	[sflag:s3] =	ssyncadd.s32 @!p0 $0xFFFFFE00;
	s3 =	sor.u32 s14, s18  }
0x46: {  	s14 =	sor.u32 s14, s20;
	v3 =	vld [tilespmem:s3+$0x10000]  }
0x47: {  	v4 =	vld [tilespmem:s14+$0x80]  }
0x48: {  	v5 =	vld [tilespmem:s14+$0x0];
	_ =	sdelay $0x1  }
0x49: {  	v6 =	vld [tilespmem:s14+$0x100]  }
0x4a: {  	v7 =	vld [tilespmem:s14+$0x180]  }
0x4b: {  	v8 =	vld [tilespmem:s14+$0x200]  }
0x4c: {  	v9 =	vld [tilespmem:s14+$0x1100];
	v5 =	vmul.f32 v5, v3;
	v4 =	vmul.f32 v4, v3  }
0x4d: {  	v10 =	vld [tilespmem:s14+$0x280]  }
0x4e: {  	v18 =	vld [tilespmem:s14+$0x2280];
	v6 =	vmul.f32 v6, v3;
	vm0 =	vgt.f32 v4, v5  }
0x4f: {  	v15 =	vld [tilespmem:s14+$0x2200];
	v11 =	vsel vm0, v4, v5  }
0x50: {  	v27 =	vld [tilespmem:s14+$0x2300];
	v7 =	vmul.f32 v7, v3;
	vm1 =	vgt.f32 v6, v11  }
0x51: {  	v4 =	vsel vm0, v5, v4;
	v5 =	vld [tilespmem:s14+$0x300];
	v12 =	vsel vm1, v6, v11  }
0x52: {  	v8 =	vmul.f32 v8, v3;
	v9 =	vmul.f32 v9, v3;
	vm4 =	vgt.f32 v7, v12  }
0x53: {  	v47 =	vld [tilespmem:s14+$0x380];
	v10 =	vmul.f32 v10, v3;
	v22 =	vmul.f32 v18, v3;
	v14 =	vsel vm4, v7, v12  }
0x54: {  	v25 =	vmul.f32 v15, v3;
	v6 =	vsel vm1, v11, v6;
	vm5 =	vgt.f32 v8, v14  }
0x55: {  	v31 =	vmul.f32 v27, v3;
	v4 =	vmax.f32 v4, v6;
	v6 =	vld [tilespmem:s14+$0x1000];
	v48 =	vsel vm5, v8, v14  }
0x56: {  	v7 =	vsel vm4, v12, v7;
	v5 =	vmul.f32 v5, v3;
	vm6 =	vgt.f32 v10, v48  }
0x57: {  	v13 =	vsel vm0, $0x1, v0;
	v4 =	vmax.f32 v4, v7;
	v7 =	vld [tilespmem:s14+$0x1080];
	v49 =	vsel vm6, v10, v48  }
0x58: {  	v11 =	vmul.f32 v47, v3;
	v8 =	vsel vm5, v14, v8;
	vm7 =	vgt.f32 v5, v49  }
0x59: {  	v39 =	vld [tilespmem:s14+$0x3200];
	v13 =	vsel vm1, $0x2, v13;
	v4 =	vmax.f32 v4, v8;
	v50 =	vsel vm7, v5, v49  }
0x5a: {  	v52 =	vld [tilespmem:s14+$0x1180];
	v10 =	vsel vm6, v48, v10;
	v6 =	vmul.f32 v6, v3;
	vm8 =	vgt.f32 v11, v50  }
0x5b: {  	v13 =	vsel vm4, $0x3, v13;
	v4 =	vmax.f32 v4, v10;
	v53 =	vsel vm8, v11, v50  }
0x5c: {  	v5 =	vsel vm7, v49, v5;
	v7 =	vmul.f32 v7, v3;
	vm9 =	vgt.f32 v6, v53  }
0x5d: {  	v54 =	vld [tilespmem:s14+$0x1200];
	v13 =	vsel vm5, $0x4, v13;
	v4 =	vmax.f32 v4, v5;
	v5 =	vsel vm9, v6, v53  }
0x5e: {  	v44 =	vmul.f32 v39, v3;
	v51 =	vsel vm6, $0x5, v13;
	vm10 =	vgt.f32 v7, v5  }
0x5f: {  	v55 =	vld [tilespmem:s14+$0x1280];
	v13 =	vmul.f32 v52, v3;
	v8 =	vsel vm8, v50, v11;
	v57 =	vsel vm10, v7, v5  }
0x60: {  	v49 =	vld [tilespmem:s14+$0x4080];
	v4 =	vmax.f32 v4, v8;
	v6 =	vsel vm9, v53, v6;
	vm11 =	vgt.f32 v9, v57  }
0x61: {  	v12 =	vsel vm7, $0x6, v51;
	v4 =	vmax.f32 v4, v6;
	v6 =	vld [tilespmem:s14+$0x1300];
	v58 =	vsel vm11, v9, v57  }
0x62: {  	v11 =	vmul.f32 v54, v3;
	v5 =	vsel vm10, v5, v7;
	v7 =	vld [tilespmem:s14+$0x1380];
	vm12 =	vgt.f32 v13, v58  }
0x63: {  	v12 =	vsel vm8, $0x7, v12;
	v4 =	vmax.f32 v4, v5;
	v5 =	vsel vm12, v13, v58  }
0x64: {  	v8 =	vmul.f32 v55, v3;
	v56 =	vsel vm9, $0x8, v12;
	vm13 =	vgt.f32 v11, v5  }
0x65: {  	v60 =	vld [tilespmem:s14+$0x2000];
	v12 =	vmul.f32 v49, v3;
	v9 =	vsel vm11, v57, v9;
	v61 =	vsel vm13, v11, v5  }
0x66: {  	v19 =	vld [tilespmem:s14+$0x2100];
	v4 =	vmax.f32 v4, v9;
	v6 =	vmul.f32 v6, v3;
	vm14 =	vgt.f32 v8, v61  }
0x67: {  	v63 =	vld [tilespmem:s14+$0x2080];
	v59 =	vsel vm12, v58, v13;
	v7 =	vmul.f32 v7, v3;
	v62 =	vsel vm14, v8, v61  }
0x68: {  	v4 =	vmax.f32 v4, v59;
	v5 =	vsel vm13, v5, v11;
	vm15 =	vgt.f32 v6, v62  }
0x69: {  	v10 =	vsel vm10, $0x9, v56;
	v4 =	vmax.f32 v4, v5;
	v5 =	vsel vm15, v6, v62  }
0x6a: {  	v10 =	vsel vm11, $0xA, v10;
	v13 =	vmul.f32 v60, v3;
	vm4 =	vgt.f32 v7, v5  }
0x6b: {  	v20 =	vld [tilespmem:s14+$0x2180];
	v9 =	vmul.f32 v19, v3;
	v10 =	vsel vm12, $0xB, v10;
	v21 =	vsel vm4, v7, v5  }
0x6c: {  	v54 =	vld [tilespmem:s14+$0x4300];
	v5 =	vsel vm4, v5, v7;
	v7 =	vmul.f32 v63, v3;
	vm5 =	vgt.f32 v13, v21  }
0x6d: {  	v32 =	vld [tilespmem:s14+$0x3080];
	v10 =	vsel vm13, $0xC, v10;
	v8 =	vsel vm14, v61, v8;
	v23 =	vsel vm5, v13, v21  }
0x6e: {  	v61 =	vld [tilespmem:s14+$0x5100];
	v4 =	vmax.f32 v4, v8;
	v6 =	vsel vm15, v62, v6;
	vm6 =	vgt.f32 v7, v23  }
0x6f: {  	v10 =	vsel vm14, $0xD, v10;
	v4 =	vmax.f32 v4, v6;
	v24 =	vsel vm6, v7, v23  }
0x70: {  	v4 =	vmax.f32 v4, v5;
	v5 =	vmul.f32 v20, v3;
	vm7 =	vgt.f32 v9, v24  }
0x71: {  	v58 =	vmul.f32 v54, v3;
	v10 =	vsel vm15, $0xE, v10;
	v26 =	vsel vm7, v9, v24  }
0x72: {  	v28 =	vld [tilespmem:s14+$0x2380];
	v11 =	vmul.f32 v32, v3;
	v10 =	vsel vm4, $0xF, v10;
	vm8 =	vgt.f32 v5, v26  }
0x73: {  	v19 =	vld [tilespmem:s14+$0x5280];
	v17 =	vmul.f32 v61, v3;
	v6 =	vsel vm5, v21, v13;
	v29 =	vsel vm8, v5, v26  }
0x74: {  	v63 =	vld [tilespmem:s14+$0x5180];
	v10 =	vsel vm5, $0x10, v10;
	v4 =	vmax.f32 v4, v6;
	vm9 =	vgt.f32 v25, v29  }
0x75: {  	v6 =	vld [tilespmem:s14+$0x3000];
	v7 =	vsel vm6, v23, v7;
	v10 =	vsel vm6, $0x11, v10;
	v30 =	vsel vm9, v25, v29  }
0x76: {  	v4 =	vmax.f32 v4, v7;
	v7 =	vsel vm7, v24, v9;
	vm10 =	vgt.f32 v22, v30  }
0x77: {  	v4 =	vmax.f32 v4, v7;
	v5 =	vsel vm8, v26, v5;
	v33 =	vsel vm10, v22, v30  }
0x78: {  	v9 =	vmul.f32 v28, v3;
	v4 =	vmax.f32 v4, v5;
	v5 =	vld [tilespmem:s14+$0x3100];
	vm11 =	vgt.f32 v31, v33  }
0x79: {  	v20 =	vmul.f32 v63, v3;
	v24 =	vmul.f32 v19, v3;
	v35 =	vsel vm11, v31, v33  }
0x7a: {  	v6 =	vmul.f32 v6, v3;
	v8 =	vsel vm9, v29, v25;
	vm12 =	vgt.f32 v9, v35  }
0x7b: {  	v38 =	vld [tilespmem:s14+$0x3180];
	v4 =	vmax.f32 v4, v8;
	v34 =	vsel vm10, v30, v22;
	v37 =	vsel vm12, v9, v35  }
0x7c: {  	v48 =	vld [tilespmem:s14+$0x4000];
	v7 =	vsel vm7, $0x12, v10;
	v4 =	vmax.f32 v4, v34;
	vm13 =	vgt.f32 v6, v37  }
0x7d: {  	v36 =	vsel vm11, v33, v31;
	v5 =	vmul.f32 v5, v3;
	v41 =	vsel vm13, v6, v37  }
0x7e: {  	v4 =	vmax.f32 v4, v36;
	v40 =	vsel vm12, v35, v9;
	vm14 =	vgt.f32 v11, v41  }
0x7f: {  	v42 =	vld [tilespmem:s14+$0x3280];
	v4 =	vmax.f32 v4, v40;
	v6 =	vsel vm13, v37, v6;
	v43 =	vsel vm14, v11, v41  }
0x80: {  	v4 =	vmax.f32 v4, v6;
	v6 =	vmul.f32 v38, v3;
	vm15 =	vgt.f32 v5, v43  }
0x81: {  	v45 =	vld [tilespmem:s14+$0x3300];
	v10 =	vmul.f32 v48, v3;
	v9 =	vsel vm14, v41, v11;
	v46 =	vsel vm15, v5, v43  }
0x82: {  	v4 =	vmax.f32 v4, v9;
	v5 =	vsel vm15, v43, v5;
	vm2 =	vgt.f32 v6, v46  }
0x83: {  	v47 =	vld [tilespmem:s14+$0x3380];
	v7 =	vsel vm8, $0x13, v7;
	v4 =	vmax.f32 v4, v5;
	v5 =	vsel vm2, v6, v46  }
0x84: {  	v8 =	vmul.f32 v42, v3;
	v6 =	vsel vm2, v46, v6;
	vm4 =	vgt.f32 v44, v5  }
0x85: {  	v7 =	vsel vm9, $0x14, v7;
	v4 =	vmax.f32 v4, v6;
	v6 =	vsel vm4, v44, v5  }
0x86: {  	v11 =	vmul.f32 v45, v3;
	v5 =	vsel vm4, v5, v44;
	vm5 =	vgt.f32 v8, v6  }
0x87: {  	v7 =	vsel vm10, $0x15, v7;
	v4 =	vmax.f32 v4, v5;
	v5 =	vsel vm5, v8, v6  }
0x88: {  	v9 =	vmul.f32 v47, v3;
	v6 =	vsel vm5, v6, v8;
	vm6 =	vgt.f32 v11, v5  }
0x89: {  	v50 =	vld [tilespmem:s14+$0x4100];
	v7 =	vsel vm11, $0x16, v7;
	v4 =	vmax.f32 v4, v6;
	v6 =	vsel vm6, v11, v5  }
0x8a: {  	v7 =	vsel vm12, $0x17, v7;
	v5 =	vsel vm6, v5, v11;
	vm7 =	vgt.f32 v9, v6  }
0x8b: {  	v51 =	vld [tilespmem:s14+$0x4180];
	v7 =	vsel vm13, $0x18, v7;
	v4 =	vmax.f32 v4, v5;
	v5 =	vsel vm7, v9, v6  }
0x8c: {  	v7 =	vsel vm14, $0x19, v7;
	v6 =	vsel vm7, v6, v9;
	vm8 =	vgt.f32 v10, v5  }
0x8d: {  	v52 =	vld [tilespmem:s14+$0x4200];
	v7 =	vsel vm15, $0x1A, v7;
	v4 =	vmax.f32 v4, v6;
	v6 =	vsel vm8, v10, v5  }
0x8e: {  	v8 =	vmul.f32 v50, v3;
	v5 =	vsel vm8, v5, v10;
	vm9 =	vgt.f32 v12, v6  }
0x8f: {  	v7 =	vsel vm2, $0x1B, v7;
	v4 =	vmax.f32 v4, v5;
	v5 =	vld [tilespmem:s14+$0x4280];
	v53 =	vsel vm9, v12, v6  }
0x90: {  	v11 =	vmul.f32 v51, v3;
	v6 =	vsel vm9, v6, v12;
	vm10 =	vgt.f32 v8, v53  }
0x91: {  	v7 =	vsel vm4, $0x1C, v7;
	v4 =	vmax.f32 v4, v6;
	v6 =	vsel vm10, v8, v53  }
0x92: {  	v9 =	vmul.f32 v52, v3;
	v8 =	vsel vm10, v53, v8;
	vm11 =	vgt.f32 v11, v6  }
0x93: {  	v56 =	vld [tilespmem:s14+$0x4380];
	v7 =	vsel vm5, $0x1D, v7;
	v4 =	vmax.f32 v4, v8;
	v55 =	vsel vm11, v11, v6  }
0x94: {  	v6 =	vsel vm11, v6, v11;
	v5 =	vmul.f32 v5, v3;
	vm12 =	vgt.f32 v9, v55  }
0x95: {  	v57 =	vld [tilespmem:s14+$0x5000];
	v7 =	vsel vm6, $0x1E, v7;
	v4 =	vmax.f32 v4, v6;
	v6 =	vsel vm12, v9, v55  }
0x96: {  	v7 =	vsel vm7, $0x1F, v7;
	v8 =	vsel vm12, v55, v9;
	vm13 =	vgt.f32 v5, v6  }
0x97: {  	v59 =	vld [tilespmem:s14+$0x5080];
	v7 =	vsel vm8, $0x20, v7;
	v4 =	vmax.f32 v4, v8;
	v60 =	vsel vm13, v5, v6  }
0x98: {  	v5 =	vsel vm13, v6, v5;
	v6 =	vmul.f32 v56, v3;
	vm14 =	vgt.f32 v58, v60  }
0x99: {  	v26 =	vld [tilespmem:s14+$0x6000];
	v7 =	vsel vm9, $0x21, v7;
	v4 =	vmax.f32 v4, v5;
	v5 =	vsel vm14, v58, v60  }
0x9a: {  	v11 =	vmul.f32 v57, v3;
	v9 =	vsel vm14, v60, v58;
	vm15 =	vgt.f32 v6, v5  }
0x9b: {  	v7 =	vsel vm10, $0x22, v7;
	v4 =	vmax.f32 v4, v9;
	v62 =	vsel vm15, v6, v5  }
0x9c: {  	v16 =	vld [tilespmem:s14+$0x5200];
	v5 =	vsel vm15, v5, v6;
	v6 =	vmul.f32 v59, v3;
	vm4 =	vgt.f32 v11, v62  }
0x9d: {  	v7 =	vsel vm11, $0x23, v7;
	v4 =	vmax.f32 v4, v5;
	v5 =	vsel vm4, v11, v62  }
0x9e: {  	v32 =	vmul.f32 v26, v3;
	v7 =	vsel vm12, $0x24, v7;
	vm5 =	vgt.f32 v6, v5  }
0x9f: {  	v22 =	vld [tilespmem:s14+$0x5300];
	v7 =	vsel vm13, $0x25, v7;
	v9 =	vsel vm4, v62, v11;
	v18 =	vsel vm5, v6, v5  }
0xa0: {  	v7 =	vsel vm14, $0x26, v7;
	v4 =	vmax.f32 v4, v9;
	vm6 =	vgt.f32 v17, v18  }
0xa1: {  	v5 =	vsel vm5, v5, v6;
	v6 =	vmul.f32 v16, v3;
	v21 =	vsel vm6, v17, v18  }
0xa2: {  	v23 =	vld [tilespmem:s14+$0x5380];
	v4 =	vmax.f32 v4, v5;
	v5 =	vsel vm6, v18, v17;
	vm7 =	vgt.f32 v20, v21  }
0xa3: {  	v7 =	vsel vm15, $0x27, v7;
	v4 =	vmax.f32 v4, v5;
	v5 =	vsel vm7, v20, v21  }
0xa4: {  	v27 =	vmul.f32 v22, v3;
	v7 =	vsel vm4, $0x28, v7;
	vm8 =	vgt.f32 v6, v5  }
0xa5: {  	v29 =	vld [tilespmem:s14+$0x6080];
	v7 =	vsel vm5, $0x29, v7;
	v9 =	vsel vm7, v21, v20;
	v25 =	vsel vm8, v6, v5  }
0xa6: {  	v30 =	vld [tilespmem:s14+$0x6200];
	v7 =	vsel vm6, $0x2A, v7;
	v4 =	vmax.f32 v4, v9;
	vm9 =	vgt.f32 v24, v25  }
0xa7: {  	v38 =	vld [tilespmem:s14+$0x6280];
	v5 =	vsel vm8, v5, v6;
	v6 =	vmul.f32 v23, v3;
	v28 =	vsel vm9, v24, v25  }
0xa8: {  	v4 =	vmax.f32 v4, v5;
	v5 =	vsel vm9, v25, v24;
	vm10 =	vgt.f32 v27, v28  }
0xa9: {  	v31 =	vld [tilespmem:s14+$0x6100];
	v7 =	vsel vm7, $0x2B, v7;
	v4 =	vmax.f32 v4, v5;
	v5 =	vsel vm10, v27, v28  }
0xaa: {  	v33 =	vld [tilespmem:s14+$0x6180];
	v35 =	vmul.f32 v29, v3;
	v7 =	vsel vm8, $0x2C, v7;
	vm11 =	vgt.f32 v6, v5  }
0xab: {  	v36 =	vmul.f32 v30, v3;
	v7 =	vsel vm9, $0x2D, v7;
	v34 =	vsel vm11, v6, v5  }
0xac: {  	v42 =	vmul.f32 v38, v3;
	v7 =	vsel vm10, $0x2E, v7;
	vm12 =	vgt.f32 v32, v34  }
0xad: {  	v5 =	vsel vm11, v5, v6;
	v6 =	vsel vm11, $0x2F, v7;
	v7 =	vsel vm12, v32, v34  }
0xae: {  	v45 =	vld [tilespmem:s14+$0x7080];
	v8 =	vmul.f32 v31, v3;
	v9 =	vsel vm10, v28, v27;
	vm13 =	vgt.f32 v35, v7  }
0xaf: {  	v49 =	vld [tilespmem:s14+$0x7180];
	v11 =	vmul.f32 v33, v3;
	v4 =	vmax.f32 v4, v9;
	v37 =	vsel vm13, v35, v7  }
0xb0: {  	v41 =	vld [tilespmem:s14+$0x7000];
	v4 =	vmax.f32 v4, v5;
	v10 =	vsel vm12, v34, v32;
	vm14 =	vgt.f32 v8, v37  }
0xb1: {  	v39 =	vld [tilespmem:s14+$0x6300];
	v4 =	vmax.f32 v4, v10;
	v5 =	vsel vm13, v7, v35;
	v7 =	vsel vm14, v8, v37  }
0xb2: {  	v4 =	vmax.f32 v4, v5;
	v5 =	vsel vm14, v37, v8;
	vm15 =	vgt.f32 v11, v7  }
0xb3: {  	v40 =	vld [tilespmem:s14+$0x6380];
	v50 =	vmul.f32 v45, v3;
	v4 =	vmax.f32 v4, v5;
	v5 =	vsel vm15, v11, v7  }
0xb4: {  	v53 =	vmul.f32 v49, v3;
	v6 =	vsel vm12, $0x30, v6;
	vm4 =	vgt.f32 v36, v5  }
0xb5: {  	v10 =	vmul.f32 v41, v3;
	v7 =	vsel vm15, v7, v11;
	v43 =	vsel vm4, v36, v5  }
0xb6: {  	v4 =	vmax.f32 v4, v7;
	v7 =	vmul.f32 v39, v3;
	vm5 =	vgt.f32 v42, v43  }
0xb7: {  	v52 =	vld [tilespmem:s14+$0x7200];
	v6 =	vsel vm13, $0x31, v6;
	v5 =	vsel vm4, v5, v36;
	v44 =	vsel vm5, v42, v43  }
0xb8: {  	v4 =	vmax.f32 v4, v5;
	v5 =	vmul.f32 v40, v3;
	vm6 =	vgt.f32 v7, v44  }
0xb9: {  	v48 =	vld [tilespmem:s14+$0x7100];
	v6 =	vsel vm14, $0x32, v6;
	v46 =	vsel vm5, v43, v42;
	v47 =	vsel vm6, v7, v44  }
0xba: {  	v4 =	vmax.f32 v4, v46;
	v7 =	vsel vm6, v44, v7;
	vm7 =	vgt.f32 v5, v47  }
0xbb: {  	v6 =	vsel vm15, $0x33, v6;
	v4 =	vmax.f32 v4, v7;
	v7 =	vsel vm7, v5, v47  }
0xbc: {  	v58 =	vmul.f32 v52, v3;
	v6 =	vsel vm4, $0x34, v6;
	vm8 =	vgt.f32 v10, v7  }
0xbd: {  	v56 =	vld [tilespmem:s14+$0x7380];
	v6 =	vsel vm5, $0x35, v6;
	v5 =	vsel vm7, v47, v5;
	v51 =	vsel vm8, v10, v7  }
0xbe: {  	v4 =	vmax.f32 v4, v5;
	v5 =	vmul.f32 v48, v3;
	vm9 =	vgt.f32 v50, v51  }
0xbf: {  	v55 =	vld [tilespmem:s14+$0x7280];
	v6 =	vsel vm6, $0x36, v6;
	v7 =	vsel vm8, v7, v10;
	v54 =	vsel vm9, v50, v51  }
0xc0: {  	v57 =	vld [tilespmem:s14+$0x7300];
	v4 =	vmax.f32 v4, v7;
	v7 =	vsel vm9, v51, v50;
	vm10 =	vgt.f32 v5, v54  }
0xc1: {  	v6 =	vsel vm7, $0x37, v6;
	v4 =	vmax.f32 v4, v7;
	v7 =	vsel vm10, v5, v54  }
0xc2: {  	v60 =	vmul.f32 v56, v3;
	v6 =	vsel vm8, $0x38, v6;
	vm11 =	vgt.f32 v53, v7  }
0xc3: {  	v6 =	vsel vm9, $0x39, v6;
	v5 =	vsel vm10, v54, v5;
	v59 =	vsel vm11, v53, v7  }
0xc4: {  	v4 =	vmax.f32 v4, v5;
	v5 =	vmul.f32 v55, v3;
	vm12 =	vgt.f32 v58, v59  }
0xc5: {  	v6 =	vsel vm10, $0x3A, v6;
	v3 =	vmul.f32 v57, v3;
	v61 =	vsel vm12, v58, v59  }
0xc6: {  	v7 =	vsel vm11, v7, v53;
	v6 =	vsel vm11, $0x3B, v6;
	vm13 =	vgt.f32 v5, v61  }
0xc7: {  	v4 =	vmax.f32 v4, v7;
	v62 =	vsel vm12, v59, v58;
	v63 =	vsel vm13, v5, v61  }
0xc8: {  	v6 =	vsel vm12, $0x3C, v6;
	v4 =	vmax.f32 v4, v62;
	vm14 =	vgt.f32 v3, v63  }
0xc9: {  	v5 =	vsel vm13, v61, v5;
	v6 =	vsel vm13, $0x3D, v6;
	v7 =	vsel vm14, v3, v63  }
0xca: {  	v4 =	vmax.f32 v4, v5;
	v3 =	vsel vm14, v63, v3;
	vm15 =	vgt.f32 v60, v7  }
0xcb: {  	v3 =	vmax.f32 v4, v3;
	v4 =	vsel vm14, $0x3E, v6;
	v5 =	vsel vm15, v7, v60  }
0xcc: {  	v4 =	vsel vm15, $0x3F, v4;
	v6 =	vsel vm15, v60, v7;
	v5 =	vmax.f32 v3, v5  }
0xcd: {  	s18 =	simm.s32 $0x1;
	s14 =	simm.s32 $0x10;
	v3 =	vmul.f32 v6, v1;
	[tilespmem:s3+$0x10800] =	vst v4;
	v4 =	vmul.f32 v5, v2  }
.LBB2_3:
0xce: {  	s22 =	smov.u32 s18  }
0xcf: {  	s20 =	sshll.u32 s18, $0x5;
	s24 =	sshll.u32 s18, $0x7;
	s22 =	sadd.s32 $0x1, s18  }
0xd0: {  	s13 =	sand.u32 $0x70, s14;
	s20 =	sand.u32 $0xFFFFFF00, s20;
	s24 =	sand.u32 $0x3FFFFC00, s24;
	v4 =	vadd.f32 v4, v3  }
0xd1: {  	p1 =	sne.s32 s18, $0x1F;
	s19 =	sor.u32 s13, s20;
	s20 =	sor.u32 s13, s24  }
0xd2: {  	v3 =	vld [tilespmem:s19+$0x10000];
	[tilespmem:s3+$0x10400] =	vst v4;
	s3 =	smov.u32 s19  }
0xd3: {  	v4 =	vld [tilespmem:s20+$0x80]  }
0xd4: {  	v5 =	vld [tilespmem:s20+$0x0]  }
0xd5: {  	v6 =	vld [tilespmem:s20+$0x100];
	_ =	sdelay $0x1  }
0xd6: {  	v7 =	vld [tilespmem:s20+$0x180]  }
0xd7: {  	v8 =	vld [tilespmem:s20+$0x2280]  }
0xd8: {  	v4 =	vmul.f32 v4, v3;
	v5 =	vmul.f32 v5, v3;
	v9 =	vld [tilespmem:s20+$0x200]  }
0xd9: {  	v6 =	vmul.f32 v6, v3;
	v10 =	vld [tilespmem:s20+$0x1100]  }
0xda: {  	vm0 =	vgt.f32 v4, v5;
	v11 =	vld [tilespmem:s20+$0x280]  }
0xdb: {  	v12 =	vsel vm0, v5, v4;
	v5 =	vsel vm0, v4, v5;
	v7 =	vmul.f32 v7, v3  }
0xdc: {  	v13 =	vsel vm0, $0x1, v0;
	vm0 =	vgt.f32 v6, v5;
	v14 =	vld [tilespmem:s20+$0x300];
	v4 =	vmul.f32 v8, v3  }
0xdd: {  	v8 =	vsel vm0, $0x2, v13;
	v13 =	vsel vm0, v6, v5;
	v9 =	vmul.f32 v9, v3  }
0xde: {  	v5 =	vsel vm0, v5, v6;
	vm0 =	vgt.f32 v7, v13;
	v6 =	vld [tilespmem:s20+$0x380];
	v10 =	vmul.f32 v10, v3  }
0xdf: {  	v15 =	vsel vm0, v13, v7;
	v7 =	vsel vm0, v7, v13;
	v11 =	vmul.f32 v11, v3  }
0xe0: {  	v5 =	vmax.f32 v12, v5;
	v8 =	vsel vm0, $0x3, v8;
	vm0 =	vgt.f32 v9, v7;
	v12 =	vld [tilespmem:s20+$0x1000]  }
0xe1: {  	v13 =	vsel vm0, v7, v9;
	v7 =	vsel vm0, v9, v7;
	v9 =	vmul.f32 v14, v3  }
0xe2: {  	v5 =	vmax.f32 v5, v15;
	v8 =	vsel vm0, $0x4, v8;
	vm0 =	vgt.f32 v11, v7;
	v14 =	vld [tilespmem:s20+$0x1080]  }
0xe3: {  	v15 =	vsel vm0, v7, v11;
	v7 =	vsel vm0, v11, v7;
	v6 =	vmul.f32 v6, v3  }
0xe4: {  	v5 =	vmax.f32 v5, v13;
	v8 =	vsel vm0, $0x5, v8;
	vm0 =	vgt.f32 v9, v7  }
0xe5: {  	v11 =	vsel vm0, v7, v9;
	v7 =	vsel vm0, v9, v7;
	v9 =	vmul.f32 v12, v3;
	v12 =	vld [tilespmem:s20+$0x1180]  }
0xe6: {  	v5 =	vmax.f32 v5, v15;
	v8 =	vsel vm0, $0x6, v8;
	vm0 =	vgt.f32 v6, v7  }
0xe7: {  	v13 =	vsel vm0, v7, v6;
	v6 =	vsel vm0, v6, v7;
	v7 =	vmul.f32 v14, v3;
	v14 =	vld [tilespmem:s20+$0x1200]  }
0xe8: {  	v5 =	vmax.f32 v5, v11;
	v8 =	vsel vm0, $0x7, v8;
	vm0 =	vgt.f32 v9, v6  }
0xe9: {  	v5 =	vmax.f32 v5, v13;
	v11 =	vsel vm0, v6, v9;
	v6 =	vsel vm0, v9, v6;
	v9 =	vld [tilespmem:s20+$0x1280]  }
0xea: {  	v8 =	vsel vm0, $0x8, v8;
	vm0 =	vgt.f32 v7, v6;
	v12 =	vmul.f32 v12, v3  }
0xeb: {  	v13 =	vsel vm0, v6, v7;
	v8 =	vsel vm0, $0x9, v8;
	v6 =	vsel vm0, v7, v6;
	v7 =	vld [tilespmem:s20+$0x1380]  }
0xec: {  	v5 =	vmax.f32 v5, v11;
	vm0 =	vgt.f32 v10, v6;
	v11 =	vmul.f32 v14, v3;
	v14 =	vld [tilespmem:s20+$0x1300]  }
0xed: {  	v15 =	vsel vm0, v6, v10;
	v8 =	vsel vm0, $0xA, v8;
	v6 =	vsel vm0, v10, v6  }
0xee: {  	v5 =	vmax.f32 v5, v13;
	vm0 =	vgt.f32 v12, v6;
	v9 =	vmul.f32 v9, v3  }
0xef: {  	v10 =	vsel vm0, v6, v12;
	v8 =	vsel vm0, $0xB, v8;
	v6 =	vsel vm0, v12, v6;
	v12 =	vld [tilespmem:s20+$0x2000]  }
0xf0: {  	v5 =	vmax.f32 v5, v15;
	vm0 =	vgt.f32 v11, v6;
	v7 =	vmul.f32 v7, v3  }
0xf1: {  	v13 =	vsel vm0, v6, v11;
	v6 =	vsel vm0, v11, v6;
	v11 =	vmul.f32 v14, v3;
	v14 =	vld [tilespmem:s20+$0x2100]  }
0xf2: {  	v5 =	vmax.f32 v5, v10;
	v8 =	vsel vm0, $0xC, v8;
	vm0 =	vgt.f32 v9, v6  }
0xf3: {  	v10 =	vsel vm0, v6, v9;
	v8 =	vsel vm0, $0xD, v8;
	v6 =	vsel vm0, v9, v6;
	v9 =	vld [tilespmem:s20+$0x2080]  }
0xf4: {  	v5 =	vmax.f32 v5, v13;
	vm0 =	vgt.f32 v11, v6;
	v12 =	vmul.f32 v12, v3  }
0xf5: {  	v13 =	vsel vm0, v6, v11;
	v8 =	vsel vm0, $0xE, v8;
	v6 =	vsel vm0, v11, v6;
	v11 =	vld [tilespmem:s20+$0x2200]  }
0xf6: {  	v5 =	vmax.f32 v5, v10;
	vm0 =	vgt.f32 v7, v6;
	v10 =	vmul.f32 v14, v3;
	v14 =	vld [tilespmem:s20+$0x2180]  }
0xf7: {  	v15 =	vsel vm0, v6, v7;
	v8 =	vsel vm0, $0xF, v8;
	v6 =	vsel vm0, v7, v6  }
0xf8: {  	v5 =	vmax.f32 v5, v13;
	vm0 =	vgt.f32 v12, v6;
	v7 =	vmul.f32 v9, v3  }
0xf9: {  	v9 =	vsel vm0, v6, v12;
	v8 =	vsel vm0, $0x10, v8;
	v6 =	vsel vm0, v12, v6  }
0xfa: {  	v5 =	vmax.f32 v5, v15;
	vm0 =	vgt.f32 v7, v6;
	v11 =	vmul.f32 v11, v3  }
0xfb: {  	v12 =	vsel vm0, v6, v7;
	v6 =	vsel vm0, v7, v6;
	v7 =	vmul.f32 v14, v3;
	v13 =	vld [tilespmem:s20+$0x3000]  }
0xfc: {  	v5 =	vmax.f32 v5, v9;
	v8 =	vsel vm0, $0x11, v8;
	vm0 =	vgt.f32 v10, v6  }
0xfd: {  	v5 =	vmax.f32 v5, v12;
	v9 =	vsel vm0, v6, v10;
	v6 =	vsel vm0, v10, v6;
	v10 =	vld [tilespmem:s20+$0x2300]  }
0xfe: {  	v8 =	vsel vm0, $0x12, v8;
	v5 =	vmax.f32 v5, v9;
	vm0 =	vgt.f32 v7, v6;
	v9 =	vld [tilespmem:s20+$0x2380]  }
0xff: {  	v12 =	vsel vm0, v6, v7;
	v8 =	vsel vm0, $0x13, v8;
	v6 =	vsel vm0, v7, v6  }
0x100: {  	v5 =	vmax.f32 v5, v12;
	vm0 =	vgt.f32 v11, v6;
	v7 =	vmul.f32 v13, v3;
	v12 =	vld [tilespmem:s20+$0x3100]  }
0x101: {  	v13 =	vsel vm0, v6, v11;
	v8 =	vsel vm0, $0x14, v8;
	v6 =	vsel vm0, v11, v6;
	v11 =	vld [tilespmem:s20+$0x3080]  }
0x102: {  	v5 =	vmax.f32 v5, v13;
	vm0 =	vgt.f32 v4, v6;
	v10 =	vmul.f32 v10, v3  }
0x103: {  	v13 =	vsel vm0, v6, v4;
	v4 =	vsel vm0, v4, v6;
	v6 =	vmul.f32 v9, v3  }
0x104: {  	v8 =	vsel vm0, $0x15, v8;
	v5 =	vmax.f32 v5, v13;
	vm0 =	vgt.f32 v10, v4  }
0x105: {  	v9 =	vsel vm0, v4, v10;
	v8 =	vsel vm0, $0x16, v8;
	v4 =	vsel vm0, v10, v4;
	v10 =	vld [tilespmem:s20+$0x3200]  }
0x106: {  	v12 =	vmul.f32 v12, v3;
	vm0 =	vgt.f32 v6, v4;
	v11 =	vmul.f32 v11, v3  }
0x107: {  	v5 =	vmax.f32 v5, v9;
	v9 =	vsel vm0, v4, v6;
	v4 =	vsel vm0, v6, v4;
	v6 =	vld [tilespmem:s20+$0x3180]  }
0x108: {  	v8 =	vsel vm0, $0x17, v8;
	v5 =	vmax.f32 v5, v9;
	vm0 =	vgt.f32 v7, v4  }
0x109: {  	v9 =	vsel vm0, v4, v7;
	v8 =	vsel vm0, $0x18, v8;
	v4 =	vsel vm0, v7, v4;
	v7 =	vld [tilespmem:s20+$0x3280]  }
0x10a: {  	v5 =	vmax.f32 v5, v9;
	vm0 =	vgt.f32 v11, v4;
	v9 =	vmul.f32 v10, v3  }
0x10b: {  	v10 =	vsel vm0, v4, v11;
	v8 =	vsel vm0, $0x19, v8;
	v4 =	vsel vm0, v11, v4;
	v11 =	vld [tilespmem:s20+$0x3300]  }
0x10c: {  	v5 =	vmax.f32 v5, v10;
	vm0 =	vgt.f32 v12, v4;
	v6 =	vmul.f32 v6, v3  }
0x10d: {  	v10 =	vsel vm0, v4, v12;
	v8 =	vsel vm0, $0x1A, v8;
	v4 =	vsel vm0, v12, v4;
	v12 =	vld [tilespmem:s20+$0x3380]  }
0x10e: {  	v5 =	vmax.f32 v5, v10;
	vm0 =	vgt.f32 v6, v4;
	v7 =	vmul.f32 v7, v3  }
0x10f: {  	v10 =	vsel vm0, v4, v6;
	v8 =	vsel vm0, $0x1B, v8;
	v4 =	vsel vm0, v6, v4;
	v6 =	vld [tilespmem:s20+$0x4000]  }
0x110: {  	v5 =	vmax.f32 v5, v10;
	vm0 =	vgt.f32 v9, v4;
	v10 =	vmul.f32 v11, v3  }
0x111: {  	v11 =	vsel vm0, v4, v9;
	v8 =	vsel vm0, $0x1C, v8;
	v4 =	vsel vm0, v9, v4;
	v9 =	vld [tilespmem:s20+$0x4080]  }
0x112: {  	v5 =	vmax.f32 v5, v11;
	vm0 =	vgt.f32 v7, v4;
	v11 =	vmul.f32 v12, v3  }
0x113: {  	v12 =	vsel vm0, v4, v7;
	v8 =	vsel vm0, $0x1D, v8;
	v4 =	vsel vm0, v7, v4  }
0x114: {  	v5 =	vmax.f32 v5, v12;
	vm0 =	vgt.f32 v10, v4;
	v6 =	vmul.f32 v6, v3  }
0x115: {  	v7 =	vsel vm0, v4, v10;
	v8 =	vsel vm0, $0x1E, v8;
	v4 =	vsel vm0, v10, v4;
	v10 =	vld [tilespmem:s20+$0x4100]  }
0x116: {  	v5 =	vmax.f32 v5, v7;
	vm0 =	vgt.f32 v11, v4;
	v7 =	vmul.f32 v9, v3  }
0x117: {  	v9 =	vsel vm0, v4, v11;
	v8 =	vsel vm0, $0x1F, v8;
	v4 =	vsel vm0, v11, v4;
	v11 =	vld [tilespmem:s20+$0x4180]  }
0x118: {  	v5 =	vmax.f32 v5, v9;
	vm0 =	vgt.f32 v6, v4  }
0x119: {  	v9 =	vsel vm0, v4, v6;
	v8 =	vsel vm0, $0x20, v8;
	v4 =	vsel vm0, v6, v4;
	v6 =	vld [tilespmem:s20+$0x4200]  }
0x11a: {  	v5 =	vmax.f32 v5, v9;
	vm0 =	vgt.f32 v7, v4;
	v9 =	vmul.f32 v10, v3;
	v10 =	vld [tilespmem:s20+$0x4280]  }
0x11b: {  	v12 =	vsel vm0, v4, v7;
	v8 =	vsel vm0, $0x21, v8;
	v4 =	vsel vm0, v7, v4  }
0x11c: {  	v5 =	vmax.f32 v5, v12;
	vm0 =	vgt.f32 v9, v4;
	v7 =	vmul.f32 v11, v3  }
0x11d: {  	v11 =	vsel vm0, v4, v9;
	v8 =	vsel vm0, $0x22, v8;
	v4 =	vsel vm0, v9, v4;
	v9 =	vld [tilespmem:s20+$0x4300]  }
0x11e: {  	v5 =	vmax.f32 v5, v11;
	vm0 =	vgt.f32 v7, v4;
	v6 =	vmul.f32 v6, v3  }
0x11f: {  	v11 =	vsel vm0, v4, v7;
	v4 =	vsel vm0, v7, v4;
	v7 =	vmul.f32 v10, v3;
	v10 =	vld [tilespmem:s20+$0x4380]  }
0x120: {  	v8 =	vsel vm0, $0x23, v8;
	v5 =	vmax.f32 v5, v11;
	vm0 =	vgt.f32 v6, v4  }
0x121: {  	v11 =	vsel vm0, v4, v6;
	v8 =	vsel vm0, $0x24, v8;
	v4 =	vsel vm0, v6, v4;
	v6 =	vld [tilespmem:s20+$0x5000]  }
0x122: {  	v5 =	vmax.f32 v5, v11;
	vm0 =	vgt.f32 v7, v4;
	v9 =	vmul.f32 v9, v3;
	v11 =	vld [tilespmem:s20+$0x5080]  }
0x123: {  	v12 =	vsel vm0, v4, v7;
	v8 =	vsel vm0, $0x25, v8;
	v4 =	vsel vm0, v7, v4  }
0x124: {  	v5 =	vmax.f32 v5, v12;
	vm0 =	vgt.f32 v9, v4;
	v7 =	vmul.f32 v10, v3  }
0x125: {  	v10 =	vsel vm0, v4, v9;
	v8 =	vsel vm0, $0x26, v8;
	v4 =	vsel vm0, v9, v4;
	v9 =	vld [tilespmem:s20+$0x5100]  }
0x126: {  	v5 =	vmax.f32 v5, v10;
	vm0 =	vgt.f32 v7, v4;
	v6 =	vmul.f32 v6, v3;
	v10 =	vld [tilespmem:s20+$0x5200]  }
0x127: {  	v12 =	vsel vm0, v4, v7;
	v4 =	vsel vm0, v7, v4;
	v7 =	vmul.f32 v11, v3;
	v11 =	vld [tilespmem:s20+$0x5180]  }
0x128: {  	v8 =	vsel vm0, $0x27, v8;
	v5 =	vmax.f32 v5, v12;
	vm0 =	vgt.f32 v6, v4  }
0x129: {  	v12 =	vsel vm0, v4, v6;
	v8 =	vsel vm0, $0x28, v8;
	v4 =	vsel vm0, v6, v4  }
0x12a: {  	v5 =	vmax.f32 v5, v12;
	vm0 =	vgt.f32 v7, v4;
	v6 =	vmul.f32 v9, v3  }
0x12b: {  	v9 =	vsel vm0, v4, v7;
	v8 =	vsel vm0, $0x29, v8;
	v4 =	vsel vm0, v7, v4;
	v7 =	vld [tilespmem:s20+$0x5280]  }
0x12c: {  	v10 =	vmul.f32 v10, v3;
	vm0 =	vgt.f32 v6, v4;
	v11 =	vmul.f32 v11, v3;
	v12 =	vld [tilespmem:s20+$0x5380]  }
0x12d: {  	v5 =	vmax.f32 v5, v9;
	v9 =	vsel vm0, v4, v6;
	v4 =	vsel vm0, v6, v4;
	v6 =	vld [tilespmem:s20+$0x5300]  }
0x12e: {  	v8 =	vsel vm0, $0x2A, v8;
	v5 =	vmax.f32 v5, v9;
	vm0 =	vgt.f32 v11, v4  }
0x12f: {  	v9 =	vsel vm0, v4, v11;
	v8 =	vsel vm0, $0x2B, v8;
	v4 =	vsel vm0, v11, v4  }
0x130: {  	v5 =	vmax.f32 v5, v9;
	vm0 =	vgt.f32 v10, v4;
	v7 =	vmul.f32 v7, v3  }
0x131: {  	v9 =	vsel vm0, v4, v10;
	v8 =	vsel vm0, $0x2C, v8;
	v4 =	vsel vm0, v10, v4;
	v10 =	vld [tilespmem:s20+$0x6000]  }
0x132: {  	v11 =	vmul.f32 v12, v3;
	vm0 =	vgt.f32 v7, v4;
	v6 =	vmul.f32 v6, v3;
	v12 =	vld [tilespmem:s20+$0x6200]  }
0x133: {  	v5 =	vmax.f32 v5, v9;
	v9 =	vsel vm0, v4, v7;
	v4 =	vsel vm0, v7, v4;
	v7 =	vld [tilespmem:s20+$0x6080]  }
0x134: {  	v8 =	vsel vm0, $0x2D, v8;
	v5 =	vmax.f32 v5, v9;
	vm0 =	vgt.f32 v6, v4;
	v9 =	vld [tilespmem:s20+$0x6180]  }
0x135: {  	v13 =	vsel vm0, v4, v6;
	v8 =	vsel vm0, $0x2E, v8;
	v4 =	vsel vm0, v6, v4;
	v6 =	vld [tilespmem:s20+$0x6100]  }
0x136: {  	v5 =	vmax.f32 v5, v13;
	vm0 =	vgt.f32 v11, v4;
	v10 =	vmul.f32 v10, v3  }
0x137: {  	v13 =	vsel vm0, v4, v11;
	v8 =	vsel vm0, $0x2F, v8;
	v4 =	vsel vm0, v11, v4  }
0x138: {  	v11 =	vmul.f32 v12, v3;
	vm0 =	vgt.f32 v10, v4;
	v7 =	vmul.f32 v7, v3  }
0x139: {  	v12 =	vsel vm0, v4, v10;
	v8 =	vsel vm0, $0x30, v8;
	v4 =	vsel vm0, v10, v4  }
0x13a: {  	v9 =	vmul.f32 v9, v3;
	vm0 =	vgt.f32 v7, v4;
	v6 =	vmul.f32 v6, v3  }
0x13b: {  	v5 =	vmax.f32 v5, v13;
	v10 =	vsel vm0, v4, v7;
	v4 =	vsel vm0, v7, v4;
	v7 =	vld [tilespmem:s20+$0x6280]  }
0x13c: {  	v5 =	vmax.f32 v5, v12;
	v8 =	vsel vm0, $0x31, v8;
	vm0 =	vgt.f32 v6, v4  }
0x13d: {  	v5 =	vmax.f32 v5, v10;
	v10 =	vsel vm0, v4, v6;
	v4 =	vsel vm0, v6, v4;
	v6 =	vld [tilespmem:s20+$0x6300]  }
0x13e: {  	v8 =	vsel vm0, $0x32, v8;
	v5 =	vmax.f32 v5, v10;
	vm0 =	vgt.f32 v9, v4;
	v10 =	vld [tilespmem:s20+$0x7000]  }
0x13f: {  	v12 =	vsel vm0, v4, v9;
	v8 =	vsel vm0, $0x33, v8;
	v4 =	vsel vm0, v9, v4;
	v9 =	vld [tilespmem:s20+$0x6380]  }
0x140: {  	v5 =	vmax.f32 v5, v12;
	vm0 =	vgt.f32 v11, v4;
	v7 =	vmul.f32 v7, v3  }
0x141: {  	v12 =	vsel vm0, v4, v11;
	v8 =	vsel vm0, $0x34, v8;
	v4 =	vsel vm0, v11, v4  }
0x142: {  	v5 =	vmax.f32 v5, v12;
	vm0 =	vgt.f32 v7, v4;
	v6 =	vmul.f32 v6, v3  }
0x143: {  	v11 =	vsel vm0, v4, v7;
	v8 =	vsel vm0, $0x35, v8;
	v4 =	vsel vm0, v7, v4;
	v7 =	vld [tilespmem:s20+$0x7080]  }
0x144: {  	v10 =	vmul.f32 v10, v3;
	vm0 =	vgt.f32 v6, v4;
	v9 =	vmul.f32 v9, v3;
	v12 =	vld [tilespmem:s20+$0x7180]  }
0x145: {  	v5 =	vmax.f32 v5, v11;
	v11 =	vsel vm0, v4, v6;
	v4 =	vsel vm0, v6, v4;
	v6 =	vld [tilespmem:s20+$0x7100]  }
0x146: {  	v8 =	vsel vm0, $0x36, v8;
	v5 =	vmax.f32 v5, v11;
	vm0 =	vgt.f32 v9, v4  }
0x147: {  	v11 =	vsel vm0, v4, v9;
	v8 =	vsel vm0, $0x37, v8;
	v4 =	vsel vm0, v9, v4  }
0x148: {  	v5 =	vmax.f32 v5, v11;
	vm0 =	vgt.f32 v10, v4;
	v7 =	vmul.f32 v7, v3  }
0x149: {  	v9 =	vsel vm0, v4, v10;
	v8 =	vsel vm0, $0x38, v8;
	v4 =	vsel vm0, v10, v4;
	v10 =	vld [tilespmem:s20+$0x7200]  }
0x14a: {  	v11 =	vmul.f32 v12, v3;
	vm0 =	vgt.f32 v7, v4;
	v6 =	vmul.f32 v6, v3;
	v12 =	vld [tilespmem:s20+$0x7380]  }
0x14b: {  	v5 =	vmax.f32 v5, v9;
	v9 =	vsel vm0, v4, v7;
	v4 =	vsel vm0, v7, v4;
	v7 =	vld [tilespmem:s20+$0x7280]  }
0x14c: {  	v8 =	vsel vm0, $0x39, v8;
	v5 =	vmax.f32 v5, v9;
	vm0 =	vgt.f32 v6, v4  }
0x14d: {  	v9 =	vsel vm0, v4, v6;
	v8 =	vsel vm0, $0x3A, v8;
	v4 =	vsel vm0, v6, v4;
	v6 =	vld [tilespmem:s20+$0x7300]  }
0x14e: {  	v5 =	vmax.f32 v5, v9;
	vm0 =	vgt.f32 v11, v4;
	v9 =	vmul.f32 v10, v3  }
0x14f: {  	v10 =	vsel vm0, v4, v11;
	v4 =	vsel vm0, v11, v4  }
0x150: {  	v11 =	vmul.f32 v12, v3;
	vm1 =	vgt.f32 v9, v4;
	v7 =	vmul.f32 v7, v3  }
0x151: {  	v8 =	vsel vm0, $0x3B, v8;
	v12 =	vsel vm1, v4, v9;
	v4 =	vsel vm1, v9, v4  }
0x152: {  	v8 =	vsel vm1, $0x3C, v8;
	vm0 =	vgt.f32 v7, v4;
	v3 =	vmul.f32 v6, v3  }
0x153: {  	v5 =	vmax.f32 v5, v10;
	v6 =	vsel vm0, v4, v7;
	v4 =	vsel vm0, v7, v4  }
0x154: {  	v5 =	vmax.f32 v5, v12;
	v7 =	vsel vm0, $0x3D, v8;
	vm0 =	vgt.f32 v3, v4  }
.Ltmp0:
0x155: {  	v5 =	vmax.f32 v5, v6;
	v6 =	vsel vm0, v4, v3;
	v3 =	vsel vm0, v3, v4;
	(pc) =	sbr.rel @p1 .LBB2_3-.Ltmp0, $4  }
0x156: {  	v4 =	vmax.f32 v5, v6;
	v5 =	vsel vm0, $0x3E, v7;
	vm0 =	vgt.f32 v11, v3  }
0x157: {  	v6 =	vsel vm0, v3, v11;
	v5 =	vsel vm0, $0x3F, v5;
	v3 =	vsel vm0, v11, v3  }
0x158: {  	v4 =	vmax.f32 v4, v6;
	v3 =	vmul.f32 v3, v1;
	[tilespmem:s3+$0x10800] =	vst v5  }
0x159: {  	s14 =	sadd.s32 $0x10, s14;
	s18 =	smov.u32 s22;
	v4 =	vmul.f32 v4, v2  }
0x15a: {  	s13 =	sor.u32 s8, s5  }
0x15b: {  	s14 =	smulhi.u32 $0x92492493, s13;
	_ =	sdelay $0x1  }
0x15c: {  	s18 =	sshrl.u32 s14, $0x5  }
0x15d: {  	s19 =	sand.u32 $0x1, s18  }
0x15e: {  	p1 =	slt.u32 s13, $0x38;
	p2 =	seq.s32 s19, $0x1  }
0x15f: {  	p1 =	por !p1, !p2  }
0x160: {  	s19 =	simm.s32 $0x1;
	p1 =	por !p1, !p1  }
0x161: {  	s20 =	sshrl.u32 s14, $0x6;
	s18 =	smul.u32 $0x38, s18;
	s19 =	simm.s32 @!p1 $0x0  }
0x162: {  	s19 =	ssub.s32 s20, s19  }
0x163: {  	s13 =	ssub.s32 s13, s18;
	s19 =	smul.u32 $0xE000, s19  }
0x164: {  	s14 =	sshll.u32 s14, $0x2;
	s13 =	sshll.u32 s13, $0xA  }
0x165: {  	s14 =	sand.u32 $0x80, s14;
	s13 =	sadd.s32 s13, s19  }
0x166: {  	v3 =	vadd.f32 v4, v3;
	s13 =	sor.u32 s14, s13  }
0x167: {  	s13 =	sshrl.u32 s13, $0x3  }
0x168: {  	[tilespmem:s3+$0x10400] =	vst v3;
	s20 =	simm.s32 $0x10400;
	s3 =	sadd.s32 s4, s13  }
0x169: {  	[hbm4b:s3+s6] =	stream.linear.scatter [tilespmem:s20], [sflag:$0x3], $0x80, $0x38;
	[tilespmem:$0x10C80] =	vst v63  }
0x16a: {  	s24 =	simm.s32 $0x10500;
	s22 =	sadd.s32 $0x20, s3  }
0x16b: {  	[hbm4b:s22+s6] =	stream.linear.scatter [tilespmem:s24], [sflag:$0x3], $0x80, $0x38;
	[tilespmem:$0x10C80] =	vst v63  }
0x16c: {  	s19 =	sadd.s32 $0x40, s3;
	s20 =	simm.s32 $0x10600  }
0x16d: {  	[hbm4b:s19+s6] =	stream.linear.scatter [tilespmem:s20], [sflag:$0x3], $0x80, $0x38;
	[tilespmem:$0x10C80] =	vst v63  }
0x16e: {  	p1 =	seq.s32 s29, $0x6;
	s3 =	sadd.s32 $0x60, s3;
	s22 =	simm.s32 $0x10700  }
0x16f: {  	[hbm4b:s3+s6] =	stream.linear.scatter [tilespmem:s22], [sflag:$0x3], $0x80, $0x38;
	[tilespmem:$0x10C80] =	vst v63  }
0x170: {  	s5 =	sadd.s32 @!p1 s12, s5;
	s14 =	simm.s32 $0x10800;
	s24 =	sadd.s32 s7, s13  }
0x171: {  	[hbm4b:s24+s6] =	stream.linear.scatter [tilespmem:s14], [sflag:$0x3], $0x80, $0x38;
	[tilespmem:$0x10C80] =	vst v63  }
0x172: {  	s18 =	sadd.s32 $0x20, s24;
	s19 =	simm.s32 $0x10900;
	s14 =	smulhi.u32 @!p1 $0x92492493, s5  }
0x173: {  	[hbm4b:s18+s6] =	stream.linear.scatter [tilespmem:s19], [sflag:$0x3], $0x80, $0x38;
	[tilespmem:$0x10C80] =	vst v63  }
0x174: {  	s20 =	sadd.s32 $0x40, s24;
	s22 =	simm.s32 $0x10A00;
	s13 =	sshrl.u32 @!p1 s14, $0x5  }
0x175: {  	[hbm4b:s20+s6] =	stream.linear.scatter [tilespmem:s22], [sflag:$0x3], $0x80, $0x38;
	[tilespmem:$0x10C80] =	vst v63  }
0x176: {  	s3 =	sadd.s32 $0x60, s24;
	s24 =	simm.s32 $0x10B00;
	s18 =	smul.u32 @!p1 $0x38, s13  }
0x177: {  	[hbm4b:s3+s6] =	stream.linear.scatter [tilespmem:s24], [sflag:$0x3], $0x80, $0x38;
	[tilespmem:$0x10C80] =	vst v63  }
0x178: {  	s3 =	ssub.s32 @!p1 s5, s18  }
0x179: {  	s5 =	sshll.u32 @!p1 s3, $0x9  }
0x17a: {  	s19 =	simm.s32 @!p1 $0x0;
	s13 =	sshll.u32 @!p1 s13, $0x13;
	s5 =	sadd.s32 @!p1 s2, s5  }
0x17b: {  	s18 =	simm.s32 @!p1 $0x80000;
	s5 =	sadd.s32 @!p1 s13, s5;
	s13 =	simm.s32 @!p1 $0x1000  }
0x17c: {  	[tilespmem:s19], [sflag:$0x1] =	stream.strided.gather @!p1 [hbm4b:s5+s13], $0x8000, s18, s13, $0x38;
	[tilespmem:$0x10C80] =	vst v63  }
0x17d: {  	s3 =	sshll.u32 @!p1 s3, $0x8;
	s5 =	sshll.u32 @!p1 s14, $0x7  }
0x17e: {  	s3 =	sadd.s32 @!p1 s1, s3;
	s13 =	sshrl.u32 @!p1 s14, $0x2;
	s5 =	sand.u32 @!p1 $0xFFF8000, s5  }
0x17f: {  	s13 =	sand.u32 @!p1 $0x30, s13;
	s3 =	sadd.s32 @!p1 s5, s3  }
0x180: {  	s5 =	simm.s32 @!p1 $0x10000;
	s3 =	sadd.s32 @!p1 s13, s3  }
0x181: {  	[tilespmem:s5], [sflag:$0x1] =	stream.linear.gather @!p1 [hbm4b:s3+s19], $0x80, $0x38;
	[tilespmem:$0x10C80] =	vst v63  }
0x182: {  	s13 =	simm.s32 @!p1 $0x10100;
	s5 =	sadd.s32 @!p1 $0x40, s3  }
0x183: {  	[tilespmem:s13], [sflag:$0x1] =	stream.linear.gather @!p1 [hbm4b:s5+s19], $0x80, $0x38;
	[tilespmem:$0x10C80] =	vst v63  }
0x184: {  	s5 =	sadd.s32 @!p1 $0x80, s3;
	s13 =	simm.s32 @!p1 $0x10200  }
0x185: {  	[tilespmem:s13], [sflag:$0x1] =	stream.linear.gather @!p1 [hbm4b:s5+s19], $0x80, $0x38;
	[tilespmem:$0x10C80] =	vst v63  }
0x186: {  	s3 =	sadd.s32 @!p1 $0xC0, s3;
	s5 =	simm.s32 @!p1 $0x10300  }
0x187: {  	[tilespmem:s5], [sflag:$0x1] =	stream.linear.gather @!p1 [hbm4b:s3+s19], $0x80, $0x38;
	[tilespmem:$0x10C80] =	vst v63  }
0x188: {  	_ =	swait.ge [sflag:s9], $0x8000  }
0x189: {  	[sflag:s9] =	ssyncset.done $0x0  }
0x18a: {  	[sflag:s9] =	ssyncadd.s32 $0xFFFF8000  }
0x18b: {  	_ =	swait.ge [sflag:s9], $0x200  }
0x18c: {  	[sflag:s9] =	ssyncset.done $0x0  }
0x18d: {  	s3 =	simm.s32 @!p0 $0x4;
	[sflag:s9] =	ssyncadd.s32 $0xFFFFFE00  }
0x18e: {  	_ =	swait.ge @!p0 [sflag:s3], $0x200  }
0x18f: {  	[sflag:s3] =	ssyncset.done @!p0 $0x0  }
0x190: {  	s20 =	simm.s32 $0x0;
	[sflag:s3] =	ssyncadd.s32 @!p0 $0xFFFFFE00  }
0x191: {  	s22 =	simm.s32 $0x0;
	s24 =	simm.s32 $0x0;
	_ =	swait.ge @!p0 [sflag:s3], $0x200  }
0x192: {  	s13 =	sand.u32 $0xFFFFFF00, s22;
	s5 =	sand.u32 $0x70, s20;
	[sflag:s3] =	ssyncset.done @!p0 $0x0  }
0x193: {  	s14 =	sand.u32 $0x3FFFFC00, s24;
	[sflag:s3] =	ssyncadd.s32 @!p0 $0xFFFFFE00;
	s3 =	sor.u32 s5, s13  }
0x194: {  	s5 =	sor.u32 s5, s14;
	v3 =	vld [tilespmem:s3+$0x10080]  }
0x195: {  	v4 =	vld [tilespmem:s5+$0x8080]  }
0x196: {  	v5 =	vld [tilespmem:s5+$0x8000];
	_ =	sdelay $0x1  }
0x197: {  	v6 =	vld [tilespmem:s5+$0x8100]  }
0x198: {  	v7 =	vld [tilespmem:s5+$0x8180]  }
0x199: {  	v8 =	vld [tilespmem:s5+$0x8200]  }
0x19a: {  	v9 =	vld [tilespmem:s5+$0x9100];
	v5 =	vmul.f32 v5, v3;
	v4 =	vmul.f32 v4, v3  }
0x19b: {  	v10 =	vld [tilespmem:s5+$0x8280]  }
0x19c: {  	v18 =	vld [tilespmem:s5+$0xA280];
	v6 =	vmul.f32 v6, v3;
	vm0 =	vgt.f32 v4, v5  }
0x19d: {  	v15 =	vld [tilespmem:s5+$0xA200];
	v11 =	vsel vm0, v4, v5  }
0x19e: {  	v27 =	vld [tilespmem:s5+$0xA300];
	v7 =	vmul.f32 v7, v3;
	vm1 =	vgt.f32 v6, v11  }
0x19f: {  	v4 =	vsel vm0, v5, v4;
	v5 =	vld [tilespmem:s5+$0x8300];
	v12 =	vsel vm1, v6, v11  }
0x1a0: {  	v8 =	vmul.f32 v8, v3;
	v9 =	vmul.f32 v9, v3;
	vm4 =	vgt.f32 v7, v12  }
0x1a1: {  	v47 =	vld [tilespmem:s5+$0x8380];
	v10 =	vmul.f32 v10, v3;
	v22 =	vmul.f32 v18, v3;
	v14 =	vsel vm4, v7, v12  }
0x1a2: {  	v25 =	vmul.f32 v15, v3;
	v6 =	vsel vm1, v11, v6;
	vm5 =	vgt.f32 v8, v14  }
0x1a3: {  	v31 =	vmul.f32 v27, v3;
	v4 =	vmax.f32 v4, v6;
	v6 =	vld [tilespmem:s5+$0x9000];
	v48 =	vsel vm5, v8, v14  }
0x1a4: {  	v7 =	vsel vm4, v12, v7;
	v5 =	vmul.f32 v5, v3;
	vm6 =	vgt.f32 v10, v48  }
0x1a5: {  	v13 =	vsel vm0, $0x1, v0;
	v4 =	vmax.f32 v4, v7;
	v7 =	vld [tilespmem:s5+$0x9080];
	v49 =	vsel vm6, v10, v48  }
0x1a6: {  	v11 =	vmul.f32 v47, v3;
	v8 =	vsel vm5, v14, v8;
	vm7 =	vgt.f32 v5, v49  }
0x1a7: {  	v39 =	vld [tilespmem:s5+$0xB200];
	v13 =	vsel vm1, $0x2, v13;
	v4 =	vmax.f32 v4, v8;
	v50 =	vsel vm7, v5, v49  }
0x1a8: {  	v52 =	vld [tilespmem:s5+$0x9180];
	v10 =	vsel vm6, v48, v10;
	v6 =	vmul.f32 v6, v3;
	vm8 =	vgt.f32 v11, v50  }
0x1a9: {  	v13 =	vsel vm4, $0x3, v13;
	v4 =	vmax.f32 v4, v10;
	v53 =	vsel vm8, v11, v50  }
0x1aa: {  	v5 =	vsel vm7, v49, v5;
	v7 =	vmul.f32 v7, v3;
	vm9 =	vgt.f32 v6, v53  }
0x1ab: {  	v54 =	vld [tilespmem:s5+$0x9200];
	v13 =	vsel vm5, $0x4, v13;
	v4 =	vmax.f32 v4, v5;
	v5 =	vsel vm9, v6, v53  }
0x1ac: {  	v44 =	vmul.f32 v39, v3;
	v51 =	vsel vm6, $0x5, v13;
	vm10 =	vgt.f32 v7, v5  }
0x1ad: {  	v55 =	vld [tilespmem:s5+$0x9280];
	v13 =	vmul.f32 v52, v3;
	v8 =	vsel vm8, v50, v11;
	v57 =	vsel vm10, v7, v5  }
0x1ae: {  	v49 =	vld [tilespmem:s5+$0xC080];
	v4 =	vmax.f32 v4, v8;
	v6 =	vsel vm9, v53, v6;
	vm11 =	vgt.f32 v9, v57  }
0x1af: {  	v12 =	vsel vm7, $0x6, v51;
	v4 =	vmax.f32 v4, v6;
	v6 =	vld [tilespmem:s5+$0x9300];
	v58 =	vsel vm11, v9, v57  }
0x1b0: {  	v11 =	vmul.f32 v54, v3;
	v5 =	vsel vm10, v5, v7;
	v7 =	vld [tilespmem:s5+$0x9380];
	vm12 =	vgt.f32 v13, v58  }
0x1b1: {  	v12 =	vsel vm8, $0x7, v12;
	v4 =	vmax.f32 v4, v5;
	v5 =	vsel vm12, v13, v58  }
0x1b2: {  	v8 =	vmul.f32 v55, v3;
	v56 =	vsel vm9, $0x8, v12;
	vm13 =	vgt.f32 v11, v5  }
0x1b3: {  	v60 =	vld [tilespmem:s5+$0xA000];
	v12 =	vmul.f32 v49, v3;
	v9 =	vsel vm11, v57, v9;
	v61 =	vsel vm13, v11, v5  }
0x1b4: {  	v19 =	vld [tilespmem:s5+$0xA100];
	v4 =	vmax.f32 v4, v9;
	v6 =	vmul.f32 v6, v3;
	vm14 =	vgt.f32 v8, v61  }
0x1b5: {  	v63 =	vld [tilespmem:s5+$0xA080];
	v59 =	vsel vm12, v58, v13;
	v7 =	vmul.f32 v7, v3;
	v62 =	vsel vm14, v8, v61  }
0x1b6: {  	v4 =	vmax.f32 v4, v59;
	v5 =	vsel vm13, v5, v11;
	vm15 =	vgt.f32 v6, v62  }
0x1b7: {  	v10 =	vsel vm10, $0x9, v56;
	v4 =	vmax.f32 v4, v5;
	v5 =	vsel vm15, v6, v62  }
0x1b8: {  	v10 =	vsel vm11, $0xA, v10;
	v13 =	vmul.f32 v60, v3;
	vm4 =	vgt.f32 v7, v5  }
0x1b9: {  	v20 =	vld [tilespmem:s5+$0xA180];
	v9 =	vmul.f32 v19, v3;
	v10 =	vsel vm12, $0xB, v10;
	v21 =	vsel vm4, v7, v5  }
0x1ba: {  	v54 =	vld [tilespmem:s5+$0xC300];
	v5 =	vsel vm4, v5, v7;
	v7 =	vmul.f32 v63, v3;
	vm5 =	vgt.f32 v13, v21  }
0x1bb: {  	v32 =	vld [tilespmem:s5+$0xB080];
	v10 =	vsel vm13, $0xC, v10;
	v8 =	vsel vm14, v61, v8;
	v23 =	vsel vm5, v13, v21  }
0x1bc: {  	v61 =	vld [tilespmem:s5+$0xD100];
	v4 =	vmax.f32 v4, v8;
	v6 =	vsel vm15, v62, v6;
	vm6 =	vgt.f32 v7, v23  }
0x1bd: {  	v10 =	vsel vm14, $0xD, v10;
	v4 =	vmax.f32 v4, v6;
	v24 =	vsel vm6, v7, v23  }
0x1be: {  	v4 =	vmax.f32 v4, v5;
	v5 =	vmul.f32 v20, v3;
	vm7 =	vgt.f32 v9, v24  }
0x1bf: {  	v58 =	vmul.f32 v54, v3;
	v10 =	vsel vm15, $0xE, v10;
	v26 =	vsel vm7, v9, v24  }
0x1c0: {  	v28 =	vld [tilespmem:s5+$0xA380];
	v11 =	vmul.f32 v32, v3;
	v10 =	vsel vm4, $0xF, v10;
	vm8 =	vgt.f32 v5, v26  }
0x1c1: {  	v19 =	vld [tilespmem:s5+$0xD280];
	v17 =	vmul.f32 v61, v3;
	v6 =	vsel vm5, v21, v13;
	v29 =	vsel vm8, v5, v26  }
0x1c2: {  	v63 =	vld [tilespmem:s5+$0xD180];
	v10 =	vsel vm5, $0x10, v10;
	v4 =	vmax.f32 v4, v6;
	vm9 =	vgt.f32 v25, v29  }
0x1c3: {  	v6 =	vld [tilespmem:s5+$0xB000];
	v7 =	vsel vm6, v23, v7;
	v10 =	vsel vm6, $0x11, v10;
	v30 =	vsel vm9, v25, v29  }
0x1c4: {  	v4 =	vmax.f32 v4, v7;
	v7 =	vsel vm7, v24, v9;
	vm10 =	vgt.f32 v22, v30  }
0x1c5: {  	v4 =	vmax.f32 v4, v7;
	v5 =	vsel vm8, v26, v5;
	v33 =	vsel vm10, v22, v30  }
0x1c6: {  	v9 =	vmul.f32 v28, v3;
	v4 =	vmax.f32 v4, v5;
	v5 =	vld [tilespmem:s5+$0xB100];
	vm11 =	vgt.f32 v31, v33  }
0x1c7: {  	v20 =	vmul.f32 v63, v3;
	v24 =	vmul.f32 v19, v3;
	v35 =	vsel vm11, v31, v33  }
0x1c8: {  	v6 =	vmul.f32 v6, v3;
	v8 =	vsel vm9, v29, v25;
	vm12 =	vgt.f32 v9, v35  }
0x1c9: {  	v38 =	vld [tilespmem:s5+$0xB180];
	v4 =	vmax.f32 v4, v8;
	v34 =	vsel vm10, v30, v22;
	v37 =	vsel vm12, v9, v35  }
0x1ca: {  	v48 =	vld [tilespmem:s5+$0xC000];
	v7 =	vsel vm7, $0x12, v10;
	v4 =	vmax.f32 v4, v34;
	vm13 =	vgt.f32 v6, v37  }
0x1cb: {  	v36 =	vsel vm11, v33, v31;
	v5 =	vmul.f32 v5, v3;
	v41 =	vsel vm13, v6, v37  }
0x1cc: {  	v4 =	vmax.f32 v4, v36;
	v40 =	vsel vm12, v35, v9;
	vm14 =	vgt.f32 v11, v41  }
0x1cd: {  	v42 =	vld [tilespmem:s5+$0xB280];
	v4 =	vmax.f32 v4, v40;
	v6 =	vsel vm13, v37, v6;
	v43 =	vsel vm14, v11, v41  }
0x1ce: {  	v4 =	vmax.f32 v4, v6;
	v6 =	vmul.f32 v38, v3;
	vm15 =	vgt.f32 v5, v43  }
0x1cf: {  	v45 =	vld [tilespmem:s5+$0xB300];
	v10 =	vmul.f32 v48, v3;
	v9 =	vsel vm14, v41, v11;
	v46 =	vsel vm15, v5, v43  }
0x1d0: {  	v4 =	vmax.f32 v4, v9;
	v5 =	vsel vm15, v43, v5;
	vm2 =	vgt.f32 v6, v46  }
0x1d1: {  	v47 =	vld [tilespmem:s5+$0xB380];
	v7 =	vsel vm8, $0x13, v7;
	v4 =	vmax.f32 v4, v5;
	v5 =	vsel vm2, v6, v46  }
0x1d2: {  	v8 =	vmul.f32 v42, v3;
	v6 =	vsel vm2, v46, v6;
	vm4 =	vgt.f32 v44, v5  }
0x1d3: {  	v7 =	vsel vm9, $0x14, v7;
	v4 =	vmax.f32 v4, v6;
	v6 =	vsel vm4, v44, v5  }
0x1d4: {  	v11 =	vmul.f32 v45, v3;
	v5 =	vsel vm4, v5, v44;
	vm5 =	vgt.f32 v8, v6  }
0x1d5: {  	v7 =	vsel vm10, $0x15, v7;
	v4 =	vmax.f32 v4, v5;
	v5 =	vsel vm5, v8, v6  }
0x1d6: {  	v9 =	vmul.f32 v47, v3;
	v6 =	vsel vm5, v6, v8;
	vm6 =	vgt.f32 v11, v5  }
0x1d7: {  	v50 =	vld [tilespmem:s5+$0xC100];
	v7 =	vsel vm11, $0x16, v7;
	v4 =	vmax.f32 v4, v6;
	v6 =	vsel vm6, v11, v5  }
0x1d8: {  	v7 =	vsel vm12, $0x17, v7;
	v5 =	vsel vm6, v5, v11;
	vm7 =	vgt.f32 v9, v6  }
0x1d9: {  	v51 =	vld [tilespmem:s5+$0xC180];
	v7 =	vsel vm13, $0x18, v7;
	v4 =	vmax.f32 v4, v5;
	v5 =	vsel vm7, v9, v6  }
0x1da: {  	v7 =	vsel vm14, $0x19, v7;
	v6 =	vsel vm7, v6, v9;
	vm8 =	vgt.f32 v10, v5  }
0x1db: {  	v52 =	vld [tilespmem:s5+$0xC200];
	v7 =	vsel vm15, $0x1A, v7;
	v4 =	vmax.f32 v4, v6;
	v6 =	vsel vm8, v10, v5  }
0x1dc: {  	v8 =	vmul.f32 v50, v3;
	v5 =	vsel vm8, v5, v10;
	vm9 =	vgt.f32 v12, v6  }
0x1dd: {  	v7 =	vsel vm2, $0x1B, v7;
	v4 =	vmax.f32 v4, v5;
	v5 =	vld [tilespmem:s5+$0xC280];
	v53 =	vsel vm9, v12, v6  }
0x1de: {  	v11 =	vmul.f32 v51, v3;
	v6 =	vsel vm9, v6, v12;
	vm10 =	vgt.f32 v8, v53  }
0x1df: {  	v7 =	vsel vm4, $0x1C, v7;
	v4 =	vmax.f32 v4, v6;
	v6 =	vsel vm10, v8, v53  }
0x1e0: {  	v9 =	vmul.f32 v52, v3;
	v8 =	vsel vm10, v53, v8;
	vm11 =	vgt.f32 v11, v6  }
0x1e1: {  	v56 =	vld [tilespmem:s5+$0xC380];
	v7 =	vsel vm5, $0x1D, v7;
	v4 =	vmax.f32 v4, v8;
	v55 =	vsel vm11, v11, v6  }
0x1e2: {  	v6 =	vsel vm11, v6, v11;
	v5 =	vmul.f32 v5, v3;
	vm12 =	vgt.f32 v9, v55  }
0x1e3: {  	v57 =	vld [tilespmem:s5+$0xD000];
	v7 =	vsel vm6, $0x1E, v7;
	v4 =	vmax.f32 v4, v6;
	v6 =	vsel vm12, v9, v55  }
0x1e4: {  	v7 =	vsel vm7, $0x1F, v7;
	v8 =	vsel vm12, v55, v9;
	vm13 =	vgt.f32 v5, v6  }
0x1e5: {  	v59 =	vld [tilespmem:s5+$0xD080];
	v7 =	vsel vm8, $0x20, v7;
	v4 =	vmax.f32 v4, v8;
	v60 =	vsel vm13, v5, v6  }
0x1e6: {  	v5 =	vsel vm13, v6, v5;
	v6 =	vmul.f32 v56, v3;
	vm14 =	vgt.f32 v58, v60  }
0x1e7: {  	v26 =	vld [tilespmem:s5+$0xE000];
	v7 =	vsel vm9, $0x21, v7;
	v4 =	vmax.f32 v4, v5;
	v5 =	vsel vm14, v58, v60  }
0x1e8: {  	v11 =	vmul.f32 v57, v3;
	v9 =	vsel vm14, v60, v58;
	vm15 =	vgt.f32 v6, v5  }
0x1e9: {  	v7 =	vsel vm10, $0x22, v7;
	v4 =	vmax.f32 v4, v9;
	v62 =	vsel vm15, v6, v5  }
0x1ea: {  	v16 =	vld [tilespmem:s5+$0xD200];
	v5 =	vsel vm15, v5, v6;
	v6 =	vmul.f32 v59, v3;
	vm4 =	vgt.f32 v11, v62  }
0x1eb: {  	v7 =	vsel vm11, $0x23, v7;
	v4 =	vmax.f32 v4, v5;
	v5 =	vsel vm4, v11, v62  }
0x1ec: {  	v32 =	vmul.f32 v26, v3;
	v7 =	vsel vm12, $0x24, v7;
	vm5 =	vgt.f32 v6, v5  }
0x1ed: {  	v22 =	vld [tilespmem:s5+$0xD300];
	v7 =	vsel vm13, $0x25, v7;
	v9 =	vsel vm4, v62, v11;
	v18 =	vsel vm5, v6, v5  }
0x1ee: {  	v7 =	vsel vm14, $0x26, v7;
	v4 =	vmax.f32 v4, v9;
	vm6 =	vgt.f32 v17, v18  }
0x1ef: {  	v5 =	vsel vm5, v5, v6;
	v6 =	vmul.f32 v16, v3;
	v21 =	vsel vm6, v17, v18  }
0x1f0: {  	v23 =	vld [tilespmem:s5+$0xD380];
	v4 =	vmax.f32 v4, v5;
	v5 =	vsel vm6, v18, v17;
	vm7 =	vgt.f32 v20, v21  }
0x1f1: {  	v7 =	vsel vm15, $0x27, v7;
	v4 =	vmax.f32 v4, v5;
	v5 =	vsel vm7, v20, v21  }
0x1f2: {  	v27 =	vmul.f32 v22, v3;
	v7 =	vsel vm4, $0x28, v7;
	vm8 =	vgt.f32 v6, v5  }
0x1f3: {  	v29 =	vld [tilespmem:s5+$0xE080];
	v7 =	vsel vm5, $0x29, v7;
	v9 =	vsel vm7, v21, v20;
	v25 =	vsel vm8, v6, v5  }
0x1f4: {  	v30 =	vld [tilespmem:s5+$0xE200];
	v7 =	vsel vm6, $0x2A, v7;
	v4 =	vmax.f32 v4, v9;
	vm9 =	vgt.f32 v24, v25  }
0x1f5: {  	v38 =	vld [tilespmem:s5+$0xE280];
	v5 =	vsel vm8, v5, v6;
	v6 =	vmul.f32 v23, v3;
	v28 =	vsel vm9, v24, v25  }
0x1f6: {  	v4 =	vmax.f32 v4, v5;
	v5 =	vsel vm9, v25, v24;
	vm10 =	vgt.f32 v27, v28  }
0x1f7: {  	v31 =	vld [tilespmem:s5+$0xE100];
	v7 =	vsel vm7, $0x2B, v7;
	v4 =	vmax.f32 v4, v5;
	v5 =	vsel vm10, v27, v28  }
0x1f8: {  	v33 =	vld [tilespmem:s5+$0xE180];
	v35 =	vmul.f32 v29, v3;
	v7 =	vsel vm8, $0x2C, v7;
	vm11 =	vgt.f32 v6, v5  }
0x1f9: {  	v36 =	vmul.f32 v30, v3;
	v7 =	vsel vm9, $0x2D, v7;
	v34 =	vsel vm11, v6, v5  }
0x1fa: {  	v42 =	vmul.f32 v38, v3;
	v7 =	vsel vm10, $0x2E, v7;
	vm12 =	vgt.f32 v32, v34  }
0x1fb: {  	v5 =	vsel vm11, v5, v6;
	v6 =	vsel vm11, $0x2F, v7;
	v7 =	vsel vm12, v32, v34  }
0x1fc: {  	v45 =	vld [tilespmem:s5+$0xF080];
	v8 =	vmul.f32 v31, v3;
	v9 =	vsel vm10, v28, v27;
	vm13 =	vgt.f32 v35, v7  }
0x1fd: {  	v49 =	vld [tilespmem:s5+$0xF180];
	v11 =	vmul.f32 v33, v3;
	v4 =	vmax.f32 v4, v9;
	v37 =	vsel vm13, v35, v7  }
0x1fe: {  	v41 =	vld [tilespmem:s5+$0xF000];
	v4 =	vmax.f32 v4, v5;
	v10 =	vsel vm12, v34, v32;
	vm14 =	vgt.f32 v8, v37  }
0x1ff: {  	v39 =	vld [tilespmem:s5+$0xE300];
	v4 =	vmax.f32 v4, v10;
	v5 =	vsel vm13, v7, v35;
	v7 =	vsel vm14, v8, v37  }
0x200: {  	v4 =	vmax.f32 v4, v5;
	v5 =	vsel vm14, v37, v8;
	vm15 =	vgt.f32 v11, v7  }
0x201: {  	v40 =	vld [tilespmem:s5+$0xE380];
	v50 =	vmul.f32 v45, v3;
	v4 =	vmax.f32 v4, v5;
	v5 =	vsel vm15, v11, v7  }
0x202: {  	v53 =	vmul.f32 v49, v3;
	v6 =	vsel vm12, $0x30, v6;
	vm4 =	vgt.f32 v36, v5  }
0x203: {  	v10 =	vmul.f32 v41, v3;
	v7 =	vsel vm15, v7, v11;
	v43 =	vsel vm4, v36, v5  }
0x204: {  	v4 =	vmax.f32 v4, v7;
	v7 =	vmul.f32 v39, v3;
	vm5 =	vgt.f32 v42, v43  }
0x205: {  	v52 =	vld [tilespmem:s5+$0xF200];
	v6 =	vsel vm13, $0x31, v6;
	v5 =	vsel vm4, v5, v36;
	v44 =	vsel vm5, v42, v43  }
0x206: {  	v4 =	vmax.f32 v4, v5;
	v5 =	vmul.f32 v40, v3;
	vm6 =	vgt.f32 v7, v44  }
0x207: {  	v48 =	vld [tilespmem:s5+$0xF100];
	v6 =	vsel vm14, $0x32, v6;
	v46 =	vsel vm5, v43, v42;
	v47 =	vsel vm6, v7, v44  }
0x208: {  	v4 =	vmax.f32 v4, v46;
	v7 =	vsel vm6, v44, v7;
	vm7 =	vgt.f32 v5, v47  }
0x209: {  	v6 =	vsel vm15, $0x33, v6;
	v4 =	vmax.f32 v4, v7;
	v7 =	vsel vm7, v5, v47  }
0x20a: {  	v58 =	vmul.f32 v52, v3;
	v6 =	vsel vm4, $0x34, v6;
	vm8 =	vgt.f32 v10, v7  }
0x20b: {  	v56 =	vld [tilespmem:s5+$0xF380];
	v6 =	vsel vm5, $0x35, v6;
	v5 =	vsel vm7, v47, v5;
	v51 =	vsel vm8, v10, v7  }
0x20c: {  	v4 =	vmax.f32 v4, v5;
	v5 =	vmul.f32 v48, v3;
	vm9 =	vgt.f32 v50, v51  }
0x20d: {  	v55 =	vld [tilespmem:s5+$0xF280];
	v6 =	vsel vm6, $0x36, v6;
	v7 =	vsel vm8, v7, v10;
	v54 =	vsel vm9, v50, v51  }
0x20e: {  	v57 =	vld [tilespmem:s5+$0xF300];
	v4 =	vmax.f32 v4, v7;
	v7 =	vsel vm9, v51, v50;
	vm10 =	vgt.f32 v5, v54  }
0x20f: {  	v6 =	vsel vm7, $0x37, v6;
	v4 =	vmax.f32 v4, v7;
	v7 =	vsel vm10, v5, v54  }
0x210: {  	v60 =	vmul.f32 v56, v3;
	v6 =	vsel vm8, $0x38, v6;
	vm11 =	vgt.f32 v53, v7  }
0x211: {  	v6 =	vsel vm9, $0x39, v6;
	v5 =	vsel vm10, v54, v5;
	v59 =	vsel vm11, v53, v7  }
0x212: {  	v4 =	vmax.f32 v4, v5;
	v5 =	vmul.f32 v55, v3;
	vm12 =	vgt.f32 v58, v59  }
0x213: {  	v6 =	vsel vm10, $0x3A, v6;
	v3 =	vmul.f32 v57, v3;
	v61 =	vsel vm12, v58, v59  }
0x214: {  	v7 =	vsel vm11, v7, v53;
	v6 =	vsel vm11, $0x3B, v6;
	vm13 =	vgt.f32 v5, v61  }
0x215: {  	v4 =	vmax.f32 v4, v7;
	v62 =	vsel vm12, v59, v58;
	v63 =	vsel vm13, v5, v61  }
0x216: {  	v6 =	vsel vm12, $0x3C, v6;
	v4 =	vmax.f32 v4, v62;
	vm14 =	vgt.f32 v3, v63  }
0x217: {  	v5 =	vsel vm13, v61, v5;
	v6 =	vsel vm13, $0x3D, v6;
	v7 =	vsel vm14, v3, v63  }
0x218: {  	v4 =	vmax.f32 v4, v5;
	v3 =	vsel vm14, v63, v3;
	vm15 =	vgt.f32 v60, v7  }
0x219: {  	v3 =	vmax.f32 v4, v3;
	v4 =	vsel vm14, $0x3E, v6;
	v5 =	vsel vm15, v7, v60  }
0x21a: {  	v4 =	vsel vm15, $0x3F, v4;
	v6 =	vsel vm15, v60, v7;
	v5 =	vmax.f32 v3, v5  }
0x21b: {  	s20 =	simm.s32 $0x1;
	s5 =	simm.s32 $0x10;
	v3 =	vmul.f32 v6, v1;
	[tilespmem:s3+$0x10880] =	vst v4;
	v4 =	vmul.f32 v5, v2  }
.LBB2_5:
0x21c: {  	s14 =	smov.u32 s20  }
0x21d: {  	s13 =	sshll.u32 s20, $0x5;
	s18 =	sshll.u32 s20, $0x7;
	s14 =	sadd.s32 $0x1, s20  }
0x21e: {  	s19 =	sand.u32 $0x70, s5;
	s13 =	sand.u32 $0xFFFFFF00, s13;
	s18 =	sand.u32 $0x3FFFFC00, s18;
	v4 =	vadd.f32 v4, v3  }
0x21f: {  	p0 =	sne.s32 s20, $0x1F;
	s13 =	sor.u32 s19, s13;
	s18 =	sor.u32 s19, s18  }
0x220: {  	v3 =	vld [tilespmem:s13+$0x10080];
	[tilespmem:s3+$0x10480] =	vst v4;
	s3 =	smov.u32 s13  }
0x221: {  	v4 =	vld [tilespmem:s18+$0x8080]  }
0x222: {  	v5 =	vld [tilespmem:s18+$0x8000]  }
0x223: {  	v6 =	vld [tilespmem:s18+$0x8100];
	_ =	sdelay $0x1  }
0x224: {  	v7 =	vld [tilespmem:s18+$0x8180]  }
0x225: {  	v8 =	vld [tilespmem:s18+$0xA280]  }
0x226: {  	v4 =	vmul.f32 v4, v3;
	v5 =	vmul.f32 v5, v3;
	v9 =	vld [tilespmem:s18+$0x8200]  }
0x227: {  	v6 =	vmul.f32 v6, v3;
	v10 =	vld [tilespmem:s18+$0x9100]  }
0x228: {  	vm0 =	vgt.f32 v4, v5;
	v11 =	vld [tilespmem:s18+$0x8280]  }
0x229: {  	v12 =	vsel vm0, v5, v4;
	v5 =	vsel vm0, v4, v5;
	v7 =	vmul.f32 v7, v3  }
0x22a: {  	v13 =	vsel vm0, $0x1, v0;
	vm0 =	vgt.f32 v6, v5;
	v14 =	vld [tilespmem:s18+$0x8300];
	v4 =	vmul.f32 v8, v3  }
0x22b: {  	v8 =	vsel vm0, $0x2, v13;
	v13 =	vsel vm0, v6, v5;
	v9 =	vmul.f32 v9, v3  }
0x22c: {  	v5 =	vsel vm0, v5, v6;
	vm0 =	vgt.f32 v7, v13;
	v6 =	vld [tilespmem:s18+$0x8380];
	v10 =	vmul.f32 v10, v3  }
0x22d: {  	v15 =	vsel vm0, v13, v7;
	v7 =	vsel vm0, v7, v13;
	v11 =	vmul.f32 v11, v3  }
0x22e: {  	v5 =	vmax.f32 v12, v5;
	v8 =	vsel vm0, $0x3, v8;
	vm0 =	vgt.f32 v9, v7;
	v12 =	vld [tilespmem:s18+$0x9000]  }
0x22f: {  	v13 =	vsel vm0, v7, v9;
	v7 =	vsel vm0, v9, v7;
	v9 =	vmul.f32 v14, v3  }
0x230: {  	v5 =	vmax.f32 v5, v15;
	v8 =	vsel vm0, $0x4, v8;
	vm0 =	vgt.f32 v11, v7;
	v14 =	vld [tilespmem:s18+$0x9080]  }
0x231: {  	v15 =	vsel vm0, v7, v11;
	v7 =	vsel vm0, v11, v7;
	v6 =	vmul.f32 v6, v3  }
0x232: {  	v5 =	vmax.f32 v5, v13;
	v8 =	vsel vm0, $0x5, v8;
	vm0 =	vgt.f32 v9, v7  }
0x233: {  	v11 =	vsel vm0, v7, v9;
	v7 =	vsel vm0, v9, v7;
	v9 =	vmul.f32 v12, v3;
	v12 =	vld [tilespmem:s18+$0x9180]  }
0x234: {  	v5 =	vmax.f32 v5, v15;
	v8 =	vsel vm0, $0x6, v8;
	vm0 =	vgt.f32 v6, v7  }
0x235: {  	v13 =	vsel vm0, v7, v6;
	v6 =	vsel vm0, v6, v7;
	v7 =	vmul.f32 v14, v3;
	v14 =	vld [tilespmem:s18+$0x9200]  }
0x236: {  	v5 =	vmax.f32 v5, v11;
	v8 =	vsel vm0, $0x7, v8;
	vm0 =	vgt.f32 v9, v6  }
0x237: {  	v5 =	vmax.f32 v5, v13;
	v11 =	vsel vm0, v6, v9;
	v6 =	vsel vm0, v9, v6;
	v9 =	vld [tilespmem:s18+$0x9280]  }
0x238: {  	v8 =	vsel vm0, $0x8, v8;
	vm0 =	vgt.f32 v7, v6;
	v12 =	vmul.f32 v12, v3  }
0x239: {  	v13 =	vsel vm0, v6, v7;
	v8 =	vsel vm0, $0x9, v8;
	v6 =	vsel vm0, v7, v6;
	v7 =	vld [tilespmem:s18+$0x9380]  }
0x23a: {  	v5 =	vmax.f32 v5, v11;
	vm0 =	vgt.f32 v10, v6;
	v11 =	vmul.f32 v14, v3;
	v14 =	vld [tilespmem:s18+$0x9300]  }
0x23b: {  	v15 =	vsel vm0, v6, v10;
	v8 =	vsel vm0, $0xA, v8;
	v6 =	vsel vm0, v10, v6  }
0x23c: {  	v5 =	vmax.f32 v5, v13;
	vm0 =	vgt.f32 v12, v6;
	v9 =	vmul.f32 v9, v3  }
0x23d: {  	v10 =	vsel vm0, v6, v12;
	v8 =	vsel vm0, $0xB, v8;
	v6 =	vsel vm0, v12, v6;
	v12 =	vld [tilespmem:s18+$0xA000]  }
0x23e: {  	v5 =	vmax.f32 v5, v15;
	vm0 =	vgt.f32 v11, v6;
	v7 =	vmul.f32 v7, v3  }
0x23f: {  	v13 =	vsel vm0, v6, v11;
	v6 =	vsel vm0, v11, v6;
	v11 =	vmul.f32 v14, v3;
	v14 =	vld [tilespmem:s18+$0xA100]  }
0x240: {  	v5 =	vmax.f32 v5, v10;
	v8 =	vsel vm0, $0xC, v8;
	vm0 =	vgt.f32 v9, v6  }
0x241: {  	v10 =	vsel vm0, v6, v9;
	v8 =	vsel vm0, $0xD, v8;
	v6 =	vsel vm0, v9, v6;
	v9 =	vld [tilespmem:s18+$0xA080]  }
0x242: {  	v5 =	vmax.f32 v5, v13;
	vm0 =	vgt.f32 v11, v6;
	v12 =	vmul.f32 v12, v3  }
0x243: {  	v13 =	vsel vm0, v6, v11;
	v8 =	vsel vm0, $0xE, v8;
	v6 =	vsel vm0, v11, v6;
	v11 =	vld [tilespmem:s18+$0xA200]  }
0x244: {  	v5 =	vmax.f32 v5, v10;
	vm0 =	vgt.f32 v7, v6;
	v10 =	vmul.f32 v14, v3;
	v14 =	vld [tilespmem:s18+$0xA180]  }
0x245: {  	v15 =	vsel vm0, v6, v7;
	v8 =	vsel vm0, $0xF, v8;
	v6 =	vsel vm0, v7, v6  }
0x246: {  	v5 =	vmax.f32 v5, v13;
	vm0 =	vgt.f32 v12, v6;
	v7 =	vmul.f32 v9, v3  }
0x247: {  	v9 =	vsel vm0, v6, v12;
	v8 =	vsel vm0, $0x10, v8;
	v6 =	vsel vm0, v12, v6  }
0x248: {  	v5 =	vmax.f32 v5, v15;
	vm0 =	vgt.f32 v7, v6;
	v11 =	vmul.f32 v11, v3  }
0x249: {  	v12 =	vsel vm0, v6, v7;
	v6 =	vsel vm0, v7, v6;
	v7 =	vmul.f32 v14, v3;
	v13 =	vld [tilespmem:s18+$0xB000]  }
0x24a: {  	v5 =	vmax.f32 v5, v9;
	v8 =	vsel vm0, $0x11, v8;
	vm0 =	vgt.f32 v10, v6  }
0x24b: {  	v5 =	vmax.f32 v5, v12;
	v9 =	vsel vm0, v6, v10;
	v6 =	vsel vm0, v10, v6;
	v10 =	vld [tilespmem:s18+$0xA300]  }
0x24c: {  	v8 =	vsel vm0, $0x12, v8;
	v5 =	vmax.f32 v5, v9;
	vm0 =	vgt.f32 v7, v6;
	v9 =	vld [tilespmem:s18+$0xA380]  }
0x24d: {  	v12 =	vsel vm0, v6, v7;
	v8 =	vsel vm0, $0x13, v8;
	v6 =	vsel vm0, v7, v6  }
0x24e: {  	v5 =	vmax.f32 v5, v12;
	vm0 =	vgt.f32 v11, v6;
	v7 =	vmul.f32 v13, v3;
	v12 =	vld [tilespmem:s18+$0xB100]  }
0x24f: {  	v13 =	vsel vm0, v6, v11;
	v8 =	vsel vm0, $0x14, v8;
	v6 =	vsel vm0, v11, v6;
	v11 =	vld [tilespmem:s18+$0xB080]  }
0x250: {  	v5 =	vmax.f32 v5, v13;
	vm0 =	vgt.f32 v4, v6;
	v10 =	vmul.f32 v10, v3  }
0x251: {  	v13 =	vsel vm0, v6, v4;
	v4 =	vsel vm0, v4, v6;
	v6 =	vmul.f32 v9, v3  }
0x252: {  	v8 =	vsel vm0, $0x15, v8;
	v5 =	vmax.f32 v5, v13;
	vm0 =	vgt.f32 v10, v4  }
0x253: {  	v9 =	vsel vm0, v4, v10;
	v8 =	vsel vm0, $0x16, v8;
	v4 =	vsel vm0, v10, v4;
	v10 =	vld [tilespmem:s18+$0xB200]  }
0x254: {  	v12 =	vmul.f32 v12, v3;
	vm0 =	vgt.f32 v6, v4;
	v11 =	vmul.f32 v11, v3  }
0x255: {  	v5 =	vmax.f32 v5, v9;
	v9 =	vsel vm0, v4, v6;
	v4 =	vsel vm0, v6, v4;
	v6 =	vld [tilespmem:s18+$0xB180]  }
0x256: {  	v8 =	vsel vm0, $0x17, v8;
	v5 =	vmax.f32 v5, v9;
	vm0 =	vgt.f32 v7, v4  }
0x257: {  	v9 =	vsel vm0, v4, v7;
	v8 =	vsel vm0, $0x18, v8;
	v4 =	vsel vm0, v7, v4;
	v7 =	vld [tilespmem:s18+$0xB280]  }
0x258: {  	v5 =	vmax.f32 v5, v9;
	vm0 =	vgt.f32 v11, v4;
	v9 =	vmul.f32 v10, v3  }
0x259: {  	v10 =	vsel vm0, v4, v11;
	v8 =	vsel vm0, $0x19, v8;
	v4 =	vsel vm0, v11, v4;
	v11 =	vld [tilespmem:s18+$0xB300]  }
0x25a: {  	v5 =	vmax.f32 v5, v10;
	vm0 =	vgt.f32 v12, v4;
	v6 =	vmul.f32 v6, v3  }
0x25b: {  	v10 =	vsel vm0, v4, v12;
	v8 =	vsel vm0, $0x1A, v8;
	v4 =	vsel vm0, v12, v4;
	v12 =	vld [tilespmem:s18+$0xB380]  }
0x25c: {  	v5 =	vmax.f32 v5, v10;
	vm0 =	vgt.f32 v6, v4;
	v7 =	vmul.f32 v7, v3  }
0x25d: {  	v10 =	vsel vm0, v4, v6;
	v8 =	vsel vm0, $0x1B, v8;
	v4 =	vsel vm0, v6, v4;
	v6 =	vld [tilespmem:s18+$0xC000]  }
0x25e: {  	v5 =	vmax.f32 v5, v10;
	vm0 =	vgt.f32 v9, v4;
	v10 =	vmul.f32 v11, v3  }
0x25f: {  	v11 =	vsel vm0, v4, v9;
	v8 =	vsel vm0, $0x1C, v8;
	v4 =	vsel vm0, v9, v4;
	v9 =	vld [tilespmem:s18+$0xC080]  }
0x260: {  	v5 =	vmax.f32 v5, v11;
	vm0 =	vgt.f32 v7, v4;
	v11 =	vmul.f32 v12, v3  }
0x261: {  	v12 =	vsel vm0, v4, v7;
	v8 =	vsel vm0, $0x1D, v8;
	v4 =	vsel vm0, v7, v4  }
0x262: {  	v5 =	vmax.f32 v5, v12;
	vm0 =	vgt.f32 v10, v4;
	v6 =	vmul.f32 v6, v3  }
0x263: {  	v7 =	vsel vm0, v4, v10;
	v8 =	vsel vm0, $0x1E, v8;
	v4 =	vsel vm0, v10, v4;
	v10 =	vld [tilespmem:s18+$0xC100]  }
0x264: {  	v5 =	vmax.f32 v5, v7;
	vm0 =	vgt.f32 v11, v4;
	v7 =	vmul.f32 v9, v3  }
0x265: {  	v9 =	vsel vm0, v4, v11;
	v8 =	vsel vm0, $0x1F, v8;
	v4 =	vsel vm0, v11, v4;
	v11 =	vld [tilespmem:s18+$0xC180]  }
0x266: {  	v5 =	vmax.f32 v5, v9;
	vm0 =	vgt.f32 v6, v4  }
0x267: {  	v9 =	vsel vm0, v4, v6;
	v8 =	vsel vm0, $0x20, v8;
	v4 =	vsel vm0, v6, v4;
	v6 =	vld [tilespmem:s18+$0xC200]  }
0x268: {  	v5 =	vmax.f32 v5, v9;
	vm0 =	vgt.f32 v7, v4;
	v9 =	vmul.f32 v10, v3;
	v10 =	vld [tilespmem:s18+$0xC280]  }
0x269: {  	v12 =	vsel vm0, v4, v7;
	v8 =	vsel vm0, $0x21, v8;
	v4 =	vsel vm0, v7, v4  }
0x26a: {  	v5 =	vmax.f32 v5, v12;
	vm0 =	vgt.f32 v9, v4;
	v7 =	vmul.f32 v11, v3  }
0x26b: {  	v11 =	vsel vm0, v4, v9;
	v8 =	vsel vm0, $0x22, v8;
	v4 =	vsel vm0, v9, v4;
	v9 =	vld [tilespmem:s18+$0xC300]  }
0x26c: {  	v5 =	vmax.f32 v5, v11;
	vm0 =	vgt.f32 v7, v4;
	v6 =	vmul.f32 v6, v3  }
0x26d: {  	v11 =	vsel vm0, v4, v7;
	v4 =	vsel vm0, v7, v4;
	v7 =	vmul.f32 v10, v3;
	v10 =	vld [tilespmem:s18+$0xC380]  }
0x26e: {  	v8 =	vsel vm0, $0x23, v8;
	v5 =	vmax.f32 v5, v11;
	vm0 =	vgt.f32 v6, v4  }
0x26f: {  	v11 =	vsel vm0, v4, v6;
	v8 =	vsel vm0, $0x24, v8;
	v4 =	vsel vm0, v6, v4;
	v6 =	vld [tilespmem:s18+$0xD000]  }
0x270: {  	v5 =	vmax.f32 v5, v11;
	vm0 =	vgt.f32 v7, v4;
	v9 =	vmul.f32 v9, v3;
	v11 =	vld [tilespmem:s18+$0xD080]  }
0x271: {  	v12 =	vsel vm0, v4, v7;
	v8 =	vsel vm0, $0x25, v8;
	v4 =	vsel vm0, v7, v4  }
0x272: {  	v5 =	vmax.f32 v5, v12;
	vm0 =	vgt.f32 v9, v4;
	v7 =	vmul.f32 v10, v3  }
0x273: {  	v10 =	vsel vm0, v4, v9;
	v8 =	vsel vm0, $0x26, v8;
	v4 =	vsel vm0, v9, v4;
	v9 =	vld [tilespmem:s18+$0xD100]  }
0x274: {  	v5 =	vmax.f32 v5, v10;
	vm0 =	vgt.f32 v7, v4;
	v6 =	vmul.f32 v6, v3;
	v10 =	vld [tilespmem:s18+$0xD200]  }
0x275: {  	v12 =	vsel vm0, v4, v7;
	v4 =	vsel vm0, v7, v4;
	v7 =	vmul.f32 v11, v3;
	v11 =	vld [tilespmem:s18+$0xD180]  }
0x276: {  	v8 =	vsel vm0, $0x27, v8;
	v5 =	vmax.f32 v5, v12;
	vm0 =	vgt.f32 v6, v4  }
0x277: {  	v12 =	vsel vm0, v4, v6;
	v8 =	vsel vm0, $0x28, v8;
	v4 =	vsel vm0, v6, v4  }
0x278: {  	v5 =	vmax.f32 v5, v12;
	vm0 =	vgt.f32 v7, v4;
	v6 =	vmul.f32 v9, v3  }
0x279: {  	v9 =	vsel vm0, v4, v7;
	v8 =	vsel vm0, $0x29, v8;
	v4 =	vsel vm0, v7, v4;
	v7 =	vld [tilespmem:s18+$0xD280]  }
0x27a: {  	v10 =	vmul.f32 v10, v3;
	vm0 =	vgt.f32 v6, v4;
	v11 =	vmul.f32 v11, v3;
	v12 =	vld [tilespmem:s18+$0xD380]  }
0x27b: {  	v5 =	vmax.f32 v5, v9;
	v9 =	vsel vm0, v4, v6;
	v4 =	vsel vm0, v6, v4;
	v6 =	vld [tilespmem:s18+$0xD300]  }
0x27c: {  	v8 =	vsel vm0, $0x2A, v8;
	v5 =	vmax.f32 v5, v9;
	vm0 =	vgt.f32 v11, v4  }
0x27d: {  	v9 =	vsel vm0, v4, v11;
	v8 =	vsel vm0, $0x2B, v8;
	v4 =	vsel vm0, v11, v4  }
0x27e: {  	v5 =	vmax.f32 v5, v9;
	vm0 =	vgt.f32 v10, v4;
	v7 =	vmul.f32 v7, v3  }
0x27f: {  	v9 =	vsel vm0, v4, v10;
	v8 =	vsel vm0, $0x2C, v8;
	v4 =	vsel vm0, v10, v4;
	v10 =	vld [tilespmem:s18+$0xE000]  }
0x280: {  	v11 =	vmul.f32 v12, v3;
	vm0 =	vgt.f32 v7, v4;
	v6 =	vmul.f32 v6, v3;
	v12 =	vld [tilespmem:s18+$0xE200]  }
0x281: {  	v5 =	vmax.f32 v5, v9;
	v9 =	vsel vm0, v4, v7;
	v4 =	vsel vm0, v7, v4;
	v7 =	vld [tilespmem:s18+$0xE080]  }
0x282: {  	v8 =	vsel vm0, $0x2D, v8;
	v5 =	vmax.f32 v5, v9;
	vm0 =	vgt.f32 v6, v4;
	v9 =	vld [tilespmem:s18+$0xE180]  }
0x283: {  	v13 =	vsel vm0, v4, v6;
	v8 =	vsel vm0, $0x2E, v8;
	v4 =	vsel vm0, v6, v4;
	v6 =	vld [tilespmem:s18+$0xE100]  }
0x284: {  	v5 =	vmax.f32 v5, v13;
	vm0 =	vgt.f32 v11, v4;
	v10 =	vmul.f32 v10, v3  }
0x285: {  	v13 =	vsel vm0, v4, v11;
	v8 =	vsel vm0, $0x2F, v8;
	v4 =	vsel vm0, v11, v4  }
0x286: {  	v11 =	vmul.f32 v12, v3;
	vm0 =	vgt.f32 v10, v4;
	v7 =	vmul.f32 v7, v3  }
0x287: {  	v12 =	vsel vm0, v4, v10;
	v8 =	vsel vm0, $0x30, v8;
	v4 =	vsel vm0, v10, v4  }
0x288: {  	v9 =	vmul.f32 v9, v3;
	vm0 =	vgt.f32 v7, v4;
	v6 =	vmul.f32 v6, v3  }
0x289: {  	v5 =	vmax.f32 v5, v13;
	v10 =	vsel vm0, v4, v7;
	v4 =	vsel vm0, v7, v4;
	v7 =	vld [tilespmem:s18+$0xE280]  }
0x28a: {  	v5 =	vmax.f32 v5, v12;
	v8 =	vsel vm0, $0x31, v8;
	vm0 =	vgt.f32 v6, v4  }
0x28b: {  	v5 =	vmax.f32 v5, v10;
	v10 =	vsel vm0, v4, v6;
	v4 =	vsel vm0, v6, v4;
	v6 =	vld [tilespmem:s18+$0xE300]  }
0x28c: {  	v8 =	vsel vm0, $0x32, v8;
	v5 =	vmax.f32 v5, v10;
	vm0 =	vgt.f32 v9, v4;
	v10 =	vld [tilespmem:s18+$0xF000]  }
0x28d: {  	v12 =	vsel vm0, v4, v9;
	v8 =	vsel vm0, $0x33, v8;
	v4 =	vsel vm0, v9, v4;
	v9 =	vld [tilespmem:s18+$0xE380]  }
0x28e: {  	v5 =	vmax.f32 v5, v12;
	vm0 =	vgt.f32 v11, v4;
	v7 =	vmul.f32 v7, v3  }
0x28f: {  	v12 =	vsel vm0, v4, v11;
	v8 =	vsel vm0, $0x34, v8;
	v4 =	vsel vm0, v11, v4  }
0x290: {  	v5 =	vmax.f32 v5, v12;
	vm0 =	vgt.f32 v7, v4;
	v6 =	vmul.f32 v6, v3  }
0x291: {  	v11 =	vsel vm0, v4, v7;
	v8 =	vsel vm0, $0x35, v8;
	v4 =	vsel vm0, v7, v4;
	v7 =	vld [tilespmem:s18+$0xF080]  }
0x292: {  	v10 =	vmul.f32 v10, v3;
	vm0 =	vgt.f32 v6, v4;
	v9 =	vmul.f32 v9, v3;
	v12 =	vld [tilespmem:s18+$0xF180]  }
0x293: {  	v5 =	vmax.f32 v5, v11;
	v11 =	vsel vm0, v4, v6;
	v4 =	vsel vm0, v6, v4;
	v6 =	vld [tilespmem:s18+$0xF100]  }
0x294: {  	v8 =	vsel vm0, $0x36, v8;
	v5 =	vmax.f32 v5, v11;
	vm0 =	vgt.f32 v9, v4  }
0x295: {  	v11 =	vsel vm0, v4, v9;
	v8 =	vsel vm0, $0x37, v8;
	v4 =	vsel vm0, v9, v4  }
0x296: {  	v5 =	vmax.f32 v5, v11;
	vm0 =	vgt.f32 v10, v4;
	v7 =	vmul.f32 v7, v3  }
0x297: {  	v9 =	vsel vm0, v4, v10;
	v8 =	vsel vm0, $0x38, v8;
	v4 =	vsel vm0, v10, v4;
	v10 =	vld [tilespmem:s18+$0xF200]  }
0x298: {  	v11 =	vmul.f32 v12, v3;
	vm0 =	vgt.f32 v7, v4;
	v6 =	vmul.f32 v6, v3;
	v12 =	vld [tilespmem:s18+$0xF380]  }
0x299: {  	v5 =	vmax.f32 v5, v9;
	v9 =	vsel vm0, v4, v7;
	v4 =	vsel vm0, v7, v4;
	v7 =	vld [tilespmem:s18+$0xF280]  }
0x29a: {  	v8 =	vsel vm0, $0x39, v8;
	v5 =	vmax.f32 v5, v9;
	vm0 =	vgt.f32 v6, v4  }
0x29b: {  	v9 =	vsel vm0, v4, v6;
	v8 =	vsel vm0, $0x3A, v8;
	v4 =	vsel vm0, v6, v4;
	v6 =	vld [tilespmem:s18+$0xF300]  }
0x29c: {  	v5 =	vmax.f32 v5, v9;
	vm0 =	vgt.f32 v11, v4;
	v9 =	vmul.f32 v10, v3  }
0x29d: {  	v10 =	vsel vm0, v4, v11;
	v4 =	vsel vm0, v11, v4  }
0x29e: {  	v11 =	vmul.f32 v12, v3;
	vm1 =	vgt.f32 v9, v4;
	v7 =	vmul.f32 v7, v3  }
0x29f: {  	v8 =	vsel vm0, $0x3B, v8;
	v12 =	vsel vm1, v4, v9;
	v4 =	vsel vm1, v9, v4  }
0x2a0: {  	v8 =	vsel vm1, $0x3C, v8;
	vm0 =	vgt.f32 v7, v4;
	v3 =	vmul.f32 v6, v3  }
0x2a1: {  	v5 =	vmax.f32 v5, v10;
	v6 =	vsel vm0, v4, v7;
	v4 =	vsel vm0, v7, v4  }
0x2a2: {  	v5 =	vmax.f32 v5, v12;
	v7 =	vsel vm0, $0x3D, v8;
	vm0 =	vgt.f32 v3, v4  }
.Ltmp1:
0x2a3: {  	v5 =	vmax.f32 v5, v6;
	v6 =	vsel vm0, v4, v3;
	v3 =	vsel vm0, v3, v4;
	(pc) =	sbr.rel @p0 .LBB2_5-.Ltmp1, $4  }
0x2a4: {  	v4 =	vmax.f32 v5, v6;
	v5 =	vsel vm0, $0x3E, v7;
	vm0 =	vgt.f32 v11, v3  }
0x2a5: {  	v6 =	vsel vm0, v3, v11;
	v5 =	vsel vm0, $0x3F, v5;
	v3 =	vsel vm0, v11, v3  }
0x2a6: {  	v4 =	vmax.f32 v4, v6;
	v3 =	vmul.f32 v3, v1;
	[tilespmem:s3+$0x10880] =	vst v5  }
0x2a7: {  	s5 =	sadd.s32 $0x10, s5;
	s20 =	smov.u32 s14;
	v4 =	vmul.f32 v4, v2  }
0x2a8: {  	s0 =	smul.u32 $0xE000, s0  }
0x2a9: {  	s5 =	sshll.u32 s31, $0xA;
	s13 =	sshll.u32 s30, $0x7  }
0x2aa: {  	s14 =	sand.u32 $0x80, s13;
	s0 =	sadd.s32 s5, s0  }
0x2ab: {  	v3 =	vadd.f32 v4, v3;
	s0 =	sor.u32 s14, s0  }
0x2ac: {  	s0 =	sshrl.u32 s0, $0x3  }
0x2ad: {  	s19 =	simm.s32 $0x10480;
	[tilespmem:s3+$0x10480] =	vst v3;
	s18 =	sadd.s32 s4, s0  }
0x2ae: {  	[hbm4b:s18+s6] =	stream.linear.scatter [tilespmem:s19], [sflag:$0x4], $0x80, $0x38;
	[tilespmem:$0x10C80] =	vst v63  }
0x2af: {  	s22 =	simm.s32 $0x10580;
	s20 =	sadd.s32 $0x20, s18  }
0x2b0: {  	[hbm4b:s20+s6] =	stream.linear.scatter [tilespmem:s22], [sflag:$0x4], $0x80, $0x38;
	[tilespmem:$0x10C80] =	vst v63  }
0x2b1: {  	s24 =	sadd.s32 $0x40, s18  }
0x2b2: {  	[hbm4b:s24+s6] =	stream.linear.scatter [tilespmem:s21], [sflag:$0x4], $0x80, $0x38;
	[tilespmem:$0x10C80] =	vst v63  }
0x2b3: {  	s3 =	sadd.s32 $0x60, s18  }
0x2b4: {  	[hbm4b:s3+s6] =	stream.linear.scatter [tilespmem:s23], [sflag:$0x4], $0x80, $0x38;
	[tilespmem:$0x10C80] =	vst v63  }
0x2b5: {  	s29 =	sadd.s32 $0x1, s29;
	s0 =	sadd.s32 s7, s0  }
0x2b6: {  	[hbm4b:s0+s6] =	stream.linear.scatter [tilespmem:s10], [sflag:$0x4], $0x80, $0x38;
	[tilespmem:$0x10C80] =	vst v63  }
0x2b7: {  	p0 =	sne.s32 s29, $0x7;
	s30 =	sadd.s32 $0x20, s0  }
0x2b8: {  	[hbm4b:s30+s6] =	stream.linear.scatter [tilespmem:s15], [sflag:$0x4], $0x80, $0x38;
	[tilespmem:$0x10C80] =	vst v63  }
.Ltmp2:
0x2b9: {  	_ = 	snop;
	(pc) =	sbr.rel @p0 .LBB2_2-.Ltmp2, $4  }
0x2ba: {  	s31 =	sadd.s32 $0x40, s0  }
0x2bb: {  	[hbm4b:s31+s6] =	stream.linear.scatter [tilespmem:s25], [sflag:$0x4], $0x80, $0x38;
	[tilespmem:$0x10C80] =	vst v63  }
0x2bc: {  	s0 =	sadd.s32 $0x60, s0  }
0x2bd: {  	[hbm4b:s0+s6] =	stream.linear.scatter [tilespmem:s28], [sflag:$0x4], $0x80, $0x38;
	[tilespmem:$0x10C80] =	vst v63  }
0x2be: {  	s0 =	simm.s32 $0x3  }
0x2bf: {  	_ =	swait.ge [sflag:s0], $0x200  }
0x2c0: {  	[sflag:s0] =	ssyncset.done $0x0  }
0x2c1: {  	[sflag:s0] =	ssyncadd.s32 $0xFFFFFE00  }
0x2c2: {  	_ =	swait.ge [sflag:s0], $0x200  }
0x2c3: {  	[sflag:s0] =	ssyncset.done $0x0  }
0x2c4: {  	s3 =	simm.s32 $0x4;
	[sflag:s0] =	ssyncadd.s32 $0xFFFFFE00  }
0x2c5: {  	_ =	swait.ge [sflag:s3], $0x200  }
0x2c6: {  	[sflag:s3] =	ssyncset.done $0x0  }
0x2c7: {  	[sflag:s3] =	ssyncadd.s32 $0xFFFFFE00  }
0x2c8: {  	_ =	swait.ge [sflag:s3], $0x200  }
0x2c9: {  	s5 =	rddreg [dreg:$0xc]  }
0x2ca: {  	s31 =	rddreg [dreg:$0x8];
	s5 =	sadd.s32 $0x1, s5  }
0x2cb: {  	p0 =	sne.s32 s5, s31  }
.Ltmp3:
0x2cc: {  	_ = 	snop;
	(pc) =	sbr.rel @p0 .LBB2_1-.Ltmp3, $3  }
0x2cd: {  	_ =	sdelay $0x1  }
0x2ce: {  	[sflag:s3] =	ssyncset.done $0x0  }
0x2cf: {  	[sflag:s3] =	ssyncadd.s32 $0xFFFFFE00  }
0x2d0: {  	_ =	sfence.sel $0x180000  }
0x2d1: {  	[bflag:$0x0] =	sbarrier.arrive $0xFFFF  }
0x2d2: {  	_ =	strace $0x90000047  }
0x2d3: {  	s0 =	stileid.u32;
	[bflag:$0x2] =	sbarrier.arrive $0xFFFF  }
0x2d4: {  	p0 =	sne.s32 s0, $0x0;
	s0 =	rddreg [dreg:$0x5]  }
0x2d5: {  	s0 =	sadd.s32 @!p0 $0x100000, s0  }
0x2d6: {  	[sflag:s0] =	ssyncadd.tile.s32 @!p0 $0x1;
	_ =	shalt  }
.Lfunc_end2:
_tile_overlayer_lowered:
.L_overlay_start_2:
0x2d7: {  	(tag) =	ssettag $0x2  }
0x2d8: {  	s0 =	rddreg [dreg:$0x0];
	s2 =	stileid.u32  }
0x2d9: {  	s1 =	rddreg [dreg:$0x1];
	p0 =	sne.s32 s2, $0x0  }
0x2da: {  	s3 =	rddreg [dreg:$0x2];
	[bflag:$0x3] =	sbarrier.arrive $0xFFFF;
	s2 =	simm.s32 @!p0 $0x1C05  }
0x2db: {  	[timem:s3], [sflag:s2] =	dma.local @!p0 [hbm:s0], s1  }
0x2dc: {  	s0 =	simm.s32 @!p0 $0x5  }
0x2dd: {  	_ =	swait.ge @!p0 [sflag:s0], s1  }
0x2de: {  	s1 =	ssub.s32 @!p0 $0x0, s1;
	[sflag:s0] =	ssyncset.done @!p0 $0x0  }
0x2df: {  	[sflag:s0] =	ssyncadd.s32 @!p0 s1  }
0x2e0: {  	[bflag:$0x3] =	sbarrier.arrive $0xFFFF  }
0x2e1: {  	_ =	shalt  }

</sc_bundles>
